<compile_context>
chip_gen: v7x
topology: tpu7x:2x2x1
jax: 0.10.2.dev20260603
libtpu: 0.0.44.dev20260713+nightly
codegen_flags: <defaults>
</compile_context>

<pallas_src>
import functools

import jax
import jax.numpy as jnp
from jax import lax
from jax.experimental import pallas as pl
from jax.experimental.pallas import tpu as pltpu
from jax.experimental.pallas import tpu_sc as plsc

B, P, D = 4096, 128, 512
NC, NS, L = 2, 16, 16
NW = NC * NS
BPW = B // NW
CH = 4
BPC = BPW // CH
GROUPS = BPW // L
PV = P // L


def _make_kernel():
    mesh = plsc.VectorSubcoreMesh(core_axis_name="c", subcore_axis_name="s")

    @functools.partial(
        pl.kernel,
        mesh=mesh,
        compiler_params=pltpu.CompilerParams(needs_layout_passes=False),
        out_type=jax.ShapeDtypeStruct((B, 1, D), jnp.float32),
        scratch_types=[
            pltpu.VMEM((BPW, P), jnp.float32),
            pltpu.VMEM((BPW,), jnp.int32),
            pltpu.VMEM((BPW, 1, D), jnp.float32),
            [pltpu.SemaphoreType.DMA] * CH,
        ],
    )
    def sel(tgt_hbm, pi_hbm, out_hbm, pi_v, idx_v, rows_v, sems):
        wid = lax.axis_index("s") * NC + lax.axis_index("c")
        base = wid * BPW

        pltpu.sync_copy(pi_hbm.at[pl.ds(base, BPW)], pi_v)

        lane = lax.iota(jnp.int32, L)

        def group_body(g, carry):
            res = jnp.zeros((L,), jnp.int32)
            gbase = g * L
            for i in range(L):
                m = pi_v[gbase + i, pl.ds(0, L)]
                a = jnp.zeros((L,), jnp.int32)
                for j in range(1, PV):
                    v = pi_v[gbase + i, pl.ds(j * L, L)]
                    a = jnp.where(v > m, j, a)
                    m = jnp.maximum(m, v)
                mx = jnp.max(m)
                cand = jnp.where(m == mx, a * L + lane, P)
                p_sel = jnp.min(cand)
                row = (base + gbase + i) * P + p_sel
                res = jnp.where(lane == i, row, res)
            idx_v[pl.ds(gbase, L)] = res
            return carry

        def gather_chunk(c):
            return pltpu.async_copy(
                tgt_hbm.at[idx_v.at[pl.ds(c * BPC, BPC)]],
                rows_v.at[pl.ds(c * BPC, BPC), 0],
                sems[c],
            )

        def write_chunk(c):
            return pltpu.async_copy(
                rows_v.at[pl.ds(c * BPC, BPC)],
                out_hbm.at[pl.ds(base + c * BPC, BPC)],
                sems[c],
            )

        lax.fori_loop(0, GROUPS // 2, group_body, 0)
        gathers = [gather_chunk(0), gather_chunk(1)]
        lax.fori_loop(GROUPS // 2, GROUPS, group_body, 0)
        gathers += [gather_chunk(2), gather_chunk(3)]

        writes = []
        for c in range(CH):
            gathers[c].wait()
            writes.append(write_chunk(c))
        for w in writes:
            w.wait()

    return sel


_SEL = _make_kernel()


@jax.jit
def kernel(src, tgt, part_indicator):
    del src
    return _SEL(tgt.reshape(B * P, D), part_indicator)

# --- scband reference (transcript-rebuilt; emitter-appended) ---
"""Pipeline reference for scband-part-language-selector-47184510714006 (READ-ONLY COPY).

The authoritative reference and input builder live on the scoring server;
editing this copy changes nothing except your own understanding.
"""

import jax, jax.numpy as jnp
import numpy as np


def setup_inputs(seed: int = 0) -> dict:
    key = jax.random.key(seed)
    k1, k2, k3 = jax.random.split(key, 3)
    src = jax.random.normal(k1, (4096, 64, 512), dtype=jnp.float32)
    tgt = jax.random.normal(k2, (4096, 128, 512), dtype=jnp.float32)
    part_indicator = jax.random.uniform(k3, (4096, 128), dtype=jnp.float32)
    return {"src": src, "tgt": tgt, "part_indicator": part_indicator}


def reference(src, tgt, part_indicator):
    # part_id = part_indicator.max(1)[1]  -> argmax over dim 1, shape [B]
    part_id = jnp.argmax(part_indicator, axis=1)
    # gather_operation(tgt.transpose(1,2) [B, D, M], part_id.reshape(B,1)) selects
    # one column (part) per batch -> [B, D, 1]; .transpose(1,2) -> [B, 1, D].
    out = jnp.take_along_axis(tgt, part_id[:, None, None], axis=1)  # [B, 1, D]
    return out

if __name__ == "__main__":
    import jax
    _d = setup_inputs()
    print(jax.jit(kernel)(*tuple(_d.values())))

</pallas_src>

<mosaic_0001>
#map = affine_map<(d0, d1) -> (0, 0)>
#map1 = affine_map<(d0, d1) -> (0, 0, 0)>
module attributes {stable_mosaic.version = 14 : i64} {
  func.func @sel(%arg0: i32, %arg1: i32, %arg2: memref<524288x512xf32, #tpu.memory_space<hbm>>, %arg3: memref<4096x128xf32, #tpu.memory_space<hbm>>, %arg4: memref<4096x1x512xf32, #tpu.memory_space<hbm>>, %arg5: memref<128x128xf32, #tpu.memory_space<vmem>>, %arg6: memref<128xi32, #tpu.memory_space<vmem>>, %arg7: memref<128x1x512xf32, #tpu.memory_space<vmem>>, %arg8: memref<!tpu.dma_semaphore, #tpu.memory_space<semaphore_mem>>, %arg9: memref<!tpu.dma_semaphore, #tpu.memory_space<semaphore_mem>>, %arg10: memref<!tpu.dma_semaphore, #tpu.memory_space<semaphore_mem>>, %arg11: memref<!tpu.dma_semaphore, #tpu.memory_space<semaphore_mem>>) attributes {dimension_semantics = [#tpu.dimension_semantics<core_parallel>, #tpu.dimension_semantics<subcore_parallel>], iteration_bounds = array<i64: 2, 16>, scalar_prefetch = 0 : i64, scratch_operands = 7 : i64, tpu.core_type = #tpu.core_type<sc_vector_subcore>, window_params = [{transform_indices = #map}, {transform_indices = #map}, {transform_indices = #map1}]} {
    %mul3A = arith.constant 2 : i32
    %mul3A_0 = arith.muli %arg1, %mul3A : i32
    %add3A = arith.addi %mul3A_0, %arg0 : i32
    %mul3A_1 = arith.constant 128 : i32
    %mul3A_2 = arith.muli %add3A, %mul3A_1 : i32
    "tpu.region"() ({
      %run_scoped3A = tpu.sem_alloc : memref<!tpu.dma_semaphore, #tpu.memory_space<semaphore_mem>>
      %dma_start3A_212 = arith.constant 0 : i32
      %dma_start3A_213 = tpu.memref_slice %arg3[%mul3A_2, %dma_start3A_212] : memref<4096x128xf32, #tpu.memory_space<hbm>> -> memref<128x128xf32, #tpu.memory_space<hbm>>
      %dma_start3A_214 = arith.constant 0 : i32
      %dma_start3A_215 = tpu.memref_slice %arg3[%mul3A_2, %dma_start3A_214] : memref<4096x128xf32, #tpu.memory_space<hbm>> -> memref<128x128xf32, #tpu.memory_space<hbm>>
      tpu.enqueue_dma source(%dma_start3A_215 : memref<128x128xf32, #tpu.memory_space<hbm>>) target(%arg5 : memref<128x128xf32, #tpu.memory_space<vmem>>) target_semaphore(%run_scoped3A : memref<!tpu.dma_semaphore, #tpu.memory_space<semaphore_mem>>)
      %dma_wait3A_216 = arith.constant 0 : i32
      %dma_wait3A_217 = tpu.memref_slice %arg3[%mul3A_2, %dma_wait3A_216] : memref<4096x128xf32, #tpu.memory_space<hbm>> -> memref<128x128xf32, #tpu.memory_space<hbm>>
      %dma_wait3A_218 = arith.constant 0 : i32
      %dma_wait3A_219 = tpu.memref_slice %arg3[%mul3A_2, %dma_wait3A_218] : memref<4096x128xf32, #tpu.memory_space<hbm>> -> memref<128x128xf32, #tpu.memory_space<hbm>>
      tpu.wait_dma2 semaphore(%run_scoped3A : memref<!tpu.dma_semaphore, #tpu.memory_space<semaphore_mem>>) src(%dma_wait3A_219 : memref<128x128xf32, #tpu.memory_space<hbm>>) dst(%arg5 : memref<128x128xf32, #tpu.memory_space<vmem>>)
      tpu.yield
    }) : () -> ()
    %iota3A = tpu.iota {dimensions = array<i32: 0>} : vector<16xi32>
    %scan3A = arith.constant 0 : i32
    %scan3A_3 = arith.constant 0 : i32
    %scan3A_4 = arith.constant 4 : i32
    %scan3A_5 = arith.addi %scan3A_3, %scan3A_4 : i32
    %scan3A_6 = arith.constant 1 : i32
    scf.for %scan3A_212 = %scan3A_3 to %scan3A_5 step %scan3A_6  : i32 {
      %broadcast_in_dim3A = arith.constant 0 : i32
      %broadcast_in_dim3A_213 = vector.broadcast %broadcast_in_dim3A : i32 to vector<16xi32>
      %mul3A_214 = arith.constant 16 : i32
      %mul3A_215 = arith.muli %scan3A_212, %mul3A_214 : i32
      %add3A_216 = arith.constant 0 : i32
      %add3A_217 = arith.addi %mul3A_215, %add3A_216 : i32
      %get3A = arith.index_cast %add3A_217 : i32 to index
      %get3A_218 = arith.constant 0 : index
      %get3A_219 = tpu.vector_load %arg5[%get3A, %get3A_218] {strides = array<i32>} : memref<128x128xf32, #tpu.memory_space<vmem>>, vector<16xf32>,
      %broadcast_in_dim3A_220 = arith.constant 0 : i32
      %broadcast_in_dim3A_221 = vector.broadcast %broadcast_in_dim3A_220 : i32 to vector<16xi32>
      %add3A_222 = arith.constant 0 : i32
      %add3A_223 = arith.addi %mul3A_215, %add3A_222 : i32
      %get3A_224 = arith.index_cast %add3A_223 : i32 to index
      %get3A_225 = arith.constant 16 : index
      %get3A_226 = tpu.vector_load %arg5[%get3A_224, %get3A_225] {strides = array<i32>} : memref<128x128xf32, #tpu.memory_space<vmem>>, vector<16xf32>,
      %gt3A = arith.cmpf ogt, %get3A_226, %get3A_219 : vector<16xf32>
      %jit3A = arith.constant 1 : i32
      %broadcast_in_dim3A_227 = vector.broadcast %jit3A : i32 to vector<16xi32>
      %select_n3A = arith.select %gt3A, %broadcast_in_dim3A_227, %broadcast_in_dim3A_221 : vector<16xi1>, vector<16xi32>
      %max3A = arith.maximumf %get3A_219, %get3A_226 : vector<16xf32>
      %add3A_228 = arith.constant 0 : i32
      %add3A_229 = arith.addi %mul3A_215, %add3A_228 : i32
      %get3A_230 = arith.index_cast %add3A_229 : i32 to index
      %get3A_231 = arith.constant 32 : index
      %get3A_232 = tpu.vector_load %arg5[%get3A_230, %get3A_231] {strides = array<i32>} : memref<128x128xf32, #tpu.memory_space<vmem>>, vector<16xf32>,
      %gt3A_233 = arith.cmpf ogt, %get3A_232, %max3A : vector<16xf32>
      %jit3A_234 = arith.constant 2 : i32
      %broadcast_in_dim3A_235 = vector.broadcast %jit3A_234 : i32 to vector<16xi32>
      %select_n3A_236 = arith.select %gt3A_233, %broadcast_in_dim3A_235, %select_n3A : vector<16xi1>, vector<16xi32>
      %max3A_237 = arith.maximumf %max3A, %get3A_232 : vector<16xf32>
      %add3A_238 = arith.constant 0 : i32
      %add3A_239 = arith.addi %mul3A_215, %add3A_238 : i32
      %get3A_240 = arith.index_cast %add3A_239 : i32 to index
      %get3A_241 = arith.constant 48 : index
      %get3A_242 = tpu.vector_load %arg5[%get3A_240, %get3A_241] {strides = array<i32>} : memref<128x128xf32, #tpu.memory_space<vmem>>, vector<16xf32>,
      %gt3A_243 = arith.cmpf ogt, %get3A_242, %max3A_237 : vector<16xf32>
      %jit3A_244 = arith.constant 3 : i32
      %broadcast_in_dim3A_245 = vector.broadcast %jit3A_244 : i32 to vector<16xi32>
      %select_n3A_246 = arith.select %gt3A_243, %broadcast_in_dim3A_245, %select_n3A_236 : vector<16xi1>, vector<16xi32>
      %max3A_247 = arith.maximumf %max3A_237, %get3A_242 : vector<16xf32>
      %add3A_248 = arith.constant 0 : i32
      %add3A_249 = arith.addi %mul3A_215, %add3A_248 : i32
      %get3A_250 = arith.index_cast %add3A_249 : i32 to index
      %get3A_251 = arith.constant 64 : index
      %get3A_252 = tpu.vector_load %arg5[%get3A_250, %get3A_251] {strides = array<i32>} : memref<128x128xf32, #tpu.memory_space<vmem>>, vector<16xf32>,
      %gt3A_253 = arith.cmpf ogt, %get3A_252, %max3A_247 : vector<16xf32>
      %jit3A_254 = arith.constant 4 : i32
      %broadcast_in_dim3A_255 = vector.broadcast %jit3A_254 : i32 to vector<16xi32>
      %select_n3A_256 = arith.select %gt3A_253, %broadcast_in_dim3A_255, %select_n3A_246 : vector<16xi1>, vector<16xi32>
      %max3A_257 = arith.maximumf %max3A_247, %get3A_252 : vector<16xf32>
      %add3A_258 = arith.constant 0 : i32
      %add3A_259 = arith.addi %mul3A_215, %add3A_258 : i32
      %get3A_260 = arith.index_cast %add3A_259 : i32 to index
      %get3A_261 = arith.constant 80 : index
      %get3A_262 = tpu.vector_load %arg5[%get3A_260, %get3A_261] {strides = array<i32>} : memref<128x128xf32, #tpu.memory_space<vmem>>, vector<16xf32>,
      %gt3A_263 = arith.cmpf ogt, %get3A_262, %max3A_257 : vector<16xf32>
      %jit3A_264 = arith.constant 5 : i32
      %broadcast_in_dim3A_265 = vector.broadcast %jit3A_264 : i32 to vector<16xi32>
      %select_n3A_266 = arith.select %gt3A_263, %broadcast_in_dim3A_265, %select_n3A_256 : vector<16xi1>, vector<16xi32>
      %max3A_267 = arith.maximumf %max3A_257, %get3A_262 : vector<16xf32>
      %add3A_268 = arith.constant 0 : i32
      %add3A_269 = arith.addi %mul3A_215, %add3A_268 : i32
      %get3A_270 = arith.index_cast %add3A_269 : i32 to index
      %get3A_271 = arith.constant 96 : index
      %get3A_272 = tpu.vector_load %arg5[%get3A_270, %get3A_271] {strides = array<i32>} : memref<128x128xf32, #tpu.memory_space<vmem>>, vector<16xf32>,
      %gt3A_273 = arith.cmpf ogt, %get3A_272, %max3A_267 : vector<16xf32>
      %jit3A_274 = arith.constant 6 : i32
      %broadcast_in_dim3A_275 = vector.broadcast %jit3A_274 : i32 to vector<16xi32>
      %select_n3A_276 = arith.select %gt3A_273, %broadcast_in_dim3A_275, %select_n3A_266 : vector<16xi1>, vector<16xi32>
      %max3A_277 = arith.maximumf %max3A_267, %get3A_272 : vector<16xf32>
      %add3A_278 = arith.constant 0 : i32
      %add3A_279 = arith.addi %mul3A_215, %add3A_278 : i32
      %get3A_280 = arith.index_cast %add3A_279 : i32 to index
      %get3A_281 = arith.constant 112 : index
      %get3A_282 = tpu.vector_load %arg5[%get3A_280, %get3A_281] {strides = array<i32>} : memref<128x128xf32, #tpu.memory_space<vmem>>, vector<16xf32>,
      %gt3A_283 = arith.cmpf ogt, %get3A_282, %max3A_277 : vector<16xf32>
      %jit3A_284 = arith.constant 7 : i32
      %broadcast_in_dim3A_285 = vector.broadcast %jit3A_284 : i32 to vector<16xi32>
      %select_n3A_286 = arith.select %gt3A_283, %broadcast_in_dim3A_285, %select_n3A_276 : vector<16xi1>, vector<16xi32>
      %max3A_287 = arith.maximumf %max3A_277, %get3A_282 : vector<16xf32>
      %reduce_max3A = arith.constant true
      %reduce_max3A_288 = vector.broadcast %reduce_max3A : i1 to vector<16xi1>
      %reduce_max3A_289 = tpu.scan <max>, %max3A_287 masked %reduce_max3A_288 : vector<16xf32>, vector<16xi1> -> vector<16xf32>
      %reduce_max3A_290 = vector.extract %reduce_max3A_289[15] : f32 from vector<16xf32>
      %eq3A = vector.broadcast %reduce_max3A_290 : f32 to vector<16xf32>
      %eq3A_291 = arith.cmpf oeq, %max3A_287, %eq3A : vector<16xf32>
      %mul3A_292 = arith.constant 16 : i32
      %mul3A_293 = vector.broadcast %mul3A_292 : i32 to vector<16xi32>
      %mul3A_294 = arith.muli %select_n3A_286, %mul3A_293 : vector<16xi32>
      %add3A_295 = arith.addi %mul3A_294, %iota3A : vector<16xi32>
      %jit3A_296 = arith.constant 128 : i32
      %broadcast_in_dim3A_297 = vector.broadcast %jit3A_296 : i32 to vector<16xi32>
      %select_n3A_298 = arith.select %eq3A_291, %add3A_295, %broadcast_in_dim3A_297 : vector<16xi1>, vector<16xi32>
      %reduce_min3A = arith.constant true
      %reduce_min3A_299 = vector.broadcast %reduce_min3A : i1 to vector<16xi1>
      %reduce_min3A_300 = arith.constant -2147483648 : i32
      %reduce_min3A_301 = vector.broadcast %reduce_min3A_300 : i32 to vector<16xi32>
      %reduce_min3A_302 = arith.xori %select_n3A_298, %reduce_min3A_301 : vector<16xi32>
      %reduce_min3A_303 = tpu.scan <min>, %reduce_min3A_302 masked %reduce_min3A_299 : vector<16xi32>, vector<16xi1> -> vector<16xi32>
      %reduce_min3A_304 = arith.xori %reduce_min3A_303, %reduce_min3A_301 : vector<16xi32>
      %reduce_min3A_305 = vector.extract %reduce_min3A_304[15] : i32 from vector<16xi32>
      %add3A_306 = arith.addi %mul3A_2, %mul3A_215 : i32
      %add3A_307 = arith.constant 0 : i32
      %add3A_308 = arith.addi %add3A_306, %add3A_307 : i32
      %mul3A_309 = arith.constant 128 : i32
      %mul3A_310 = arith.muli %add3A_308, %mul3A_309 : i32
      %add3A_311 = arith.addi %mul3A_310, %reduce_min3A_305 : i32
      %eq3A_312 = arith.constant 0 : i32
      %eq3A_313 = vector.broadcast %eq3A_312 : i32 to vector<16xi32>
      %eq3A_314 = arith.cmpi eq, %iota3A, %eq3A_313 : vector<16xi32>
      %broadcast_in_dim3A_315 = vector.broadcast %add3A_311 : i32 to vector<16xi32>
      %select_n3A_316 = arith.select %eq3A_314, %broadcast_in_dim3A_315, %broadcast_in_dim3A_213 : vector<16xi1>, vector<16xi32>
      %add3A_317 = arith.constant 1 : i32
      %add3A_318 = arith.addi %mul3A_215, %add3A_317 : i32
      %get3A_319 = arith.index_cast %add3A_318 : i32 to index
      %get3A_320 = arith.constant 0 : index
      %get3A_321 = tpu.vector_load %arg5[%get3A_319, %get3A_320] {strides = array<i32>} : memref<128x128xf32, #tpu.memory_space<vmem>>, vector<16xf32>,
      %broadcast_in_dim3A_322 = arith.constant 0 : i32
      %broadcast_in_dim3A_323 = vector.broadcast %broadcast_in_dim3A_322 : i32 to vector<16xi32>
      %add3A_324 = arith.constant 1 : i32
      %add3A_325 = arith.addi %mul3A_215, %add3A_324 : i32
      %get3A_326 = arith.index_cast %add3A_325 : i32 to index
      %get3A_327 = arith.constant 16 : index
      %get3A_328 = tpu.vector_load %arg5[%get3A_326, %get3A_327] {strides = array<i32>} : memref<128x128xf32, #tpu.memory_space<vmem>>, vector<16xf32>,
      %gt3A_329 = arith.cmpf ogt, %get3A_328, %get3A_321 : vector<16xf32>
      %jit3A_330 = arith.constant 1 : i32
      %broadcast_in_dim3A_331 = vector.broadcast %jit3A_330 : i32 to vector<16xi32>
      %select_n3A_332 = arith.select %gt3A_329, %broadcast_in_dim3A_331, %broadcast_in_dim3A_323 : vector<16xi1>, vector<16xi32>
      %max3A_333 = arith.maximumf %get3A_321, %get3A_328 : vector<16xf32>
      %add3A_334 = arith.constant 1 : i32
      %add3A_335 = arith.addi %mul3A_215, %add3A_334 : i32
      %get3A_336 = arith.index_cast %add3A_335 : i32 to index
      %get3A_337 = arith.constant 32 : index
      %get3A_338 = tpu.vector_load %arg5[%get3A_336, %get3A_337] {strides = array<i32>} : memref<128x128xf32, #tpu.memory_space<vmem>>, vector<16xf32>,
      %gt3A_339 = arith.cmpf ogt, %get3A_338, %max3A_333 : vector<16xf32>
      %jit3A_340 = arith.constant 2 : i32
      %broadcast_in_dim3A_341 = vector.broadcast %jit3A_340 : i32 to vector<16xi32>
      %select_n3A_342 = arith.select %gt3A_339, %broadcast_in_dim3A_341, %select_n3A_332 : vector<16xi1>, vector<16xi32>
      %max3A_343 = arith.maximumf %max3A_333, %get3A_338 : vector<16xf32>
      %add3A_344 = arith.constant 1 : i32
      %add3A_345 = arith.addi %mul3A_215, %add3A_344 : i32
      %get3A_346 = arith.index_cast %add3A_345 : i32 to index
      %get3A_347 = arith.constant 48 : index
      %get3A_348 = tpu.vector_load %arg5[%get3A_346, %get3A_347] {strides = array<i32>} : memref<128x128xf32, #tpu.memory_space<vmem>>, vector<16xf32>,
      %gt3A_349 = arith.cmpf ogt, %get3A_348, %max3A_343 : vector<16xf32>
      %jit3A_350 = arith.constant 3 : i32
      %broadcast_in_dim3A_351 = vector.broadcast %jit3A_350 : i32 to vector<16xi32>
      %select_n3A_352 = arith.select %gt3A_349, %broadcast_in_dim3A_351, %select_n3A_342 : vector<16xi1>, vector<16xi32>
      %max3A_353 = arith.maximumf %max3A_343, %get3A_348 : vector<16xf32>
      %add3A_354 = arith.constant 1 : i32
      %add3A_355 = arith.addi %mul3A_215, %add3A_354 : i32
      %get3A_356 = arith.index_cast %add3A_355 : i32 to index
      %get3A_357 = arith.constant 64 : index
      %get3A_358 = tpu.vector_load %arg5[%get3A_356, %get3A_357] {strides = array<i32>} : memref<128x128xf32, #tpu.memory_space<vmem>>, vector<16xf32>,
      %gt3A_359 = arith.cmpf ogt, %get3A_358, %max3A_353 : vector<16xf32>
      %jit3A_360 = arith.constant 4 : i32
      %broadcast_in_dim3A_361 = vector.broadcast %jit3A_360 : i32 to vector<16xi32>
      %select_n3A_362 = arith.select %gt3A_359, %broadcast_in_dim3A_361, %select_n3A_352 : vector<16xi1>, vector<16xi32>
      %max3A_363 = arith.maximumf %max3A_353, %get3A_358 : vector<16xf32>
      %add3A_364 = arith.constant 1 : i32
      %add3A_365 = arith.addi %mul3A_215, %add3A_364 : i32
      %get3A_366 = arith.index_cast %add3A_365 : i32 to index
      %get3A_367 = arith.constant 80 : index
      %get3A_368 = tpu.vector_load %arg5[%get3A_366, %get3A_367] {strides = array<i32>} : memref<128x128xf32, #tpu.memory_space<vmem>>, vector<16xf32>,
      %gt3A_369 = arith.cmpf ogt, %get3A_368, %max3A_363 : vector<16xf32>
      %jit3A_370 = arith.constant 5 : i32
      %broadcast_in_dim3A_371 = vector.broadcast %jit3A_370 : i32 to vector<16xi32>
      %select_n3A_372 = arith.select %gt3A_369, %broadcast_in_dim3A_371, %select_n3A_362 : vector<16xi1>, vector<16xi32>
      %max3A_373 = arith.maximumf %max3A_363, %get3A_368 : vector<16xf32>
      %add3A_374 = arith.constant 1 : i32
      %add3A_375 = arith.addi %mul3A_215, %add3A_374 : i32
      %get3A_376 = arith.index_cast %add3A_375 : i32 to index
      %get3A_377 = arith.constant 96 : index
      %get3A_378 = tpu.vector_load %arg5[%get3A_376, %get3A_377] {strides = array<i32>} : memref<128x128xf32, #tpu.memory_space<vmem>>, vector<16xf32>,
      %gt3A_379 = arith.cmpf ogt, %get3A_378, %max3A_373 : vector<16xf32>
      %jit3A_380 = arith.constant 6 : i32
      %broadcast_in_dim3A_381 = vector.broadcast %jit3A_380 : i32 to vector<16xi32>
      %select_n3A_382 = arith.select %gt3A_379, %broadcast_in_dim3A_381, %select_n3A_372 : vector<16xi1>, vector<16xi32>
      %max3A_383 = arith.maximumf %max3A_373, %get3A_378 : vector<16xf32>
      %add3A_384 = arith.constant 1 : i32
      %add3A_385 = arith.addi %mul3A_215, %add3A_384 : i32
      %get3A_386 = arith.index_cast %add3A_385 : i32 to index
      %get3A_387 = arith.constant 112 : index
      %get3A_388 = tpu.vector_load %arg5[%get3A_386, %get3A_387] {strides = array<i32>} : memref<128x128xf32, #tpu.memory_space<vmem>>, vector<16xf32>,
      %gt3A_389 = arith.cmpf ogt, %get3A_388, %max3A_383 : vector<16xf32>
      %jit3A_390 = arith.constant 7 : i32
      %broadcast_in_dim3A_391 = vector.broadcast %jit3A_390 : i32 to vector<16xi32>
      %select_n3A_392 = arith.select %gt3A_389, %broadcast_in_dim3A_391, %select_n3A_382 : vector<16xi1>, vector<16xi32>
      %max3A_393 = arith.maximumf %max3A_383, %get3A_388 : vector<16xf32>
      %reduce_max3A_394 = arith.constant true
      %reduce_max3A_395 = vector.broadcast %reduce_max3A_394 : i1 to vector<16xi1>
      %reduce_max3A_396 = tpu.scan <max>, %max3A_393 masked %reduce_max3A_395 : vector<16xf32>, vector<16xi1> -> vector<16xf32>
      %reduce_max3A_397 = vector.extract %reduce_max3A_396[15] : f32 from vector<16xf32>
      %eq3A_398 = vector.broadcast %reduce_max3A_397 : f32 to vector<16xf32>
      %eq3A_399 = arith.cmpf oeq, %max3A_393, %eq3A_398 : vector<16xf32>
      %mul3A_400 = arith.constant 16 : i32
      %mul3A_401 = vector.broadcast %mul3A_400 : i32 to vector<16xi32>
      %mul3A_402 = arith.muli %select_n3A_392, %mul3A_401 : vector<16xi32>
      %add3A_403 = arith.addi %mul3A_402, %iota3A : vector<16xi32>
      %jit3A_404 = arith.constant 128 : i32
      %broadcast_in_dim3A_405 = vector.broadcast %jit3A_404 : i32 to vector<16xi32>
      %select_n3A_406 = arith.select %eq3A_399, %add3A_403, %broadcast_in_dim3A_405 : vector<16xi1>, vector<16xi32>
      %reduce_min3A_407 = arith.constant true
      %reduce_min3A_408 = vector.broadcast %reduce_min3A_407 : i1 to vector<16xi1>
      %reduce_min3A_409 = arith.constant -2147483648 : i32
      %reduce_min3A_410 = vector.broadcast %reduce_min3A_409 : i32 to vector<16xi32>
      %reduce_min3A_411 = arith.xori %select_n3A_406, %reduce_min3A_410 : vector<16xi32>
      %reduce_min3A_412 = tpu.scan <min>, %reduce_min3A_411 masked %reduce_min3A_408 : vector<16xi32>, vector<16xi1> -> vector<16xi32>
      %reduce_min3A_413 = arith.xori %reduce_min3A_412, %reduce_min3A_410 : vector<16xi32>
      %reduce_min3A_414 = vector.extract %reduce_min3A_413[15] : i32 from vector<16xi32>
      %add3A_415 = arith.addi %mul3A_2, %mul3A_215 : i32
      %add3A_416 = arith.constant 1 : i32
      %add3A_417 = arith.addi %add3A_415, %add3A_416 : i32
      %mul3A_418 = arith.constant 128 : i32
      %mul3A_419 = arith.muli %add3A_417, %mul3A_418 : i32
      %add3A_420 = arith.addi %mul3A_419, %reduce_min3A_414 : i32
      %eq3A_421 = arith.constant 1 : i32
      %eq3A_422 = vector.broadcast %eq3A_421 : i32 to vector<16xi32>
      %eq3A_423 = arith.cmpi eq, %iota3A, %eq3A_422 : vector<16xi32>
      %broadcast_in_dim3A_424 = vector.broadcast %add3A_420 : i32 to vector<16xi32>
      %select_n3A_425 = arith.select %eq3A_423, %broadcast_in_dim3A_424, %select_n3A_316 : vector<16xi1>, vector<16xi32>
      %add3A_426 = arith.constant 2 : i32
      %add3A_427 = arith.addi %mul3A_215, %add3A_426 : i32
      %get3A_428 = arith.index_cast %add3A_427 : i32 to index
      %get3A_429 = arith.constant 0 : index
      %get3A_430 = tpu.vector_load %arg5[%get3A_428, %get3A_429] {strides = array<i32>} : memref<128x128xf32, #tpu.memory_space<vmem>>, vector<16xf32>,
      %broadcast_in_dim3A_431 = arith.constant 0 : i32
      %broadcast_in_dim3A_432 = vector.broadcast %broadcast_in_dim3A_431 : i32 to vector<16xi32>
      %add3A_433 = arith.constant 2 : i32
      %add3A_434 = arith.addi %mul3A_215, %add3A_433 : i32
      %get3A_435 = arith.index_cast %add3A_434 : i32 to index
      %get3A_436 = arith.constant 16 : index
      %get3A_437 = tpu.vector_load %arg5[%get3A_435, %get3A_436] {strides = array<i32>} : memref<128x128xf32, #tpu.memory_space<vmem>>, vector<16xf32>,
      %gt3A_438 = arith.cmpf ogt, %get3A_437, %get3A_430 : vector<16xf32>
      %jit3A_439 = arith.constant 1 : i32
      %broadcast_in_dim3A_440 = vector.broadcast %jit3A_439 : i32 to vector<16xi32>
      %select_n3A_441 = arith.select %gt3A_438, %broadcast_in_dim3A_440, %broadcast_in_dim3A_432 : vector<16xi1>, vector<16xi32>
      %max3A_442 = arith.maximumf %get3A_430, %get3A_437 : vector<16xf32>
      %add3A_443 = arith.constant 2 : i32
      %add3A_444 = arith.addi %mul3A_215, %add3A_443 : i32
      %get3A_445 = arith.index_cast %add3A_444 : i32 to index
      %get3A_446 = arith.constant 32 : index
      %get3A_447 = tpu.vector_load %arg5[%get3A_445, %get3A_446] {strides = array<i32>} : memref<128x128xf32, #tpu.memory_space<vmem>>, vector<16xf32>,
      %gt3A_448 = arith.cmpf ogt, %get3A_447, %max3A_442 : vector<16xf32>
      %jit3A_449 = arith.constant 2 : i32
      %broadcast_in_dim3A_450 = vector.broadcast %jit3A_449 : i32 to vector<16xi32>
      %select_n3A_451 = arith.select %gt3A_448, %broadcast_in_dim3A_450, %select_n3A_441 : vector<16xi1>, vector<16xi32>
      %max3A_452 = arith.maximumf %max3A_442, %get3A_447 : vector<16xf32>
      %add3A_453 = arith.constant 2 : i32
      %add3A_454 = arith.addi %mul3A_215, %add3A_453 : i32
      %get3A_455 = arith.index_cast %add3A_454 : i32 to index
      %get3A_456 = arith.constant 48 : index
      %get3A_457 = tpu.vector_load %arg5[%get3A_455, %get3A_456] {strides = array<i32>} : memref<128x128xf32, #tpu.memory_space<vmem>>, vector<16xf32>,
      %gt3A_458 = arith.cmpf ogt, %get3A_457, %max3A_452 : vector<16xf32>
      %jit3A_459 = arith.constant 3 : i32
      %broadcast_in_dim3A_460 = vector.broadcast %jit3A_459 : i32 to vector<16xi32>
      %select_n3A_461 = arith.select %gt3A_458, %broadcast_in_dim3A_460, %select_n3A_451 : vector<16xi1>, vector<16xi32>
      %max3A_462 = arith.maximumf %max3A_452, %get3A_457 : vector<16xf32>
      %add3A_463 = arith.constant 2 : i32
      %add3A_464 = arith.addi %mul3A_215, %add3A_463 : i32
      %get3A_465 = arith.index_cast %add3A_464 : i32 to index
      %get3A_466 = arith.constant 64 : index
      %get3A_467 = tpu.vector_load %arg5[%get3A_465, %get3A_466] {strides = array<i32>} : memref<128x128xf32, #tpu.memory_space<vmem>>, vector<16xf32>,
      %gt3A_468 = arith.cmpf ogt, %get3A_467, %max3A_462 : vector<16xf32>
      %jit3A_469 = arith.constant 4 : i32
      %broadcast_in_dim3A_470 = vector.broadcast %jit3A_469 : i32 to vector<16xi32>
      %select_n3A_471 = arith.select %gt3A_468, %broadcast_in_dim3A_470, %select_n3A_461 : vector<16xi1>, vector<16xi32>
      %max3A_472 = arith.maximumf %max3A_462, %get3A_467 : vector<16xf32>
      %add3A_473 = arith.constant 2 : i32
      %add3A_474 = arith.addi %mul3A_215, %add3A_473 : i32
      %get3A_475 = arith.index_cast %add3A_474 : i32 to index
      %get3A_476 = arith.constant 80 : index
      %get3A_477 = tpu.vector_load %arg5[%get3A_475, %get3A_476] {strides = array<i32>} : memref<128x128xf32, #tpu.memory_space<vmem>>, vector<16xf32>,
      %gt3A_478 = arith.cmpf ogt, %get3A_477, %max3A_472 : vector<16xf32>
      %jit3A_479 = arith.constant 5 : i32
      %broadcast_in_dim3A_480 = vector.broadcast %jit3A_479 : i32 to vector<16xi32>
      %select_n3A_481 = arith.select %gt3A_478, %broadcast_in_dim3A_480, %select_n3A_471 : vector<16xi1>, vector<16xi32>
      %max3A_482 = arith.maximumf %max3A_472, %get3A_477 : vector<16xf32>
      %add3A_483 = arith.constant 2 : i32
      %add3A_484 = arith.addi %mul3A_215, %add3A_483 : i32
      %get3A_485 = arith.index_cast %add3A_484 : i32 to index
      %get3A_486 = arith.constant 96 : index
      %get3A_487 = tpu.vector_load %arg5[%get3A_485, %get3A_486] {strides = array<i32>} : memref<128x128xf32, #tpu.memory_space<vmem>>, vector<16xf32>,
      %gt3A_488 = arith.cmpf ogt, %get3A_487, %max3A_482 : vector<16xf32>
      %jit3A_489 = arith.constant 6 : i32
      %broadcast_in_dim3A_490 = vector.broadcast %jit3A_489 : i32 to vector<16xi32>
      %select_n3A_491 = arith.select %gt3A_488, %broadcast_in_dim3A_490, %select_n3A_481 : vector<16xi1>, vector<16xi32>
      %max3A_492 = arith.maximumf %max3A_482, %get3A_487 : vector<16xf32>
      %add3A_493 = arith.constant 2 : i32
      %add3A_494 = arith.addi %mul3A_215, %add3A_493 : i32
      %get3A_495 = arith.index_cast %add3A_494 : i32 to index
      %get3A_496 = arith.constant 112 : index
      %get3A_497 = tpu.vector_load %arg5[%get3A_495, %get3A_496] {strides = array<i32>} : memref<128x128xf32, #tpu.memory_space<vmem>>, vector<16xf32>,
      %gt3A_498 = arith.cmpf ogt, %get3A_497, %max3A_492 : vector<16xf32>
      %jit3A_499 = arith.constant 7 : i32
      %broadcast_in_dim3A_500 = vector.broadcast %jit3A_499 : i32 to vector<16xi32>
      %select_n3A_501 = arith.select %gt3A_498, %broadcast_in_dim3A_500, %select_n3A_491 : vector<16xi1>, vector<16xi32>
      %max3A_502 = arith.maximumf %max3A_492, %get3A_497 : vector<16xf32>
      %reduce_max3A_503 = arith.constant true
      %reduce_max3A_504 = vector.broadcast %reduce_max3A_503 : i1 to vector<16xi1>
      %reduce_max3A_505 = tpu.scan <max>, %max3A_502 masked %reduce_max3A_504 : vector<16xf32>, vector<16xi1> -> vector<16xf32>
      %reduce_max3A_506 = vector.extract %reduce_max3A_505[15] : f32 from vector<16xf32>
      %eq3A_507 = vector.broadcast %reduce_max3A_506 : f32 to vector<16xf32>
      %eq3A_508 = arith.cmpf oeq, %max3A_502, %eq3A_507 : vector<16xf32>
      %mul3A_509 = arith.constant 16 : i32
      %mul3A_510 = vector.broadcast %mul3A_509 : i32 to vector<16xi32>
      %mul3A_511 = arith.muli %select_n3A_501, %mul3A_510 : vector<16xi32>
      %add3A_512 = arith.addi %mul3A_511, %iota3A : vector<16xi32>
      %jit3A_513 = arith.constant 128 : i32
      %broadcast_in_dim3A_514 = vector.broadcast %jit3A_513 : i32 to vector<16xi32>
      %select_n3A_515 = arith.select %eq3A_508, %add3A_512, %broadcast_in_dim3A_514 : vector<16xi1>, vector<16xi32>
      %reduce_min3A_516 = arith.constant true
      %reduce_min3A_517 = vector.broadcast %reduce_min3A_516 : i1 to vector<16xi1>
      %reduce_min3A_518 = arith.constant -2147483648 : i32
      %reduce_min3A_519 = vector.broadcast %reduce_min3A_518 : i32 to vector<16xi32>
      %reduce_min3A_520 = arith.xori %select_n3A_515, %reduce_min3A_519 : vector<16xi32>
      %reduce_min3A_521 = tpu.scan <min>, %reduce_min3A_520 masked %reduce_min3A_517 : vector<16xi32>, vector<16xi1> -> vector<16xi32>
      %reduce_min3A_522 = arith.xori %reduce_min3A_521, %reduce_min3A_519 : vector<16xi32>
      %reduce_min3A_523 = vector.extract %reduce_min3A_522[15] : i32 from vector<16xi32>
      %add3A_524 = arith.addi %mul3A_2, %mul3A_215 : i32
      %add3A_525 = arith.constant 2 : i32
      %add3A_526 = arith.addi %add3A_524, %add3A_525 : i32
      %mul3A_527 = arith.constant 128 : i32
      %mul3A_528 = arith.muli %add3A_526, %mul3A_527 : i32
      %add3A_529 = arith.addi %mul3A_528, %reduce_min3A_523 : i32
      %eq3A_530 = arith.constant 2 : i32
      %eq3A_531 = vector.broadcast %eq3A_530 : i32 to vector<16xi32>
      %eq3A_532 = arith.cmpi eq, %iota3A, %eq3A_531 : vector<16xi32>
      %broadcast_in_dim3A_533 = vector.broadcast %add3A_529 : i32 to vector<16xi32>
      %select_n3A_534 = arith.select %eq3A_532, %broadcast_in_dim3A_533, %select_n3A_425 : vector<16xi1>, vector<16xi32>
      %add3A_535 = arith.constant 3 : i32
      %add3A_536 = arith.addi %mul3A_215, %add3A_535 : i32
      %get3A_537 = arith.index_cast %add3A_536 : i32 to index
      %get3A_538 = arith.constant 0 : index
      %get3A_539 = tpu.vector_load %arg5[%get3A_537, %get3A_538] {strides = array<i32>} : memref<128x128xf32, #tpu.memory_space<vmem>>, vector<16xf32>,
      %broadcast_in_dim3A_540 = arith.constant 0 : i32
      %broadcast_in_dim3A_541 = vector.broadcast %broadcast_in_dim3A_540 : i32 to vector<16xi32>
      %add3A_542 = arith.constant 3 : i32
      %add3A_543 = arith.addi %mul3A_215, %add3A_542 : i32
      %get3A_544 = arith.index_cast %add3A_543 : i32 to index
      %get3A_545 = arith.constant 16 : index
      %get3A_546 = tpu.vector_load %arg5[%get3A_544, %get3A_545] {strides = array<i32>} : memref<128x128xf32, #tpu.memory_space<vmem>>, vector<16xf32>,
      %gt3A_547 = arith.cmpf ogt, %get3A_546, %get3A_539 : vector<16xf32>
      %jit3A_548 = arith.constant 1 : i32
      %broadcast_in_dim3A_549 = vector.broadcast %jit3A_548 : i32 to vector<16xi32>
      %select_n3A_550 = arith.select %gt3A_547, %broadcast_in_dim3A_549, %broadcast_in_dim3A_541 : vector<16xi1>, vector<16xi32>
      %max3A_551 = arith.maximumf %get3A_539, %get3A_546 : vector<16xf32>
      %add3A_552 = arith.constant 3 : i32
      %add3A_553 = arith.addi %mul3A_215, %add3A_552 : i32
      %get3A_554 = arith.index_cast %add3A_553 : i32 to index
      %get3A_555 = arith.constant 32 : index
      %get3A_556 = tpu.vector_load %arg5[%get3A_554, %get3A_555] {strides = array<i32>} : memref<128x128xf32, #tpu.memory_space<vmem>>, vector<16xf32>,
      %gt3A_557 = arith.cmpf ogt, %get3A_556, %max3A_551 : vector<16xf32>
      %jit3A_558 = arith.constant 2 : i32
      %broadcast_in_dim3A_559 = vector.broadcast %jit3A_558 : i32 to vector<16xi32>
      %select_n3A_560 = arith.select %gt3A_557, %broadcast_in_dim3A_559, %select_n3A_550 : vector<16xi1>, vector<16xi32>
      %max3A_561 = arith.maximumf %max3A_551, %get3A_556 : vector<16xf32>
      %add3A_562 = arith.constant 3 : i32
      %add3A_563 = arith.addi %mul3A_215, %add3A_562 : i32
      %get3A_564 = arith.index_cast %add3A_563 : i32 to index
      %get3A_565 = arith.constant 48 : index
      %get3A_566 = tpu.vector_load %arg5[%get3A_564, %get3A_565] {strides = array<i32>} : memref<128x128xf32, #tpu.memory_space<vmem>>, vector<16xf32>,
      %gt3A_567 = arith.cmpf ogt, %get3A_566, %max3A_561 : vector<16xf32>
      %jit3A_568 = arith.constant 3 : i32
      %broadcast_in_dim3A_569 = vector.broadcast %jit3A_568 : i32 to vector<16xi32>
      %select_n3A_570 = arith.select %gt3A_567, %broadcast_in_dim3A_569, %select_n3A_560 : vector<16xi1>, vector<16xi32>
      %max3A_571 = arith.maximumf %max3A_561, %get3A_566 : vector<16xf32>
      %add3A_572 = arith.constant 3 : i32
      %add3A_573 = arith.addi %mul3A_215, %add3A_572 : i32
      %get3A_574 = arith.index_cast %add3A_573 : i32 to index
      %get3A_575 = arith.constant 64 : index
      %get3A_576 = tpu.vector_load %arg5[%get3A_574, %get3A_575] {strides = array<i32>} : memref<128x128xf32, #tpu.memory_space<vmem>>, vector<16xf32>,
      %gt3A_577 = arith.cmpf ogt, %get3A_576, %max3A_571 : vector<16xf32>
      %jit3A_578 = arith.constant 4 : i32
      %broadcast_in_dim3A_579 = vector.broadcast %jit3A_578 : i32 to vector<16xi32>
      %select_n3A_580 = arith.select %gt3A_577, %broadcast_in_dim3A_579, %select_n3A_570 : vector<16xi1>, vector<16xi32>
      %max3A_581 = arith.maximumf %max3A_571, %get3A_576 : vector<16xf32>
      %add3A_582 = arith.constant 3 : i32
      %add3A_583 = arith.addi %mul3A_215, %add3A_582 : i32
      %get3A_584 = arith.index_cast %add3A_583 : i32 to index
      %get3A_585 = arith.constant 80 : index
      %get3A_586 = tpu.vector_load %arg5[%get3A_584, %get3A_585] {strides = array<i32>} : memref<128x128xf32, #tpu.memory_space<vmem>>, vector<16xf32>,
      %gt3A_587 = arith.cmpf ogt, %get3A_586, %max3A_581 : vector<16xf32>
      %jit3A_588 = arith.constant 5 : i32
      %broadcast_in_dim3A_589 = vector.broadcast %jit3A_588 : i32 to vector<16xi32>
      %select_n3A_590 = arith.select %gt3A_587, %broadcast_in_dim3A_589, %select_n3A_580 : vector<16xi1>, vector<16xi32>
      %max3A_591 = arith.maximumf %max3A_581, %get3A_586 : vector<16xf32>
      %add3A_592 = arith.constant 3 : i32
      %add3A_593 = arith.addi %mul3A_215, %add3A_592 : i32
      %get3A_594 = arith.index_cast %add3A_593 : i32 to index
      %get3A_595 = arith.constant 96 : index
      %get3A_596 = tpu.vector_load %arg5[%get3A_594, %get3A_595] {strides = array<i32>} : memref<128x128xf32, #tpu.memory_space<vmem>>, vector<16xf32>,
      %gt3A_597 = arith.cmpf ogt, %get3A_596, %max3A_591 : vector<16xf32>
      %jit3A_598 = arith.constant 6 : i32
      %broadcast_in_dim3A_599 = vector.broadcast %jit3A_598 : i32 to vector<16xi32>
      %select_n3A_600 = arith.select %gt3A_597, %broadcast_in_dim3A_599, %select_n3A_590 : vector<16xi1>, vector<16xi32>
      %max3A_601 = arith.maximumf %max3A_591, %get3A_596 : vector<16xf32>
      %add3A_602 = arith.constant 3 : i32
      %add3A_603 = arith.addi %mul3A_215, %add3A_602 : i32
      %get3A_604 = arith.index_cast %add3A_603 : i32 to index
      %get3A_605 = arith.constant 112 : index
      %get3A_606 = tpu.vector_load %arg5[%get3A_604, %get3A_605] {strides = array<i32>} : memref<128x128xf32, #tpu.memory_space<vmem>>, vector<16xf32>,
      %gt3A_607 = arith.cmpf ogt, %get3A_606, %max3A_601 : vector<16xf32>
      %jit3A_608 = arith.constant 7 : i32
      %broadcast_in_dim3A_609 = vector.broadcast %jit3A_608 : i32 to vector<16xi32>
      %select_n3A_610 = arith.select %gt3A_607, %broadcast_in_dim3A_609, %select_n3A_600 : vector<16xi1>, vector<16xi32>
      %max3A_611 = arith.maximumf %max3A_601, %get3A_606 : vector<16xf32>
      %reduce_max3A_612 = arith.constant true
      %reduce_max3A_613 = vector.broadcast %reduce_max3A_612 : i1 to vector<16xi1>
      %reduce_max3A_614 = tpu.scan <max>, %max3A_611 masked %reduce_max3A_613 : vector<16xf32>, vector<16xi1> -> vector<16xf32>
      %reduce_max3A_615 = vector.extract %reduce_max3A_614[15] : f32 from vector<16xf32>
      %eq3A_616 = vector.broadcast %reduce_max3A_615 : f32 to vector<16xf32>
      %eq3A_617 = arith.cmpf oeq, %max3A_611, %eq3A_616 : vector<16xf32>
      %mul3A_618 = arith.constant 16 : i32
      %mul3A_619 = vector.broadcast %mul3A_618 : i32 to vector<16xi32>
      %mul3A_620 = arith.muli %select_n3A_610, %mul3A_619 : vector<16xi32>
      %add3A_621 = arith.addi %mul3A_620, %iota3A : vector<16xi32>
      %jit3A_622 = arith.constant 128 : i32
      %broadcast_in_dim3A_623 = vector.broadcast %jit3A_622 : i32 to vector<16xi32>
      %select_n3A_624 = arith.select %eq3A_617, %add3A_621, %broadcast_in_dim3A_623 : vector<16xi1>, vector<16xi32>
      %reduce_min3A_625 = arith.constant true
      %reduce_min3A_626 = vector.broadcast %reduce_min3A_625 : i1 to vector<16xi1>
      %reduce_min3A_627 = arith.constant -2147483648 : i32
      %reduce_min3A_628 = vector.broadcast %reduce_min3A_627 : i32 to vector<16xi32>
      %reduce_min3A_629 = arith.xori %select_n3A_624, %reduce_min3A_628 : vector<16xi32>
      %reduce_min3A_630 = tpu.scan <min>, %reduce_min3A_629 masked %reduce_min3A_626 : vector<16xi32>, vector<16xi1> -> vector<16xi32>
      %reduce_min3A_631 = arith.xori %reduce_min3A_630, %reduce_min3A_628 : vector<16xi32>
      %reduce_min3A_632 = vector.extract %reduce_min3A_631[15] : i32 from vector<16xi32>
      %add3A_633 = arith.addi %mul3A_2, %mul3A_215 : i32
      %add3A_634 = arith.constant 3 : i32
      %add3A_635 = arith.addi %add3A_633, %add3A_634 : i32
      %mul3A_636 = arith.constant 128 : i32
      %mul3A_637 = arith.muli %add3A_635, %mul3A_636 : i32
      %add3A_638 = arith.addi %mul3A_637, %reduce_min3A_632 : i32
      %eq3A_639 = arith.constant 3 : i32
      %eq3A_640 = vector.broadcast %eq3A_639 : i32 to vector<16xi32>
      %eq3A_641 = arith.cmpi eq, %iota3A, %eq3A_640 : vector<16xi32>
      %broadcast_in_dim3A_642 = vector.broadcast %add3A_638 : i32 to vector<16xi32>
      %select_n3A_643 = arith.select %eq3A_641, %broadcast_in_dim3A_642, %select_n3A_534 : vector<16xi1>, vector<16xi32>
      %add3A_644 = arith.constant 4 : i32
      %add3A_645 = arith.addi %mul3A_215, %add3A_644 : i32
      %get3A_646 = arith.index_cast %add3A_645 : i32 to index
      %get3A_647 = arith.constant 0 : index
      %get3A_648 = tpu.vector_load %arg5[%get3A_646, %get3A_647] {strides = array<i32>} : memref<128x128xf32, #tpu.memory_space<vmem>>, vector<16xf32>,
      %broadcast_in_dim3A_649 = arith.constant 0 : i32
      %broadcast_in_dim3A_650 = vector.broadcast %broadcast_in_dim3A_649 : i32 to vector<16xi32>
      %add3A_651 = arith.constant 4 : i32
      %add3A_652 = arith.addi %mul3A_215, %add3A_651 : i32
      %get3A_653 = arith.index_cast %add3A_652 : i32 to index
      %get3A_654 = arith.constant 16 : index
      %get3A_655 = tpu.vector_load %arg5[%get3A_653, %get3A_654] {strides = array<i32>} : memref<128x128xf32, #tpu.memory_space<vmem>>, vector<16xf32>,
      %gt3A_656 = arith.cmpf ogt, %get3A_655, %get3A_648 : vector<16xf32>
      %jit3A_657 = arith.constant 1 : i32
      %broadcast_in_dim3A_658 = vector.broadcast %jit3A_657 : i32 to vector<16xi32>
      %select_n3A_659 = arith.select %gt3A_656, %broadcast_in_dim3A_658, %broadcast_in_dim3A_650 : vector<16xi1>, vector<16xi32>
      %max3A_660 = arith.maximumf %get3A_648, %get3A_655 : vector<16xf32>
      %add3A_661 = arith.constant 4 : i32
      %add3A_662 = arith.addi %mul3A_215, %add3A_661 : i32
      %get3A_663 = arith.index_cast %add3A_662 : i32 to index
      %get3A_664 = arith.constant 32 : index
      %get3A_665 = tpu.vector_load %arg5[%get3A_663, %get3A_664] {strides = array<i32>} : memref<128x128xf32, #tpu.memory_space<vmem>>, vector<16xf32>,
      %gt3A_666 = arith.cmpf ogt, %get3A_665, %max3A_660 : vector<16xf32>
      %jit3A_667 = arith.constant 2 : i32
      %broadcast_in_dim3A_668 = vector.broadcast %jit3A_667 : i32 to vector<16xi32>
      %select_n3A_669 = arith.select %gt3A_666, %broadcast_in_dim3A_668, %select_n3A_659 : vector<16xi1>, vector<16xi32>
      %max3A_670 = arith.maximumf %max3A_660, %get3A_665 : vector<16xf32>
      %add3A_671 = arith.constant 4 : i32
      %add3A_672 = arith.addi %mul3A_215, %add3A_671 : i32
      %get3A_673 = arith.index_cast %add3A_672 : i32 to index
      %get3A_674 = arith.constant 48 : index
      %get3A_675 = tpu.vector_load %arg5[%get3A_673, %get3A_674] {strides = array<i32>} : memref<128x128xf32, #tpu.memory_space<vmem>>, vector<16xf32>,
      %gt3A_676 = arith.cmpf ogt, %get3A_675, %max3A_670 : vector<16xf32>
      %jit3A_677 = arith.constant 3 : i32
      %broadcast_in_dim3A_678 = vector.broadcast %jit3A_677 : i32 to vector<16xi32>
      %select_n3A_679 = arith.select %gt3A_676, %broadcast_in_dim3A_678, %select_n3A_669 : vector<16xi1>, vector<16xi32>
      %max3A_680 = arith.maximumf %max3A_670, %get3A_675 : vector<16xf32>
      %add3A_681 = arith.constant 4 : i32
      %add3A_682 = arith.addi %mul3A_215, %add3A_681 : i32
      %get3A_683 = arith.index_cast %add3A_682 : i32 to index
      %get3A_684 = arith.constant 64 : index
      %get3A_685 = tpu.vector_load %arg5[%get3A_683, %get3A_684] {strides = array<i32>} : memref<128x128xf32, #tpu.memory_space<vmem>>, vector<16xf32>,
      %gt3A_686 = arith.cmpf ogt, %get3A_685, %max3A_680 : vector<16xf32>
      %jit3A_687 = arith.constant 4 : i32
      %broadcast_in_dim3A_688 = vector.broadcast %jit3A_687 : i32 to vector<16xi32>
      %select_n3A_689 = arith.select %gt3A_686, %broadcast_in_dim3A_688, %select_n3A_679 : vector<16xi1>, vector<16xi32>
      %max3A_690 = arith.maximumf %max3A_680, %get3A_685 : vector<16xf32>
      %add3A_691 = arith.constant 4 : i32
      %add3A_692 = arith.addi %mul3A_215, %add3A_691 : i32
      %get3A_693 = arith.index_cast %add3A_692 : i32 to index
      %get3A_694 = arith.constant 80 : index
      %get3A_695 = tpu.vector_load %arg5[%get3A_693, %get3A_694] {strides = array<i32>} : memref<128x128xf32, #tpu.memory_space<vmem>>, vector<16xf32>,
      %gt3A_696 = arith.cmpf ogt, %get3A_695, %max3A_690 : vector<16xf32>
      %jit3A_697 = arith.constant 5 : i32
      %broadcast_in_dim3A_698 = vector.broadcast %jit3A_697 : i32 to vector<16xi32>
      %select_n3A_699 = arith.select %gt3A_696, %broadcast_in_dim3A_698, %select_n3A_689 : vector<16xi1>, vector<16xi32>
      %max3A_700 = arith.maximumf %max3A_690, %get3A_695 : vector<16xf32>
      %add3A_701 = arith.constant 4 : i32
      %add3A_702 = arith.addi %mul3A_215, %add3A_701 : i32
      %get3A_703 = arith.index_cast %add3A_702 : i32 to index
      %get3A_704 = arith.constant 96 : index
      %get3A_705 = tpu.vector_load %arg5[%get3A_703, %get3A_704] {strides = array<i32>} : memref<128x128xf32, #tpu.memory_space<vmem>>, vector<16xf32>,
      %gt3A_706 = arith.cmpf ogt, %get3A_705, %max3A_700 : vector<16xf32>
      %jit3A_707 = arith.constant 6 : i32
      %broadcast_in_dim3A_708 = vector.broadcast %jit3A_707 : i32 to vector<16xi32>
      %select_n3A_709 = arith.select %gt3A_706, %broadcast_in_dim3A_708, %select_n3A_699 : vector<16xi1>, vector<16xi32>
      %max3A_710 = arith.maximumf %max3A_700, %get3A_705 : vector<16xf32>
      %add3A_711 = arith.constant 4 : i32
      %add3A_712 = arith.addi %mul3A_215, %add3A_711 : i32
      %get3A_713 = arith.index_cast %add3A_712 : i32 to index
      %get3A_714 = arith.constant 112 : index
      %get3A_715 = tpu.vector_load %arg5[%get3A_713, %get3A_714] {strides = array<i32>} : memref<128x128xf32, #tpu.memory_space<vmem>>, vector<16xf32>,
      %gt3A_716 = arith.cmpf ogt, %get3A_715, %max3A_710 : vector<16xf32>
      %jit3A_717 = arith.constant 7 : i32
      %broadcast_in_dim3A_718 = vector.broadcast %jit3A_717 : i32 to vector<16xi32>
      %select_n3A_719 = arith.select %gt3A_716, %broadcast_in_dim3A_718, %select_n3A_709 : vector<16xi1>, vector<16xi32>
      %max3A_720 = arith.maximumf %max3A_710, %get3A_715 : vector<16xf32>
      %reduce_max3A_721 = arith.constant true
      %reduce_max3A_722 = vector.broadcast %reduce_max3A_721 : i1 to vector<16xi1>
      %reduce_max3A_723 = tpu.scan <max>, %max3A_720 masked %reduce_max3A_722 : vector<16xf32>, vector<16xi1> -> vector<16xf32>
      %reduce_max3A_724 = vector.extract %reduce_max3A_723[15] : f32 from vector<16xf32>
      %eq3A_725 = vector.broadcast %reduce_max3A_724 : f32 to vector<16xf32>
      %eq3A_726 = arith.cmpf oeq, %max3A_720, %eq3A_725 : vector<16xf32>
      %mul3A_727 = arith.constant 16 : i32
      %mul3A_728 = vector.broadcast %mul3A_727 : i32 to vector<16xi32>
      %mul3A_729 = arith.muli %select_n3A_719, %mul3A_728 : vector<16xi32>
      %add3A_730 = arith.addi %mul3A_729, %iota3A : vector<16xi32>
      %jit3A_731 = arith.constant 128 : i32
      %broadcast_in_dim3A_732 = vector.broadcast %jit3A_731 : i32 to vector<16xi32>
      %select_n3A_733 = arith.select %eq3A_726, %add3A_730, %broadcast_in_dim3A_732 : vector<16xi1>, vector<16xi32>
      %reduce_min3A_734 = arith.constant true
      %reduce_min3A_735 = vector.broadcast %reduce_min3A_734 : i1 to vector<16xi1>
      %reduce_min3A_736 = arith.constant -2147483648 : i32
      %reduce_min3A_737 = vector.broadcast %reduce_min3A_736 : i32 to vector<16xi32>
      %reduce_min3A_738 = arith.xori %select_n3A_733, %reduce_min3A_737 : vector<16xi32>
      %reduce_min3A_739 = tpu.scan <min>, %reduce_min3A_738 masked %reduce_min3A_735 : vector<16xi32>, vector<16xi1> -> vector<16xi32>
      %reduce_min3A_740 = arith.xori %reduce_min3A_739, %reduce_min3A_737 : vector<16xi32>
      %reduce_min3A_741 = vector.extract %reduce_min3A_740[15] : i32 from vector<16xi32>
      %add3A_742 = arith.addi %mul3A_2, %mul3A_215 : i32
      %add3A_743 = arith.constant 4 : i32
      %add3A_744 = arith.addi %add3A_742, %add3A_743 : i32
      %mul3A_745 = arith.constant 128 : i32
      %mul3A_746 = arith.muli %add3A_744, %mul3A_745 : i32
      %add3A_747 = arith.addi %mul3A_746, %reduce_min3A_741 : i32
      %eq3A_748 = arith.constant 4 : i32
      %eq3A_749 = vector.broadcast %eq3A_748 : i32 to vector<16xi32>
      %eq3A_750 = arith.cmpi eq, %iota3A, %eq3A_749 : vector<16xi32>
      %broadcast_in_dim3A_751 = vector.broadcast %add3A_747 : i32 to vector<16xi32>
      %select_n3A_752 = arith.select %eq3A_750, %broadcast_in_dim3A_751, %select_n3A_643 : vector<16xi1>, vector<16xi32>
      %add3A_753 = arith.constant 5 : i32
      %add3A_754 = arith.addi %mul3A_215, %add3A_753 : i32
      %get3A_755 = arith.index_cast %add3A_754 : i32 to index
      %get3A_756 = arith.constant 0 : index
      %get3A_757 = tpu.vector_load %arg5[%get3A_755, %get3A_756] {strides = array<i32>} : memref<128x128xf32, #tpu.memory_space<vmem>>, vector<16xf32>,
      %broadcast_in_dim3A_758 = arith.constant 0 : i32
      %broadcast_in_dim3A_759 = vector.broadcast %broadcast_in_dim3A_758 : i32 to vector<16xi32>
      %add3A_760 = arith.constant 5 : i32
      %add3A_761 = arith.addi %mul3A_215, %add3A_760 : i32
      %get3A_762 = arith.index_cast %add3A_761 : i32 to index
      %get3A_763 = arith.constant 16 : index
      %get3A_764 = tpu.vector_load %arg5[%get3A_762, %get3A_763] {strides = array<i32>} : memref<128x128xf32, #tpu.memory_space<vmem>>, vector<16xf32>,
      %gt3A_765 = arith.cmpf ogt, %get3A_764, %get3A_757 : vector<16xf32>
      %jit3A_766 = arith.constant 1 : i32
      %broadcast_in_dim3A_767 = vector.broadcast %jit3A_766 : i32 to vector<16xi32>
      %select_n3A_768 = arith.select %gt3A_765, %broadcast_in_dim3A_767, %broadcast_in_dim3A_759 : vector<16xi1>, vector<16xi32>
      %max3A_769 = arith.maximumf %get3A_757, %get3A_764 : vector<16xf32>
      %add3A_770 = arith.constant 5 : i32
      %add3A_771 = arith.addi %mul3A_215, %add3A_770 : i32
      %get3A_772 = arith.index_cast %add3A_771 : i32 to index
      %get3A_773 = arith.constant 32 : index
      %get3A_774 = tpu.vector_load %arg5[%get3A_772, %get3A_773] {strides = array<i32>} : memref<128x128xf32, #tpu.memory_space<vmem>>, vector<16xf32>,
      %gt3A_775 = arith.cmpf ogt, %get3A_774, %max3A_769 : vector<16xf32>
      %jit3A_776 = arith.constant 2 : i32
      %broadcast_in_dim3A_777 = vector.broadcast %jit3A_776 : i32 to vector<16xi32>
      %select_n3A_778 = arith.select %gt3A_775, %broadcast_in_dim3A_777, %select_n3A_768 : vector<16xi1>, vector<16xi32>
      %max3A_779 = arith.maximumf %max3A_769, %get3A_774 : vector<16xf32>
      %add3A_780 = arith.constant 5 : i32
      %add3A_781 = arith.addi %mul3A_215, %add3A_780 : i32
      %get3A_782 = arith.index_cast %add3A_781 : i32 to index
      %get3A_783 = arith.constant 48 : index
      %get3A_784 = tpu.vector_load %arg5[%get3A_782, %get3A_783] {strides = array<i32>} : memref<128x128xf32, #tpu.memory_space<vmem>>, vector<16xf32>,
      %gt3A_785 = arith.cmpf ogt, %get3A_784, %max3A_779 : vector<16xf32>
      %jit3A_786 = arith.constant 3 : i32
      %broadcast_in_dim3A_787 = vector.broadcast %jit3A_786 : i32 to vector<16xi32>
      %select_n3A_788 = arith.select %gt3A_785, %broadcast_in_dim3A_787, %select_n3A_778 : vector<16xi1>, vector<16xi32>
      %max3A_789 = arith.maximumf %max3A_779, %get3A_784 : vector<16xf32>
      %add3A_790 = arith.constant 5 : i32
      %add3A_791 = arith.addi %mul3A_215, %add3A_790 : i32
      %get3A_792 = arith.index_cast %add3A_791 : i32 to index
      %get3A_793 = arith.constant 64 : index
      %get3A_794 = tpu.vector_load %arg5[%get3A_792, %get3A_793] {strides = array<i32>} : memref<128x128xf32, #tpu.memory_space<vmem>>, vector<16xf32>,
      %gt3A_795 = arith.cmpf ogt, %get3A_794, %max3A_789 : vector<16xf32>
      %jit3A_796 = arith.constant 4 : i32
      %broadcast_in_dim3A_797 = vector.broadcast %jit3A_796 : i32 to vector<16xi32>
      %select_n3A_798 = arith.select %gt3A_795, %broadcast_in_dim3A_797, %select_n3A_788 : vector<16xi1>, vector<16xi32>
      %max3A_799 = arith.maximumf %max3A_789, %get3A_794 : vector<16xf32>
      %add3A_800 = arith.constant 5 : i32
      %add3A_801 = arith.addi %mul3A_215, %add3A_800 : i32
      %get3A_802 = arith.index_cast %add3A_801 : i32 to index
      %get3A_803 = arith.constant 80 : index
      %get3A_804 = tpu.vector_load %arg5[%get3A_802, %get3A_803] {strides = array<i32>} : memref<128x128xf32, #tpu.memory_space<vmem>>, vector<16xf32>,
      %gt3A_805 = arith.cmpf ogt, %get3A_804, %max3A_799 : vector<16xf32>
      %jit3A_806 = arith.constant 5 : i32
      %broadcast_in_dim3A_807 = vector.broadcast %jit3A_806 : i32 to vector<16xi32>
      %select_n3A_808 = arith.select %gt3A_805, %broadcast_in_dim3A_807, %select_n3A_798 : vector<16xi1>, vector<16xi32>
      %max3A_809 = arith.maximumf %max3A_799, %get3A_804 : vector<16xf32>
      %add3A_810 = arith.constant 5 : i32
      %add3A_811 = arith.addi %mul3A_215, %add3A_810 : i32
      %get3A_812 = arith.index_cast %add3A_811 : i32 to index
      %get3A_813 = arith.constant 96 : index
      %get3A_814 = tpu.vector_load %arg5[%get3A_812, %get3A_813] {strides = array<i32>} : memref<128x128xf32, #tpu.memory_space<vmem>>, vector<16xf32>,
      %gt3A_815 = arith.cmpf ogt, %get3A_814, %max3A_809 : vector<16xf32>
      %jit3A_816 = arith.constant 6 : i32
      %broadcast_in_dim3A_817 = vector.broadcast %jit3A_816 : i32 to vector<16xi32>
      %select_n3A_818 = arith.select %gt3A_815, %broadcast_in_dim3A_817, %select_n3A_808 : vector<16xi1>, vector<16xi32>
      %max3A_819 = arith.maximumf %max3A_809, %get3A_814 : vector<16xf32>
      %add3A_820 = arith.constant 5 : i32
      %add3A_821 = arith.addi %mul3A_215, %add3A_820 : i32
      %get3A_822 = arith.index_cast %add3A_821 : i32 to index
      %get3A_823 = arith.constant 112 : index
      %get3A_824 = tpu.vector_load %arg5[%get3A_822, %get3A_823] {strides = array<i32>} : memref<128x128xf32, #tpu.memory_space<vmem>>, vector<16xf32>,
      %gt3A_825 = arith.cmpf ogt, %get3A_824, %max3A_819 : vector<16xf32>
      %jit3A_826 = arith.constant 7 : i32
      %broadcast_in_dim3A_827 = vector.broadcast %jit3A_826 : i32 to vector<16xi32>
      %select_n3A_828 = arith.select %gt3A_825, %broadcast_in_dim3A_827, %select_n3A_818 : vector<16xi1>, vector<16xi32>
      %max3A_829 = arith.maximumf %max3A_819, %get3A_824 : vector<16xf32>
      %reduce_max3A_830 = arith.constant true
      %reduce_max3A_831 = vector.broadcast %reduce_max3A_830 : i1 to vector<16xi1>
      %reduce_max3A_832 = tpu.scan <max>, %max3A_829 masked %reduce_max3A_831 : vector<16xf32>, vector<16xi1> -> vector<16xf32>
      %reduce_max3A_833 = vector.extract %reduce_max3A_832[15] : f32 from vector<16xf32>
      %eq3A_834 = vector.broadcast %reduce_max3A_833 : f32 to vector<16xf32>
      %eq3A_835 = arith.cmpf oeq, %max3A_829, %eq3A_834 : vector<16xf32>
      %mul3A_836 = arith.constant 16 : i32
      %mul3A_837 = vector.broadcast %mul3A_836 : i32 to vector<16xi32>
      %mul3A_838 = arith.muli %select_n3A_828, %mul3A_837 : vector<16xi32>
      %add3A_839 = arith.addi %mul3A_838, %iota3A : vector<16xi32>
      %jit3A_840 = arith.constant 128 : i32
      %broadcast_in_dim3A_841 = vector.broadcast %jit3A_840 : i32 to vector<16xi32>
      %select_n3A_842 = arith.select %eq3A_835, %add3A_839, %broadcast_in_dim3A_841 : vector<16xi1>, vector<16xi32>
      %reduce_min3A_843 = arith.constant true
      %reduce_min3A_844 = vector.broadcast %reduce_min3A_843 : i1 to vector<16xi1>
      %reduce_min3A_845 = arith.constant -2147483648 : i32
      %reduce_min3A_846 = vector.broadcast %reduce_min3A_845 : i32 to vector<16xi32>
      %reduce_min3A_847 = arith.xori %select_n3A_842, %reduce_min3A_846 : vector<16xi32>
      %reduce_min3A_848 = tpu.scan <min>, %reduce_min3A_847 masked %reduce_min3A_844 : vector<16xi32>, vector<16xi1> -> vector<16xi32>
      %reduce_min3A_849 = arith.xori %reduce_min3A_848, %reduce_min3A_846 : vector<16xi32>
      %reduce_min3A_850 = vector.extract %reduce_min3A_849[15] : i32 from vector<16xi32>
      %add3A_851 = arith.addi %mul3A_2, %mul3A_215 : i32
      %add3A_852 = arith.constant 5 : i32
      %add3A_853 = arith.addi %add3A_851, %add3A_852 : i32
      %mul3A_854 = arith.constant 128 : i32
      %mul3A_855 = arith.muli %add3A_853, %mul3A_854 : i32
      %add3A_856 = arith.addi %mul3A_855, %reduce_min3A_850 : i32
      %eq3A_857 = arith.constant 5 : i32
      %eq3A_858 = vector.broadcast %eq3A_857 : i32 to vector<16xi32>
      %eq3A_859 = arith.cmpi eq, %iota3A, %eq3A_858 : vector<16xi32>
      %broadcast_in_dim3A_860 = vector.broadcast %add3A_856 : i32 to vector<16xi32>
      %select_n3A_861 = arith.select %eq3A_859, %broadcast_in_dim3A_860, %select_n3A_752 : vector<16xi1>, vector<16xi32>
      %add3A_862 = arith.constant 6 : i32
      %add3A_863 = arith.addi %mul3A_215, %add3A_862 : i32
      %get3A_864 = arith.index_cast %add3A_863 : i32 to index
      %get3A_865 = arith.constant 0 : index
      %get3A_866 = tpu.vector_load %arg5[%get3A_864, %get3A_865] {strides = array<i32>} : memref<128x128xf32, #tpu.memory_space<vmem>>, vector<16xf32>,
      %broadcast_in_dim3A_867 = arith.constant 0 : i32
      %broadcast_in_dim3A_868 = vector.broadcast %broadcast_in_dim3A_867 : i32 to vector<16xi32>
      %add3A_869 = arith.constant 6 : i32
      %add3A_870 = arith.addi %mul3A_215, %add3A_869 : i32
      %get3A_871 = arith.index_cast %add3A_870 : i32 to index
      %get3A_872 = arith.constant 16 : index
      %get3A_873 = tpu.vector_load %arg5[%get3A_871, %get3A_872] {strides = array<i32>} : memref<128x128xf32, #tpu.memory_space<vmem>>, vector<16xf32>,
      %gt3A_874 = arith.cmpf ogt, %get3A_873, %get3A_866 : vector<16xf32>
      %jit3A_875 = arith.constant 1 : i32
      %broadcast_in_dim3A_876 = vector.broadcast %jit3A_875 : i32 to vector<16xi32>
      %select_n3A_877 = arith.select %gt3A_874, %broadcast_in_dim3A_876, %broadcast_in_dim3A_868 : vector<16xi1>, vector<16xi32>
      %max3A_878 = arith.maximumf %get3A_866, %get3A_873 : vector<16xf32>
      %add3A_879 = arith.constant 6 : i32
      %add3A_880 = arith.addi %mul3A_215, %add3A_879 : i32
      %get3A_881 = arith.index_cast %add3A_880 : i32 to index
      %get3A_882 = arith.constant 32 : index
      %get3A_883 = tpu.vector_load %arg5[%get3A_881, %get3A_882] {strides = array<i32>} : memref<128x128xf32, #tpu.memory_space<vmem>>, vector<16xf32>,
      %gt3A_884 = arith.cmpf ogt, %get3A_883, %max3A_878 : vector<16xf32>
      %jit3A_885 = arith.constant 2 : i32
      %broadcast_in_dim3A_886 = vector.broadcast %jit3A_885 : i32 to vector<16xi32>
      %select_n3A_887 = arith.select %gt3A_884, %broadcast_in_dim3A_886, %select_n3A_877 : vector<16xi1>, vector<16xi32>
      %max3A_888 = arith.maximumf %max3A_878, %get3A_883 : vector<16xf32>
      %add3A_889 = arith.constant 6 : i32
      %add3A_890 = arith.addi %mul3A_215, %add3A_889 : i32
      %get3A_891 = arith.index_cast %add3A_890 : i32 to index
      %get3A_892 = arith.constant 48 : index
      %get3A_893 = tpu.vector_load %arg5[%get3A_891, %get3A_892] {strides = array<i32>} : memref<128x128xf32, #tpu.memory_space<vmem>>, vector<16xf32>,
      %gt3A_894 = arith.cmpf ogt, %get3A_893, %max3A_888 : vector<16xf32>
      %jit3A_895 = arith.constant 3 : i32
      %broadcast_in_dim3A_896 = vector.broadcast %jit3A_895 : i32 to vector<16xi32>
      %select_n3A_897 = arith.select %gt3A_894, %broadcast_in_dim3A_896, %select_n3A_887 : vector<16xi1>, vector<16xi32>
      %max3A_898 = arith.maximumf %max3A_888, %get3A_893 : vector<16xf32>
      %add3A_899 = arith.constant 6 : i32
      %add3A_900 = arith.addi %mul3A_215, %add3A_899 : i32
      %get3A_901 = arith.index_cast %add3A_900 : i32 to index
      %get3A_902 = arith.constant 64 : index
      %get3A_903 = tpu.vector_load %arg5[%get3A_901, %get3A_902] {strides = array<i32>} : memref<128x128xf32, #tpu.memory_space<vmem>>, vector<16xf32>,
      %gt3A_904 = arith.cmpf ogt, %get3A_903, %max3A_898 : vector<16xf32>
      %jit3A_905 = arith.constant 4 : i32
      %broadcast_in_dim3A_906 = vector.broadcast %jit3A_905 : i32 to vector<16xi32>
      %select_n3A_907 = arith.select %gt3A_904, %broadcast_in_dim3A_906, %select_n3A_897 : vector<16xi1>, vector<16xi32>
      %max3A_908 = arith.maximumf %max3A_898, %get3A_903 : vector<16xf32>
      %add3A_909 = arith.constant 6 : i32
      %add3A_910 = arith.addi %mul3A_215, %add3A_909 : i32
      %get3A_911 = arith.index_cast %add3A_910 : i32 to index
      %get3A_912 = arith.constant 80 : index
      %get3A_913 = tpu.vector_load %arg5[%get3A_911, %get3A_912] {strides = array<i32>} : memref<128x128xf32, #tpu.memory_space<vmem>>, vector<16xf32>,
      %gt3A_914 = arith.cmpf ogt, %get3A_913, %max3A_908 : vector<16xf32>
      %jit3A_915 = arith.constant 5 : i32
      %broadcast_in_dim3A_916 = vector.broadcast %jit3A_915 : i32 to vector<16xi32>
      %select_n3A_917 = arith.select %gt3A_914, %broadcast_in_dim3A_916, %select_n3A_907 : vector<16xi1>, vector<16xi32>
      %max3A_918 = arith.maximumf %max3A_908, %get3A_913 : vector<16xf32>
      %add3A_919 = arith.constant 6 : i32
      %add3A_920 = arith.addi %mul3A_215, %add3A_919 : i32
      %get3A_921 = arith.index_cast %add3A_920 : i32 to index
      %get3A_922 = arith.constant 96 : index
      %get3A_923 = tpu.vector_load %arg5[%get3A_921, %get3A_922] {strides = array<i32>} : memref<128x128xf32, #tpu.memory_space<vmem>>, vector<16xf32>,
      %gt3A_924 = arith.cmpf ogt, %get3A_923, %max3A_918 : vector<16xf32>
      %jit3A_925 = arith.constant 6 : i32
      %broadcast_in_dim3A_926 = vector.broadcast %jit3A_925 : i32 to vector<16xi32>
      %select_n3A_927 = arith.select %gt3A_924, %broadcast_in_dim3A_926, %select_n3A_917 : vector<16xi1>, vector<16xi32>
      %max3A_928 = arith.maximumf %max3A_918, %get3A_923 : vector<16xf32>
      %add3A_929 = arith.constant 6 : i32
      %add3A_930 = arith.addi %mul3A_215, %add3A_929 : i32
      %get3A_931 = arith.index_cast %add3A_930 : i32 to index
      %get3A_932 = arith.constant 112 : index
      %get3A_933 = tpu.vector_load %arg5[%get3A_931, %get3A_932] {strides = array<i32>} : memref<128x128xf32, #tpu.memory_space<vmem>>, vector<16xf32>,
      %gt3A_934 = arith.cmpf ogt, %get3A_933, %max3A_928 : vector<16xf32>
      %jit3A_935 = arith.constant 7 : i32
      %broadcast_in_dim3A_936 = vector.broadcast %jit3A_935 : i32 to vector<16xi32>
      %select_n3A_937 = arith.select %gt3A_934, %broadcast_in_dim3A_936, %select_n3A_927 : vector<16xi1>, vector<16xi32>
      %max3A_938 = arith.maximumf %max3A_928, %get3A_933 : vector<16xf32>
      %reduce_max3A_939 = arith.constant true
      %reduce_max3A_940 = vector.broadcast %reduce_max3A_939 : i1 to vector<16xi1>
      %reduce_max3A_941 = tpu.scan <max>, %max3A_938 masked %reduce_max3A_940 : vector<16xf32>, vector<16xi1> -> vector<16xf32>
      %reduce_max3A_942 = vector.extract %reduce_max3A_941[15] : f32 from vector<16xf32>
      %eq3A_943 = vector.broadcast %reduce_max3A_942 : f32 to vector<16xf32>
      %eq3A_944 = arith.cmpf oeq, %max3A_938, %eq3A_943 : vector<16xf32>
      %mul3A_945 = arith.constant 16 : i32
      %mul3A_946 = vector.broadcast %mul3A_945 : i32 to vector<16xi32>
      %mul3A_947 = arith.muli %select_n3A_937, %mul3A_946 : vector<16xi32>
      %add3A_948 = arith.addi %mul3A_947, %iota3A : vector<16xi32>
      %jit3A_949 = arith.constant 128 : i32
      %broadcast_in_dim3A_950 = vector.broadcast %jit3A_949 : i32 to vector<16xi32>
      %select_n3A_951 = arith.select %eq3A_944, %add3A_948, %broadcast_in_dim3A_950 : vector<16xi1>, vector<16xi32>
      %reduce_min3A_952 = arith.constant true
      %reduce_min3A_953 = vector.broadcast %reduce_min3A_952 : i1 to vector<16xi1>
      %reduce_min3A_954 = arith.constant -2147483648 : i32
      %reduce_min3A_955 = vector.broadcast %reduce_min3A_954 : i32 to vector<16xi32>
      %reduce_min3A_956 = arith.xori %select_n3A_951, %reduce_min3A_955 : vector<16xi32>
      %reduce_min3A_957 = tpu.scan <min>, %reduce_min3A_956 masked %reduce_min3A_953 : vector<16xi32>, vector<16xi1> -> vector<16xi32>
      %reduce_min3A_958 = arith.xori %reduce_min3A_957, %reduce_min3A_955 : vector<16xi32>
      %reduce_min3A_959 = vector.extract %reduce_min3A_958[15] : i32 from vector<16xi32>
      %add3A_960 = arith.addi %mul3A_2, %mul3A_215 : i32
      %add3A_961 = arith.constant 6 : i32
      %add3A_962 = arith.addi %add3A_960, %add3A_961 : i32
      %mul3A_963 = arith.constant 128 : i32
      %mul3A_964 = arith.muli %add3A_962, %mul3A_963 : i32
      %add3A_965 = arith.addi %mul3A_964, %reduce_min3A_959 : i32
      %eq3A_966 = arith.constant 6 : i32
      %eq3A_967 = vector.broadcast %eq3A_966 : i32 to vector<16xi32>
      %eq3A_968 = arith.cmpi eq, %iota3A, %eq3A_967 : vector<16xi32>
      %broadcast_in_dim3A_969 = vector.broadcast %add3A_965 : i32 to vector<16xi32>
      %select_n3A_970 = arith.select %eq3A_968, %broadcast_in_dim3A_969, %select_n3A_861 : vector<16xi1>, vector<16xi32>
      %add3A_971 = arith.constant 7 : i32
      %add3A_972 = arith.addi %mul3A_215, %add3A_971 : i32
      %get3A_973 = arith.index_cast %add3A_972 : i32 to index
      %get3A_974 = arith.constant 0 : index
      %get3A_975 = tpu.vector_load %arg5[%get3A_973, %get3A_974] {strides = array<i32>} : memref<128x128xf32, #tpu.memory_space<vmem>>, vector<16xf32>,
      %broadcast_in_dim3A_976 = arith.constant 0 : i32
      %broadcast_in_dim3A_977 = vector.broadcast %broadcast_in_dim3A_976 : i32 to vector<16xi32>
      %add3A_978 = arith.constant 7 : i32
      %add3A_979 = arith.addi %mul3A_215, %add3A_978 : i32
      %get3A_980 = arith.index_cast %add3A_979 : i32 to index
      %get3A_981 = arith.constant 16 : index
      %get3A_982 = tpu.vector_load %arg5[%get3A_980, %get3A_981] {strides = array<i32>} : memref<128x128xf32, #tpu.memory_space<vmem>>, vector<16xf32>,
      %gt3A_983 = arith.cmpf ogt, %get3A_982, %get3A_975 : vector<16xf32>
      %jit3A_984 = arith.constant 1 : i32
      %broadcast_in_dim3A_985 = vector.broadcast %jit3A_984 : i32 to vector<16xi32>
      %select_n3A_986 = arith.select %gt3A_983, %broadcast_in_dim3A_985, %broadcast_in_dim3A_977 : vector<16xi1>, vector<16xi32>
      %max3A_987 = arith.maximumf %get3A_975, %get3A_982 : vector<16xf32>
      %add3A_988 = arith.constant 7 : i32
      %add3A_989 = arith.addi %mul3A_215, %add3A_988 : i32
      %get3A_990 = arith.index_cast %add3A_989 : i32 to index
      %get3A_991 = arith.constant 32 : index
      %get3A_992 = tpu.vector_load %arg5[%get3A_990, %get3A_991] {strides = array<i32>} : memref<128x128xf32, #tpu.memory_space<vmem>>, vector<16xf32>,
      %gt3A_993 = arith.cmpf ogt, %get3A_992, %max3A_987 : vector<16xf32>
      %jit3A_994 = arith.constant 2 : i32
      %broadcast_in_dim3A_995 = vector.broadcast %jit3A_994 : i32 to vector<16xi32>
      %select_n3A_996 = arith.select %gt3A_993, %broadcast_in_dim3A_995, %select_n3A_986 : vector<16xi1>, vector<16xi32>
      %max3A_997 = arith.maximumf %max3A_987, %get3A_992 : vector<16xf32>
      %add3A_998 = arith.constant 7 : i32
      %add3A_999 = arith.addi %mul3A_215, %add3A_998 : i32
      %get3A_1000 = arith.index_cast %add3A_999 : i32 to index
      %get3A_1001 = arith.constant 48 : index
      %get3A_1002 = tpu.vector_load %arg5[%get3A_1000, %get3A_1001] {strides = array<i32>} : memref<128x128xf32, #tpu.memory_space<vmem>>, vector<16xf32>,
      %gt3A_1003 = arith.cmpf ogt, %get3A_1002, %max3A_997 : vector<16xf32>
      %jit3A_1004 = arith.constant 3 : i32
      %broadcast_in_dim3A_1005 = vector.broadcast %jit3A_1004 : i32 to vector<16xi32>
      %select_n3A_1006 = arith.select %gt3A_1003, %broadcast_in_dim3A_1005, %select_n3A_996 : vector<16xi1>, vector<16xi32>
      %max3A_1007 = arith.maximumf %max3A_997, %get3A_1002 : vector<16xf32>
      %add3A_1008 = arith.constant 7 : i32
      %add3A_1009 = arith.addi %mul3A_215, %add3A_1008 : i32
      %get3A_1010 = arith.index_cast %add3A_1009 : i32 to index
      %get3A_1011 = arith.constant 64 : index
      %get3A_1012 = tpu.vector_load %arg5[%get3A_1010, %get3A_1011] {strides = array<i32>} : memref<128x128xf32, #tpu.memory_space<vmem>>, vector<16xf32>,
      %gt3A_1013 = arith.cmpf ogt, %get3A_1012, %max3A_1007 : vector<16xf32>
      %jit3A_1014 = arith.constant 4 : i32
      %broadcast_in_dim3A_1015 = vector.broadcast %jit3A_1014 : i32 to vector<16xi32>
      %select_n3A_1016 = arith.select %gt3A_1013, %broadcast_in_dim3A_1015, %select_n3A_1006 : vector<16xi1>, vector<16xi32>
      %max3A_1017 = arith.maximumf %max3A_1007, %get3A_1012 : vector<16xf32>
      %add3A_1018 = arith.constant 7 : i32
      %add3A_1019 = arith.addi %mul3A_215, %add3A_1018 : i32
      %get3A_1020 = arith.index_cast %add3A_1019 : i32 to index
      %get3A_1021 = arith.constant 80 : index
      %get3A_1022 = tpu.vector_load %arg5[%get3A_1020, %get3A_1021] {strides = array<i32>} : memref<128x128xf32, #tpu.memory_space<vmem>>, vector<16xf32>,
      %gt3A_1023 = arith.cmpf ogt, %get3A_1022, %max3A_1017 : vector<16xf32>
      %jit3A_1024 = arith.constant 5 : i32
      %broadcast_in_dim3A_1025 = vector.broadcast %jit3A_1024 : i32 to vector<16xi32>
      %select_n3A_1026 = arith.select %gt3A_1023, %broadcast_in_dim3A_1025, %select_n3A_1016 : vector<16xi1>, vector<16xi32>
      %max3A_1027 = arith.maximumf %max3A_1017, %get3A_1022 : vector<16xf32>
      %add3A_1028 = arith.constant 7 : i32
      %add3A_1029 = arith.addi %mul3A_215, %add3A_1028 : i32
      %get3A_1030 = arith.index_cast %add3A_1029 : i32 to index
      %get3A_1031 = arith.constant 96 : index
      %get3A_1032 = tpu.vector_load %arg5[%get3A_1030, %get3A_1031] {strides = array<i32>} : memref<128x128xf32, #tpu.memory_space<vmem>>, vector<16xf32>,
      %gt3A_1033 = arith.cmpf ogt, %get3A_1032, %max3A_1027 : vector<16xf32>
      %jit3A_1034 = arith.constant 6 : i32
      %broadcast_in_dim3A_1035 = vector.broadcast %jit3A_1034 : i32 to vector<16xi32>
      %select_n3A_1036 = arith.select %gt3A_1033, %broadcast_in_dim3A_1035, %select_n3A_1026 : vector<16xi1>, vector<16xi32>
      %max3A_1037 = arith.maximumf %max3A_1027, %get3A_1032 : vector<16xf32>
      %add3A_1038 = arith.constant 7 : i32
      %add3A_1039 = arith.addi %mul3A_215, %add3A_1038 : i32
      %get3A_1040 = arith.index_cast %add3A_1039 : i32 to index
      %get3A_1041 = arith.constant 112 : index
      %get3A_1042 = tpu.vector_load %arg5[%get3A_1040, %get3A_1041] {strides = array<i32>} : memref<128x128xf32, #tpu.memory_space<vmem>>, vector<16xf32>,
      %gt3A_1043 = arith.cmpf ogt, %get3A_1042, %max3A_1037 : vector<16xf32>
      %jit3A_1044 = arith.constant 7 : i32
      %broadcast_in_dim3A_1045 = vector.broadcast %jit3A_1044 : i32 to vector<16xi32>
      %select_n3A_1046 = arith.select %gt3A_1043, %broadcast_in_dim3A_1045, %select_n3A_1036 : vector<16xi1>, vector<16xi32>
      %max3A_1047 = arith.maximumf %max3A_1037, %get3A_1042 : vector<16xf32>
      %reduce_max3A_1048 = arith.constant true
      %reduce_max3A_1049 = vector.broadcast %reduce_max3A_1048 : i1 to vector<16xi1>
      %reduce_max3A_1050 = tpu.scan <max>, %max3A_1047 masked %reduce_max3A_1049 : vector<16xf32>, vector<16xi1> -> vector<16xf32>
      %reduce_max3A_1051 = vector.extract %reduce_max3A_1050[15] : f32 from vector<16xf32>
      %eq3A_1052 = vector.broadcast %reduce_max3A_1051 : f32 to vector<16xf32>
      %eq3A_1053 = arith.cmpf oeq, %max3A_1047, %eq3A_1052 : vector<16xf32>
      %mul3A_1054 = arith.constant 16 : i32
      %mul3A_1055 = vector.broadcast %mul3A_1054 : i32 to vector<16xi32>
      %mul3A_1056 = arith.muli %select_n3A_1046, %mul3A_1055 : vector<16xi32>
      %add3A_1057 = arith.addi %mul3A_1056, %iota3A : vector<16xi32>
      %jit3A_1058 = arith.constant 128 : i32
      %broadcast_in_dim3A_1059 = vector.broadcast %jit3A_1058 : i32 to vector<16xi32>
      %select_n3A_1060 = arith.select %eq3A_1053, %add3A_1057, %broadcast_in_dim3A_1059 : vector<16xi1>, vector<16xi32>
      %reduce_min3A_1061 = arith.constant true
      %reduce_min3A_1062 = vector.broadcast %reduce_min3A_1061 : i1 to vector<16xi1>
      %reduce_min3A_1063 = arith.constant -2147483648 : i32
      %reduce_min3A_1064 = vector.broadcast %reduce_min3A_1063 : i32 to vector<16xi32>
      %reduce_min3A_1065 = arith.xori %select_n3A_1060, %reduce_min3A_1064 : vector<16xi32>
      %reduce_min3A_1066 = tpu.scan <min>, %reduce_min3A_1065 masked %reduce_min3A_1062 : vector<16xi32>, vector<16xi1> -> vector<16xi32>
      %reduce_min3A_1067 = arith.xori %reduce_min3A_1066, %reduce_min3A_1064 : vector<16xi32>
      %reduce_min3A_1068 = vector.extract %reduce_min3A_1067[15] : i32 from vector<16xi32>
      %add3A_1069 = arith.addi %mul3A_2, %mul3A_215 : i32
      %add3A_1070 = arith.constant 7 : i32
      %add3A_1071 = arith.addi %add3A_1069, %add3A_1070 : i32
      %mul3A_1072 = arith.constant 128 : i32
      %mul3A_1073 = arith.muli %add3A_1071, %mul3A_1072 : i32
      %add3A_1074 = arith.addi %mul3A_1073, %reduce_min3A_1068 : i32
      %eq3A_1075 = arith.constant 7 : i32
      %eq3A_1076 = vector.broadcast %eq3A_1075 : i32 to vector<16xi32>
      %eq3A_1077 = arith.cmpi eq, %iota3A, %eq3A_1076 : vector<16xi32>
      %broadcast_in_dim3A_1078 = vector.broadcast %add3A_1074 : i32 to vector<16xi32>
      %select_n3A_1079 = arith.select %eq3A_1077, %broadcast_in_dim3A_1078, %select_n3A_970 : vector<16xi1>, vector<16xi32>
      %add3A_1080 = arith.constant 8 : i32
      %add3A_1081 = arith.addi %mul3A_215, %add3A_1080 : i32
      %get3A_1082 = arith.index_cast %add3A_1081 : i32 to index
      %get3A_1083 = arith.constant 0 : index
      %get3A_1084 = tpu.vector_load %arg5[%get3A_1082, %get3A_1083] {strides = array<i32>} : memref<128x128xf32, #tpu.memory_space<vmem>>, vector<16xf32>,
      %broadcast_in_dim3A_1085 = arith.constant 0 : i32
      %broadcast_in_dim3A_1086 = vector.broadcast %broadcast_in_dim3A_1085 : i32 to vector<16xi32>
      %add3A_1087 = arith.constant 8 : i32
      %add3A_1088 = arith.addi %mul3A_215, %add3A_1087 : i32
      %get3A_1089 = arith.index_cast %add3A_1088 : i32 to index
      %get3A_1090 = arith.constant 16 : index
      %get3A_1091 = tpu.vector_load %arg5[%get3A_1089, %get3A_1090] {strides = array<i32>} : memref<128x128xf32, #tpu.memory_space<vmem>>, vector<16xf32>,
      %gt3A_1092 = arith.cmpf ogt, %get3A_1091, %get3A_1084 : vector<16xf32>
      %jit3A_1093 = arith.constant 1 : i32
      %broadcast_in_dim3A_1094 = vector.broadcast %jit3A_1093 : i32 to vector<16xi32>
      %select_n3A_1095 = arith.select %gt3A_1092, %broadcast_in_dim3A_1094, %broadcast_in_dim3A_1086 : vector<16xi1>, vector<16xi32>
      %max3A_1096 = arith.maximumf %get3A_1084, %get3A_1091 : vector<16xf32>
      %add3A_1097 = arith.constant 8 : i32
      %add3A_1098 = arith.addi %mul3A_215, %add3A_1097 : i32
      %get3A_1099 = arith.index_cast %add3A_1098 : i32 to index
      %get3A_1100 = arith.constant 32 : index
      %get3A_1101 = tpu.vector_load %arg5[%get3A_1099, %get3A_1100] {strides = array<i32>} : memref<128x128xf32, #tpu.memory_space<vmem>>, vector<16xf32>,
      %gt3A_1102 = arith.cmpf ogt, %get3A_1101, %max3A_1096 : vector<16xf32>
      %jit3A_1103 = arith.constant 2 : i32
      %broadcast_in_dim3A_1104 = vector.broadcast %jit3A_1103 : i32 to vector<16xi32>
      %select_n3A_1105 = arith.select %gt3A_1102, %broadcast_in_dim3A_1104, %select_n3A_1095 : vector<16xi1>, vector<16xi32>
      %max3A_1106 = arith.maximumf %max3A_1096, %get3A_1101 : vector<16xf32>
      %add3A_1107 = arith.constant 8 : i32
      %add3A_1108 = arith.addi %mul3A_215, %add3A_1107 : i32
      %get3A_1109 = arith.index_cast %add3A_1108 : i32 to index
      %get3A_1110 = arith.constant 48 : index
      %get3A_1111 = tpu.vector_load %arg5[%get3A_1109, %get3A_1110] {strides = array<i32>} : memref<128x128xf32, #tpu.memory_space<vmem>>, vector<16xf32>,
      %gt3A_1112 = arith.cmpf ogt, %get3A_1111, %max3A_1106 : vector<16xf32>
      %jit3A_1113 = arith.constant 3 : i32
      %broadcast_in_dim3A_1114 = vector.broadcast %jit3A_1113 : i32 to vector<16xi32>
      %select_n3A_1115 = arith.select %gt3A_1112, %broadcast_in_dim3A_1114, %select_n3A_1105 : vector<16xi1>, vector<16xi32>
      %max3A_1116 = arith.maximumf %max3A_1106, %get3A_1111 : vector<16xf32>
      %add3A_1117 = arith.constant 8 : i32
      %add3A_1118 = arith.addi %mul3A_215, %add3A_1117 : i32
      %get3A_1119 = arith.index_cast %add3A_1118 : i32 to index
      %get3A_1120 = arith.constant 64 : index
      %get3A_1121 = tpu.vector_load %arg5[%get3A_1119, %get3A_1120] {strides = array<i32>} : memref<128x128xf32, #tpu.memory_space<vmem>>, vector<16xf32>,
      %gt3A_1122 = arith.cmpf ogt, %get3A_1121, %max3A_1116 : vector<16xf32>
      %jit3A_1123 = arith.constant 4 : i32
      %broadcast_in_dim3A_1124 = vector.broadcast %jit3A_1123 : i32 to vector<16xi32>
      %select_n3A_1125 = arith.select %gt3A_1122, %broadcast_in_dim3A_1124, %select_n3A_1115 : vector<16xi1>, vector<16xi32>
      %max3A_1126 = arith.maximumf %max3A_1116, %get3A_1121 : vector<16xf32>
      %add3A_1127 = arith.constant 8 : i32
      %add3A_1128 = arith.addi %mul3A_215, %add3A_1127 : i32
      %get3A_1129 = arith.index_cast %add3A_1128 : i32 to index
      %get3A_1130 = arith.constant 80 : index
      %get3A_1131 = tpu.vector_load %arg5[%get3A_1129, %get3A_1130] {strides = array<i32>} : memref<128x128xf32, #tpu.memory_space<vmem>>, vector<16xf32>,
      %gt3A_1132 = arith.cmpf ogt, %get3A_1131, %max3A_1126 : vector<16xf32>
      %jit3A_1133 = arith.constant 5 : i32
      %broadcast_in_dim3A_1134 = vector.broadcast %jit3A_1133 : i32 to vector<16xi32>
      %select_n3A_1135 = arith.select %gt3A_1132, %broadcast_in_dim3A_1134, %select_n3A_1125 : vector<16xi1>, vector<16xi32>
      %max3A_1136 = arith.maximumf %max3A_1126, %get3A_1131 : vector<16xf32>
      %add3A_1137 = arith.constant 8 : i32
      %add3A_1138 = arith.addi %mul3A_215, %add3A_1137 : i32
      %get3A_1139 = arith.index_cast %add3A_1138 : i32 to index
      %get3A_1140 = arith.constant 96 : index
      %get3A_1141 = tpu.vector_load %arg5[%get3A_1139, %get3A_1140] {strides = array<i32>} : memref<128x128xf32, #tpu.memory_space<vmem>>, vector<16xf32>,
      %gt3A_1142 = arith.cmpf ogt, %get3A_1141, %max3A_1136 : vector<16xf32>
      %jit3A_1143 = arith.constant 6 : i32
      %broadcast_in_dim3A_1144 = vector.broadcast %jit3A_1143 : i32 to vector<16xi32>
      %select_n3A_1145 = arith.select %gt3A_1142, %broadcast_in_dim3A_1144, %select_n3A_1135 : vector<16xi1>, vector<16xi32>
      %max3A_1146 = arith.maximumf %max3A_1136, %get3A_1141 : vector<16xf32>
      %add3A_1147 = arith.constant 8 : i32
      %add3A_1148 = arith.addi %mul3A_215, %add3A_1147 : i32
      %get3A_1149 = arith.index_cast %add3A_1148 : i32 to index
      %get3A_1150 = arith.constant 112 : index
      %get3A_1151 = tpu.vector_load %arg5[%get3A_1149, %get3A_1150] {strides = array<i32>} : memref<128x128xf32, #tpu.memory_space<vmem>>, vector<16xf32>,
      %gt3A_1152 = arith.cmpf ogt, %get3A_1151, %max3A_1146 : vector<16xf32>
      %jit3A_1153 = arith.constant 7 : i32
      %broadcast_in_dim3A_1154 = vector.broadcast %jit3A_1153 : i32 to vector<16xi32>
      %select_n3A_1155 = arith.select %gt3A_1152, %broadcast_in_dim3A_1154, %select_n3A_1145 : vector<16xi1>, vector<16xi32>
      %max3A_1156 = arith.maximumf %max3A_1146, %get3A_1151 : vector<16xf32>
      %reduce_max3A_1157 = arith.constant true
      %reduce_max3A_1158 = vector.broadcast %reduce_max3A_1157 : i1 to vector<16xi1>
      %reduce_max3A_1159 = tpu.scan <max>, %max3A_1156 masked %reduce_max3A_1158 : vector<16xf32>, vector<16xi1> -> vector<16xf32>
      %reduce_max3A_1160 = vector.extract %reduce_max3A_1159[15] : f32 from vector<16xf32>
      %eq3A_1161 = vector.broadcast %reduce_max3A_1160 : f32 to vector<16xf32>
      %eq3A_1162 = arith.cmpf oeq, %max3A_1156, %eq3A_1161 : vector<16xf32>
      %mul3A_1163 = arith.constant 16 : i32
      %mul3A_1164 = vector.broadcast %mul3A_1163 : i32 to vector<16xi32>
      %mul3A_1165 = arith.muli %select_n3A_1155, %mul3A_1164 : vector<16xi32>
      %add3A_1166 = arith.addi %mul3A_1165, %iota3A : vector<16xi32>
      %jit3A_1167 = arith.constant 128 : i32
      %broadcast_in_dim3A_1168 = vector.broadcast %jit3A_1167 : i32 to vector<16xi32>
      %select_n3A_1169 = arith.select %eq3A_1162, %add3A_1166, %broadcast_in_dim3A_1168 : vector<16xi1>, vector<16xi32>
      %reduce_min3A_1170 = arith.constant true
      %reduce_min3A_1171 = vector.broadcast %reduce_min3A_1170 : i1 to vector<16xi1>
      %reduce_min3A_1172 = arith.constant -2147483648 : i32
      %reduce_min3A_1173 = vector.broadcast %reduce_min3A_1172 : i32 to vector<16xi32>
      %reduce_min3A_1174 = arith.xori %select_n3A_1169, %reduce_min3A_1173 : vector<16xi32>
      %reduce_min3A_1175 = tpu.scan <min>, %reduce_min3A_1174 masked %reduce_min3A_1171 : vector<16xi32>, vector<16xi1> -> vector<16xi32>
      %reduce_min3A_1176 = arith.xori %reduce_min3A_1175, %reduce_min3A_1173 : vector<16xi32>
      %reduce_min3A_1177 = vector.extract %reduce_min3A_1176[15] : i32 from vector<16xi32>
      %add3A_1178 = arith.addi %mul3A_2, %mul3A_215 : i32
      %add3A_1179 = arith.constant 8 : i32
      %add3A_1180 = arith.addi %add3A_1178, %add3A_1179 : i32
      %mul3A_1181 = arith.constant 128 : i32
      %mul3A_1182 = arith.muli %add3A_1180, %mul3A_1181 : i32
      %add3A_1183 = arith.addi %mul3A_1182, %reduce_min3A_1177 : i32
      %eq3A_1184 = arith.constant 8 : i32
      %eq3A_1185 = vector.broadcast %eq3A_1184 : i32 to vector<16xi32>
      %eq3A_1186 = arith.cmpi eq, %iota3A, %eq3A_1185 : vector<16xi32>
      %broadcast_in_dim3A_1187 = vector.broadcast %add3A_1183 : i32 to vector<16xi32>
      %select_n3A_1188 = arith.select %eq3A_1186, %broadcast_in_dim3A_1187, %select_n3A_1079 : vector<16xi1>, vector<16xi32>
      %add3A_1189 = arith.constant 9 : i32
      %add3A_1190 = arith.addi %mul3A_215, %add3A_1189 : i32
      %get3A_1191 = arith.index_cast %add3A_1190 : i32 to index
      %get3A_1192 = arith.constant 0 : index
      %get3A_1193 = tpu.vector_load %arg5[%get3A_1191, %get3A_1192] {strides = array<i32>} : memref<128x128xf32, #tpu.memory_space<vmem>>, vector<16xf32>,
      %broadcast_in_dim3A_1194 = arith.constant 0 : i32
      %broadcast_in_dim3A_1195 = vector.broadcast %broadcast_in_dim3A_1194 : i32 to vector<16xi32>
      %add3A_1196 = arith.constant 9 : i32
      %add3A_1197 = arith.addi %mul3A_215, %add3A_1196 : i32
      %get3A_1198 = arith.index_cast %add3A_1197 : i32 to index
      %get3A_1199 = arith.constant 16 : index
      %get3A_1200 = tpu.vector_load %arg5[%get3A_1198, %get3A_1199] {strides = array<i32>} : memref<128x128xf32, #tpu.memory_space<vmem>>, vector<16xf32>,
      %gt3A_1201 = arith.cmpf ogt, %get3A_1200, %get3A_1193 : vector<16xf32>
      %jit3A_1202 = arith.constant 1 : i32
      %broadcast_in_dim3A_1203 = vector.broadcast %jit3A_1202 : i32 to vector<16xi32>
      %select_n3A_1204 = arith.select %gt3A_1201, %broadcast_in_dim3A_1203, %broadcast_in_dim3A_1195 : vector<16xi1>, vector<16xi32>
      %max3A_1205 = arith.maximumf %get3A_1193, %get3A_1200 : vector<16xf32>
      %add3A_1206 = arith.constant 9 : i32
      %add3A_1207 = arith.addi %mul3A_215, %add3A_1206 : i32
      %get3A_1208 = arith.index_cast %add3A_1207 : i32 to index
      %get3A_1209 = arith.constant 32 : index
      %get3A_1210 = tpu.vector_load %arg5[%get3A_1208, %get3A_1209] {strides = array<i32>} : memref<128x128xf32, #tpu.memory_space<vmem>>, vector<16xf32>,
      %gt3A_1211 = arith.cmpf ogt, %get3A_1210, %max3A_1205 : vector<16xf32>
      %jit3A_1212 = arith.constant 2 : i32
      %broadcast_in_dim3A_1213 = vector.broadcast %jit3A_1212 : i32 to vector<16xi32>
      %select_n3A_1214 = arith.select %gt3A_1211, %broadcast_in_dim3A_1213, %select_n3A_1204 : vector<16xi1>, vector<16xi32>
      %max3A_1215 = arith.maximumf %max3A_1205, %get3A_1210 : vector<16xf32>
      %add3A_1216 = arith.constant 9 : i32
      %add3A_1217 = arith.addi %mul3A_215, %add3A_1216 : i32
      %get3A_1218 = arith.index_cast %add3A_1217 : i32 to index
      %get3A_1219 = arith.constant 48 : index
      %get3A_1220 = tpu.vector_load %arg5[%get3A_1218, %get3A_1219] {strides = array<i32>} : memref<128x128xf32, #tpu.memory_space<vmem>>, vector<16xf32>,
      %gt3A_1221 = arith.cmpf ogt, %get3A_1220, %max3A_1215 : vector<16xf32>
      %jit3A_1222 = arith.constant 3 : i32
      %broadcast_in_dim3A_1223 = vector.broadcast %jit3A_1222 : i32 to vector<16xi32>
      %select_n3A_1224 = arith.select %gt3A_1221, %broadcast_in_dim3A_1223, %select_n3A_1214 : vector<16xi1>, vector<16xi32>
      %max3A_1225 = arith.maximumf %max3A_1215, %get3A_1220 : vector<16xf32>
      %add3A_1226 = arith.constant 9 : i32
      %add3A_1227 = arith.addi %mul3A_215, %add3A_1226 : i32
      %get3A_1228 = arith.index_cast %add3A_1227 : i32 to index
      %get3A_1229 = arith.constant 64 : index
      %get3A_1230 = tpu.vector_load %arg5[%get3A_1228, %get3A_1229] {strides = array<i32>} : memref<128x128xf32, #tpu.memory_space<vmem>>, vector<16xf32>,
      %gt3A_1231 = arith.cmpf ogt, %get3A_1230, %max3A_1225 : vector<16xf32>
      %jit3A_1232 = arith.constant 4 : i32
      %broadcast_in_dim3A_1233 = vector.broadcast %jit3A_1232 : i32 to vector<16xi32>
      %select_n3A_1234 = arith.select %gt3A_1231, %broadcast_in_dim3A_1233, %select_n3A_1224 : vector<16xi1>, vector<16xi32>
      %max3A_1235 = arith.maximumf %max3A_1225, %get3A_1230 : vector<16xf32>
      %add3A_1236 = arith.constant 9 : i32
      %add3A_1237 = arith.addi %mul3A_215, %add3A_1236 : i32
      %get3A_1238 = arith.index_cast %add3A_1237 : i32 to index
      %get3A_1239 = arith.constant 80 : index
      %get3A_1240 = tpu.vector_load %arg5[%get3A_1238, %get3A_1239] {strides = array<i32>} : memref<128x128xf32, #tpu.memory_space<vmem>>, vector<16xf32>,
      %gt3A_1241 = arith.cmpf ogt, %get3A_1240, %max3A_1235 : vector<16xf32>
      %jit3A_1242 = arith.constant 5 : i32
      %broadcast_in_dim3A_1243 = vector.broadcast %jit3A_1242 : i32 to vector<16xi32>
      %select_n3A_1244 = arith.select %gt3A_1241, %broadcast_in_dim3A_1243, %select_n3A_1234 : vector<16xi1>, vector<16xi32>
      %max3A_1245 = arith.maximumf %max3A_1235, %get3A_1240 : vector<16xf32>
      %add3A_1246 = arith.constant 9 : i32
      %add3A_1247 = arith.addi %mul3A_215, %add3A_1246 : i32
      %get3A_1248 = arith.index_cast %add3A_1247 : i32 to index
      %get3A_1249 = arith.constant 96 : index
      %get3A_1250 = tpu.vector_load %arg5[%get3A_1248, %get3A_1249] {strides = array<i32>} : memref<128x128xf32, #tpu.memory_space<vmem>>, vector<16xf32>,
      %gt3A_1251 = arith.cmpf ogt, %get3A_1250, %max3A_1245 : vector<16xf32>
      %jit3A_1252 = arith.constant 6 : i32
      %broadcast_in_dim3A_1253 = vector.broadcast %jit3A_1252 : i32 to vector<16xi32>
      %select_n3A_1254 = arith.select %gt3A_1251, %broadcast_in_dim3A_1253, %select_n3A_1244 : vector<16xi1>, vector<16xi32>
      %max3A_1255 = arith.maximumf %max3A_1245, %get3A_1250 : vector<16xf32>
      %add3A_1256 = arith.constant 9 : i32
      %add3A_1257 = arith.addi %mul3A_215, %add3A_1256 : i32
      %get3A_1258 = arith.index_cast %add3A_1257 : i32 to index
      %get3A_1259 = arith.constant 112 : index
      %get3A_1260 = tpu.vector_load %arg5[%get3A_1258, %get3A_1259] {strides = array<i32>} : memref<128x128xf32, #tpu.memory_space<vmem>>, vector<16xf32>,
      %gt3A_1261 = arith.cmpf ogt, %get3A_1260, %max3A_1255 : vector<16xf32>
      %jit3A_1262 = arith.constant 7 : i32
      %broadcast_in_dim3A_1263 = vector.broadcast %jit3A_1262 : i32 to vector<16xi32>
      %select_n3A_1264 = arith.select %gt3A_1261, %broadcast_in_dim3A_1263, %select_n3A_1254 : vector<16xi1>, vector<16xi32>
      %max3A_1265 = arith.maximumf %max3A_1255, %get3A_1260 : vector<16xf32>
      %reduce_max3A_1266 = arith.constant true
      %reduce_max3A_1267 = vector.broadcast %reduce_max3A_1266 : i1 to vector<16xi1>
      %reduce_max3A_1268 = tpu.scan <max>, %max3A_1265 masked %reduce_max3A_1267 : vector<16xf32>, vector<16xi1> -> vector<16xf32>
      %reduce_max3A_1269 = vector.extract %reduce_max3A_1268[15] : f32 from vector<16xf32>
      %eq3A_1270 = vector.broadcast %reduce_max3A_1269 : f32 to vector<16xf32>
      %eq3A_1271 = arith.cmpf oeq, %max3A_1265, %eq3A_1270 : vector<16xf32>
      %mul3A_1272 = arith.constant 16 : i32
      %mul3A_1273 = vector.broadcast %mul3A_1272 : i32 to vector<16xi32>
      %mul3A_1274 = arith.muli %select_n3A_1264, %mul3A_1273 : vector<16xi32>
      %add3A_1275 = arith.addi %mul3A_1274, %iota3A : vector<16xi32>
      %jit3A_1276 = arith.constant 128 : i32
      %broadcast_in_dim3A_1277 = vector.broadcast %jit3A_1276 : i32 to vector<16xi32>
      %select_n3A_1278 = arith.select %eq3A_1271, %add3A_1275, %broadcast_in_dim3A_1277 : vector<16xi1>, vector<16xi32>
      %reduce_min3A_1279 = arith.constant true
      %reduce_min3A_1280 = vector.broadcast %reduce_min3A_1279 : i1 to vector<16xi1>
      %reduce_min3A_1281 = arith.constant -2147483648 : i32
      %reduce_min3A_1282 = vector.broadcast %reduce_min3A_1281 : i32 to vector<16xi32>
      %reduce_min3A_1283 = arith.xori %select_n3A_1278, %reduce_min3A_1282 : vector<16xi32>
      %reduce_min3A_1284 = tpu.scan <min>, %reduce_min3A_1283 masked %reduce_min3A_1280 : vector<16xi32>, vector<16xi1> -> vector<16xi32>
      %reduce_min3A_1285 = arith.xori %reduce_min3A_1284, %reduce_min3A_1282 : vector<16xi32>
      %reduce_min3A_1286 = vector.extract %reduce_min3A_1285[15] : i32 from vector<16xi32>
      %add3A_1287 = arith.addi %mul3A_2, %mul3A_215 : i32
      %add3A_1288 = arith.constant 9 : i32
      %add3A_1289 = arith.addi %add3A_1287, %add3A_1288 : i32
      %mul3A_1290 = arith.constant 128 : i32
      %mul3A_1291 = arith.muli %add3A_1289, %mul3A_1290 : i32
      %add3A_1292 = arith.addi %mul3A_1291, %reduce_min3A_1286 : i32
      %eq3A_1293 = arith.constant 9 : i32
      %eq3A_1294 = vector.broadcast %eq3A_1293 : i32 to vector<16xi32>
      %eq3A_1295 = arith.cmpi eq, %iota3A, %eq3A_1294 : vector<16xi32>
      %broadcast_in_dim3A_1296 = vector.broadcast %add3A_1292 : i32 to vector<16xi32>
      %select_n3A_1297 = arith.select %eq3A_1295, %broadcast_in_dim3A_1296, %select_n3A_1188 : vector<16xi1>, vector<16xi32>
      %add3A_1298 = arith.constant 10 : i32
      %add3A_1299 = arith.addi %mul3A_215, %add3A_1298 : i32
      %get3A_1300 = arith.index_cast %add3A_1299 : i32 to index
      %get3A_1301 = arith.constant 0 : index
      %get3A_1302 = tpu.vector_load %arg5[%get3A_1300, %get3A_1301] {strides = array<i32>} : memref<128x128xf32, #tpu.memory_space<vmem>>, vector<16xf32>,
      %broadcast_in_dim3A_1303 = arith.constant 0 : i32
      %broadcast_in_dim3A_1304 = vector.broadcast %broadcast_in_dim3A_1303 : i32 to vector<16xi32>
      %add3A_1305 = arith.constant 10 : i32
      %add3A_1306 = arith.addi %mul3A_215, %add3A_1305 : i32
      %get3A_1307 = arith.index_cast %add3A_1306 : i32 to index
      %get3A_1308 = arith.constant 16 : index
      %get3A_1309 = tpu.vector_load %arg5[%get3A_1307, %get3A_1308] {strides = array<i32>} : memref<128x128xf32, #tpu.memory_space<vmem>>, vector<16xf32>,
      %gt3A_1310 = arith.cmpf ogt, %get3A_1309, %get3A_1302 : vector<16xf32>
      %jit3A_1311 = arith.constant 1 : i32
      %broadcast_in_dim3A_1312 = vector.broadcast %jit3A_1311 : i32 to vector<16xi32>
      %select_n3A_1313 = arith.select %gt3A_1310, %broadcast_in_dim3A_1312, %broadcast_in_dim3A_1304 : vector<16xi1>, vector<16xi32>
      %max3A_1314 = arith.maximumf %get3A_1302, %get3A_1309 : vector<16xf32>
      %add3A_1315 = arith.constant 10 : i32
      %add3A_1316 = arith.addi %mul3A_215, %add3A_1315 : i32
      %get3A_1317 = arith.index_cast %add3A_1316 : i32 to index
      %get3A_1318 = arith.constant 32 : index
      %get3A_1319 = tpu.vector_load %arg5[%get3A_1317, %get3A_1318] {strides = array<i32>} : memref<128x128xf32, #tpu.memory_space<vmem>>, vector<16xf32>,
      %gt3A_1320 = arith.cmpf ogt, %get3A_1319, %max3A_1314 : vector<16xf32>
      %jit3A_1321 = arith.constant 2 : i32
      %broadcast_in_dim3A_1322 = vector.broadcast %jit3A_1321 : i32 to vector<16xi32>
      %select_n3A_1323 = arith.select %gt3A_1320, %broadcast_in_dim3A_1322, %select_n3A_1313 : vector<16xi1>, vector<16xi32>
      %max3A_1324 = arith.maximumf %max3A_1314, %get3A_1319 : vector<16xf32>
      %add3A_1325 = arith.constant 10 : i32
      %add3A_1326 = arith.addi %mul3A_215, %add3A_1325 : i32
      %get3A_1327 = arith.index_cast %add3A_1326 : i32 to index
      %get3A_1328 = arith.constant 48 : index
      %get3A_1329 = tpu.vector_load %arg5[%get3A_1327, %get3A_1328] {strides = array<i32>} : memref<128x128xf32, #tpu.memory_space<vmem>>, vector<16xf32>,
      %gt3A_1330 = arith.cmpf ogt, %get3A_1329, %max3A_1324 : vector<16xf32>
      %jit3A_1331 = arith.constant 3 : i32
      %broadcast_in_dim3A_1332 = vector.broadcast %jit3A_1331 : i32 to vector<16xi32>
      %select_n3A_1333 = arith.select %gt3A_1330, %broadcast_in_dim3A_1332, %select_n3A_1323 : vector<16xi1>, vector<16xi32>
      %max3A_1334 = arith.maximumf %max3A_1324, %get3A_1329 : vector<16xf32>
      %add3A_1335 = arith.constant 10 : i32
      %add3A_1336 = arith.addi %mul3A_215, %add3A_1335 : i32
      %get3A_1337 = arith.index_cast %add3A_1336 : i32 to index
      %get3A_1338 = arith.constant 64 : index
      %get3A_1339 = tpu.vector_load %arg5[%get3A_1337, %get3A_1338] {strides = array<i32>} : memref<128x128xf32, #tpu.memory_space<vmem>>, vector<16xf32>,
      %gt3A_1340 = arith.cmpf ogt, %get3A_1339, %max3A_1334 : vector<16xf32>
      %jit3A_1341 = arith.constant 4 : i32
      %broadcast_in_dim3A_1342 = vector.broadcast %jit3A_1341 : i32 to vector<16xi32>
      %select_n3A_1343 = arith.select %gt3A_1340, %broadcast_in_dim3A_1342, %select_n3A_1333 : vector<16xi1>, vector<16xi32>
      %max3A_1344 = arith.maximumf %max3A_1334, %get3A_1339 : vector<16xf32>
      %add3A_1345 = arith.constant 10 : i32
      %add3A_1346 = arith.addi %mul3A_215, %add3A_1345 : i32
      %get3A_1347 = arith.index_cast %add3A_1346 : i32 to index
      %get3A_1348 = arith.constant 80 : index
      %get3A_1349 = tpu.vector_load %arg5[%get3A_1347, %get3A_1348] {strides = array<i32>} : memref<128x128xf32, #tpu.memory_space<vmem>>, vector<16xf32>,
      %gt3A_1350 = arith.cmpf ogt, %get3A_1349, %max3A_1344 : vector<16xf32>
      %jit3A_1351 = arith.constant 5 : i32
      %broadcast_in_dim3A_1352 = vector.broadcast %jit3A_1351 : i32 to vector<16xi32>
      %select_n3A_1353 = arith.select %gt3A_1350, %broadcast_in_dim3A_1352, %select_n3A_1343 : vector<16xi1>, vector<16xi32>
      %max3A_1354 = arith.maximumf %max3A_1344, %get3A_1349 : vector<16xf32>
      %add3A_1355 = arith.constant 10 : i32
      %add3A_1356 = arith.addi %mul3A_215, %add3A_1355 : i32
      %get3A_1357 = arith.index_cast %add3A_1356 : i32 to index
      %get3A_1358 = arith.constant 96 : index
      %get3A_1359 = tpu.vector_load %arg5[%get3A_1357, %get3A_1358] {strides = array<i32>} : memref<128x128xf32, #tpu.memory_space<vmem>>, vector<16xf32>,
      %gt3A_1360 = arith.cmpf ogt, %get3A_1359, %max3A_1354 : vector<16xf32>
      %jit3A_1361 = arith.constant 6 : i32
      %broadcast_in_dim3A_1362 = vector.broadcast %jit3A_1361 : i32 to vector<16xi32>
      %select_n3A_1363 = arith.select %gt3A_1360, %broadcast_in_dim3A_1362, %select_n3A_1353 : vector<16xi1>, vector<16xi32>
      %max3A_1364 = arith.maximumf %max3A_1354, %get3A_1359 : vector<16xf32>
      %add3A_1365 = arith.constant 10 : i32
      %add3A_1366 = arith.addi %mul3A_215, %add3A_1365 : i32
      %get3A_1367 = arith.index_cast %add3A_1366 : i32 to index
      %get3A_1368 = arith.constant 112 : index
      %get3A_1369 = tpu.vector_load %arg5[%get3A_1367, %get3A_1368] {strides = array<i32>} : memref<128x128xf32, #tpu.memory_space<vmem>>, vector<16xf32>,
      %gt3A_1370 = arith.cmpf ogt, %get3A_1369, %max3A_1364 : vector<16xf32>
      %jit3A_1371 = arith.constant 7 : i32
      %broadcast_in_dim3A_1372 = vector.broadcast %jit3A_1371 : i32 to vector<16xi32>
      %select_n3A_1373 = arith.select %gt3A_1370, %broadcast_in_dim3A_1372, %select_n3A_1363 : vector<16xi1>, vector<16xi32>
      %max3A_1374 = arith.maximumf %max3A_1364, %get3A_1369 : vector<16xf32>
      %reduce_max3A_1375 = arith.constant true
      %reduce_max3A_1376 = vector.broadcast %reduce_max3A_1375 : i1 to vector<16xi1>
      %reduce_max3A_1377 = tpu.scan <max>, %max3A_1374 masked %reduce_max3A_1376 : vector<16xf32>, vector<16xi1> -> vector<16xf32>
      %reduce_max3A_1378 = vector.extract %reduce_max3A_1377[15] : f32 from vector<16xf32>
      %eq3A_1379 = vector.broadcast %reduce_max3A_1378 : f32 to vector<16xf32>
      %eq3A_1380 = arith.cmpf oeq, %max3A_1374, %eq3A_1379 : vector<16xf32>
      %mul3A_1381 = arith.constant 16 : i32
      %mul3A_1382 = vector.broadcast %mul3A_1381 : i32 to vector<16xi32>
      %mul3A_1383 = arith.muli %select_n3A_1373, %mul3A_1382 : vector<16xi32>
      %add3A_1384 = arith.addi %mul3A_1383, %iota3A : vector<16xi32>
      %jit3A_1385 = arith.constant 128 : i32
      %broadcast_in_dim3A_1386 = vector.broadcast %jit3A_1385 : i32 to vector<16xi32>
      %select_n3A_1387 = arith.select %eq3A_1380, %add3A_1384, %broadcast_in_dim3A_1386 : vector<16xi1>, vector<16xi32>
      %reduce_min3A_1388 = arith.constant true
      %reduce_min3A_1389 = vector.broadcast %reduce_min3A_1388 : i1 to vector<16xi1>
      %reduce_min3A_1390 = arith.constant -2147483648 : i32
      %reduce_min3A_1391 = vector.broadcast %reduce_min3A_1390 : i32 to vector<16xi32>
      %reduce_min3A_1392 = arith.xori %select_n3A_1387, %reduce_min3A_1391 : vector<16xi32>
      %reduce_min3A_1393 = tpu.scan <min>, %reduce_min3A_1392 masked %reduce_min3A_1389 : vector<16xi32>, vector<16xi1> -> vector<16xi32>
      %reduce_min3A_1394 = arith.xori %reduce_min3A_1393, %reduce_min3A_1391 : vector<16xi32>
      %reduce_min3A_1395 = vector.extract %reduce_min3A_1394[15] : i32 from vector<16xi32>
      %add3A_1396 = arith.addi %mul3A_2, %mul3A_215 : i32
      %add3A_1397 = arith.constant 10 : i32
      %add3A_1398 = arith.addi %add3A_1396, %add3A_1397 : i32
      %mul3A_1399 = arith.constant 128 : i32
      %mul3A_1400 = arith.muli %add3A_1398, %mul3A_1399 : i32
      %add3A_1401 = arith.addi %mul3A_1400, %reduce_min3A_1395 : i32
      %eq3A_1402 = arith.constant 10 : i32
      %eq3A_1403 = vector.broadcast %eq3A_1402 : i32 to vector<16xi32>
      %eq3A_1404 = arith.cmpi eq, %iota3A, %eq3A_1403 : vector<16xi32>
      %broadcast_in_dim3A_1405 = vector.broadcast %add3A_1401 : i32 to vector<16xi32>
      %select_n3A_1406 = arith.select %eq3A_1404, %broadcast_in_dim3A_1405, %select_n3A_1297 : vector<16xi1>, vector<16xi32>
      %add3A_1407 = arith.constant 11 : i32
      %add3A_1408 = arith.addi %mul3A_215, %add3A_1407 : i32
      %get3A_1409 = arith.index_cast %add3A_1408 : i32 to index
      %get3A_1410 = arith.constant 0 : index
      %get3A_1411 = tpu.vector_load %arg5[%get3A_1409, %get3A_1410] {strides = array<i32>} : memref<128x128xf32, #tpu.memory_space<vmem>>, vector<16xf32>,
      %broadcast_in_dim3A_1412 = arith.constant 0 : i32
      %broadcast_in_dim3A_1413 = vector.broadcast %broadcast_in_dim3A_1412 : i32 to vector<16xi32>
      %add3A_1414 = arith.constant 11 : i32
      %add3A_1415 = arith.addi %mul3A_215, %add3A_1414 : i32
      %get3A_1416 = arith.index_cast %add3A_1415 : i32 to index
      %get3A_1417 = arith.constant 16 : index
      %get3A_1418 = tpu.vector_load %arg5[%get3A_1416, %get3A_1417] {strides = array<i32>} : memref<128x128xf32, #tpu.memory_space<vmem>>, vector<16xf32>,
      %gt3A_1419 = arith.cmpf ogt, %get3A_1418, %get3A_1411 : vector<16xf32>
      %jit3A_1420 = arith.constant 1 : i32
      %broadcast_in_dim3A_1421 = vector.broadcast %jit3A_1420 : i32 to vector<16xi32>
      %select_n3A_1422 = arith.select %gt3A_1419, %broadcast_in_dim3A_1421, %broadcast_in_dim3A_1413 : vector<16xi1>, vector<16xi32>
      %max3A_1423 = arith.maximumf %get3A_1411, %get3A_1418 : vector<16xf32>
      %add3A_1424 = arith.constant 11 : i32
      %add3A_1425 = arith.addi %mul3A_215, %add3A_1424 : i32
      %get3A_1426 = arith.index_cast %add3A_1425 : i32 to index
      %get3A_1427 = arith.constant 32 : index
      %get3A_1428 = tpu.vector_load %arg5[%get3A_1426, %get3A_1427] {strides = array<i32>} : memref<128x128xf32, #tpu.memory_space<vmem>>, vector<16xf32>,
      %gt3A_1429 = arith.cmpf ogt, %get3A_1428, %max3A_1423 : vector<16xf32>
      %jit3A_1430 = arith.constant 2 : i32
      %broadcast_in_dim3A_1431 = vector.broadcast %jit3A_1430 : i32 to vector<16xi32>
      %select_n3A_1432 = arith.select %gt3A_1429, %broadcast_in_dim3A_1431, %select_n3A_1422 : vector<16xi1>, vector<16xi32>
      %max3A_1433 = arith.maximumf %max3A_1423, %get3A_1428 : vector<16xf32>
      %add3A_1434 = arith.constant 11 : i32
      %add3A_1435 = arith.addi %mul3A_215, %add3A_1434 : i32
      %get3A_1436 = arith.index_cast %add3A_1435 : i32 to index
      %get3A_1437 = arith.constant 48 : index
      %get3A_1438 = tpu.vector_load %arg5[%get3A_1436, %get3A_1437] {strides = array<i32>} : memref<128x128xf32, #tpu.memory_space<vmem>>, vector<16xf32>,
      %gt3A_1439 = arith.cmpf ogt, %get3A_1438, %max3A_1433 : vector<16xf32>
      %jit3A_1440 = arith.constant 3 : i32
      %broadcast_in_dim3A_1441 = vector.broadcast %jit3A_1440 : i32 to vector<16xi32>
      %select_n3A_1442 = arith.select %gt3A_1439, %broadcast_in_dim3A_1441, %select_n3A_1432 : vector<16xi1>, vector<16xi32>
      %max3A_1443 = arith.maximumf %max3A_1433, %get3A_1438 : vector<16xf32>
      %add3A_1444 = arith.constant 11 : i32
      %add3A_1445 = arith.addi %mul3A_215, %add3A_1444 : i32
      %get3A_1446 = arith.index_cast %add3A_1445 : i32 to index
      %get3A_1447 = arith.constant 64 : index
      %get3A_1448 = tpu.vector_load %arg5[%get3A_1446, %get3A_1447] {strides = array<i32>} : memref<128x128xf32, #tpu.memory_space<vmem>>, vector<16xf32>,
      %gt3A_1449 = arith.cmpf ogt, %get3A_1448, %max3A_1443 : vector<16xf32>
      %jit3A_1450 = arith.constant 4 : i32
      %broadcast_in_dim3A_1451 = vector.broadcast %jit3A_1450 : i32 to vector<16xi32>
      %select_n3A_1452 = arith.select %gt3A_1449, %broadcast_in_dim3A_1451, %select_n3A_1442 : vector<16xi1>, vector<16xi32>
      %max3A_1453 = arith.maximumf %max3A_1443, %get3A_1448 : vector<16xf32>
      %add3A_1454 = arith.constant 11 : i32
      %add3A_1455 = arith.addi %mul3A_215, %add3A_1454 : i32
      %get3A_1456 = arith.index_cast %add3A_1455 : i32 to index
      %get3A_1457 = arith.constant 80 : index
      %get3A_1458 = tpu.vector_load %arg5[%get3A_1456, %get3A_1457] {strides = array<i32>} : memref<128x128xf32, #tpu.memory_space<vmem>>, vector<16xf32>,
      %gt3A_1459 = arith.cmpf ogt, %get3A_1458, %max3A_1453 : vector<16xf32>
      %jit3A_1460 = arith.constant 5 : i32
      %broadcast_in_dim3A_1461 = vector.broadcast %jit3A_1460 : i32 to vector<16xi32>
      %select_n3A_1462 = arith.select %gt3A_1459, %broadcast_in_dim3A_1461, %select_n3A_1452 : vector<16xi1>, vector<16xi32>
      %max3A_1463 = arith.maximumf %max3A_1453, %get3A_1458 : vector<16xf32>
      %add3A_1464 = arith.constant 11 : i32
      %add3A_1465 = arith.addi %mul3A_215, %add3A_1464 : i32
      %get3A_1466 = arith.index_cast %add3A_1465 : i32 to index
      %get3A_1467 = arith.constant 96 : index
      %get3A_1468 = tpu.vector_load %arg5[%get3A_1466, %get3A_1467] {strides = array<i32>} : memref<128x128xf32, #tpu.memory_space<vmem>>, vector<16xf32>,
      %gt3A_1469 = arith.cmpf ogt, %get3A_1468, %max3A_1463 : vector<16xf32>
      %jit3A_1470 = arith.constant 6 : i32
      %broadcast_in_dim3A_1471 = vector.broadcast %jit3A_1470 : i32 to vector<16xi32>
      %select_n3A_1472 = arith.select %gt3A_1469, %broadcast_in_dim3A_1471, %select_n3A_1462 : vector<16xi1>, vector<16xi32>
      %max3A_1473 = arith.maximumf %max3A_1463, %get3A_1468 : vector<16xf32>
      %add3A_1474 = arith.constant 11 : i32
      %add3A_1475 = arith.addi %mul3A_215, %add3A_1474 : i32
      %get3A_1476 = arith.index_cast %add3A_1475 : i32 to index
      %get3A_1477 = arith.constant 112 : index
      %get3A_1478 = tpu.vector_load %arg5[%get3A_1476, %get3A_1477] {strides = array<i32>} : memref<128x128xf32, #tpu.memory_space<vmem>>, vector<16xf32>,
      %gt3A_1479 = arith.cmpf ogt, %get3A_1478, %max3A_1473 : vector<16xf32>
      %jit3A_1480 = arith.constant 7 : i32
      %broadcast_in_dim3A_1481 = vector.broadcast %jit3A_1480 : i32 to vector<16xi32>
      %select_n3A_1482 = arith.select %gt3A_1479, %broadcast_in_dim3A_1481, %select_n3A_1472 : vector<16xi1>, vector<16xi32>
      %max3A_1483 = arith.maximumf %max3A_1473, %get3A_1478 : vector<16xf32>
      %reduce_max3A_1484 = arith.constant true
      %reduce_max3A_1485 = vector.broadcast %reduce_max3A_1484 : i1 to vector<16xi1>
      %reduce_max3A_1486 = tpu.scan <max>, %max3A_1483 masked %reduce_max3A_1485 : vector<16xf32>, vector<16xi1> -> vector<16xf32>
      %reduce_max3A_1487 = vector.extract %reduce_max3A_1486[15] : f32 from vector<16xf32>
      %eq3A_1488 = vector.broadcast %reduce_max3A_1487 : f32 to vector<16xf32>
      %eq3A_1489 = arith.cmpf oeq, %max3A_1483, %eq3A_1488 : vector<16xf32>
      %mul3A_1490 = arith.constant 16 : i32
      %mul3A_1491 = vector.broadcast %mul3A_1490 : i32 to vector<16xi32>
      %mul3A_1492 = arith.muli %select_n3A_1482, %mul3A_1491 : vector<16xi32>
      %add3A_1493 = arith.addi %mul3A_1492, %iota3A : vector<16xi32>
      %jit3A_1494 = arith.constant 128 : i32
      %broadcast_in_dim3A_1495 = vector.broadcast %jit3A_1494 : i32 to vector<16xi32>
      %select_n3A_1496 = arith.select %eq3A_1489, %add3A_1493, %broadcast_in_dim3A_1495 : vector<16xi1>, vector<16xi32>
      %reduce_min3A_1497 = arith.constant true
      %reduce_min3A_1498 = vector.broadcast %reduce_min3A_1497 : i1 to vector<16xi1>
      %reduce_min3A_1499 = arith.constant -2147483648 : i32
      %reduce_min3A_1500 = vector.broadcast %reduce_min3A_1499 : i32 to vector<16xi32>
      %reduce_min3A_1501 = arith.xori %select_n3A_1496, %reduce_min3A_1500 : vector<16xi32>
      %reduce_min3A_1502 = tpu.scan <min>, %reduce_min3A_1501 masked %reduce_min3A_1498 : vector<16xi32>, vector<16xi1> -> vector<16xi32>
      %reduce_min3A_1503 = arith.xori %reduce_min3A_1502, %reduce_min3A_1500 : vector<16xi32>
      %reduce_min3A_1504 = vector.extract %reduce_min3A_1503[15] : i32 from vector<16xi32>
      %add3A_1505 = arith.addi %mul3A_2, %mul3A_215 : i32
      %add3A_1506 = arith.constant 11 : i32
      %add3A_1507 = arith.addi %add3A_1505, %add3A_1506 : i32
      %mul3A_1508 = arith.constant 128 : i32
      %mul3A_1509 = arith.muli %add3A_1507, %mul3A_1508 : i32
      %add3A_1510 = arith.addi %mul3A_1509, %reduce_min3A_1504 : i32
      %eq3A_1511 = arith.constant 11 : i32
      %eq3A_1512 = vector.broadcast %eq3A_1511 : i32 to vector<16xi32>
      %eq3A_1513 = arith.cmpi eq, %iota3A, %eq3A_1512 : vector<16xi32>
      %broadcast_in_dim3A_1514 = vector.broadcast %add3A_1510 : i32 to vector<16xi32>
      %select_n3A_1515 = arith.select %eq3A_1513, %broadcast_in_dim3A_1514, %select_n3A_1406 : vector<16xi1>, vector<16xi32>
      %add3A_1516 = arith.constant 12 : i32
      %add3A_1517 = arith.addi %mul3A_215, %add3A_1516 : i32
      %get3A_1518 = arith.index_cast %add3A_1517 : i32 to index
      %get3A_1519 = arith.constant 0 : index
      %get3A_1520 = tpu.vector_load %arg5[%get3A_1518, %get3A_1519] {strides = array<i32>} : memref<128x128xf32, #tpu.memory_space<vmem>>, vector<16xf32>,
      %broadcast_in_dim3A_1521 = arith.constant 0 : i32
      %broadcast_in_dim3A_1522 = vector.broadcast %broadcast_in_dim3A_1521 : i32 to vector<16xi32>
      %add3A_1523 = arith.constant 12 : i32
      %add3A_1524 = arith.addi %mul3A_215, %add3A_1523 : i32
      %get3A_1525 = arith.index_cast %add3A_1524 : i32 to index
      %get3A_1526 = arith.constant 16 : index
      %get3A_1527 = tpu.vector_load %arg5[%get3A_1525, %get3A_1526] {strides = array<i32>} : memref<128x128xf32, #tpu.memory_space<vmem>>, vector<16xf32>,
      %gt3A_1528 = arith.cmpf ogt, %get3A_1527, %get3A_1520 : vector<16xf32>
      %jit3A_1529 = arith.constant 1 : i32
      %broadcast_in_dim3A_1530 = vector.broadcast %jit3A_1529 : i32 to vector<16xi32>
      %select_n3A_1531 = arith.select %gt3A_1528, %broadcast_in_dim3A_1530, %broadcast_in_dim3A_1522 : vector<16xi1>, vector<16xi32>
      %max3A_1532 = arith.maximumf %get3A_1520, %get3A_1527 : vector<16xf32>
      %add3A_1533 = arith.constant 12 : i32
      %add3A_1534 = arith.addi %mul3A_215, %add3A_1533 : i32
      %get3A_1535 = arith.index_cast %add3A_1534 : i32 to index
      %get3A_1536 = arith.constant 32 : index
      %get3A_1537 = tpu.vector_load %arg5[%get3A_1535, %get3A_1536] {strides = array<i32>} : memref<128x128xf32, #tpu.memory_space<vmem>>, vector<16xf32>,
      %gt3A_1538 = arith.cmpf ogt, %get3A_1537, %max3A_1532 : vector<16xf32>
      %jit3A_1539 = arith.constant 2 : i32
      %broadcast_in_dim3A_1540 = vector.broadcast %jit3A_1539 : i32 to vector<16xi32>
      %select_n3A_1541 = arith.select %gt3A_1538, %broadcast_in_dim3A_1540, %select_n3A_1531 : vector<16xi1>, vector<16xi32>
      %max3A_1542 = arith.maximumf %max3A_1532, %get3A_1537 : vector<16xf32>
      %add3A_1543 = arith.constant 12 : i32
      %add3A_1544 = arith.addi %mul3A_215, %add3A_1543 : i32
      %get3A_1545 = arith.index_cast %add3A_1544 : i32 to index
      %get3A_1546 = arith.constant 48 : index
      %get3A_1547 = tpu.vector_load %arg5[%get3A_1545, %get3A_1546] {strides = array<i32>} : memref<128x128xf32, #tpu.memory_space<vmem>>, vector<16xf32>,
      %gt3A_1548 = arith.cmpf ogt, %get3A_1547, %max3A_1542 : vector<16xf32>
      %jit3A_1549 = arith.constant 3 : i32
      %broadcast_in_dim3A_1550 = vector.broadcast %jit3A_1549 : i32 to vector<16xi32>
      %select_n3A_1551 = arith.select %gt3A_1548, %broadcast_in_dim3A_1550, %select_n3A_1541 : vector<16xi1>, vector<16xi32>
      %max3A_1552 = arith.maximumf %max3A_1542, %get3A_1547 : vector<16xf32>
      %add3A_1553 = arith.constant 12 : i32
      %add3A_1554 = arith.addi %mul3A_215, %add3A_1553 : i32
      %get3A_1555 = arith.index_cast %add3A_1554 : i32 to index
      %get3A_1556 = arith.constant 64 : index
      %get3A_1557 = tpu.vector_load %arg5[%get3A_1555, %get3A_1556] {strides = array<i32>} : memref<128x128xf32, #tpu.memory_space<vmem>>, vector<16xf32>,
      %gt3A_1558 = arith.cmpf ogt, %get3A_1557, %max3A_1552 : vector<16xf32>
      %jit3A_1559 = arith.constant 4 : i32
      %broadcast_in_dim3A_1560 = vector.broadcast %jit3A_1559 : i32 to vector<16xi32>
      %select_n3A_1561 = arith.select %gt3A_1558, %broadcast_in_dim3A_1560, %select_n3A_1551 : vector<16xi1>, vector<16xi32>
      %max3A_1562 = arith.maximumf %max3A_1552, %get3A_1557 : vector<16xf32>
      %add3A_1563 = arith.constant 12 : i32
      %add3A_1564 = arith.addi %mul3A_215, %add3A_1563 : i32
      %get3A_1565 = arith.index_cast %add3A_1564 : i32 to index
      %get3A_1566 = arith.constant 80 : index
      %get3A_1567 = tpu.vector_load %arg5[%get3A_1565, %get3A_1566] {strides = array<i32>} : memref<128x128xf32, #tpu.memory_space<vmem>>, vector<16xf32>,
      %gt3A_1568 = arith.cmpf ogt, %get3A_1567, %max3A_1562 : vector<16xf32>
      %jit3A_1569 = arith.constant 5 : i32
      %broadcast_in_dim3A_1570 = vector.broadcast %jit3A_1569 : i32 to vector<16xi32>
      %select_n3A_1571 = arith.select %gt3A_1568, %broadcast_in_dim3A_1570, %select_n3A_1561 : vector<16xi1>, vector<16xi32>
      %max3A_1572 = arith.maximumf %max3A_1562, %get3A_1567 : vector<16xf32>
      %add3A_1573 = arith.constant 12 : i32
      %add3A_1574 = arith.addi %mul3A_215, %add3A_1573 : i32
      %get3A_1575 = arith.index_cast %add3A_1574 : i32 to index
      %get3A_1576 = arith.constant 96 : index
      %get3A_1577 = tpu.vector_load %arg5[%get3A_1575, %get3A_1576] {strides = array<i32>} : memref<128x128xf32, #tpu.memory_space<vmem>>, vector<16xf32>,
      %gt3A_1578 = arith.cmpf ogt, %get3A_1577, %max3A_1572 : vector<16xf32>
      %jit3A_1579 = arith.constant 6 : i32
      %broadcast_in_dim3A_1580 = vector.broadcast %jit3A_1579 : i32 to vector<16xi32>
      %select_n3A_1581 = arith.select %gt3A_1578, %broadcast_in_dim3A_1580, %select_n3A_1571 : vector<16xi1>, vector<16xi32>
      %max3A_1582 = arith.maximumf %max3A_1572, %get3A_1577 : vector<16xf32>
      %add3A_1583 = arith.constant 12 : i32
      %add3A_1584 = arith.addi %mul3A_215, %add3A_1583 : i32
      %get3A_1585 = arith.index_cast %add3A_1584 : i32 to index
      %get3A_1586 = arith.constant 112 : index
      %get3A_1587 = tpu.vector_load %arg5[%get3A_1585, %get3A_1586] {strides = array<i32>} : memref<128x128xf32, #tpu.memory_space<vmem>>, vector<16xf32>,
      %gt3A_1588 = arith.cmpf ogt, %get3A_1587, %max3A_1582 : vector<16xf32>
      %jit3A_1589 = arith.constant 7 : i32
      %broadcast_in_dim3A_1590 = vector.broadcast %jit3A_1589 : i32 to vector<16xi32>
      %select_n3A_1591 = arith.select %gt3A_1588, %broadcast_in_dim3A_1590, %select_n3A_1581 : vector<16xi1>, vector<16xi32>
      %max3A_1592 = arith.maximumf %max3A_1582, %get3A_1587 : vector<16xf32>
      %reduce_max3A_1593 = arith.constant true
      %reduce_max3A_1594 = vector.broadcast %reduce_max3A_1593 : i1 to vector<16xi1>
      %reduce_max3A_1595 = tpu.scan <max>, %max3A_1592 masked %reduce_max3A_1594 : vector<16xf32>, vector<16xi1> -> vector<16xf32>
      %reduce_max3A_1596 = vector.extract %reduce_max3A_1595[15] : f32 from vector<16xf32>
      %eq3A_1597 = vector.broadcast %reduce_max3A_1596 : f32 to vector<16xf32>
      %eq3A_1598 = arith.cmpf oeq, %max3A_1592, %eq3A_1597 : vector<16xf32>
      %mul3A_1599 = arith.constant 16 : i32
      %mul3A_1600 = vector.broadcast %mul3A_1599 : i32 to vector<16xi32>
      %mul3A_1601 = arith.muli %select_n3A_1591, %mul3A_1600 : vector<16xi32>
      %add3A_1602 = arith.addi %mul3A_1601, %iota3A : vector<16xi32>
      %jit3A_1603 = arith.constant 128 : i32
      %broadcast_in_dim3A_1604 = vector.broadcast %jit3A_1603 : i32 to vector<16xi32>
      %select_n3A_1605 = arith.select %eq3A_1598, %add3A_1602, %broadcast_in_dim3A_1604 : vector<16xi1>, vector<16xi32>
      %reduce_min3A_1606 = arith.constant true
      %reduce_min3A_1607 = vector.broadcast %reduce_min3A_1606 : i1 to vector<16xi1>
      %reduce_min3A_1608 = arith.constant -2147483648 : i32
      %reduce_min3A_1609 = vector.broadcast %reduce_min3A_1608 : i32 to vector<16xi32>
      %reduce_min3A_1610 = arith.xori %select_n3A_1605, %reduce_min3A_1609 : vector<16xi32>
      %reduce_min3A_1611 = tpu.scan <min>, %reduce_min3A_1610 masked %reduce_min3A_1607 : vector<16xi32>, vector<16xi1> -> vector<16xi32>
      %reduce_min3A_1612 = arith.xori %reduce_min3A_1611, %reduce_min3A_1609 : vector<16xi32>
      %reduce_min3A_1613 = vector.extract %reduce_min3A_1612[15] : i32 from vector<16xi32>
      %add3A_1614 = arith.addi %mul3A_2, %mul3A_215 : i32
      %add3A_1615 = arith.constant 12 : i32
      %add3A_1616 = arith.addi %add3A_1614, %add3A_1615 : i32
      %mul3A_1617 = arith.constant 128 : i32
      %mul3A_1618 = arith.muli %add3A_1616, %mul3A_1617 : i32
      %add3A_1619 = arith.addi %mul3A_1618, %reduce_min3A_1613 : i32
      %eq3A_1620 = arith.constant 12 : i32
      %eq3A_1621 = vector.broadcast %eq3A_1620 : i32 to vector<16xi32>
      %eq3A_1622 = arith.cmpi eq, %iota3A, %eq3A_1621 : vector<16xi32>
      %broadcast_in_dim3A_1623 = vector.broadcast %add3A_1619 : i32 to vector<16xi32>
      %select_n3A_1624 = arith.select %eq3A_1622, %broadcast_in_dim3A_1623, %select_n3A_1515 : vector<16xi1>, vector<16xi32>
      %add3A_1625 = arith.constant 13 : i32
      %add3A_1626 = arith.addi %mul3A_215, %add3A_1625 : i32
      %get3A_1627 = arith.index_cast %add3A_1626 : i32 to index
      %get3A_1628 = arith.constant 0 : index
      %get3A_1629 = tpu.vector_load %arg5[%get3A_1627, %get3A_1628] {strides = array<i32>} : memref<128x128xf32, #tpu.memory_space<vmem>>, vector<16xf32>,
      %broadcast_in_dim3A_1630 = arith.constant 0 : i32
      %broadcast_in_dim3A_1631 = vector.broadcast %broadcast_in_dim3A_1630 : i32 to vector<16xi32>
      %add3A_1632 = arith.constant 13 : i32
      %add3A_1633 = arith.addi %mul3A_215, %add3A_1632 : i32
      %get3A_1634 = arith.index_cast %add3A_1633 : i32 to index
      %get3A_1635 = arith.constant 16 : index
      %get3A_1636 = tpu.vector_load %arg5[%get3A_1634, %get3A_1635] {strides = array<i32>} : memref<128x128xf32, #tpu.memory_space<vmem>>, vector<16xf32>,
      %gt3A_1637 = arith.cmpf ogt, %get3A_1636, %get3A_1629 : vector<16xf32>
      %jit3A_1638 = arith.constant 1 : i32
      %broadcast_in_dim3A_1639 = vector.broadcast %jit3A_1638 : i32 to vector<16xi32>
      %select_n3A_1640 = arith.select %gt3A_1637, %broadcast_in_dim3A_1639, %broadcast_in_dim3A_1631 : vector<16xi1>, vector<16xi32>
      %max3A_1641 = arith.maximumf %get3A_1629, %get3A_1636 : vector<16xf32>
      %add3A_1642 = arith.constant 13 : i32
      %add3A_1643 = arith.addi %mul3A_215, %add3A_1642 : i32
      %get3A_1644 = arith.index_cast %add3A_1643 : i32 to index
      %get3A_1645 = arith.constant 32 : index
      %get3A_1646 = tpu.vector_load %arg5[%get3A_1644, %get3A_1645] {strides = array<i32>} : memref<128x128xf32, #tpu.memory_space<vmem>>, vector<16xf32>,
      %gt3A_1647 = arith.cmpf ogt, %get3A_1646, %max3A_1641 : vector<16xf32>
      %jit3A_1648 = arith.constant 2 : i32
      %broadcast_in_dim3A_1649 = vector.broadcast %jit3A_1648 : i32 to vector<16xi32>
      %select_n3A_1650 = arith.select %gt3A_1647, %broadcast_in_dim3A_1649, %select_n3A_1640 : vector<16xi1>, vector<16xi32>
      %max3A_1651 = arith.maximumf %max3A_1641, %get3A_1646 : vector<16xf32>
      %add3A_1652 = arith.constant 13 : i32
      %add3A_1653 = arith.addi %mul3A_215, %add3A_1652 : i32
      %get3A_1654 = arith.index_cast %add3A_1653 : i32 to index
      %get3A_1655 = arith.constant 48 : index
      %get3A_1656 = tpu.vector_load %arg5[%get3A_1654, %get3A_1655] {strides = array<i32>} : memref<128x128xf32, #tpu.memory_space<vmem>>, vector<16xf32>,
      %gt3A_1657 = arith.cmpf ogt, %get3A_1656, %max3A_1651 : vector<16xf32>
      %jit3A_1658 = arith.constant 3 : i32
      %broadcast_in_dim3A_1659 = vector.broadcast %jit3A_1658 : i32 to vector<16xi32>
      %select_n3A_1660 = arith.select %gt3A_1657, %broadcast_in_dim3A_1659, %select_n3A_1650 : vector<16xi1>, vector<16xi32>
      %max3A_1661 = arith.maximumf %max3A_1651, %get3A_1656 : vector<16xf32>
      %add3A_1662 = arith.constant 13 : i32
      %add3A_1663 = arith.addi %mul3A_215, %add3A_1662 : i32
      %get3A_1664 = arith.index_cast %add3A_1663 : i32 to index
      %get3A_1665 = arith.constant 64 : index
      %get3A_1666 = tpu.vector_load %arg5[%get3A_1664, %get3A_1665] {strides = array<i32>} : memref<128x128xf32, #tpu.memory_space<vmem>>, vector<16xf32>,
      %gt3A_1667 = arith.cmpf ogt, %get3A_1666, %max3A_1661 : vector<16xf32>
      %jit3A_1668 = arith.constant 4 : i32
      %broadcast_in_dim3A_1669 = vector.broadcast %jit3A_1668 : i32 to vector<16xi32>
      %select_n3A_1670 = arith.select %gt3A_1667, %broadcast_in_dim3A_1669, %select_n3A_1660 : vector<16xi1>, vector<16xi32>
      %max3A_1671 = arith.maximumf %max3A_1661, %get3A_1666 : vector<16xf32>
      %add3A_1672 = arith.constant 13 : i32
      %add3A_1673 = arith.addi %mul3A_215, %add3A_1672 : i32
      %get3A_1674 = arith.index_cast %add3A_1673 : i32 to index
      %get3A_1675 = arith.constant 80 : index
      %get3A_1676 = tpu.vector_load %arg5[%get3A_1674, %get3A_1675] {strides = array<i32>} : memref<128x128xf32, #tpu.memory_space<vmem>>, vector<16xf32>,
      %gt3A_1677 = arith.cmpf ogt, %get3A_1676, %max3A_1671 : vector<16xf32>
      %jit3A_1678 = arith.constant 5 : i32
      %broadcast_in_dim3A_1679 = vector.broadcast %jit3A_1678 : i32 to vector<16xi32>
      %select_n3A_1680 = arith.select %gt3A_1677, %broadcast_in_dim3A_1679, %select_n3A_1670 : vector<16xi1>, vector<16xi32>
      %max3A_1681 = arith.maximumf %max3A_1671, %get3A_1676 : vector<16xf32>
      %add3A_1682 = arith.constant 13 : i32
      %add3A_1683 = arith.addi %mul3A_215, %add3A_1682 : i32
      %get3A_1684 = arith.index_cast %add3A_1683 : i32 to index
      %get3A_1685 = arith.constant 96 : index
      %get3A_1686 = tpu.vector_load %arg5[%get3A_1684, %get3A_1685] {strides = array<i32>} : memref<128x128xf32, #tpu.memory_space<vmem>>, vector<16xf32>,
      %gt3A_1687 = arith.cmpf ogt, %get3A_1686, %max3A_1681 : vector<16xf32>
      %jit3A_1688 = arith.constant 6 : i32
      %broadcast_in_dim3A_1689 = vector.broadcast %jit3A_1688 : i32 to vector<16xi32>
      %select_n3A_1690 = arith.select %gt3A_1687, %broadcast_in_dim3A_1689, %select_n3A_1680 : vector<16xi1>, vector<16xi32>
      %max3A_1691 = arith.maximumf %max3A_1681, %get3A_1686 : vector<16xf32>
      %add3A_1692 = arith.constant 13 : i32
      %add3A_1693 = arith.addi %mul3A_215, %add3A_1692 : i32
      %get3A_1694 = arith.index_cast %add3A_1693 : i32 to index
      %get3A_1695 = arith.constant 112 : index
      %get3A_1696 = tpu.vector_load %arg5[%get3A_1694, %get3A_1695] {strides = array<i32>} : memref<128x128xf32, #tpu.memory_space<vmem>>, vector<16xf32>,
      %gt3A_1697 = arith.cmpf ogt, %get3A_1696, %max3A_1691 : vector<16xf32>
      %jit3A_1698 = arith.constant 7 : i32
      %broadcast_in_dim3A_1699 = vector.broadcast %jit3A_1698 : i32 to vector<16xi32>
      %select_n3A_1700 = arith.select %gt3A_1697, %broadcast_in_dim3A_1699, %select_n3A_1690 : vector<16xi1>, vector<16xi32>
      %max3A_1701 = arith.maximumf %max3A_1691, %get3A_1696 : vector<16xf32>
      %reduce_max3A_1702 = arith.constant true
      %reduce_max3A_1703 = vector.broadcast %reduce_max3A_1702 : i1 to vector<16xi1>
      %reduce_max3A_1704 = tpu.scan <max>, %max3A_1701 masked %reduce_max3A_1703 : vector<16xf32>, vector<16xi1> -> vector<16xf32>
      %reduce_max3A_1705 = vector.extract %reduce_max3A_1704[15] : f32 from vector<16xf32>
      %eq3A_1706 = vector.broadcast %reduce_max3A_1705 : f32 to vector<16xf32>
      %eq3A_1707 = arith.cmpf oeq, %max3A_1701, %eq3A_1706 : vector<16xf32>
      %mul3A_1708 = arith.constant 16 : i32
      %mul3A_1709 = vector.broadcast %mul3A_1708 : i32 to vector<16xi32>
      %mul3A_1710 = arith.muli %select_n3A_1700, %mul3A_1709 : vector<16xi32>
      %add3A_1711 = arith.addi %mul3A_1710, %iota3A : vector<16xi32>
      %jit3A_1712 = arith.constant 128 : i32
      %broadcast_in_dim3A_1713 = vector.broadcast %jit3A_1712 : i32 to vector<16xi32>
      %select_n3A_1714 = arith.select %eq3A_1707, %add3A_1711, %broadcast_in_dim3A_1713 : vector<16xi1>, vector<16xi32>
      %reduce_min3A_1715 = arith.constant true
      %reduce_min3A_1716 = vector.broadcast %reduce_min3A_1715 : i1 to vector<16xi1>
      %reduce_min3A_1717 = arith.constant -2147483648 : i32
      %reduce_min3A_1718 = vector.broadcast %reduce_min3A_1717 : i32 to vector<16xi32>
      %reduce_min3A_1719 = arith.xori %select_n3A_1714, %reduce_min3A_1718 : vector<16xi32>
      %reduce_min3A_1720 = tpu.scan <min>, %reduce_min3A_1719 masked %reduce_min3A_1716 : vector<16xi32>, vector<16xi1> -> vector<16xi32>
      %reduce_min3A_1721 = arith.xori %reduce_min3A_1720, %reduce_min3A_1718 : vector<16xi32>
      %reduce_min3A_1722 = vector.extract %reduce_min3A_1721[15] : i32 from vector<16xi32>
      %add3A_1723 = arith.addi %mul3A_2, %mul3A_215 : i32
      %add3A_1724 = arith.constant 13 : i32
      %add3A_1725 = arith.addi %add3A_1723, %add3A_1724 : i32
      %mul3A_1726 = arith.constant 128 : i32
      %mul3A_1727 = arith.muli %add3A_1725, %mul3A_1726 : i32
      %add3A_1728 = arith.addi %mul3A_1727, %reduce_min3A_1722 : i32
      %eq3A_1729 = arith.constant 13 : i32
      %eq3A_1730 = vector.broadcast %eq3A_1729 : i32 to vector<16xi32>
      %eq3A_1731 = arith.cmpi eq, %iota3A, %eq3A_1730 : vector<16xi32>
      %broadcast_in_dim3A_1732 = vector.broadcast %add3A_1728 : i32 to vector<16xi32>
      %select_n3A_1733 = arith.select %eq3A_1731, %broadcast_in_dim3A_1732, %select_n3A_1624 : vector<16xi1>, vector<16xi32>
      %add3A_1734 = arith.constant 14 : i32
      %add3A_1735 = arith.addi %mul3A_215, %add3A_1734 : i32
      %get3A_1736 = arith.index_cast %add3A_1735 : i32 to index
      %get3A_1737 = arith.constant 0 : index
      %get3A_1738 = tpu.vector_load %arg5[%get3A_1736, %get3A_1737] {strides = array<i32>} : memref<128x128xf32, #tpu.memory_space<vmem>>, vector<16xf32>,
      %broadcast_in_dim3A_1739 = arith.constant 0 : i32
      %broadcast_in_dim3A_1740 = vector.broadcast %broadcast_in_dim3A_1739 : i32 to vector<16xi32>
      %add3A_1741 = arith.constant 14 : i32
      %add3A_1742 = arith.addi %mul3A_215, %add3A_1741 : i32
      %get3A_1743 = arith.index_cast %add3A_1742 : i32 to index
      %get3A_1744 = arith.constant 16 : index
      %get3A_1745 = tpu.vector_load %arg5[%get3A_1743, %get3A_1744] {strides = array<i32>} : memref<128x128xf32, #tpu.memory_space<vmem>>, vector<16xf32>,
      %gt3A_1746 = arith.cmpf ogt, %get3A_1745, %get3A_1738 : vector<16xf32>
      %jit3A_1747 = arith.constant 1 : i32
      %broadcast_in_dim3A_1748 = vector.broadcast %jit3A_1747 : i32 to vector<16xi32>
      %select_n3A_1749 = arith.select %gt3A_1746, %broadcast_in_dim3A_1748, %broadcast_in_dim3A_1740 : vector<16xi1>, vector<16xi32>
      %max3A_1750 = arith.maximumf %get3A_1738, %get3A_1745 : vector<16xf32>
      %add3A_1751 = arith.constant 14 : i32
      %add3A_1752 = arith.addi %mul3A_215, %add3A_1751 : i32
      %get3A_1753 = arith.index_cast %add3A_1752 : i32 to index
      %get3A_1754 = arith.constant 32 : index
      %get3A_1755 = tpu.vector_load %arg5[%get3A_1753, %get3A_1754] {strides = array<i32>} : memref<128x128xf32, #tpu.memory_space<vmem>>, vector<16xf32>,
      %gt3A_1756 = arith.cmpf ogt, %get3A_1755, %max3A_1750 : vector<16xf32>
      %jit3A_1757 = arith.constant 2 : i32
      %broadcast_in_dim3A_1758 = vector.broadcast %jit3A_1757 : i32 to vector<16xi32>
      %select_n3A_1759 = arith.select %gt3A_1756, %broadcast_in_dim3A_1758, %select_n3A_1749 : vector<16xi1>, vector<16xi32>
      %max3A_1760 = arith.maximumf %max3A_1750, %get3A_1755 : vector<16xf32>
      %add3A_1761 = arith.constant 14 : i32
      %add3A_1762 = arith.addi %mul3A_215, %add3A_1761 : i32
      %get3A_1763 = arith.index_cast %add3A_1762 : i32 to index
      %get3A_1764 = arith.constant 48 : index
      %get3A_1765 = tpu.vector_load %arg5[%get3A_1763, %get3A_1764] {strides = array<i32>} : memref<128x128xf32, #tpu.memory_space<vmem>>, vector<16xf32>,
      %gt3A_1766 = arith.cmpf ogt, %get3A_1765, %max3A_1760 : vector<16xf32>
      %jit3A_1767 = arith.constant 3 : i32
      %broadcast_in_dim3A_1768 = vector.broadcast %jit3A_1767 : i32 to vector<16xi32>
      %select_n3A_1769 = arith.select %gt3A_1766, %broadcast_in_dim3A_1768, %select_n3A_1759 : vector<16xi1>, vector<16xi32>
      %max3A_1770 = arith.maximumf %max3A_1760, %get3A_1765 : vector<16xf32>
      %add3A_1771 = arith.constant 14 : i32
      %add3A_1772 = arith.addi %mul3A_215, %add3A_1771 : i32
      %get3A_1773 = arith.index_cast %add3A_1772 : i32 to index
      %get3A_1774 = arith.constant 64 : index
      %get3A_1775 = tpu.vector_load %arg5[%get3A_1773, %get3A_1774] {strides = array<i32>} : memref<128x128xf32, #tpu.memory_space<vmem>>, vector<16xf32>,
      %gt3A_1776 = arith.cmpf ogt, %get3A_1775, %max3A_1770 : vector<16xf32>
      %jit3A_1777 = arith.constant 4 : i32
      %broadcast_in_dim3A_1778 = vector.broadcast %jit3A_1777 : i32 to vector<16xi32>
      %select_n3A_1779 = arith.select %gt3A_1776, %broadcast_in_dim3A_1778, %select_n3A_1769 : vector<16xi1>, vector<16xi32>
      %max3A_1780 = arith.maximumf %max3A_1770, %get3A_1775 : vector<16xf32>
      %add3A_1781 = arith.constant 14 : i32
      %add3A_1782 = arith.addi %mul3A_215, %add3A_1781 : i32
      %get3A_1783 = arith.index_cast %add3A_1782 : i32 to index
      %get3A_1784 = arith.constant 80 : index
      %get3A_1785 = tpu.vector_load %arg5[%get3A_1783, %get3A_1784] {strides = array<i32>} : memref<128x128xf32, #tpu.memory_space<vmem>>, vector<16xf32>,
      %gt3A_1786 = arith.cmpf ogt, %get3A_1785, %max3A_1780 : vector<16xf32>
      %jit3A_1787 = arith.constant 5 : i32
      %broadcast_in_dim3A_1788 = vector.broadcast %jit3A_1787 : i32 to vector<16xi32>
      %select_n3A_1789 = arith.select %gt3A_1786, %broadcast_in_dim3A_1788, %select_n3A_1779 : vector<16xi1>, vector<16xi32>
      %max3A_1790 = arith.maximumf %max3A_1780, %get3A_1785 : vector<16xf32>
      %add3A_1791 = arith.constant 14 : i32
      %add3A_1792 = arith.addi %mul3A_215, %add3A_1791 : i32
      %get3A_1793 = arith.index_cast %add3A_1792 : i32 to index
      %get3A_1794 = arith.constant 96 : index
      %get3A_1795 = tpu.vector_load %arg5[%get3A_1793, %get3A_1794] {strides = array<i32>} : memref<128x128xf32, #tpu.memory_space<vmem>>, vector<16xf32>,
      %gt3A_1796 = arith.cmpf ogt, %get3A_1795, %max3A_1790 : vector<16xf32>
      %jit3A_1797 = arith.constant 6 : i32
      %broadcast_in_dim3A_1798 = vector.broadcast %jit3A_1797 : i32 to vector<16xi32>
      %select_n3A_1799 = arith.select %gt3A_1796, %broadcast_in_dim3A_1798, %select_n3A_1789 : vector<16xi1>, vector<16xi32>
      %max3A_1800 = arith.maximumf %max3A_1790, %get3A_1795 : vector<16xf32>
      %add3A_1801 = arith.constant 14 : i32
      %add3A_1802 = arith.addi %mul3A_215, %add3A_1801 : i32
      %get3A_1803 = arith.index_cast %add3A_1802 : i32 to index
      %get3A_1804 = arith.constant 112 : index
      %get3A_1805 = tpu.vector_load %arg5[%get3A_1803, %get3A_1804] {strides = array<i32>} : memref<128x128xf32, #tpu.memory_space<vmem>>, vector<16xf32>,
      %gt3A_1806 = arith.cmpf ogt, %get3A_1805, %max3A_1800 : vector<16xf32>
      %jit3A_1807 = arith.constant 7 : i32
      %broadcast_in_dim3A_1808 = vector.broadcast %jit3A_1807 : i32 to vector<16xi32>
      %select_n3A_1809 = arith.select %gt3A_1806, %broadcast_in_dim3A_1808, %select_n3A_1799 : vector<16xi1>, vector<16xi32>
      %max3A_1810 = arith.maximumf %max3A_1800, %get3A_1805 : vector<16xf32>
      %reduce_max3A_1811 = arith.constant true
      %reduce_max3A_1812 = vector.broadcast %reduce_max3A_1811 : i1 to vector<16xi1>
      %reduce_max3A_1813 = tpu.scan <max>, %max3A_1810 masked %reduce_max3A_1812 : vector<16xf32>, vector<16xi1> -> vector<16xf32>
      %reduce_max3A_1814 = vector.extract %reduce_max3A_1813[15] : f32 from vector<16xf32>
      %eq3A_1815 = vector.broadcast %reduce_max3A_1814 : f32 to vector<16xf32>
      %eq3A_1816 = arith.cmpf oeq, %max3A_1810, %eq3A_1815 : vector<16xf32>
      %mul3A_1817 = arith.constant 16 : i32
      %mul3A_1818 = vector.broadcast %mul3A_1817 : i32 to vector<16xi32>
      %mul3A_1819 = arith.muli %select_n3A_1809, %mul3A_1818 : vector<16xi32>
      %add3A_1820 = arith.addi %mul3A_1819, %iota3A : vector<16xi32>
      %jit3A_1821 = arith.constant 128 : i32
      %broadcast_in_dim3A_1822 = vector.broadcast %jit3A_1821 : i32 to vector<16xi32>
      %select_n3A_1823 = arith.select %eq3A_1816, %add3A_1820, %broadcast_in_dim3A_1822 : vector<16xi1>, vector<16xi32>
      %reduce_min3A_1824 = arith.constant true
      %reduce_min3A_1825 = vector.broadcast %reduce_min3A_1824 : i1 to vector<16xi1>
      %reduce_min3A_1826 = arith.constant -2147483648 : i32
      %reduce_min3A_1827 = vector.broadcast %reduce_min3A_1826 : i32 to vector<16xi32>
      %reduce_min3A_1828 = arith.xori %select_n3A_1823, %reduce_min3A_1827 : vector<16xi32>
      %reduce_min3A_1829 = tpu.scan <min>, %reduce_min3A_1828 masked %reduce_min3A_1825 : vector<16xi32>, vector<16xi1> -> vector<16xi32>
      %reduce_min3A_1830 = arith.xori %reduce_min3A_1829, %reduce_min3A_1827 : vector<16xi32>
      %reduce_min3A_1831 = vector.extract %reduce_min3A_1830[15] : i32 from vector<16xi32>
      %add3A_1832 = arith.addi %mul3A_2, %mul3A_215 : i32
      %add3A_1833 = arith.constant 14 : i32
      %add3A_1834 = arith.addi %add3A_1832, %add3A_1833 : i32
      %mul3A_1835 = arith.constant 128 : i32
      %mul3A_1836 = arith.muli %add3A_1834, %mul3A_1835 : i32
      %add3A_1837 = arith.addi %mul3A_1836, %reduce_min3A_1831 : i32
      %eq3A_1838 = arith.constant 14 : i32
      %eq3A_1839 = vector.broadcast %eq3A_1838 : i32 to vector<16xi32>
      %eq3A_1840 = arith.cmpi eq, %iota3A, %eq3A_1839 : vector<16xi32>
      %broadcast_in_dim3A_1841 = vector.broadcast %add3A_1837 : i32 to vector<16xi32>
      %select_n3A_1842 = arith.select %eq3A_1840, %broadcast_in_dim3A_1841, %select_n3A_1733 : vector<16xi1>, vector<16xi32>
      %add3A_1843 = arith.constant 15 : i32
      %add3A_1844 = arith.addi %mul3A_215, %add3A_1843 : i32
      %get3A_1845 = arith.index_cast %add3A_1844 : i32 to index
      %get3A_1846 = arith.constant 0 : index
      %get3A_1847 = tpu.vector_load %arg5[%get3A_1845, %get3A_1846] {strides = array<i32>} : memref<128x128xf32, #tpu.memory_space<vmem>>, vector<16xf32>,
      %broadcast_in_dim3A_1848 = arith.constant 0 : i32
      %broadcast_in_dim3A_1849 = vector.broadcast %broadcast_in_dim3A_1848 : i32 to vector<16xi32>
      %add3A_1850 = arith.constant 15 : i32
      %add3A_1851 = arith.addi %mul3A_215, %add3A_1850 : i32
      %get3A_1852 = arith.index_cast %add3A_1851 : i32 to index
      %get3A_1853 = arith.constant 16 : index
      %get3A_1854 = tpu.vector_load %arg5[%get3A_1852, %get3A_1853] {strides = array<i32>} : memref<128x128xf32, #tpu.memory_space<vmem>>, vector<16xf32>,
      %gt3A_1855 = arith.cmpf ogt, %get3A_1854, %get3A_1847 : vector<16xf32>
      %jit3A_1856 = arith.constant 1 : i32
      %broadcast_in_dim3A_1857 = vector.broadcast %jit3A_1856 : i32 to vector<16xi32>
      %select_n3A_1858 = arith.select %gt3A_1855, %broadcast_in_dim3A_1857, %broadcast_in_dim3A_1849 : vector<16xi1>, vector<16xi32>
      %max3A_1859 = arith.maximumf %get3A_1847, %get3A_1854 : vector<16xf32>
      %add3A_1860 = arith.constant 15 : i32
      %add3A_1861 = arith.addi %mul3A_215, %add3A_1860 : i32
      %get3A_1862 = arith.index_cast %add3A_1861 : i32 to index
      %get3A_1863 = arith.constant 32 : index
      %get3A_1864 = tpu.vector_load %arg5[%get3A_1862, %get3A_1863] {strides = array<i32>} : memref<128x128xf32, #tpu.memory_space<vmem>>, vector<16xf32>,
      %gt3A_1865 = arith.cmpf ogt, %get3A_1864, %max3A_1859 : vector<16xf32>
      %jit3A_1866 = arith.constant 2 : i32
      %broadcast_in_dim3A_1867 = vector.broadcast %jit3A_1866 : i32 to vector<16xi32>
      %select_n3A_1868 = arith.select %gt3A_1865, %broadcast_in_dim3A_1867, %select_n3A_1858 : vector<16xi1>, vector<16xi32>
      %max3A_1869 = arith.maximumf %max3A_1859, %get3A_1864 : vector<16xf32>
      %add3A_1870 = arith.constant 15 : i32
      %add3A_1871 = arith.addi %mul3A_215, %add3A_1870 : i32
      %get3A_1872 = arith.index_cast %add3A_1871 : i32 to index
      %get3A_1873 = arith.constant 48 : index
      %get3A_1874 = tpu.vector_load %arg5[%get3A_1872, %get3A_1873] {strides = array<i32>} : memref<128x128xf32, #tpu.memory_space<vmem>>, vector<16xf32>,
      %gt3A_1875 = arith.cmpf ogt, %get3A_1874, %max3A_1869 : vector<16xf32>
      %jit3A_1876 = arith.constant 3 : i32
      %broadcast_in_dim3A_1877 = vector.broadcast %jit3A_1876 : i32 to vector<16xi32>
      %select_n3A_1878 = arith.select %gt3A_1875, %broadcast_in_dim3A_1877, %select_n3A_1868 : vector<16xi1>, vector<16xi32>
      %max3A_1879 = arith.maximumf %max3A_1869, %get3A_1874 : vector<16xf32>
      %add3A_1880 = arith.constant 15 : i32
      %add3A_1881 = arith.addi %mul3A_215, %add3A_1880 : i32
      %get3A_1882 = arith.index_cast %add3A_1881 : i32 to index
      %get3A_1883 = arith.constant 64 : index
      %get3A_1884 = tpu.vector_load %arg5[%get3A_1882, %get3A_1883] {strides = array<i32>} : memref<128x128xf32, #tpu.memory_space<vmem>>, vector<16xf32>,
      %gt3A_1885 = arith.cmpf ogt, %get3A_1884, %max3A_1879 : vector<16xf32>
      %jit3A_1886 = arith.constant 4 : i32
      %broadcast_in_dim3A_1887 = vector.broadcast %jit3A_1886 : i32 to vector<16xi32>
      %select_n3A_1888 = arith.select %gt3A_1885, %broadcast_in_dim3A_1887, %select_n3A_1878 : vector<16xi1>, vector<16xi32>
      %max3A_1889 = arith.maximumf %max3A_1879, %get3A_1884 : vector<16xf32>
      %add3A_1890 = arith.constant 15 : i32
      %add3A_1891 = arith.addi %mul3A_215, %add3A_1890 : i32
      %get3A_1892 = arith.index_cast %add3A_1891 : i32 to index
      %get3A_1893 = arith.constant 80 : index
      %get3A_1894 = tpu.vector_load %arg5[%get3A_1892, %get3A_1893] {strides = array<i32>} : memref<128x128xf32, #tpu.memory_space<vmem>>, vector<16xf32>,
      %gt3A_1895 = arith.cmpf ogt, %get3A_1894, %max3A_1889 : vector<16xf32>
      %jit3A_1896 = arith.constant 5 : i32
      %broadcast_in_dim3A_1897 = vector.broadcast %jit3A_1896 : i32 to vector<16xi32>
      %select_n3A_1898 = arith.select %gt3A_1895, %broadcast_in_dim3A_1897, %select_n3A_1888 : vector<16xi1>, vector<16xi32>
      %max3A_1899 = arith.maximumf %max3A_1889, %get3A_1894 : vector<16xf32>
      %add3A_1900 = arith.constant 15 : i32
      %add3A_1901 = arith.addi %mul3A_215, %add3A_1900 : i32
      %get3A_1902 = arith.index_cast %add3A_1901 : i32 to index
      %get3A_1903 = arith.constant 96 : index
      %get3A_1904 = tpu.vector_load %arg5[%get3A_1902, %get3A_1903] {strides = array<i32>} : memref<128x128xf32, #tpu.memory_space<vmem>>, vector<16xf32>,
      %gt3A_1905 = arith.cmpf ogt, %get3A_1904, %max3A_1899 : vector<16xf32>
      %jit3A_1906 = arith.constant 6 : i32
      %broadcast_in_dim3A_1907 = vector.broadcast %jit3A_1906 : i32 to vector<16xi32>
      %select_n3A_1908 = arith.select %gt3A_1905, %broadcast_in_dim3A_1907, %select_n3A_1898 : vector<16xi1>, vector<16xi32>
      %max3A_1909 = arith.maximumf %max3A_1899, %get3A_1904 : vector<16xf32>
      %add3A_1910 = arith.constant 15 : i32
      %add3A_1911 = arith.addi %mul3A_215, %add3A_1910 : i32
      %get3A_1912 = arith.index_cast %add3A_1911 : i32 to index
      %get3A_1913 = arith.constant 112 : index
      %get3A_1914 = tpu.vector_load %arg5[%get3A_1912, %get3A_1913] {strides = array<i32>} : memref<128x128xf32, #tpu.memory_space<vmem>>, vector<16xf32>,
      %gt3A_1915 = arith.cmpf ogt, %get3A_1914, %max3A_1909 : vector<16xf32>
      %jit3A_1916 = arith.constant 7 : i32
      %broadcast_in_dim3A_1917 = vector.broadcast %jit3A_1916 : i32 to vector<16xi32>
      %select_n3A_1918 = arith.select %gt3A_1915, %broadcast_in_dim3A_1917, %select_n3A_1908 : vector<16xi1>, vector<16xi32>
      %max3A_1919 = arith.maximumf %max3A_1909, %get3A_1914 : vector<16xf32>
      %reduce_max3A_1920 = arith.constant true
      %reduce_max3A_1921 = vector.broadcast %reduce_max3A_1920 : i1 to vector<16xi1>
      %reduce_max3A_1922 = tpu.scan <max>, %max3A_1919 masked %reduce_max3A_1921 : vector<16xf32>, vector<16xi1> -> vector<16xf32>
      %reduce_max3A_1923 = vector.extract %reduce_max3A_1922[15] : f32 from vector<16xf32>
      %eq3A_1924 = vector.broadcast %reduce_max3A_1923 : f32 to vector<16xf32>
      %eq3A_1925 = arith.cmpf oeq, %max3A_1919, %eq3A_1924 : vector<16xf32>
      %mul3A_1926 = arith.constant 16 : i32
      %mul3A_1927 = vector.broadcast %mul3A_1926 : i32 to vector<16xi32>
      %mul3A_1928 = arith.muli %select_n3A_1918, %mul3A_1927 : vector<16xi32>
      %add3A_1929 = arith.addi %mul3A_1928, %iota3A : vector<16xi32>
      %jit3A_1930 = arith.constant 128 : i32
      %broadcast_in_dim3A_1931 = vector.broadcast %jit3A_1930 : i32 to vector<16xi32>
      %select_n3A_1932 = arith.select %eq3A_1925, %add3A_1929, %broadcast_in_dim3A_1931 : vector<16xi1>, vector<16xi32>
      %reduce_min3A_1933 = arith.constant true
      %reduce_min3A_1934 = vector.broadcast %reduce_min3A_1933 : i1 to vector<16xi1>
      %reduce_min3A_1935 = arith.constant -2147483648 : i32
      %reduce_min3A_1936 = vector.broadcast %reduce_min3A_1935 : i32 to vector<16xi32>
      %reduce_min3A_1937 = arith.xori %select_n3A_1932, %reduce_min3A_1936 : vector<16xi32>
      %reduce_min3A_1938 = tpu.scan <min>, %reduce_min3A_1937 masked %reduce_min3A_1934 : vector<16xi32>, vector<16xi1> -> vector<16xi32>
      %reduce_min3A_1939 = arith.xori %reduce_min3A_1938, %reduce_min3A_1936 : vector<16xi32>
      %reduce_min3A_1940 = vector.extract %reduce_min3A_1939[15] : i32 from vector<16xi32>
      %add3A_1941 = arith.addi %mul3A_2, %mul3A_215 : i32
      %add3A_1942 = arith.constant 15 : i32
      %add3A_1943 = arith.addi %add3A_1941, %add3A_1942 : i32
      %mul3A_1944 = arith.constant 128 : i32
      %mul3A_1945 = arith.muli %add3A_1943, %mul3A_1944 : i32
      %add3A_1946 = arith.addi %mul3A_1945, %reduce_min3A_1940 : i32
      %eq3A_1947 = arith.constant 15 : i32
      %eq3A_1948 = vector.broadcast %eq3A_1947 : i32 to vector<16xi32>
      %eq3A_1949 = arith.cmpi eq, %iota3A, %eq3A_1948 : vector<16xi32>
      %broadcast_in_dim3A_1950 = vector.broadcast %add3A_1946 : i32 to vector<16xi32>
      %select_n3A_1951 = arith.select %eq3A_1949, %broadcast_in_dim3A_1950, %select_n3A_1842 : vector<16xi1>, vector<16xi32>
      %swap3A = arith.index_cast %mul3A_215 : i32 to index
      %swap3A_1952 = tpu.vector_load %arg6[%swap3A] {strides = array<i32>} : memref<128xi32, #tpu.memory_space<vmem>>, vector<16xi32>,
      tpu.vector_store %arg6[%swap3A], %select_n3A_1951 {strides = array<i32>} : memref<128xi32, #tpu.memory_space<vmem>>, vector<16xi32>,
    }
    %scan3A_7 = arith.constant 4 : i32
    %dma_start3A = arith.constant 0 : i32
    %dma_start3A_8 = arith.constant 0 : i32
    %dma_start3A_9 = arith.constant 0 : i32
    %dma_start3A_10 = tpu.memref_slice %arg7[%dma_start3A_8, %dma_start3A, %dma_start3A_9] : memref<128x1x512xf32, #tpu.memory_space<vmem>> -> memref<32x1x512xf32, #tpu.memory_space<vmem>>
    %dma_start3A_11 = tpu.memref_squeeze %dma_start3A_10 : memref<32x1x512xf32, #tpu.memory_space<vmem>> -> memref<32x512xf32, #tpu.memory_space<vmem>>
    %dma_start3A_12 = arith.constant 0 : i32
    %dma_start3A_13 = tpu.memref_slice %arg6[%dma_start3A_12] : memref<128xi32, #tpu.memory_space<vmem>> -> memref<32xi32, #tpu.memory_space<vmem>>
    %dma_start3A_14 = arith.constant 0 : i32
    %dma_start3A_15 = arith.constant 0 : i32
    %dma_start3A_16 = tpu.memref_slice %arg2[%dma_start3A_14, %dma_start3A_15] : memref<524288x512xf32, #tpu.memory_space<hbm>> -> memref<524288x512xf32, #tpu.memory_space<hbm>>
    tpu.enqueue_indirect_dma source(%dma_start3A_16 : memref<524288x512xf32, #tpu.memory_space<hbm>>) target(%dma_start3A_11 : memref<32x512xf32, #tpu.memory_space<vmem>>) offsets(%dma_start3A_13 : memref<32xi32, #tpu.memory_space<vmem>>) semaphore(%arg8 : memref<!tpu.dma_semaphore, #tpu.memory_space<semaphore_mem>>)
    %dma_start3A_17 = arith.constant 0 : i32
    %dma_start3A_18 = arith.constant 32 : i32
    %dma_start3A_19 = arith.constant 0 : i32
    %dma_start3A_20 = tpu.memref_slice %arg7[%dma_start3A_18, %dma_start3A_17, %dma_start3A_19] : memref<128x1x512xf32, #tpu.memory_space<vmem>> -> memref<32x1x512xf32, #tpu.memory_space<vmem>>
    %dma_start3A_21 = tpu.memref_squeeze %dma_start3A_20 : memref<32x1x512xf32, #tpu.memory_space<vmem>> -> memref<32x512xf32, #tpu.memory_space<vmem>>
    %dma_start3A_22 = arith.constant 32 : i32
    %dma_start3A_23 = tpu.memref_slice %arg6[%dma_start3A_22] : memref<128xi32, #tpu.memory_space<vmem>> -> memref<32xi32, #tpu.memory_space<vmem>>
    %dma_start3A_24 = arith.constant 0 : i32
    %dma_start3A_25 = arith.constant 0 : i32
    %dma_start3A_26 = tpu.memref_slice %arg2[%dma_start3A_24, %dma_start3A_25] : memref<524288x512xf32, #tpu.memory_space<hbm>> -> memref<524288x512xf32, #tpu.memory_space<hbm>>
    tpu.enqueue_indirect_dma source(%dma_start3A_26 : memref<524288x512xf32, #tpu.memory_space<hbm>>) target(%dma_start3A_21 : memref<32x512xf32, #tpu.memory_space<vmem>>) offsets(%dma_start3A_23 : memref<32xi32, #tpu.memory_space<vmem>>) semaphore(%arg9 : memref<!tpu.dma_semaphore, #tpu.memory_space<semaphore_mem>>)
    %scan3A_27 = arith.constant 0 : i32
    %scan3A_28 = arith.constant 4 : i32
    %scan3A_29 = arith.constant 4 : i32
    %scan3A_30 = arith.addi %scan3A_28, %scan3A_29 : i32
    %scan3A_31 = arith.constant 1 : i32
    scf.for %scan3A_212 = %scan3A_28 to %scan3A_30 step %scan3A_31  : i32 {
      %broadcast_in_dim3A = arith.constant 0 : i32
      %broadcast_in_dim3A_213 = vector.broadcast %broadcast_in_dim3A : i32 to vector<16xi32>
      %mul3A_214 = arith.constant 16 : i32
      %mul3A_215 = arith.muli %scan3A_212, %mul3A_214 : i32
      %add3A_216 = arith.constant 0 : i32
      %add3A_217 = arith.addi %mul3A_215, %add3A_216 : i32
      %get3A = arith.index_cast %add3A_217 : i32 to index
      %get3A_218 = arith.constant 0 : index
      %get3A_219 = tpu.vector_load %arg5[%get3A, %get3A_218] {strides = array<i32>} : memref<128x128xf32, #tpu.memory_space<vmem>>, vector<16xf32>,
      %broadcast_in_dim3A_220 = arith.constant 0 : i32
      %broadcast_in_dim3A_221 = vector.broadcast %broadcast_in_dim3A_220 : i32 to vector<16xi32>
      %add3A_222 = arith.constant 0 : i32
      %add3A_223 = arith.addi %mul3A_215, %add3A_222 : i32
      %get3A_224 = arith.index_cast %add3A_223 : i32 to index
      %get3A_225 = arith.constant 16 : index
      %get3A_226 = tpu.vector_load %arg5[%get3A_224, %get3A_225] {strides = array<i32>} : memref<128x128xf32, #tpu.memory_space<vmem>>, vector<16xf32>,
      %gt3A = arith.cmpf ogt, %get3A_226, %get3A_219 : vector<16xf32>
      %jit3A = arith.constant 1 : i32
      %broadcast_in_dim3A_227 = vector.broadcast %jit3A : i32 to vector<16xi32>
      %select_n3A = arith.select %gt3A, %broadcast_in_dim3A_227, %broadcast_in_dim3A_221 : vector<16xi1>, vector<16xi32>
      %max3A = arith.maximumf %get3A_219, %get3A_226 : vector<16xf32>
      %add3A_228 = arith.constant 0 : i32
      %add3A_229 = arith.addi %mul3A_215, %add3A_228 : i32
      %get3A_230 = arith.index_cast %add3A_229 : i32 to index
      %get3A_231 = arith.constant 32 : index
      %get3A_232 = tpu.vector_load %arg5[%get3A_230, %get3A_231] {strides = array<i32>} : memref<128x128xf32, #tpu.memory_space<vmem>>, vector<16xf32>,
      %gt3A_233 = arith.cmpf ogt, %get3A_232, %max3A : vector<16xf32>
      %jit3A_234 = arith.constant 2 : i32
      %broadcast_in_dim3A_235 = vector.broadcast %jit3A_234 : i32 to vector<16xi32>
      %select_n3A_236 = arith.select %gt3A_233, %broadcast_in_dim3A_235, %select_n3A : vector<16xi1>, vector<16xi32>
      %max3A_237 = arith.maximumf %max3A, %get3A_232 : vector<16xf32>
      %add3A_238 = arith.constant 0 : i32
      %add3A_239 = arith.addi %mul3A_215, %add3A_238 : i32
      %get3A_240 = arith.index_cast %add3A_239 : i32 to index
      %get3A_241 = arith.constant 48 : index
      %get3A_242 = tpu.vector_load %arg5[%get3A_240, %get3A_241] {strides = array<i32>} : memref<128x128xf32, #tpu.memory_space<vmem>>, vector<16xf32>,
      %gt3A_243 = arith.cmpf ogt, %get3A_242, %max3A_237 : vector<16xf32>
      %jit3A_244 = arith.constant 3 : i32
      %broadcast_in_dim3A_245 = vector.broadcast %jit3A_244 : i32 to vector<16xi32>
      %select_n3A_246 = arith.select %gt3A_243, %broadcast_in_dim3A_245, %select_n3A_236 : vector<16xi1>, vector<16xi32>
      %max3A_247 = arith.maximumf %max3A_237, %get3A_242 : vector<16xf32>
      %add3A_248 = arith.constant 0 : i32
      %add3A_249 = arith.addi %mul3A_215, %add3A_248 : i32
      %get3A_250 = arith.index_cast %add3A_249 : i32 to index
      %get3A_251 = arith.constant 64 : index
      %get3A_252 = tpu.vector_load %arg5[%get3A_250, %get3A_251] {strides = array<i32>} : memref<128x128xf32, #tpu.memory_space<vmem>>, vector<16xf32>,
      %gt3A_253 = arith.cmpf ogt, %get3A_252, %max3A_247 : vector<16xf32>
      %jit3A_254 = arith.constant 4 : i32
      %broadcast_in_dim3A_255 = vector.broadcast %jit3A_254 : i32 to vector<16xi32>
      %select_n3A_256 = arith.select %gt3A_253, %broadcast_in_dim3A_255, %select_n3A_246 : vector<16xi1>, vector<16xi32>
      %max3A_257 = arith.maximumf %max3A_247, %get3A_252 : vector<16xf32>
      %add3A_258 = arith.constant 0 : i32
      %add3A_259 = arith.addi %mul3A_215, %add3A_258 : i32
      %get3A_260 = arith.index_cast %add3A_259 : i32 to index
      %get3A_261 = arith.constant 80 : index
      %get3A_262 = tpu.vector_load %arg5[%get3A_260, %get3A_261] {strides = array<i32>} : memref<128x128xf32, #tpu.memory_space<vmem>>, vector<16xf32>,
      %gt3A_263 = arith.cmpf ogt, %get3A_262, %max3A_257 : vector<16xf32>
      %jit3A_264 = arith.constant 5 : i32
      %broadcast_in_dim3A_265 = vector.broadcast %jit3A_264 : i32 to vector<16xi32>
      %select_n3A_266 = arith.select %gt3A_263, %broadcast_in_dim3A_265, %select_n3A_256 : vector<16xi1>, vector<16xi32>
      %max3A_267 = arith.maximumf %max3A_257, %get3A_262 : vector<16xf32>
      %add3A_268 = arith.constant 0 : i32
      %add3A_269 = arith.addi %mul3A_215, %add3A_268 : i32
      %get3A_270 = arith.index_cast %add3A_269 : i32 to index
      %get3A_271 = arith.constant 96 : index
      %get3A_272 = tpu.vector_load %arg5[%get3A_270, %get3A_271] {strides = array<i32>} : memref<128x128xf32, #tpu.memory_space<vmem>>, vector<16xf32>,
      %gt3A_273 = arith.cmpf ogt, %get3A_272, %max3A_267 : vector<16xf32>
      %jit3A_274 = arith.constant 6 : i32
      %broadcast_in_dim3A_275 = vector.broadcast %jit3A_274 : i32 to vector<16xi32>
      %select_n3A_276 = arith.select %gt3A_273, %broadcast_in_dim3A_275, %select_n3A_266 : vector<16xi1>, vector<16xi32>
      %max3A_277 = arith.maximumf %max3A_267, %get3A_272 : vector<16xf32>
      %add3A_278 = arith.constant 0 : i32
      %add3A_279 = arith.addi %mul3A_215, %add3A_278 : i32
      %get3A_280 = arith.index_cast %add3A_279 : i32 to index
      %get3A_281 = arith.constant 112 : index
      %get3A_282 = tpu.vector_load %arg5[%get3A_280, %get3A_281] {strides = array<i32>} : memref<128x128xf32, #tpu.memory_space<vmem>>, vector<16xf32>,
      %gt3A_283 = arith.cmpf ogt, %get3A_282, %max3A_277 : vector<16xf32>
      %jit3A_284 = arith.constant 7 : i32
      %broadcast_in_dim3A_285 = vector.broadcast %jit3A_284 : i32 to vector<16xi32>
      %select_n3A_286 = arith.select %gt3A_283, %broadcast_in_dim3A_285, %select_n3A_276 : vector<16xi1>, vector<16xi32>
      %max3A_287 = arith.maximumf %max3A_277, %get3A_282 : vector<16xf32>
      %reduce_max3A = arith.constant true
      %reduce_max3A_288 = vector.broadcast %reduce_max3A : i1 to vector<16xi1>
      %reduce_max3A_289 = tpu.scan <max>, %max3A_287 masked %reduce_max3A_288 : vector<16xf32>, vector<16xi1> -> vector<16xf32>
      %reduce_max3A_290 = vector.extract %reduce_max3A_289[15] : f32 from vector<16xf32>
      %eq3A = vector.broadcast %reduce_max3A_290 : f32 to vector<16xf32>
      %eq3A_291 = arith.cmpf oeq, %max3A_287, %eq3A : vector<16xf32>
      %mul3A_292 = arith.constant 16 : i32
      %mul3A_293 = vector.broadcast %mul3A_292 : i32 to vector<16xi32>
      %mul3A_294 = arith.muli %select_n3A_286, %mul3A_293 : vector<16xi32>
      %add3A_295 = arith.addi %mul3A_294, %iota3A : vector<16xi32>
      %jit3A_296 = arith.constant 128 : i32
      %broadcast_in_dim3A_297 = vector.broadcast %jit3A_296 : i32 to vector<16xi32>
      %select_n3A_298 = arith.select %eq3A_291, %add3A_295, %broadcast_in_dim3A_297 : vector<16xi1>, vector<16xi32>
      %reduce_min3A = arith.constant true
      %reduce_min3A_299 = vector.broadcast %reduce_min3A : i1 to vector<16xi1>
      %reduce_min3A_300 = arith.constant -2147483648 : i32
      %reduce_min3A_301 = vector.broadcast %reduce_min3A_300 : i32 to vector<16xi32>
      %reduce_min3A_302 = arith.xori %select_n3A_298, %reduce_min3A_301 : vector<16xi32>
      %reduce_min3A_303 = tpu.scan <min>, %reduce_min3A_302 masked %reduce_min3A_299 : vector<16xi32>, vector<16xi1> -> vector<16xi32>
      %reduce_min3A_304 = arith.xori %reduce_min3A_303, %reduce_min3A_301 : vector<16xi32>
      %reduce_min3A_305 = vector.extract %reduce_min3A_304[15] : i32 from vector<16xi32>
      %add3A_306 = arith.addi %mul3A_2, %mul3A_215 : i32
      %add3A_307 = arith.constant 0 : i32
      %add3A_308 = arith.addi %add3A_306, %add3A_307 : i32
      %mul3A_309 = arith.constant 128 : i32
      %mul3A_310 = arith.muli %add3A_308, %mul3A_309 : i32
      %add3A_311 = arith.addi %mul3A_310, %reduce_min3A_305 : i32
      %eq3A_312 = arith.constant 0 : i32
      %eq3A_313 = vector.broadcast %eq3A_312 : i32 to vector<16xi32>
      %eq3A_314 = arith.cmpi eq, %iota3A, %eq3A_313 : vector<16xi32>
      %broadcast_in_dim3A_315 = vector.broadcast %add3A_311 : i32 to vector<16xi32>
      %select_n3A_316 = arith.select %eq3A_314, %broadcast_in_dim3A_315, %broadcast_in_dim3A_213 : vector<16xi1>, vector<16xi32>
      %add3A_317 = arith.constant 1 : i32
      %add3A_318 = arith.addi %mul3A_215, %add3A_317 : i32
      %get3A_319 = arith.index_cast %add3A_318 : i32 to index
      %get3A_320 = arith.constant 0 : index
      %get3A_321 = tpu.vector_load %arg5[%get3A_319, %get3A_320] {strides = array<i32>} : memref<128x128xf32, #tpu.memory_space<vmem>>, vector<16xf32>,
      %broadcast_in_dim3A_322 = arith.constant 0 : i32
      %broadcast_in_dim3A_323 = vector.broadcast %broadcast_in_dim3A_322 : i32 to vector<16xi32>
      %add3A_324 = arith.constant 1 : i32
      %add3A_325 = arith.addi %mul3A_215, %add3A_324 : i32
      %get3A_326 = arith.index_cast %add3A_325 : i32 to index
      %get3A_327 = arith.constant 16 : index
      %get3A_328 = tpu.vector_load %arg5[%get3A_326, %get3A_327] {strides = array<i32>} : memref<128x128xf32, #tpu.memory_space<vmem>>, vector<16xf32>,
      %gt3A_329 = arith.cmpf ogt, %get3A_328, %get3A_321 : vector<16xf32>
      %jit3A_330 = arith.constant 1 : i32
      %broadcast_in_dim3A_331 = vector.broadcast %jit3A_330 : i32 to vector<16xi32>
      %select_n3A_332 = arith.select %gt3A_329, %broadcast_in_dim3A_331, %broadcast_in_dim3A_323 : vector<16xi1>, vector<16xi32>
      %max3A_333 = arith.maximumf %get3A_321, %get3A_328 : vector<16xf32>
      %add3A_334 = arith.constant 1 : i32
      %add3A_335 = arith.addi %mul3A_215, %add3A_334 : i32
      %get3A_336 = arith.index_cast %add3A_335 : i32 to index
      %get3A_337 = arith.constant 32 : index
      %get3A_338 = tpu.vector_load %arg5[%get3A_336, %get3A_337] {strides = array<i32>} : memref<128x128xf32, #tpu.memory_space<vmem>>, vector<16xf32>,
      %gt3A_339 = arith.cmpf ogt, %get3A_338, %max3A_333 : vector<16xf32>
      %jit3A_340 = arith.constant 2 : i32
      %broadcast_in_dim3A_341 = vector.broadcast %jit3A_340 : i32 to vector<16xi32>
      %select_n3A_342 = arith.select %gt3A_339, %broadcast_in_dim3A_341, %select_n3A_332 : vector<16xi1>, vector<16xi32>
      %max3A_343 = arith.maximumf %max3A_333, %get3A_338 : vector<16xf32>
      %add3A_344 = arith.constant 1 : i32
      %add3A_345 = arith.addi %mul3A_215, %add3A_344 : i32
      %get3A_346 = arith.index_cast %add3A_345 : i32 to index
      %get3A_347 = arith.constant 48 : index
      %get3A_348 = tpu.vector_load %arg5[%get3A_346, %get3A_347] {strides = array<i32>} : memref<128x128xf32, #tpu.memory_space<vmem>>, vector<16xf32>,
      %gt3A_349 = arith.cmpf ogt, %get3A_348, %max3A_343 : vector<16xf32>
      %jit3A_350 = arith.constant 3 : i32
      %broadcast_in_dim3A_351 = vector.broadcast %jit3A_350 : i32 to vector<16xi32>
      %select_n3A_352 = arith.select %gt3A_349, %broadcast_in_dim3A_351, %select_n3A_342 : vector<16xi1>, vector<16xi32>
      %max3A_353 = arith.maximumf %max3A_343, %get3A_348 : vector<16xf32>
      %add3A_354 = arith.constant 1 : i32
      %add3A_355 = arith.addi %mul3A_215, %add3A_354 : i32
      %get3A_356 = arith.index_cast %add3A_355 : i32 to index
      %get3A_357 = arith.constant 64 : index
      %get3A_358 = tpu.vector_load %arg5[%get3A_356, %get3A_357] {strides = array<i32>} : memref<128x128xf32, #tpu.memory_space<vmem>>, vector<16xf32>,
      %gt3A_359 = arith.cmpf ogt, %get3A_358, %max3A_353 : vector<16xf32>
      %jit3A_360 = arith.constant 4 : i32
      %broadcast_in_dim3A_361 = vector.broadcast %jit3A_360 : i32 to vector<16xi32>
      %select_n3A_362 = arith.select %gt3A_359, %broadcast_in_dim3A_361, %select_n3A_352 : vector<16xi1>, vector<16xi32>
      %max3A_363 = arith.maximumf %max3A_353, %get3A_358 : vector<16xf32>
      %add3A_364 = arith.constant 1 : i32
      %add3A_365 = arith.addi %mul3A_215, %add3A_364 : i32
      %get3A_366 = arith.index_cast %add3A_365 : i32 to index
      %get3A_367 = arith.constant 80 : index
      %get3A_368 = tpu.vector_load %arg5[%get3A_366, %get3A_367] {strides = array<i32>} : memref<128x128xf32, #tpu.memory_space<vmem>>, vector<16xf32>,
      %gt3A_369 = arith.cmpf ogt, %get3A_368, %max3A_363 : vector<16xf32>
      %jit3A_370 = arith.constant 5 : i32
      %broadcast_in_dim3A_371 = vector.broadcast %jit3A_370 : i32 to vector<16xi32>
      %select_n3A_372 = arith.select %gt3A_369, %broadcast_in_dim3A_371, %select_n3A_362 : vector<16xi1>, vector<16xi32>
      %max3A_373 = arith.maximumf %max3A_363, %get3A_368 : vector<16xf32>
      %add3A_374 = arith.constant 1 : i32
      %add3A_375 = arith.addi %mul3A_215, %add3A_374 : i32
      %get3A_376 = arith.index_cast %add3A_375 : i32 to index
      %get3A_377 = arith.constant 96 : index
      %get3A_378 = tpu.vector_load %arg5[%get3A_376, %get3A_377] {strides = array<i32>} : memref<128x128xf32, #tpu.memory_space<vmem>>, vector<16xf32>,
      %gt3A_379 = arith.cmpf ogt, %get3A_378, %max3A_373 : vector<16xf32>
      %jit3A_380 = arith.constant 6 : i32
      %broadcast_in_dim3A_381 = vector.broadcast %jit3A_380 : i32 to vector<16xi32>
      %select_n3A_382 = arith.select %gt3A_379, %broadcast_in_dim3A_381, %select_n3A_372 : vector<16xi1>, vector<16xi32>
      %max3A_383 = arith.maximumf %max3A_373, %get3A_378 : vector<16xf32>
      %add3A_384 = arith.constant 1 : i32
      %add3A_385 = arith.addi %mul3A_215, %add3A_384 : i32
      %get3A_386 = arith.index_cast %add3A_385 : i32 to index
      %get3A_387 = arith.constant 112 : index
      %get3A_388 = tpu.vector_load %arg5[%get3A_386, %get3A_387] {strides = array<i32>} : memref<128x128xf32, #tpu.memory_space<vmem>>, vector<16xf32>,
      %gt3A_389 = arith.cmpf ogt, %get3A_388, %max3A_383 : vector<16xf32>
      %jit3A_390 = arith.constant 7 : i32
      %broadcast_in_dim3A_391 = vector.broadcast %jit3A_390 : i32 to vector<16xi32>
      %select_n3A_392 = arith.select %gt3A_389, %broadcast_in_dim3A_391, %select_n3A_382 : vector<16xi1>, vector<16xi32>
      %max3A_393 = arith.maximumf %max3A_383, %get3A_388 : vector<16xf32>
      %reduce_max3A_394 = arith.constant true
      %reduce_max3A_395 = vector.broadcast %reduce_max3A_394 : i1 to vector<16xi1>
      %reduce_max3A_396 = tpu.scan <max>, %max3A_393 masked %reduce_max3A_395 : vector<16xf32>, vector<16xi1> -> vector<16xf32>
      %reduce_max3A_397 = vector.extract %reduce_max3A_396[15] : f32 from vector<16xf32>
      %eq3A_398 = vector.broadcast %reduce_max3A_397 : f32 to vector<16xf32>
      %eq3A_399 = arith.cmpf oeq, %max3A_393, %eq3A_398 : vector<16xf32>
      %mul3A_400 = arith.constant 16 : i32
      %mul3A_401 = vector.broadcast %mul3A_400 : i32 to vector<16xi32>
      %mul3A_402 = arith.muli %select_n3A_392, %mul3A_401 : vector<16xi32>
      %add3A_403 = arith.addi %mul3A_402, %iota3A : vector<16xi32>
      %jit3A_404 = arith.constant 128 : i32
      %broadcast_in_dim3A_405 = vector.broadcast %jit3A_404 : i32 to vector<16xi32>
      %select_n3A_406 = arith.select %eq3A_399, %add3A_403, %broadcast_in_dim3A_405 : vector<16xi1>, vector<16xi32>
      %reduce_min3A_407 = arith.constant true
      %reduce_min3A_408 = vector.broadcast %reduce_min3A_407 : i1 to vector<16xi1>
      %reduce_min3A_409 = arith.constant -2147483648 : i32
      %reduce_min3A_410 = vector.broadcast %reduce_min3A_409 : i32 to vector<16xi32>
      %reduce_min3A_411 = arith.xori %select_n3A_406, %reduce_min3A_410 : vector<16xi32>
      %reduce_min3A_412 = tpu.scan <min>, %reduce_min3A_411 masked %reduce_min3A_408 : vector<16xi32>, vector<16xi1> -> vector<16xi32>
      %reduce_min3A_413 = arith.xori %reduce_min3A_412, %reduce_min3A_410 : vector<16xi32>
      %reduce_min3A_414 = vector.extract %reduce_min3A_413[15] : i32 from vector<16xi32>
      %add3A_415 = arith.addi %mul3A_2, %mul3A_215 : i32
      %add3A_416 = arith.constant 1 : i32
      %add3A_417 = arith.addi %add3A_415, %add3A_416 : i32
      %mul3A_418 = arith.constant 128 : i32
      %mul3A_419 = arith.muli %add3A_417, %mul3A_418 : i32
      %add3A_420 = arith.addi %mul3A_419, %reduce_min3A_414 : i32
      %eq3A_421 = arith.constant 1 : i32
      %eq3A_422 = vector.broadcast %eq3A_421 : i32 to vector<16xi32>
      %eq3A_423 = arith.cmpi eq, %iota3A, %eq3A_422 : vector<16xi32>
      %broadcast_in_dim3A_424 = vector.broadcast %add3A_420 : i32 to vector<16xi32>
      %select_n3A_425 = arith.select %eq3A_423, %broadcast_in_dim3A_424, %select_n3A_316 : vector<16xi1>, vector<16xi32>
      %add3A_426 = arith.constant 2 : i32
      %add3A_427 = arith.addi %mul3A_215, %add3A_426 : i32
      %get3A_428 = arith.index_cast %add3A_427 : i32 to index
      %get3A_429 = arith.constant 0 : index
      %get3A_430 = tpu.vector_load %arg5[%get3A_428, %get3A_429] {strides = array<i32>} : memref<128x128xf32, #tpu.memory_space<vmem>>, vector<16xf32>,
      %broadcast_in_dim3A_431 = arith.constant 0 : i32
      %broadcast_in_dim3A_432 = vector.broadcast %broadcast_in_dim3A_431 : i32 to vector<16xi32>
      %add3A_433 = arith.constant 2 : i32
      %add3A_434 = arith.addi %mul3A_215, %add3A_433 : i32
      %get3A_435 = arith.index_cast %add3A_434 : i32 to index
      %get3A_436 = arith.constant 16 : index
      %get3A_437 = tpu.vector_load %arg5[%get3A_435, %get3A_436] {strides = array<i32>} : memref<128x128xf32, #tpu.memory_space<vmem>>, vector<16xf32>,
      %gt3A_438 = arith.cmpf ogt, %get3A_437, %get3A_430 : vector<16xf32>
      %jit3A_439 = arith.constant 1 : i32
      %broadcast_in_dim3A_440 = vector.broadcast %jit3A_439 : i32 to vector<16xi32>
      %select_n3A_441 = arith.select %gt3A_438, %broadcast_in_dim3A_440, %broadcast_in_dim3A_432 : vector<16xi1>, vector<16xi32>
      %max3A_442 = arith.maximumf %get3A_430, %get3A_437 : vector<16xf32>
      %add3A_443 = arith.constant 2 : i32
      %add3A_444 = arith.addi %mul3A_215, %add3A_443 : i32
      %get3A_445 = arith.index_cast %add3A_444 : i32 to index
      %get3A_446 = arith.constant 32 : index
      %get3A_447 = tpu.vector_load %arg5[%get3A_445, %get3A_446] {strides = array<i32>} : memref<128x128xf32, #tpu.memory_space<vmem>>, vector<16xf32>,
      %gt3A_448 = arith.cmpf ogt, %get3A_447, %max3A_442 : vector<16xf32>
      %jit3A_449 = arith.constant 2 : i32
      %broadcast_in_dim3A_450 = vector.broadcast %jit3A_449 : i32 to vector<16xi32>
      %select_n3A_451 = arith.select %gt3A_448, %broadcast_in_dim3A_450, %select_n3A_441 : vector<16xi1>, vector<16xi32>
      %max3A_452 = arith.maximumf %max3A_442, %get3A_447 : vector<16xf32>
      %add3A_453 = arith.constant 2 : i32
      %add3A_454 = arith.addi %mul3A_215, %add3A_453 : i32
      %get3A_455 = arith.index_cast %add3A_454 : i32 to index
      %get3A_456 = arith.constant 48 : index
      %get3A_457 = tpu.vector_load %arg5[%get3A_455, %get3A_456] {strides = array<i32>} : memref<128x128xf32, #tpu.memory_space<vmem>>, vector<16xf32>,
      %gt3A_458 = arith.cmpf ogt, %get3A_457, %max3A_452 : vector<16xf32>
      %jit3A_459 = arith.constant 3 : i32
      %broadcast_in_dim3A_460 = vector.broadcast %jit3A_459 : i32 to vector<16xi32>
      %select_n3A_461 = arith.select %gt3A_458, %broadcast_in_dim3A_460, %select_n3A_451 : vector<16xi1>, vector<16xi32>
      %max3A_462 = arith.maximumf %max3A_452, %get3A_457 : vector<16xf32>
      %add3A_463 = arith.constant 2 : i32
      %add3A_464 = arith.addi %mul3A_215, %add3A_463 : i32
      %get3A_465 = arith.index_cast %add3A_464 : i32 to index
      %get3A_466 = arith.constant 64 : index
      %get3A_467 = tpu.vector_load %arg5[%get3A_465, %get3A_466] {strides = array<i32>} : memref<128x128xf32, #tpu.memory_space<vmem>>, vector<16xf32>,
      %gt3A_468 = arith.cmpf ogt, %get3A_467, %max3A_462 : vector<16xf32>
      %jit3A_469 = arith.constant 4 : i32
      %broadcast_in_dim3A_470 = vector.broadcast %jit3A_469 : i32 to vector<16xi32>
      %select_n3A_471 = arith.select %gt3A_468, %broadcast_in_dim3A_470, %select_n3A_461 : vector<16xi1>, vector<16xi32>
      %max3A_472 = arith.maximumf %max3A_462, %get3A_467 : vector<16xf32>
      %add3A_473 = arith.constant 2 : i32
      %add3A_474 = arith.addi %mul3A_215, %add3A_473 : i32
      %get3A_475 = arith.index_cast %add3A_474 : i32 to index
      %get3A_476 = arith.constant 80 : index
      %get3A_477 = tpu.vector_load %arg5[%get3A_475, %get3A_476] {strides = array<i32>} : memref<128x128xf32, #tpu.memory_space<vmem>>, vector<16xf32>,
      %gt3A_478 = arith.cmpf ogt, %get3A_477, %max3A_472 : vector<16xf32>
      %jit3A_479 = arith.constant 5 : i32
      %broadcast_in_dim3A_480 = vector.broadcast %jit3A_479 : i32 to vector<16xi32>
      %select_n3A_481 = arith.select %gt3A_478, %broadcast_in_dim3A_480, %select_n3A_471 : vector<16xi1>, vector<16xi32>
      %max3A_482 = arith.maximumf %max3A_472, %get3A_477 : vector<16xf32>
      %add3A_483 = arith.constant 2 : i32
      %add3A_484 = arith.addi %mul3A_215, %add3A_483 : i32
      %get3A_485 = arith.index_cast %add3A_484 : i32 to index
      %get3A_486 = arith.constant 96 : index
      %get3A_487 = tpu.vector_load %arg5[%get3A_485, %get3A_486] {strides = array<i32>} : memref<128x128xf32, #tpu.memory_space<vmem>>, vector<16xf32>,
      %gt3A_488 = arith.cmpf ogt, %get3A_487, %max3A_482 : vector<16xf32>
      %jit3A_489 = arith.constant 6 : i32
      %broadcast_in_dim3A_490 = vector.broadcast %jit3A_489 : i32 to vector<16xi32>
      %select_n3A_491 = arith.select %gt3A_488, %broadcast_in_dim3A_490, %select_n3A_481 : vector<16xi1>, vector<16xi32>
      %max3A_492 = arith.maximumf %max3A_482, %get3A_487 : vector<16xf32>
      %add3A_493 = arith.constant 2 : i32
      %add3A_494 = arith.addi %mul3A_215, %add3A_493 : i32
      %get3A_495 = arith.index_cast %add3A_494 : i32 to index
      %get3A_496 = arith.constant 112 : index
      %get3A_497 = tpu.vector_load %arg5[%get3A_495, %get3A_496] {strides = array<i32>} : memref<128x128xf32, #tpu.memory_space<vmem>>, vector<16xf32>,
      %gt3A_498 = arith.cmpf ogt, %get3A_497, %max3A_492 : vector<16xf32>
      %jit3A_499 = arith.constant 7 : i32
      %broadcast_in_dim3A_500 = vector.broadcast %jit3A_499 : i32 to vector<16xi32>
      %select_n3A_501 = arith.select %gt3A_498, %broadcast_in_dim3A_500, %select_n3A_491 : vector<16xi1>, vector<16xi32>
      %max3A_502 = arith.maximumf %max3A_492, %get3A_497 : vector<16xf32>
      %reduce_max3A_503 = arith.constant true
      %reduce_max3A_504 = vector.broadcast %reduce_max3A_503 : i1 to vector<16xi1>
      %reduce_max3A_505 = tpu.scan <max>, %max3A_502 masked %reduce_max3A_504 : vector<16xf32>, vector<16xi1> -> vector<16xf32>
      %reduce_max3A_506 = vector.extract %reduce_max3A_505[15] : f32 from vector<16xf32>
      %eq3A_507 = vector.broadcast %reduce_max3A_506 : f32 to vector<16xf32>
      %eq3A_508 = arith.cmpf oeq, %max3A_502, %eq3A_507 : vector<16xf32>
      %mul3A_509 = arith.constant 16 : i32
      %mul3A_510 = vector.broadcast %mul3A_509 : i32 to vector<16xi32>
      %mul3A_511 = arith.muli %select_n3A_501, %mul3A_510 : vector<16xi32>
      %add3A_512 = arith.addi %mul3A_511, %iota3A : vector<16xi32>
      %jit3A_513 = arith.constant 128 : i32
      %broadcast_in_dim3A_514 = vector.broadcast %jit3A_513 : i32 to vector<16xi32>
      %select_n3A_515 = arith.select %eq3A_508, %add3A_512, %broadcast_in_dim3A_514 : vector<16xi1>, vector<16xi32>
      %reduce_min3A_516 = arith.constant true
      %reduce_min3A_517 = vector.broadcast %reduce_min3A_516 : i1 to vector<16xi1>
      %reduce_min3A_518 = arith.constant -2147483648 : i32
      %reduce_min3A_519 = vector.broadcast %reduce_min3A_518 : i32 to vector<16xi32>
      %reduce_min3A_520 = arith.xori %select_n3A_515, %reduce_min3A_519 : vector<16xi32>
      %reduce_min3A_521 = tpu.scan <min>, %reduce_min3A_520 masked %reduce_min3A_517 : vector<16xi32>, vector<16xi1> -> vector<16xi32>
      %reduce_min3A_522 = arith.xori %reduce_min3A_521, %reduce_min3A_519 : vector<16xi32>
      %reduce_min3A_523 = vector.extract %reduce_min3A_522[15] : i32 from vector<16xi32>
      %add3A_524 = arith.addi %mul3A_2, %mul3A_215 : i32
      %add3A_525 = arith.constant 2 : i32
      %add3A_526 = arith.addi %add3A_524, %add3A_525 : i32
      %mul3A_527 = arith.constant 128 : i32
      %mul3A_528 = arith.muli %add3A_526, %mul3A_527 : i32
      %add3A_529 = arith.addi %mul3A_528, %reduce_min3A_523 : i32
      %eq3A_530 = arith.constant 2 : i32
      %eq3A_531 = vector.broadcast %eq3A_530 : i32 to vector<16xi32>
      %eq3A_532 = arith.cmpi eq, %iota3A, %eq3A_531 : vector<16xi32>
      %broadcast_in_dim3A_533 = vector.broadcast %add3A_529 : i32 to vector<16xi32>
      %select_n3A_534 = arith.select %eq3A_532, %broadcast_in_dim3A_533, %select_n3A_425 : vector<16xi1>, vector<16xi32>
      %add3A_535 = arith.constant 3 : i32
      %add3A_536 = arith.addi %mul3A_215, %add3A_535 : i32
      %get3A_537 = arith.index_cast %add3A_536 : i32 to index
      %get3A_538 = arith.constant 0 : index
      %get3A_539 = tpu.vector_load %arg5[%get3A_537, %get3A_538] {strides = array<i32>} : memref<128x128xf32, #tpu.memory_space<vmem>>, vector<16xf32>,
      %broadcast_in_dim3A_540 = arith.constant 0 : i32
      %broadcast_in_dim3A_541 = vector.broadcast %broadcast_in_dim3A_540 : i32 to vector<16xi32>
      %add3A_542 = arith.constant 3 : i32
      %add3A_543 = arith.addi %mul3A_215, %add3A_542 : i32
      %get3A_544 = arith.index_cast %add3A_543 : i32 to index
      %get3A_545 = arith.constant 16 : index
      %get3A_546 = tpu.vector_load %arg5[%get3A_544, %get3A_545] {strides = array<i32>} : memref<128x128xf32, #tpu.memory_space<vmem>>, vector<16xf32>,
      %gt3A_547 = arith.cmpf ogt, %get3A_546, %get3A_539 : vector<16xf32>
      %jit3A_548 = arith.constant 1 : i32
      %broadcast_in_dim3A_549 = vector.broadcast %jit3A_548 : i32 to vector<16xi32>
      %select_n3A_550 = arith.select %gt3A_547, %broadcast_in_dim3A_549, %broadcast_in_dim3A_541 : vector<16xi1>, vector<16xi32>
      %max3A_551 = arith.maximumf %get3A_539, %get3A_546 : vector<16xf32>
      %add3A_552 = arith.constant 3 : i32
      %add3A_553 = arith.addi %mul3A_215, %add3A_552 : i32
      %get3A_554 = arith.index_cast %add3A_553 : i32 to index
      %get3A_555 = arith.constant 32 : index
      %get3A_556 = tpu.vector_load %arg5[%get3A_554, %get3A_555] {strides = array<i32>} : memref<128x128xf32, #tpu.memory_space<vmem>>, vector<16xf32>,
      %gt3A_557 = arith.cmpf ogt, %get3A_556, %max3A_551 : vector<16xf32>
      %jit3A_558 = arith.constant 2 : i32
      %broadcast_in_dim3A_559 = vector.broadcast %jit3A_558 : i32 to vector<16xi32>
      %select_n3A_560 = arith.select %gt3A_557, %broadcast_in_dim3A_559, %select_n3A_550 : vector<16xi1>, vector<16xi32>
      %max3A_561 = arith.maximumf %max3A_551, %get3A_556 : vector<16xf32>
      %add3A_562 = arith.constant 3 : i32
      %add3A_563 = arith.addi %mul3A_215, %add3A_562 : i32
      %get3A_564 = arith.index_cast %add3A_563 : i32 to index
      %get3A_565 = arith.constant 48 : index
      %get3A_566 = tpu.vector_load %arg5[%get3A_564, %get3A_565] {strides = array<i32>} : memref<128x128xf32, #tpu.memory_space<vmem>>, vector<16xf32>,
      %gt3A_567 = arith.cmpf ogt, %get3A_566, %max3A_561 : vector<16xf32>
      %jit3A_568 = arith.constant 3 : i32
      %broadcast_in_dim3A_569 = vector.broadcast %jit3A_568 : i32 to vector<16xi32>
      %select_n3A_570 = arith.select %gt3A_567, %broadcast_in_dim3A_569, %select_n3A_560 : vector<16xi1>, vector<16xi32>
      %max3A_571 = arith.maximumf %max3A_561, %get3A_566 : vector<16xf32>
      %add3A_572 = arith.constant 3 : i32
      %add3A_573 = arith.addi %mul3A_215, %add3A_572 : i32
      %get3A_574 = arith.index_cast %add3A_573 : i32 to index
      %get3A_575 = arith.constant 64 : index
      %get3A_576 = tpu.vector_load %arg5[%get3A_574, %get3A_575] {strides = array<i32>} : memref<128x128xf32, #tpu.memory_space<vmem>>, vector<16xf32>,
      %gt3A_577 = arith.cmpf ogt, %get3A_576, %max3A_571 : vector<16xf32>
      %jit3A_578 = arith.constant 4 : i32
      %broadcast_in_dim3A_579 = vector.broadcast %jit3A_578 : i32 to vector<16xi32>
      %select_n3A_580 = arith.select %gt3A_577, %broadcast_in_dim3A_579, %select_n3A_570 : vector<16xi1>, vector<16xi32>
      %max3A_581 = arith.maximumf %max3A_571, %get3A_576 : vector<16xf32>
      %add3A_582 = arith.constant 3 : i32
      %add3A_583 = arith.addi %mul3A_215, %add3A_582 : i32
      %get3A_584 = arith.index_cast %add3A_583 : i32 to index
      %get3A_585 = arith.constant 80 : index
      %get3A_586 = tpu.vector_load %arg5[%get3A_584, %get3A_585] {strides = array<i32>} : memref<128x128xf32, #tpu.memory_space<vmem>>, vector<16xf32>,
      %gt3A_587 = arith.cmpf ogt, %get3A_586, %max3A_581 : vector<16xf32>
      %jit3A_588 = arith.constant 5 : i32
      %broadcast_in_dim3A_589 = vector.broadcast %jit3A_588 : i32 to vector<16xi32>
      %select_n3A_590 = arith.select %gt3A_587, %broadcast_in_dim3A_589, %select_n3A_580 : vector<16xi1>, vector<16xi32>
      %max3A_591 = arith.maximumf %max3A_581, %get3A_586 : vector<16xf32>
      %add3A_592 = arith.constant 3 : i32
      %add3A_593 = arith.addi %mul3A_215, %add3A_592 : i32
      %get3A_594 = arith.index_cast %add3A_593 : i32 to index
      %get3A_595 = arith.constant 96 : index
      %get3A_596 = tpu.vector_load %arg5[%get3A_594, %get3A_595] {strides = array<i32>} : memref<128x128xf32, #tpu.memory_space<vmem>>, vector<16xf32>,
      %gt3A_597 = arith.cmpf ogt, %get3A_596, %max3A_591 : vector<16xf32>
      %jit3A_598 = arith.constant 6 : i32
      %broadcast_in_dim3A_599 = vector.broadcast %jit3A_598 : i32 to vector<16xi32>
      %select_n3A_600 = arith.select %gt3A_597, %broadcast_in_dim3A_599, %select_n3A_590 : vector<16xi1>, vector<16xi32>
      %max3A_601 = arith.maximumf %max3A_591, %get3A_596 : vector<16xf32>
      %add3A_602 = arith.constant 3 : i32
      %add3A_603 = arith.addi %mul3A_215, %add3A_602 : i32
      %get3A_604 = arith.index_cast %add3A_603 : i32 to index
      %get3A_605 = arith.constant 112 : index
      %get3A_606 = tpu.vector_load %arg5[%get3A_604, %get3A_605] {strides = array<i32>} : memref<128x128xf32, #tpu.memory_space<vmem>>, vector<16xf32>,
      %gt3A_607 = arith.cmpf ogt, %get3A_606, %max3A_601 : vector<16xf32>
      %jit3A_608 = arith.constant 7 : i32
      %broadcast_in_dim3A_609 = vector.broadcast %jit3A_608 : i32 to vector<16xi32>
      %select_n3A_610 = arith.select %gt3A_607, %broadcast_in_dim3A_609, %select_n3A_600 : vector<16xi1>, vector<16xi32>
      %max3A_611 = arith.maximumf %max3A_601, %get3A_606 : vector<16xf32>
      %reduce_max3A_612 = arith.constant true
      %reduce_max3A_613 = vector.broadcast %reduce_max3A_612 : i1 to vector<16xi1>
      %reduce_max3A_614 = tpu.scan <max>, %max3A_611 masked %reduce_max3A_613 : vector<16xf32>, vector<16xi1> -> vector<16xf32>
      %reduce_max3A_615 = vector.extract %reduce_max3A_614[15] : f32 from vector<16xf32>
      %eq3A_616 = vector.broadcast %reduce_max3A_615 : f32 to vector<16xf32>
      %eq3A_617 = arith.cmpf oeq, %max3A_611, %eq3A_616 : vector<16xf32>
      %mul3A_618 = arith.constant 16 : i32
      %mul3A_619 = vector.broadcast %mul3A_618 : i32 to vector<16xi32>
      %mul3A_620 = arith.muli %select_n3A_610, %mul3A_619 : vector<16xi32>
      %add3A_621 = arith.addi %mul3A_620, %iota3A : vector<16xi32>
      %jit3A_622 = arith.constant 128 : i32
      %broadcast_in_dim3A_623 = vector.broadcast %jit3A_622 : i32 to vector<16xi32>
      %select_n3A_624 = arith.select %eq3A_617, %add3A_621, %broadcast_in_dim3A_623 : vector<16xi1>, vector<16xi32>
      %reduce_min3A_625 = arith.constant true
      %reduce_min3A_626 = vector.broadcast %reduce_min3A_625 : i1 to vector<16xi1>
      %reduce_min3A_627 = arith.constant -2147483648 : i32
      %reduce_min3A_628 = vector.broadcast %reduce_min3A_627 : i32 to vector<16xi32>
      %reduce_min3A_629 = arith.xori %select_n3A_624, %reduce_min3A_628 : vector<16xi32>
      %reduce_min3A_630 = tpu.scan <min>, %reduce_min3A_629 masked %reduce_min3A_626 : vector<16xi32>, vector<16xi1> -> vector<16xi32>
      %reduce_min3A_631 = arith.xori %reduce_min3A_630, %reduce_min3A_628 : vector<16xi32>
      %reduce_min3A_632 = vector.extract %reduce_min3A_631[15] : i32 from vector<16xi32>
      %add3A_633 = arith.addi %mul3A_2, %mul3A_215 : i32
      %add3A_634 = arith.constant 3 : i32
      %add3A_635 = arith.addi %add3A_633, %add3A_634 : i32
      %mul3A_636 = arith.constant 128 : i32
      %mul3A_637 = arith.muli %add3A_635, %mul3A_636 : i32
      %add3A_638 = arith.addi %mul3A_637, %reduce_min3A_632 : i32
      %eq3A_639 = arith.constant 3 : i32
      %eq3A_640 = vector.broadcast %eq3A_639 : i32 to vector<16xi32>
      %eq3A_641 = arith.cmpi eq, %iota3A, %eq3A_640 : vector<16xi32>
      %broadcast_in_dim3A_642 = vector.broadcast %add3A_638 : i32 to vector<16xi32>
      %select_n3A_643 = arith.select %eq3A_641, %broadcast_in_dim3A_642, %select_n3A_534 : vector<16xi1>, vector<16xi32>
      %add3A_644 = arith.constant 4 : i32
      %add3A_645 = arith.addi %mul3A_215, %add3A_644 : i32
      %get3A_646 = arith.index_cast %add3A_645 : i32 to index
      %get3A_647 = arith.constant 0 : index
      %get3A_648 = tpu.vector_load %arg5[%get3A_646, %get3A_647] {strides = array<i32>} : memref<128x128xf32, #tpu.memory_space<vmem>>, vector<16xf32>,
      %broadcast_in_dim3A_649 = arith.constant 0 : i32
      %broadcast_in_dim3A_650 = vector.broadcast %broadcast_in_dim3A_649 : i32 to vector<16xi32>
      %add3A_651 = arith.constant 4 : i32
      %add3A_652 = arith.addi %mul3A_215, %add3A_651 : i32
      %get3A_653 = arith.index_cast %add3A_652 : i32 to index
      %get3A_654 = arith.constant 16 : index
      %get3A_655 = tpu.vector_load %arg5[%get3A_653, %get3A_654] {strides = array<i32>} : memref<128x128xf32, #tpu.memory_space<vmem>>, vector<16xf32>,
      %gt3A_656 = arith.cmpf ogt, %get3A_655, %get3A_648 : vector<16xf32>
      %jit3A_657 = arith.constant 1 : i32
      %broadcast_in_dim3A_658 = vector.broadcast %jit3A_657 : i32 to vector<16xi32>
      %select_n3A_659 = arith.select %gt3A_656, %broadcast_in_dim3A_658, %broadcast_in_dim3A_650 : vector<16xi1>, vector<16xi32>
      %max3A_660 = arith.maximumf %get3A_648, %get3A_655 : vector<16xf32>
      %add3A_661 = arith.constant 4 : i32
      %add3A_662 = arith.addi %mul3A_215, %add3A_661 : i32
      %get3A_663 = arith.index_cast %add3A_662 : i32 to index
      %get3A_664 = arith.constant 32 : index
      %get3A_665 = tpu.vector_load %arg5[%get3A_663, %get3A_664] {strides = array<i32>} : memref<128x128xf32, #tpu.memory_space<vmem>>, vector<16xf32>,
      %gt3A_666 = arith.cmpf ogt, %get3A_665, %max3A_660 : vector<16xf32>
      %jit3A_667 = arith.constant 2 : i32
      %broadcast_in_dim3A_668 = vector.broadcast %jit3A_667 : i32 to vector<16xi32>
      %select_n3A_669 = arith.select %gt3A_666, %broadcast_in_dim3A_668, %select_n3A_659 : vector<16xi1>, vector<16xi32>
      %max3A_670 = arith.maximumf %max3A_660, %get3A_665 : vector<16xf32>
      %add3A_671 = arith.constant 4 : i32
      %add3A_672 = arith.addi %mul3A_215, %add3A_671 : i32
      %get3A_673 = arith.index_cast %add3A_672 : i32 to index
      %get3A_674 = arith.constant 48 : index
      %get3A_675 = tpu.vector_load %arg5[%get3A_673, %get3A_674] {strides = array<i32>} : memref<128x128xf32, #tpu.memory_space<vmem>>, vector<16xf32>,
      %gt3A_676 = arith.cmpf ogt, %get3A_675, %max3A_670 : vector<16xf32>
      %jit3A_677 = arith.constant 3 : i32
      %broadcast_in_dim3A_678 = vector.broadcast %jit3A_677 : i32 to vector<16xi32>
      %select_n3A_679 = arith.select %gt3A_676, %broadcast_in_dim3A_678, %select_n3A_669 : vector<16xi1>, vector<16xi32>
      %max3A_680 = arith.maximumf %max3A_670, %get3A_675 : vector<16xf32>
      %add3A_681 = arith.constant 4 : i32
      %add3A_682 = arith.addi %mul3A_215, %add3A_681 : i32
      %get3A_683 = arith.index_cast %add3A_682 : i32 to index
      %get3A_684 = arith.constant 64 : index
      %get3A_685 = tpu.vector_load %arg5[%get3A_683, %get3A_684] {strides = array<i32>} : memref<128x128xf32, #tpu.memory_space<vmem>>, vector<16xf32>,
      %gt3A_686 = arith.cmpf ogt, %get3A_685, %max3A_680 : vector<16xf32>
      %jit3A_687 = arith.constant 4 : i32
      %broadcast_in_dim3A_688 = vector.broadcast %jit3A_687 : i32 to vector<16xi32>
      %select_n3A_689 = arith.select %gt3A_686, %broadcast_in_dim3A_688, %select_n3A_679 : vector<16xi1>, vector<16xi32>
      %max3A_690 = arith.maximumf %max3A_680, %get3A_685 : vector<16xf32>
      %add3A_691 = arith.constant 4 : i32
      %add3A_692 = arith.addi %mul3A_215, %add3A_691 : i32
      %get3A_693 = arith.index_cast %add3A_692 : i32 to index
      %get3A_694 = arith.constant 80 : index
      %get3A_695 = tpu.vector_load %arg5[%get3A_693, %get3A_694] {strides = array<i32>} : memref<128x128xf32, #tpu.memory_space<vmem>>, vector<16xf32>,
      %gt3A_696 = arith.cmpf ogt, %get3A_695, %max3A_690 : vector<16xf32>
      %jit3A_697 = arith.constant 5 : i32
      %broadcast_in_dim3A_698 = vector.broadcast %jit3A_697 : i32 to vector<16xi32>
      %select_n3A_699 = arith.select %gt3A_696, %broadcast_in_dim3A_698, %select_n3A_689 : vector<16xi1>, vector<16xi32>
      %max3A_700 = arith.maximumf %max3A_690, %get3A_695 : vector<16xf32>
      %add3A_701 = arith.constant 4 : i32
      %add3A_702 = arith.addi %mul3A_215, %add3A_701 : i32
      %get3A_703 = arith.index_cast %add3A_702 : i32 to index
      %get3A_704 = arith.constant 96 : index
      %get3A_705 = tpu.vector_load %arg5[%get3A_703, %get3A_704] {strides = array<i32>} : memref<128x128xf32, #tpu.memory_space<vmem>>, vector<16xf32>,
      %gt3A_706 = arith.cmpf ogt, %get3A_705, %max3A_700 : vector<16xf32>
      %jit3A_707 = arith.constant 6 : i32
      %broadcast_in_dim3A_708 = vector.broadcast %jit3A_707 : i32 to vector<16xi32>
      %select_n3A_709 = arith.select %gt3A_706, %broadcast_in_dim3A_708, %select_n3A_699 : vector<16xi1>, vector<16xi32>
      %max3A_710 = arith.maximumf %max3A_700, %get3A_705 : vector<16xf32>
      %add3A_711 = arith.constant 4 : i32
      %add3A_712 = arith.addi %mul3A_215, %add3A_711 : i32
      %get3A_713 = arith.index_cast %add3A_712 : i32 to index
      %get3A_714 = arith.constant 112 : index
      %get3A_715 = tpu.vector_load %arg5[%get3A_713, %get3A_714] {strides = array<i32>} : memref<128x128xf32, #tpu.memory_space<vmem>>, vector<16xf32>,
      %gt3A_716 = arith.cmpf ogt, %get3A_715, %max3A_710 : vector<16xf32>
      %jit3A_717 = arith.constant 7 : i32
      %broadcast_in_dim3A_718 = vector.broadcast %jit3A_717 : i32 to vector<16xi32>
      %select_n3A_719 = arith.select %gt3A_716, %broadcast_in_dim3A_718, %select_n3A_709 : vector<16xi1>, vector<16xi32>
      %max3A_720 = arith.maximumf %max3A_710, %get3A_715 : vector<16xf32>
      %reduce_max3A_721 = arith.constant true
      %reduce_max3A_722 = vector.broadcast %reduce_max3A_721 : i1 to vector<16xi1>
      %reduce_max3A_723 = tpu.scan <max>, %max3A_720 masked %reduce_max3A_722 : vector<16xf32>, vector<16xi1> -> vector<16xf32>
      %reduce_max3A_724 = vector.extract %reduce_max3A_723[15] : f32 from vector<16xf32>
      %eq3A_725 = vector.broadcast %reduce_max3A_724 : f32 to vector<16xf32>
      %eq3A_726 = arith.cmpf oeq, %max3A_720, %eq3A_725 : vector<16xf32>
      %mul3A_727 = arith.constant 16 : i32
      %mul3A_728 = vector.broadcast %mul3A_727 : i32 to vector<16xi32>
      %mul3A_729 = arith.muli %select_n3A_719, %mul3A_728 : vector<16xi32>
      %add3A_730 = arith.addi %mul3A_729, %iota3A : vector<16xi32>
      %jit3A_731 = arith.constant 128 : i32
      %broadcast_in_dim3A_732 = vector.broadcast %jit3A_731 : i32 to vector<16xi32>
      %select_n3A_733 = arith.select %eq3A_726, %add3A_730, %broadcast_in_dim3A_732 : vector<16xi1>, vector<16xi32>
      %reduce_min3A_734 = arith.constant true
      %reduce_min3A_735 = vector.broadcast %reduce_min3A_734 : i1 to vector<16xi1>
      %reduce_min3A_736 = arith.constant -2147483648 : i32
      %reduce_min3A_737 = vector.broadcast %reduce_min3A_736 : i32 to vector<16xi32>
      %reduce_min3A_738 = arith.xori %select_n3A_733, %reduce_min3A_737 : vector<16xi32>
      %reduce_min3A_739 = tpu.scan <min>, %reduce_min3A_738 masked %reduce_min3A_735 : vector<16xi32>, vector<16xi1> -> vector<16xi32>
      %reduce_min3A_740 = arith.xori %reduce_min3A_739, %reduce_min3A_737 : vector<16xi32>
      %reduce_min3A_741 = vector.extract %reduce_min3A_740[15] : i32 from vector<16xi32>
      %add3A_742 = arith.addi %mul3A_2, %mul3A_215 : i32
      %add3A_743 = arith.constant 4 : i32
      %add3A_744 = arith.addi %add3A_742, %add3A_743 : i32
      %mul3A_745 = arith.constant 128 : i32
      %mul3A_746 = arith.muli %add3A_744, %mul3A_745 : i32
      %add3A_747 = arith.addi %mul3A_746, %reduce_min3A_741 : i32
      %eq3A_748 = arith.constant 4 : i32
      %eq3A_749 = vector.broadcast %eq3A_748 : i32 to vector<16xi32>
      %eq3A_750 = arith.cmpi eq, %iota3A, %eq3A_749 : vector<16xi32>
      %broadcast_in_dim3A_751 = vector.broadcast %add3A_747 : i32 to vector<16xi32>
      %select_n3A_752 = arith.select %eq3A_750, %broadcast_in_dim3A_751, %select_n3A_643 : vector<16xi1>, vector<16xi32>
      %add3A_753 = arith.constant 5 : i32
      %add3A_754 = arith.addi %mul3A_215, %add3A_753 : i32
      %get3A_755 = arith.index_cast %add3A_754 : i32 to index
      %get3A_756 = arith.constant 0 : index
      %get3A_757 = tpu.vector_load %arg5[%get3A_755, %get3A_756] {strides = array<i32>} : memref<128x128xf32, #tpu.memory_space<vmem>>, vector<16xf32>,
      %broadcast_in_dim3A_758 = arith.constant 0 : i32
      %broadcast_in_dim3A_759 = vector.broadcast %broadcast_in_dim3A_758 : i32 to vector<16xi32>
      %add3A_760 = arith.constant 5 : i32
      %add3A_761 = arith.addi %mul3A_215, %add3A_760 : i32
      %get3A_762 = arith.index_cast %add3A_761 : i32 to index
      %get3A_763 = arith.constant 16 : index
      %get3A_764 = tpu.vector_load %arg5[%get3A_762, %get3A_763] {strides = array<i32>} : memref<128x128xf32, #tpu.memory_space<vmem>>, vector<16xf32>,
      %gt3A_765 = arith.cmpf ogt, %get3A_764, %get3A_757 : vector<16xf32>
      %jit3A_766 = arith.constant 1 : i32
      %broadcast_in_dim3A_767 = vector.broadcast %jit3A_766 : i32 to vector<16xi32>
      %select_n3A_768 = arith.select %gt3A_765, %broadcast_in_dim3A_767, %broadcast_in_dim3A_759 : vector<16xi1>, vector<16xi32>
      %max3A_769 = arith.maximumf %get3A_757, %get3A_764 : vector<16xf32>
      %add3A_770 = arith.constant 5 : i32
      %add3A_771 = arith.addi %mul3A_215, %add3A_770 : i32
      %get3A_772 = arith.index_cast %add3A_771 : i32 to index
      %get3A_773 = arith.constant 32 : index
      %get3A_774 = tpu.vector_load %arg5[%get3A_772, %get3A_773] {strides = array<i32>} : memref<128x128xf32, #tpu.memory_space<vmem>>, vector<16xf32>,
      %gt3A_775 = arith.cmpf ogt, %get3A_774, %max3A_769 : vector<16xf32>
      %jit3A_776 = arith.constant 2 : i32
      %broadcast_in_dim3A_777 = vector.broadcast %jit3A_776 : i32 to vector<16xi32>
      %select_n3A_778 = arith.select %gt3A_775, %broadcast_in_dim3A_777, %select_n3A_768 : vector<16xi1>, vector<16xi32>
      %max3A_779 = arith.maximumf %max3A_769, %get3A_774 : vector<16xf32>
      %add3A_780 = arith.constant 5 : i32
      %add3A_781 = arith.addi %mul3A_215, %add3A_780 : i32
      %get3A_782 = arith.index_cast %add3A_781 : i32 to index
      %get3A_783 = arith.constant 48 : index
      %get3A_784 = tpu.vector_load %arg5[%get3A_782, %get3A_783] {strides = array<i32>} : memref<128x128xf32, #tpu.memory_space<vmem>>, vector<16xf32>,
      %gt3A_785 = arith.cmpf ogt, %get3A_784, %max3A_779 : vector<16xf32>
      %jit3A_786 = arith.constant 3 : i32
      %broadcast_in_dim3A_787 = vector.broadcast %jit3A_786 : i32 to vector<16xi32>
      %select_n3A_788 = arith.select %gt3A_785, %broadcast_in_dim3A_787, %select_n3A_778 : vector<16xi1>, vector<16xi32>
      %max3A_789 = arith.maximumf %max3A_779, %get3A_784 : vector<16xf32>
      %add3A_790 = arith.constant 5 : i32
      %add3A_791 = arith.addi %mul3A_215, %add3A_790 : i32
      %get3A_792 = arith.index_cast %add3A_791 : i32 to index
      %get3A_793 = arith.constant 64 : index
      %get3A_794 = tpu.vector_load %arg5[%get3A_792, %get3A_793] {strides = array<i32>} : memref<128x128xf32, #tpu.memory_space<vmem>>, vector<16xf32>,
      %gt3A_795 = arith.cmpf ogt, %get3A_794, %max3A_789 : vector<16xf32>
      %jit3A_796 = arith.constant 4 : i32
      %broadcast_in_dim3A_797 = vector.broadcast %jit3A_796 : i32 to vector<16xi32>
      %select_n3A_798 = arith.select %gt3A_795, %broadcast_in_dim3A_797, %select_n3A_788 : vector<16xi1>, vector<16xi32>
      %max3A_799 = arith.maximumf %max3A_789, %get3A_794 : vector<16xf32>
      %add3A_800 = arith.constant 5 : i32
      %add3A_801 = arith.addi %mul3A_215, %add3A_800 : i32
      %get3A_802 = arith.index_cast %add3A_801 : i32 to index
      %get3A_803 = arith.constant 80 : index
      %get3A_804 = tpu.vector_load %arg5[%get3A_802, %get3A_803] {strides = array<i32>} : memref<128x128xf32, #tpu.memory_space<vmem>>, vector<16xf32>,
      %gt3A_805 = arith.cmpf ogt, %get3A_804, %max3A_799 : vector<16xf32>
      %jit3A_806 = arith.constant 5 : i32
      %broadcast_in_dim3A_807 = vector.broadcast %jit3A_806 : i32 to vector<16xi32>
      %select_n3A_808 = arith.select %gt3A_805, %broadcast_in_dim3A_807, %select_n3A_798 : vector<16xi1>, vector<16xi32>
      %max3A_809 = arith.maximumf %max3A_799, %get3A_804 : vector<16xf32>
      %add3A_810 = arith.constant 5 : i32
      %add3A_811 = arith.addi %mul3A_215, %add3A_810 : i32
      %get3A_812 = arith.index_cast %add3A_811 : i32 to index
      %get3A_813 = arith.constant 96 : index
      %get3A_814 = tpu.vector_load %arg5[%get3A_812, %get3A_813] {strides = array<i32>} : memref<128x128xf32, #tpu.memory_space<vmem>>, vector<16xf32>,
      %gt3A_815 = arith.cmpf ogt, %get3A_814, %max3A_809 : vector<16xf32>
      %jit3A_816 = arith.constant 6 : i32
      %broadcast_in_dim3A_817 = vector.broadcast %jit3A_816 : i32 to vector<16xi32>
      %select_n3A_818 = arith.select %gt3A_815, %broadcast_in_dim3A_817, %select_n3A_808 : vector<16xi1>, vector<16xi32>
      %max3A_819 = arith.maximumf %max3A_809, %get3A_814 : vector<16xf32>
      %add3A_820 = arith.constant 5 : i32
      %add3A_821 = arith.addi %mul3A_215, %add3A_820 : i32
      %get3A_822 = arith.index_cast %add3A_821 : i32 to index
      %get3A_823 = arith.constant 112 : index
      %get3A_824 = tpu.vector_load %arg5[%get3A_822, %get3A_823] {strides = array<i32>} : memref<128x128xf32, #tpu.memory_space<vmem>>, vector<16xf32>,
      %gt3A_825 = arith.cmpf ogt, %get3A_824, %max3A_819 : vector<16xf32>
      %jit3A_826 = arith.constant 7 : i32
      %broadcast_in_dim3A_827 = vector.broadcast %jit3A_826 : i32 to vector<16xi32>
      %select_n3A_828 = arith.select %gt3A_825, %broadcast_in_dim3A_827, %select_n3A_818 : vector<16xi1>, vector<16xi32>
      %max3A_829 = arith.maximumf %max3A_819, %get3A_824 : vector<16xf32>
      %reduce_max3A_830 = arith.constant true
      %reduce_max3A_831 = vector.broadcast %reduce_max3A_830 : i1 to vector<16xi1>
      %reduce_max3A_832 = tpu.scan <max>, %max3A_829 masked %reduce_max3A_831 : vector<16xf32>, vector<16xi1> -> vector<16xf32>
      %reduce_max3A_833 = vector.extract %reduce_max3A_832[15] : f32 from vector<16xf32>
      %eq3A_834 = vector.broadcast %reduce_max3A_833 : f32 to vector<16xf32>
      %eq3A_835 = arith.cmpf oeq, %max3A_829, %eq3A_834 : vector<16xf32>
      %mul3A_836 = arith.constant 16 : i32
      %mul3A_837 = vector.broadcast %mul3A_836 : i32 to vector<16xi32>
      %mul3A_838 = arith.muli %select_n3A_828, %mul3A_837 : vector<16xi32>
      %add3A_839 = arith.addi %mul3A_838, %iota3A : vector<16xi32>
      %jit3A_840 = arith.constant 128 : i32
      %broadcast_in_dim3A_841 = vector.broadcast %jit3A_840 : i32 to vector<16xi32>
      %select_n3A_842 = arith.select %eq3A_835, %add3A_839, %broadcast_in_dim3A_841 : vector<16xi1>, vector<16xi32>
      %reduce_min3A_843 = arith.constant true
      %reduce_min3A_844 = vector.broadcast %reduce_min3A_843 : i1 to vector<16xi1>
      %reduce_min3A_845 = arith.constant -2147483648 : i32
      %reduce_min3A_846 = vector.broadcast %reduce_min3A_845 : i32 to vector<16xi32>
      %reduce_min3A_847 = arith.xori %select_n3A_842, %reduce_min3A_846 : vector<16xi32>
      %reduce_min3A_848 = tpu.scan <min>, %reduce_min3A_847 masked %reduce_min3A_844 : vector<16xi32>, vector<16xi1> -> vector<16xi32>
      %reduce_min3A_849 = arith.xori %reduce_min3A_848, %reduce_min3A_846 : vector<16xi32>
      %reduce_min3A_850 = vector.extract %reduce_min3A_849[15] : i32 from vector<16xi32>
      %add3A_851 = arith.addi %mul3A_2, %mul3A_215 : i32
      %add3A_852 = arith.constant 5 : i32
      %add3A_853 = arith.addi %add3A_851, %add3A_852 : i32
      %mul3A_854 = arith.constant 128 : i32
      %mul3A_855 = arith.muli %add3A_853, %mul3A_854 : i32
      %add3A_856 = arith.addi %mul3A_855, %reduce_min3A_850 : i32
      %eq3A_857 = arith.constant 5 : i32
      %eq3A_858 = vector.broadcast %eq3A_857 : i32 to vector<16xi32>
      %eq3A_859 = arith.cmpi eq, %iota3A, %eq3A_858 : vector<16xi32>
      %broadcast_in_dim3A_860 = vector.broadcast %add3A_856 : i32 to vector<16xi32>
      %select_n3A_861 = arith.select %eq3A_859, %broadcast_in_dim3A_860, %select_n3A_752 : vector<16xi1>, vector<16xi32>
      %add3A_862 = arith.constant 6 : i32
      %add3A_863 = arith.addi %mul3A_215, %add3A_862 : i32
      %get3A_864 = arith.index_cast %add3A_863 : i32 to index
      %get3A_865 = arith.constant 0 : index
      %get3A_866 = tpu.vector_load %arg5[%get3A_864, %get3A_865] {strides = array<i32>} : memref<128x128xf32, #tpu.memory_space<vmem>>, vector<16xf32>,
      %broadcast_in_dim3A_867 = arith.constant 0 : i32
      %broadcast_in_dim3A_868 = vector.broadcast %broadcast_in_dim3A_867 : i32 to vector<16xi32>
      %add3A_869 = arith.constant 6 : i32
      %add3A_870 = arith.addi %mul3A_215, %add3A_869 : i32
      %get3A_871 = arith.index_cast %add3A_870 : i32 to index
      %get3A_872 = arith.constant 16 : index
      %get3A_873 = tpu.vector_load %arg5[%get3A_871, %get3A_872] {strides = array<i32>} : memref<128x128xf32, #tpu.memory_space<vmem>>, vector<16xf32>,
      %gt3A_874 = arith.cmpf ogt, %get3A_873, %get3A_866 : vector<16xf32>
      %jit3A_875 = arith.constant 1 : i32
      %broadcast_in_dim3A_876 = vector.broadcast %jit3A_875 : i32 to vector<16xi32>
      %select_n3A_877 = arith.select %gt3A_874, %broadcast_in_dim3A_876, %broadcast_in_dim3A_868 : vector<16xi1>, vector<16xi32>
      %max3A_878 = arith.maximumf %get3A_866, %get3A_873 : vector<16xf32>
      %add3A_879 = arith.constant 6 : i32
      %add3A_880 = arith.addi %mul3A_215, %add3A_879 : i32
      %get3A_881 = arith.index_cast %add3A_880 : i32 to index
      %get3A_882 = arith.constant 32 : index
      %get3A_883 = tpu.vector_load %arg5[%get3A_881, %get3A_882] {strides = array<i32>} : memref<128x128xf32, #tpu.memory_space<vmem>>, vector<16xf32>,
      %gt3A_884 = arith.cmpf ogt, %get3A_883, %max3A_878 : vector<16xf32>
      %jit3A_885 = arith.constant 2 : i32
      %broadcast_in_dim3A_886 = vector.broadcast %jit3A_885 : i32 to vector<16xi32>
      %select_n3A_887 = arith.select %gt3A_884, %broadcast_in_dim3A_886, %select_n3A_877 : vector<16xi1>, vector<16xi32>
      %max3A_888 = arith.maximumf %max3A_878, %get3A_883 : vector<16xf32>
      %add3A_889 = arith.constant 6 : i32
      %add3A_890 = arith.addi %mul3A_215, %add3A_889 : i32
      %get3A_891 = arith.index_cast %add3A_890 : i32 to index
      %get3A_892 = arith.constant 48 : index
      %get3A_893 = tpu.vector_load %arg5[%get3A_891, %get3A_892] {strides = array<i32>} : memref<128x128xf32, #tpu.memory_space<vmem>>, vector<16xf32>,
      %gt3A_894 = arith.cmpf ogt, %get3A_893, %max3A_888 : vector<16xf32>
      %jit3A_895 = arith.constant 3 : i32
      %broadcast_in_dim3A_896 = vector.broadcast %jit3A_895 : i32 to vector<16xi32>
      %select_n3A_897 = arith.select %gt3A_894, %broadcast_in_dim3A_896, %select_n3A_887 : vector<16xi1>, vector<16xi32>
      %max3A_898 = arith.maximumf %max3A_888, %get3A_893 : vector<16xf32>
      %add3A_899 = arith.constant 6 : i32
      %add3A_900 = arith.addi %mul3A_215, %add3A_899 : i32
      %get3A_901 = arith.index_cast %add3A_900 : i32 to index
      %get3A_902 = arith.constant 64 : index
      %get3A_903 = tpu.vector_load %arg5[%get3A_901, %get3A_902] {strides = array<i32>} : memref<128x128xf32, #tpu.memory_space<vmem>>, vector<16xf32>,
      %gt3A_904 = arith.cmpf ogt, %get3A_903, %max3A_898 : vector<16xf32>
      %jit3A_905 = arith.constant 4 : i32
      %broadcast_in_dim3A_906 = vector.broadcast %jit3A_905 : i32 to vector<16xi32>
      %select_n3A_907 = arith.select %gt3A_904, %broadcast_in_dim3A_906, %select_n3A_897 : vector<16xi1>, vector<16xi32>
      %max3A_908 = arith.maximumf %max3A_898, %get3A_903 : vector<16xf32>
      %add3A_909 = arith.constant 6 : i32
      %add3A_910 = arith.addi %mul3A_215, %add3A_909 : i32
      %get3A_911 = arith.index_cast %add3A_910 : i32 to index
      %get3A_912 = arith.constant 80 : index
      %get3A_913 = tpu.vector_load %arg5[%get3A_911, %get3A_912] {strides = array<i32>} : memref<128x128xf32, #tpu.memory_space<vmem>>, vector<16xf32>,
      %gt3A_914 = arith.cmpf ogt, %get3A_913, %max3A_908 : vector<16xf32>
      %jit3A_915 = arith.constant 5 : i32
      %broadcast_in_dim3A_916 = vector.broadcast %jit3A_915 : i32 to vector<16xi32>
      %select_n3A_917 = arith.select %gt3A_914, %broadcast_in_dim3A_916, %select_n3A_907 : vector<16xi1>, vector<16xi32>
      %max3A_918 = arith.maximumf %max3A_908, %get3A_913 : vector<16xf32>
      %add3A_919 = arith.constant 6 : i32
      %add3A_920 = arith.addi %mul3A_215, %add3A_919 : i32
      %get3A_921 = arith.index_cast %add3A_920 : i32 to index
      %get3A_922 = arith.constant 96 : index
      %get3A_923 = tpu.vector_load %arg5[%get3A_921, %get3A_922] {strides = array<i32>} : memref<128x128xf32, #tpu.memory_space<vmem>>, vector<16xf32>,
      %gt3A_924 = arith.cmpf ogt, %get3A_923, %max3A_918 : vector<16xf32>
      %jit3A_925 = arith.constant 6 : i32
      %broadcast_in_dim3A_926 = vector.broadcast %jit3A_925 : i32 to vector<16xi32>
      %select_n3A_927 = arith.select %gt3A_924, %broadcast_in_dim3A_926, %select_n3A_917 : vector<16xi1>, vector<16xi32>
      %max3A_928 = arith.maximumf %max3A_918, %get3A_923 : vector<16xf32>
      %add3A_929 = arith.constant 6 : i32
      %add3A_930 = arith.addi %mul3A_215, %add3A_929 : i32
      %get3A_931 = arith.index_cast %add3A_930 : i32 to index
      %get3A_932 = arith.constant 112 : index
      %get3A_933 = tpu.vector_load %arg5[%get3A_931, %get3A_932] {strides = array<i32>} : memref<128x128xf32, #tpu.memory_space<vmem>>, vector<16xf32>,
      %gt3A_934 = arith.cmpf ogt, %get3A_933, %max3A_928 : vector<16xf32>
      %jit3A_935 = arith.constant 7 : i32
      %broadcast_in_dim3A_936 = vector.broadcast %jit3A_935 : i32 to vector<16xi32>
      %select_n3A_937 = arith.select %gt3A_934, %broadcast_in_dim3A_936, %select_n3A_927 : vector<16xi1>, vector<16xi32>
      %max3A_938 = arith.maximumf %max3A_928, %get3A_933 : vector<16xf32>
      %reduce_max3A_939 = arith.constant true
      %reduce_max3A_940 = vector.broadcast %reduce_max3A_939 : i1 to vector<16xi1>
      %reduce_max3A_941 = tpu.scan <max>, %max3A_938 masked %reduce_max3A_940 : vector<16xf32>, vector<16xi1> -> vector<16xf32>
      %reduce_max3A_942 = vector.extract %reduce_max3A_941[15] : f32 from vector<16xf32>
      %eq3A_943 = vector.broadcast %reduce_max3A_942 : f32 to vector<16xf32>
      %eq3A_944 = arith.cmpf oeq, %max3A_938, %eq3A_943 : vector<16xf32>
      %mul3A_945 = arith.constant 16 : i32
      %mul3A_946 = vector.broadcast %mul3A_945 : i32 to vector<16xi32>
      %mul3A_947 = arith.muli %select_n3A_937, %mul3A_946 : vector<16xi32>
      %add3A_948 = arith.addi %mul3A_947, %iota3A : vector<16xi32>
      %jit3A_949 = arith.constant 128 : i32
      %broadcast_in_dim3A_950 = vector.broadcast %jit3A_949 : i32 to vector<16xi32>
      %select_n3A_951 = arith.select %eq3A_944, %add3A_948, %broadcast_in_dim3A_950 : vector<16xi1>, vector<16xi32>
      %reduce_min3A_952 = arith.constant true
      %reduce_min3A_953 = vector.broadcast %reduce_min3A_952 : i1 to vector<16xi1>
      %reduce_min3A_954 = arith.constant -2147483648 : i32
      %reduce_min3A_955 = vector.broadcast %reduce_min3A_954 : i32 to vector<16xi32>
      %reduce_min3A_956 = arith.xori %select_n3A_951, %reduce_min3A_955 : vector<16xi32>
      %reduce_min3A_957 = tpu.scan <min>, %reduce_min3A_956 masked %reduce_min3A_953 : vector<16xi32>, vector<16xi1> -> vector<16xi32>
      %reduce_min3A_958 = arith.xori %reduce_min3A_957, %reduce_min3A_955 : vector<16xi32>
      %reduce_min3A_959 = vector.extract %reduce_min3A_958[15] : i32 from vector<16xi32>
      %add3A_960 = arith.addi %mul3A_2, %mul3A_215 : i32
      %add3A_961 = arith.constant 6 : i32
      %add3A_962 = arith.addi %add3A_960, %add3A_961 : i32
      %mul3A_963 = arith.constant 128 : i32
      %mul3A_964 = arith.muli %add3A_962, %mul3A_963 : i32
      %add3A_965 = arith.addi %mul3A_964, %reduce_min3A_959 : i32
      %eq3A_966 = arith.constant 6 : i32
      %eq3A_967 = vector.broadcast %eq3A_966 : i32 to vector<16xi32>
      %eq3A_968 = arith.cmpi eq, %iota3A, %eq3A_967 : vector<16xi32>
      %broadcast_in_dim3A_969 = vector.broadcast %add3A_965 : i32 to vector<16xi32>
      %select_n3A_970 = arith.select %eq3A_968, %broadcast_in_dim3A_969, %select_n3A_861 : vector<16xi1>, vector<16xi32>
      %add3A_971 = arith.constant 7 : i32
      %add3A_972 = arith.addi %mul3A_215, %add3A_971 : i32
      %get3A_973 = arith.index_cast %add3A_972 : i32 to index
      %get3A_974 = arith.constant 0 : index
      %get3A_975 = tpu.vector_load %arg5[%get3A_973, %get3A_974] {strides = array<i32>} : memref<128x128xf32, #tpu.memory_space<vmem>>, vector<16xf32>,
      %broadcast_in_dim3A_976 = arith.constant 0 : i32
      %broadcast_in_dim3A_977 = vector.broadcast %broadcast_in_dim3A_976 : i32 to vector<16xi32>
      %add3A_978 = arith.constant 7 : i32
      %add3A_979 = arith.addi %mul3A_215, %add3A_978 : i32
      %get3A_980 = arith.index_cast %add3A_979 : i32 to index
      %get3A_981 = arith.constant 16 : index
      %get3A_982 = tpu.vector_load %arg5[%get3A_980, %get3A_981] {strides = array<i32>} : memref<128x128xf32, #tpu.memory_space<vmem>>, vector<16xf32>,
      %gt3A_983 = arith.cmpf ogt, %get3A_982, %get3A_975 : vector<16xf32>
      %jit3A_984 = arith.constant 1 : i32
      %broadcast_in_dim3A_985 = vector.broadcast %jit3A_984 : i32 to vector<16xi32>
      %select_n3A_986 = arith.select %gt3A_983, %broadcast_in_dim3A_985, %broadcast_in_dim3A_977 : vector<16xi1>, vector<16xi32>
      %max3A_987 = arith.maximumf %get3A_975, %get3A_982 : vector<16xf32>
      %add3A_988 = arith.constant 7 : i32
      %add3A_989 = arith.addi %mul3A_215, %add3A_988 : i32
      %get3A_990 = arith.index_cast %add3A_989 : i32 to index
      %get3A_991 = arith.constant 32 : index
      %get3A_992 = tpu.vector_load %arg5[%get3A_990, %get3A_991] {strides = array<i32>} : memref<128x128xf32, #tpu.memory_space<vmem>>, vector<16xf32>,
      %gt3A_993 = arith.cmpf ogt, %get3A_992, %max3A_987 : vector<16xf32>
      %jit3A_994 = arith.constant 2 : i32
      %broadcast_in_dim3A_995 = vector.broadcast %jit3A_994 : i32 to vector<16xi32>
      %select_n3A_996 = arith.select %gt3A_993, %broadcast_in_dim3A_995, %select_n3A_986 : vector<16xi1>, vector<16xi32>
      %max3A_997 = arith.maximumf %max3A_987, %get3A_992 : vector<16xf32>
      %add3A_998 = arith.constant 7 : i32
      %add3A_999 = arith.addi %mul3A_215, %add3A_998 : i32
      %get3A_1000 = arith.index_cast %add3A_999 : i32 to index
      %get3A_1001 = arith.constant 48 : index
      %get3A_1002 = tpu.vector_load %arg5[%get3A_1000, %get3A_1001] {strides = array<i32>} : memref<128x128xf32, #tpu.memory_space<vmem>>, vector<16xf32>,
      %gt3A_1003 = arith.cmpf ogt, %get3A_1002, %max3A_997 : vector<16xf32>
      %jit3A_1004 = arith.constant 3 : i32
      %broadcast_in_dim3A_1005 = vector.broadcast %jit3A_1004 : i32 to vector<16xi32>
      %select_n3A_1006 = arith.select %gt3A_1003, %broadcast_in_dim3A_1005, %select_n3A_996 : vector<16xi1>, vector<16xi32>
      %max3A_1007 = arith.maximumf %max3A_997, %get3A_1002 : vector<16xf32>
      %add3A_1008 = arith.constant 7 : i32
      %add3A_1009 = arith.addi %mul3A_215, %add3A_1008 : i32
      %get3A_1010 = arith.index_cast %add3A_1009 : i32 to index
      %get3A_1011 = arith.constant 64 : index
      %get3A_1012 = tpu.vector_load %arg5[%get3A_1010, %get3A_1011] {strides = array<i32>} : memref<128x128xf32, #tpu.memory_space<vmem>>, vector<16xf32>,
      %gt3A_1013 = arith.cmpf ogt, %get3A_1012, %max3A_1007 : vector<16xf32>
      %jit3A_1014 = arith.constant 4 : i32
      %broadcast_in_dim3A_1015 = vector.broadcast %jit3A_1014 : i32 to vector<16xi32>
      %select_n3A_1016 = arith.select %gt3A_1013, %broadcast_in_dim3A_1015, %select_n3A_1006 : vector<16xi1>, vector<16xi32>
      %max3A_1017 = arith.maximumf %max3A_1007, %get3A_1012 : vector<16xf32>
      %add3A_1018 = arith.constant 7 : i32
      %add3A_1019 = arith.addi %mul3A_215, %add3A_1018 : i32
      %get3A_1020 = arith.index_cast %add3A_1019 : i32 to index
      %get3A_1021 = arith.constant 80 : index
      %get3A_1022 = tpu.vector_load %arg5[%get3A_1020, %get3A_1021] {strides = array<i32>} : memref<128x128xf32, #tpu.memory_space<vmem>>, vector<16xf32>,
      %gt3A_1023 = arith.cmpf ogt, %get3A_1022, %max3A_1017 : vector<16xf32>
      %jit3A_1024 = arith.constant 5 : i32
      %broadcast_in_dim3A_1025 = vector.broadcast %jit3A_1024 : i32 to vector<16xi32>
      %select_n3A_1026 = arith.select %gt3A_1023, %broadcast_in_dim3A_1025, %select_n3A_1016 : vector<16xi1>, vector<16xi32>
      %max3A_1027 = arith.maximumf %max3A_1017, %get3A_1022 : vector<16xf32>
      %add3A_1028 = arith.constant 7 : i32
      %add3A_1029 = arith.addi %mul3A_215, %add3A_1028 : i32
      %get3A_1030 = arith.index_cast %add3A_1029 : i32 to index
      %get3A_1031 = arith.constant 96 : index
      %get3A_1032 = tpu.vector_load %arg5[%get3A_1030, %get3A_1031] {strides = array<i32>} : memref<128x128xf32, #tpu.memory_space<vmem>>, vector<16xf32>,
      %gt3A_1033 = arith.cmpf ogt, %get3A_1032, %max3A_1027 : vector<16xf32>
      %jit3A_1034 = arith.constant 6 : i32
      %broadcast_in_dim3A_1035 = vector.broadcast %jit3A_1034 : i32 to vector<16xi32>
      %select_n3A_1036 = arith.select %gt3A_1033, %broadcast_in_dim3A_1035, %select_n3A_1026 : vector<16xi1>, vector<16xi32>
      %max3A_1037 = arith.maximumf %max3A_1027, %get3A_1032 : vector<16xf32>
      %add3A_1038 = arith.constant 7 : i32
      %add3A_1039 = arith.addi %mul3A_215, %add3A_1038 : i32
      %get3A_1040 = arith.index_cast %add3A_1039 : i32 to index
      %get3A_1041 = arith.constant 112 : index
      %get3A_1042 = tpu.vector_load %arg5[%get3A_1040, %get3A_1041] {strides = array<i32>} : memref<128x128xf32, #tpu.memory_space<vmem>>, vector<16xf32>,
      %gt3A_1043 = arith.cmpf ogt, %get3A_1042, %max3A_1037 : vector<16xf32>
      %jit3A_1044 = arith.constant 7 : i32
      %broadcast_in_dim3A_1045 = vector.broadcast %jit3A_1044 : i32 to vector<16xi32>
      %select_n3A_1046 = arith.select %gt3A_1043, %broadcast_in_dim3A_1045, %select_n3A_1036 : vector<16xi1>, vector<16xi32>
      %max3A_1047 = arith.maximumf %max3A_1037, %get3A_1042 : vector<16xf32>
      %reduce_max3A_1048 = arith.constant true
      %reduce_max3A_1049 = vector.broadcast %reduce_max3A_1048 : i1 to vector<16xi1>
      %reduce_max3A_1050 = tpu.scan <max>, %max3A_1047 masked %reduce_max3A_1049 : vector<16xf32>, vector<16xi1> -> vector<16xf32>
      %reduce_max3A_1051 = vector.extract %reduce_max3A_1050[15] : f32 from vector<16xf32>
      %eq3A_1052 = vector.broadcast %reduce_max3A_1051 : f32 to vector<16xf32>
      %eq3A_1053 = arith.cmpf oeq, %max3A_1047, %eq3A_1052 : vector<16xf32>
      %mul3A_1054 = arith.constant 16 : i32
      %mul3A_1055 = vector.broadcast %mul3A_1054 : i32 to vector<16xi32>
      %mul3A_1056 = arith.muli %select_n3A_1046, %mul3A_1055 : vector<16xi32>
      %add3A_1057 = arith.addi %mul3A_1056, %iota3A : vector<16xi32>
      %jit3A_1058 = arith.constant 128 : i32
      %broadcast_in_dim3A_1059 = vector.broadcast %jit3A_1058 : i32 to vector<16xi32>
      %select_n3A_1060 = arith.select %eq3A_1053, %add3A_1057, %broadcast_in_dim3A_1059 : vector<16xi1>, vector<16xi32>
      %reduce_min3A_1061 = arith.constant true
      %reduce_min3A_1062 = vector.broadcast %reduce_min3A_1061 : i1 to vector<16xi1>
      %reduce_min3A_1063 = arith.constant -2147483648 : i32
      %reduce_min3A_1064 = vector.broadcast %reduce_min3A_1063 : i32 to vector<16xi32>
      %reduce_min3A_1065 = arith.xori %select_n3A_1060, %reduce_min3A_1064 : vector<16xi32>
      %reduce_min3A_1066 = tpu.scan <min>, %reduce_min3A_1065 masked %reduce_min3A_1062 : vector<16xi32>, vector<16xi1> -> vector<16xi32>
      %reduce_min3A_1067 = arith.xori %reduce_min3A_1066, %reduce_min3A_1064 : vector<16xi32>
      %reduce_min3A_1068 = vector.extract %reduce_min3A_1067[15] : i32 from vector<16xi32>
      %add3A_1069 = arith.addi %mul3A_2, %mul3A_215 : i32
      %add3A_1070 = arith.constant 7 : i32
      %add3A_1071 = arith.addi %add3A_1069, %add3A_1070 : i32
      %mul3A_1072 = arith.constant 128 : i32
      %mul3A_1073 = arith.muli %add3A_1071, %mul3A_1072 : i32
      %add3A_1074 = arith.addi %mul3A_1073, %reduce_min3A_1068 : i32
      %eq3A_1075 = arith.constant 7 : i32
      %eq3A_1076 = vector.broadcast %eq3A_1075 : i32 to vector<16xi32>
      %eq3A_1077 = arith.cmpi eq, %iota3A, %eq3A_1076 : vector<16xi32>
      %broadcast_in_dim3A_1078 = vector.broadcast %add3A_1074 : i32 to vector<16xi32>
      %select_n3A_1079 = arith.select %eq3A_1077, %broadcast_in_dim3A_1078, %select_n3A_970 : vector<16xi1>, vector<16xi32>
      %add3A_1080 = arith.constant 8 : i32
      %add3A_1081 = arith.addi %mul3A_215, %add3A_1080 : i32
      %get3A_1082 = arith.index_cast %add3A_1081 : i32 to index
      %get3A_1083 = arith.constant 0 : index
      %get3A_1084 = tpu.vector_load %arg5[%get3A_1082, %get3A_1083] {strides = array<i32>} : memref<128x128xf32, #tpu.memory_space<vmem>>, vector<16xf32>,
      %broadcast_in_dim3A_1085 = arith.constant 0 : i32
      %broadcast_in_dim3A_1086 = vector.broadcast %broadcast_in_dim3A_1085 : i32 to vector<16xi32>
      %add3A_1087 = arith.constant 8 : i32
      %add3A_1088 = arith.addi %mul3A_215, %add3A_1087 : i32
      %get3A_1089 = arith.index_cast %add3A_1088 : i32 to index
      %get3A_1090 = arith.constant 16 : index
      %get3A_1091 = tpu.vector_load %arg5[%get3A_1089, %get3A_1090] {strides = array<i32>} : memref<128x128xf32, #tpu.memory_space<vmem>>, vector<16xf32>,
      %gt3A_1092 = arith.cmpf ogt, %get3A_1091, %get3A_1084 : vector<16xf32>
      %jit3A_1093 = arith.constant 1 : i32
      %broadcast_in_dim3A_1094 = vector.broadcast %jit3A_1093 : i32 to vector<16xi32>
      %select_n3A_1095 = arith.select %gt3A_1092, %broadcast_in_dim3A_1094, %broadcast_in_dim3A_1086 : vector<16xi1>, vector<16xi32>
      %max3A_1096 = arith.maximumf %get3A_1084, %get3A_1091 : vector<16xf32>
      %add3A_1097 = arith.constant 8 : i32
      %add3A_1098 = arith.addi %mul3A_215, %add3A_1097 : i32
      %get3A_1099 = arith.index_cast %add3A_1098 : i32 to index
      %get3A_1100 = arith.constant 32 : index
      %get3A_1101 = tpu.vector_load %arg5[%get3A_1099, %get3A_1100] {strides = array<i32>} : memref<128x128xf32, #tpu.memory_space<vmem>>, vector<16xf32>,
      %gt3A_1102 = arith.cmpf ogt, %get3A_1101, %max3A_1096 : vector<16xf32>
      %jit3A_1103 = arith.constant 2 : i32
      %broadcast_in_dim3A_1104 = vector.broadcast %jit3A_1103 : i32 to vector<16xi32>
      %select_n3A_1105 = arith.select %gt3A_1102, %broadcast_in_dim3A_1104, %select_n3A_1095 : vector<16xi1>, vector<16xi32>
      %max3A_1106 = arith.maximumf %max3A_1096, %get3A_1101 : vector<16xf32>
      %add3A_1107 = arith.constant 8 : i32
      %add3A_1108 = arith.addi %mul3A_215, %add3A_1107 : i32
      %get3A_1109 = arith.index_cast %add3A_1108 : i32 to index
      %get3A_1110 = arith.constant 48 : index
      %get3A_1111 = tpu.vector_load %arg5[%get3A_1109, %get3A_1110] {strides = array<i32>} : memref<128x128xf32, #tpu.memory_space<vmem>>, vector<16xf32>,
      %gt3A_1112 = arith.cmpf ogt, %get3A_1111, %max3A_1106 : vector<16xf32>
      %jit3A_1113 = arith.constant 3 : i32
      %broadcast_in_dim3A_1114 = vector.broadcast %jit3A_1113 : i32 to vector<16xi32>
      %select_n3A_1115 = arith.select %gt3A_1112, %broadcast_in_dim3A_1114, %select_n3A_1105 : vector<16xi1>, vector<16xi32>
      %max3A_1116 = arith.maximumf %max3A_1106, %get3A_1111 : vector<16xf32>
      %add3A_1117 = arith.constant 8 : i32
      %add3A_1118 = arith.addi %mul3A_215, %add3A_1117 : i32
      %get3A_1119 = arith.index_cast %add3A_1118 : i32 to index
      %get3A_1120 = arith.constant 64 : index
      %get3A_1121 = tpu.vector_load %arg5[%get3A_1119, %get3A_1120] {strides = array<i32>} : memref<128x128xf32, #tpu.memory_space<vmem>>, vector<16xf32>,
      %gt3A_1122 = arith.cmpf ogt, %get3A_1121, %max3A_1116 : vector<16xf32>
      %jit3A_1123 = arith.constant 4 : i32
      %broadcast_in_dim3A_1124 = vector.broadcast %jit3A_1123 : i32 to vector<16xi32>
      %select_n3A_1125 = arith.select %gt3A_1122, %broadcast_in_dim3A_1124, %select_n3A_1115 : vector<16xi1>, vector<16xi32>
      %max3A_1126 = arith.maximumf %max3A_1116, %get3A_1121 : vector<16xf32>
      %add3A_1127 = arith.constant 8 : i32
      %add3A_1128 = arith.addi %mul3A_215, %add3A_1127 : i32
      %get3A_1129 = arith.index_cast %add3A_1128 : i32 to index
      %get3A_1130 = arith.constant 80 : index
      %get3A_1131 = tpu.vector_load %arg5[%get3A_1129, %get3A_1130] {strides = array<i32>} : memref<128x128xf32, #tpu.memory_space<vmem>>, vector<16xf32>,
      %gt3A_1132 = arith.cmpf ogt, %get3A_1131, %max3A_1126 : vector<16xf32>
      %jit3A_1133 = arith.constant 5 : i32
      %broadcast_in_dim3A_1134 = vector.broadcast %jit3A_1133 : i32 to vector<16xi32>
      %select_n3A_1135 = arith.select %gt3A_1132, %broadcast_in_dim3A_1134, %select_n3A_1125 : vector<16xi1>, vector<16xi32>
      %max3A_1136 = arith.maximumf %max3A_1126, %get3A_1131 : vector<16xf32>
      %add3A_1137 = arith.constant 8 : i32
      %add3A_1138 = arith.addi %mul3A_215, %add3A_1137 : i32
      %get3A_1139 = arith.index_cast %add3A_1138 : i32 to index
      %get3A_1140 = arith.constant 96 : index
      %get3A_1141 = tpu.vector_load %arg5[%get3A_1139, %get3A_1140] {strides = array<i32>} : memref<128x128xf32, #tpu.memory_space<vmem>>, vector<16xf32>,
      %gt3A_1142 = arith.cmpf ogt, %get3A_1141, %max3A_1136 : vector<16xf32>
      %jit3A_1143 = arith.constant 6 : i32
      %broadcast_in_dim3A_1144 = vector.broadcast %jit3A_1143 : i32 to vector<16xi32>
      %select_n3A_1145 = arith.select %gt3A_1142, %broadcast_in_dim3A_1144, %select_n3A_1135 : vector<16xi1>, vector<16xi32>
      %max3A_1146 = arith.maximumf %max3A_1136, %get3A_1141 : vector<16xf32>
      %add3A_1147 = arith.constant 8 : i32
      %add3A_1148 = arith.addi %mul3A_215, %add3A_1147 : i32
      %get3A_1149 = arith.index_cast %add3A_1148 : i32 to index
      %get3A_1150 = arith.constant 112 : index
      %get3A_1151 = tpu.vector_load %arg5[%get3A_1149, %get3A_1150] {strides = array<i32>} : memref<128x128xf32, #tpu.memory_space<vmem>>, vector<16xf32>,
      %gt3A_1152 = arith.cmpf ogt, %get3A_1151, %max3A_1146 : vector<16xf32>
      %jit3A_1153 = arith.constant 7 : i32
      %broadcast_in_dim3A_1154 = vector.broadcast %jit3A_1153 : i32 to vector<16xi32>
      %select_n3A_1155 = arith.select %gt3A_1152, %broadcast_in_dim3A_1154, %select_n3A_1145 : vector<16xi1>, vector<16xi32>
      %max3A_1156 = arith.maximumf %max3A_1146, %get3A_1151 : vector<16xf32>
      %reduce_max3A_1157 = arith.constant true
      %reduce_max3A_1158 = vector.broadcast %reduce_max3A_1157 : i1 to vector<16xi1>
      %reduce_max3A_1159 = tpu.scan <max>, %max3A_1156 masked %reduce_max3A_1158 : vector<16xf32>, vector<16xi1> -> vector<16xf32>
      %reduce_max3A_1160 = vector.extract %reduce_max3A_1159[15] : f32 from vector<16xf32>
      %eq3A_1161 = vector.broadcast %reduce_max3A_1160 : f32 to vector<16xf32>
      %eq3A_1162 = arith.cmpf oeq, %max3A_1156, %eq3A_1161 : vector<16xf32>
      %mul3A_1163 = arith.constant 16 : i32
      %mul3A_1164 = vector.broadcast %mul3A_1163 : i32 to vector<16xi32>
      %mul3A_1165 = arith.muli %select_n3A_1155, %mul3A_1164 : vector<16xi32>
      %add3A_1166 = arith.addi %mul3A_1165, %iota3A : vector<16xi32>
      %jit3A_1167 = arith.constant 128 : i32
      %broadcast_in_dim3A_1168 = vector.broadcast %jit3A_1167 : i32 to vector<16xi32>
      %select_n3A_1169 = arith.select %eq3A_1162, %add3A_1166, %broadcast_in_dim3A_1168 : vector<16xi1>, vector<16xi32>
      %reduce_min3A_1170 = arith.constant true
      %reduce_min3A_1171 = vector.broadcast %reduce_min3A_1170 : i1 to vector<16xi1>
      %reduce_min3A_1172 = arith.constant -2147483648 : i32
      %reduce_min3A_1173 = vector.broadcast %reduce_min3A_1172 : i32 to vector<16xi32>
      %reduce_min3A_1174 = arith.xori %select_n3A_1169, %reduce_min3A_1173 : vector<16xi32>
      %reduce_min3A_1175 = tpu.scan <min>, %reduce_min3A_1174 masked %reduce_min3A_1171 : vector<16xi32>, vector<16xi1> -> vector<16xi32>
      %reduce_min3A_1176 = arith.xori %reduce_min3A_1175, %reduce_min3A_1173 : vector<16xi32>
      %reduce_min3A_1177 = vector.extract %reduce_min3A_1176[15] : i32 from vector<16xi32>
      %add3A_1178 = arith.addi %mul3A_2, %mul3A_215 : i32
      %add3A_1179 = arith.constant 8 : i32
      %add3A_1180 = arith.addi %add3A_1178, %add3A_1179 : i32
      %mul3A_1181 = arith.constant 128 : i32
      %mul3A_1182 = arith.muli %add3A_1180, %mul3A_1181 : i32
      %add3A_1183 = arith.addi %mul3A_1182, %reduce_min3A_1177 : i32
      %eq3A_1184 = arith.constant 8 : i32
      %eq3A_1185 = vector.broadcast %eq3A_1184 : i32 to vector<16xi32>
      %eq3A_1186 = arith.cmpi eq, %iota3A, %eq3A_1185 : vector<16xi32>
      %broadcast_in_dim3A_1187 = vector.broadcast %add3A_1183 : i32 to vector<16xi32>
      %select_n3A_1188 = arith.select %eq3A_1186, %broadcast_in_dim3A_1187, %select_n3A_1079 : vector<16xi1>, vector<16xi32>
      %add3A_1189 = arith.constant 9 : i32
      %add3A_1190 = arith.addi %mul3A_215, %add3A_1189 : i32
      %get3A_1191 = arith.index_cast %add3A_1190 : i32 to index
      %get3A_1192 = arith.constant 0 : index
      %get3A_1193 = tpu.vector_load %arg5[%get3A_1191, %get3A_1192] {strides = array<i32>} : memref<128x128xf32, #tpu.memory_space<vmem>>, vector<16xf32>,
      %broadcast_in_dim3A_1194 = arith.constant 0 : i32
      %broadcast_in_dim3A_1195 = vector.broadcast %broadcast_in_dim3A_1194 : i32 to vector<16xi32>
      %add3A_1196 = arith.constant 9 : i32
      %add3A_1197 = arith.addi %mul3A_215, %add3A_1196 : i32
      %get3A_1198 = arith.index_cast %add3A_1197 : i32 to index
      %get3A_1199 = arith.constant 16 : index
      %get3A_1200 = tpu.vector_load %arg5[%get3A_1198, %get3A_1199] {strides = array<i32>} : memref<128x128xf32, #tpu.memory_space<vmem>>, vector<16xf32>,
      %gt3A_1201 = arith.cmpf ogt, %get3A_1200, %get3A_1193 : vector<16xf32>
      %jit3A_1202 = arith.constant 1 : i32
      %broadcast_in_dim3A_1203 = vector.broadcast %jit3A_1202 : i32 to vector<16xi32>
      %select_n3A_1204 = arith.select %gt3A_1201, %broadcast_in_dim3A_1203, %broadcast_in_dim3A_1195 : vector<16xi1>, vector<16xi32>
      %max3A_1205 = arith.maximumf %get3A_1193, %get3A_1200 : vector<16xf32>
      %add3A_1206 = arith.constant 9 : i32
      %add3A_1207 = arith.addi %mul3A_215, %add3A_1206 : i32
      %get3A_1208 = arith.index_cast %add3A_1207 : i32 to index
      %get3A_1209 = arith.constant 32 : index
      %get3A_1210 = tpu.vector_load %arg5[%get3A_1208, %get3A_1209] {strides = array<i32>} : memref<128x128xf32, #tpu.memory_space<vmem>>, vector<16xf32>,
      %gt3A_1211 = arith.cmpf ogt, %get3A_1210, %max3A_1205 : vector<16xf32>
      %jit3A_1212 = arith.constant 2 : i32
      %broadcast_in_dim3A_1213 = vector.broadcast %jit3A_1212 : i32 to vector<16xi32>
      %select_n3A_1214 = arith.select %gt3A_1211, %broadcast_in_dim3A_1213, %select_n3A_1204 : vector<16xi1>, vector<16xi32>
      %max3A_1215 = arith.maximumf %max3A_1205, %get3A_1210 : vector<16xf32>
      %add3A_1216 = arith.constant 9 : i32
      %add3A_1217 = arith.addi %mul3A_215, %add3A_1216 : i32
      %get3A_1218 = arith.index_cast %add3A_1217 : i32 to index
      %get3A_1219 = arith.constant 48 : index
      %get3A_1220 = tpu.vector_load %arg5[%get3A_1218, %get3A_1219] {strides = array<i32>} : memref<128x128xf32, #tpu.memory_space<vmem>>, vector<16xf32>,
      %gt3A_1221 = arith.cmpf ogt, %get3A_1220, %max3A_1215 : vector<16xf32>
      %jit3A_1222 = arith.constant 3 : i32
      %broadcast_in_dim3A_1223 = vector.broadcast %jit3A_1222 : i32 to vector<16xi32>
      %select_n3A_1224 = arith.select %gt3A_1221, %broadcast_in_dim3A_1223, %select_n3A_1214 : vector<16xi1>, vector<16xi32>
      %max3A_1225 = arith.maximumf %max3A_1215, %get3A_1220 : vector<16xf32>
      %add3A_1226 = arith.constant 9 : i32
      %add3A_1227 = arith.addi %mul3A_215, %add3A_1226 : i32
      %get3A_1228 = arith.index_cast %add3A_1227 : i32 to index
      %get3A_1229 = arith.constant 64 : index
      %get3A_1230 = tpu.vector_load %arg5[%get3A_1228, %get3A_1229] {strides = array<i32>} : memref<128x128xf32, #tpu.memory_space<vmem>>, vector<16xf32>,
      %gt3A_1231 = arith.cmpf ogt, %get3A_1230, %max3A_1225 : vector<16xf32>
      %jit3A_1232 = arith.constant 4 : i32
      %broadcast_in_dim3A_1233 = vector.broadcast %jit3A_1232 : i32 to vector<16xi32>
      %select_n3A_1234 = arith.select %gt3A_1231, %broadcast_in_dim3A_1233, %select_n3A_1224 : vector<16xi1>, vector<16xi32>
      %max3A_1235 = arith.maximumf %max3A_1225, %get3A_1230 : vector<16xf32>
      %add3A_1236 = arith.constant 9 : i32
      %add3A_1237 = arith.addi %mul3A_215, %add3A_1236 : i32
      %get3A_1238 = arith.index_cast %add3A_1237 : i32 to index
      %get3A_1239 = arith.constant 80 : index
      %get3A_1240 = tpu.vector_load %arg5[%get3A_1238, %get3A_1239] {strides = array<i32>} : memref<128x128xf32, #tpu.memory_space<vmem>>, vector<16xf32>,
      %gt3A_1241 = arith.cmpf ogt, %get3A_1240, %max3A_1235 : vector<16xf32>
      %jit3A_1242 = arith.constant 5 : i32
      %broadcast_in_dim3A_1243 = vector.broadcast %jit3A_1242 : i32 to vector<16xi32>
      %select_n3A_1244 = arith.select %gt3A_1241, %broadcast_in_dim3A_1243, %select_n3A_1234 : vector<16xi1>, vector<16xi32>
      %max3A_1245 = arith.maximumf %max3A_1235, %get3A_1240 : vector<16xf32>
      %add3A_1246 = arith.constant 9 : i32
      %add3A_1247 = arith.addi %mul3A_215, %add3A_1246 : i32
      %get3A_1248 = arith.index_cast %add3A_1247 : i32 to index
      %get3A_1249 = arith.constant 96 : index
      %get3A_1250 = tpu.vector_load %arg5[%get3A_1248, %get3A_1249] {strides = array<i32>} : memref<128x128xf32, #tpu.memory_space<vmem>>, vector<16xf32>,
      %gt3A_1251 = arith.cmpf ogt, %get3A_1250, %max3A_1245 : vector<16xf32>
      %jit3A_1252 = arith.constant 6 : i32
      %broadcast_in_dim3A_1253 = vector.broadcast %jit3A_1252 : i32 to vector<16xi32>
      %select_n3A_1254 = arith.select %gt3A_1251, %broadcast_in_dim3A_1253, %select_n3A_1244 : vector<16xi1>, vector<16xi32>
      %max3A_1255 = arith.maximumf %max3A_1245, %get3A_1250 : vector<16xf32>
      %add3A_1256 = arith.constant 9 : i32
      %add3A_1257 = arith.addi %mul3A_215, %add3A_1256 : i32
      %get3A_1258 = arith.index_cast %add3A_1257 : i32 to index
      %get3A_1259 = arith.constant 112 : index
      %get3A_1260 = tpu.vector_load %arg5[%get3A_1258, %get3A_1259] {strides = array<i32>} : memref<128x128xf32, #tpu.memory_space<vmem>>, vector<16xf32>,
      %gt3A_1261 = arith.cmpf ogt, %get3A_1260, %max3A_1255 : vector<16xf32>
      %jit3A_1262 = arith.constant 7 : i32
      %broadcast_in_dim3A_1263 = vector.broadcast %jit3A_1262 : i32 to vector<16xi32>
      %select_n3A_1264 = arith.select %gt3A_1261, %broadcast_in_dim3A_1263, %select_n3A_1254 : vector<16xi1>, vector<16xi32>
      %max3A_1265 = arith.maximumf %max3A_1255, %get3A_1260 : vector<16xf32>
      %reduce_max3A_1266 = arith.constant true
      %reduce_max3A_1267 = vector.broadcast %reduce_max3A_1266 : i1 to vector<16xi1>
      %reduce_max3A_1268 = tpu.scan <max>, %max3A_1265 masked %reduce_max3A_1267 : vector<16xf32>, vector<16xi1> -> vector<16xf32>
      %reduce_max3A_1269 = vector.extract %reduce_max3A_1268[15] : f32 from vector<16xf32>
      %eq3A_1270 = vector.broadcast %reduce_max3A_1269 : f32 to vector<16xf32>
      %eq3A_1271 = arith.cmpf oeq, %max3A_1265, %eq3A_1270 : vector<16xf32>
      %mul3A_1272 = arith.constant 16 : i32
      %mul3A_1273 = vector.broadcast %mul3A_1272 : i32 to vector<16xi32>
      %mul3A_1274 = arith.muli %select_n3A_1264, %mul3A_1273 : vector<16xi32>
      %add3A_1275 = arith.addi %mul3A_1274, %iota3A : vector<16xi32>
      %jit3A_1276 = arith.constant 128 : i32
      %broadcast_in_dim3A_1277 = vector.broadcast %jit3A_1276 : i32 to vector<16xi32>
      %select_n3A_1278 = arith.select %eq3A_1271, %add3A_1275, %broadcast_in_dim3A_1277 : vector<16xi1>, vector<16xi32>
      %reduce_min3A_1279 = arith.constant true
      %reduce_min3A_1280 = vector.broadcast %reduce_min3A_1279 : i1 to vector<16xi1>
      %reduce_min3A_1281 = arith.constant -2147483648 : i32
      %reduce_min3A_1282 = vector.broadcast %reduce_min3A_1281 : i32 to vector<16xi32>
      %reduce_min3A_1283 = arith.xori %select_n3A_1278, %reduce_min3A_1282 : vector<16xi32>
      %reduce_min3A_1284 = tpu.scan <min>, %reduce_min3A_1283 masked %reduce_min3A_1280 : vector<16xi32>, vector<16xi1> -> vector<16xi32>
      %reduce_min3A_1285 = arith.xori %reduce_min3A_1284, %reduce_min3A_1282 : vector<16xi32>
      %reduce_min3A_1286 = vector.extract %reduce_min3A_1285[15] : i32 from vector<16xi32>
      %add3A_1287 = arith.addi %mul3A_2, %mul3A_215 : i32
      %add3A_1288 = arith.constant 9 : i32
      %add3A_1289 = arith.addi %add3A_1287, %add3A_1288 : i32
      %mul3A_1290 = arith.constant 128 : i32
      %mul3A_1291 = arith.muli %add3A_1289, %mul3A_1290 : i32
      %add3A_1292 = arith.addi %mul3A_1291, %reduce_min3A_1286 : i32
      %eq3A_1293 = arith.constant 9 : i32
      %eq3A_1294 = vector.broadcast %eq3A_1293 : i32 to vector<16xi32>
      %eq3A_1295 = arith.cmpi eq, %iota3A, %eq3A_1294 : vector<16xi32>
      %broadcast_in_dim3A_1296 = vector.broadcast %add3A_1292 : i32 to vector<16xi32>
      %select_n3A_1297 = arith.select %eq3A_1295, %broadcast_in_dim3A_1296, %select_n3A_1188 : vector<16xi1>, vector<16xi32>
      %add3A_1298 = arith.constant 10 : i32
      %add3A_1299 = arith.addi %mul3A_215, %add3A_1298 : i32
      %get3A_1300 = arith.index_cast %add3A_1299 : i32 to index
      %get3A_1301 = arith.constant 0 : index
      %get3A_1302 = tpu.vector_load %arg5[%get3A_1300, %get3A_1301] {strides = array<i32>} : memref<128x128xf32, #tpu.memory_space<vmem>>, vector<16xf32>,
      %broadcast_in_dim3A_1303 = arith.constant 0 : i32
      %broadcast_in_dim3A_1304 = vector.broadcast %broadcast_in_dim3A_1303 : i32 to vector<16xi32>
      %add3A_1305 = arith.constant 10 : i32
      %add3A_1306 = arith.addi %mul3A_215, %add3A_1305 : i32
      %get3A_1307 = arith.index_cast %add3A_1306 : i32 to index
      %get3A_1308 = arith.constant 16 : index
      %get3A_1309 = tpu.vector_load %arg5[%get3A_1307, %get3A_1308] {strides = array<i32>} : memref<128x128xf32, #tpu.memory_space<vmem>>, vector<16xf32>,
      %gt3A_1310 = arith.cmpf ogt, %get3A_1309, %get3A_1302 : vector<16xf32>
      %jit3A_1311 = arith.constant 1 : i32
      %broadcast_in_dim3A_1312 = vector.broadcast %jit3A_1311 : i32 to vector<16xi32>
      %select_n3A_1313 = arith.select %gt3A_1310, %broadcast_in_dim3A_1312, %broadcast_in_dim3A_1304 : vector<16xi1>, vector<16xi32>
      %max3A_1314 = arith.maximumf %get3A_1302, %get3A_1309 : vector<16xf32>
      %add3A_1315 = arith.constant 10 : i32
      %add3A_1316 = arith.addi %mul3A_215, %add3A_1315 : i32
      %get3A_1317 = arith.index_cast %add3A_1316 : i32 to index
      %get3A_1318 = arith.constant 32 : index
      %get3A_1319 = tpu.vector_load %arg5[%get3A_1317, %get3A_1318] {strides = array<i32>} : memref<128x128xf32, #tpu.memory_space<vmem>>, vector<16xf32>,
      %gt3A_1320 = arith.cmpf ogt, %get3A_1319, %max3A_1314 : vector<16xf32>
      %jit3A_1321 = arith.constant 2 : i32
      %broadcast_in_dim3A_1322 = vector.broadcast %jit3A_1321 : i32 to vector<16xi32>
      %select_n3A_1323 = arith.select %gt3A_1320, %broadcast_in_dim3A_1322, %select_n3A_1313 : vector<16xi1>, vector<16xi32>
      %max3A_1324 = arith.maximumf %max3A_1314, %get3A_1319 : vector<16xf32>
      %add3A_1325 = arith.constant 10 : i32
      %add3A_1326 = arith.addi %mul3A_215, %add3A_1325 : i32
      %get3A_1327 = arith.index_cast %add3A_1326 : i32 to index
      %get3A_1328 = arith.constant 48 : index
      %get3A_1329 = tpu.vector_load %arg5[%get3A_1327, %get3A_1328] {strides = array<i32>} : memref<128x128xf32, #tpu.memory_space<vmem>>, vector<16xf32>,
      %gt3A_1330 = arith.cmpf ogt, %get3A_1329, %max3A_1324 : vector<16xf32>
      %jit3A_1331 = arith.constant 3 : i32
      %broadcast_in_dim3A_1332 = vector.broadcast %jit3A_1331 : i32 to vector<16xi32>
      %select_n3A_1333 = arith.select %gt3A_1330, %broadcast_in_dim3A_1332, %select_n3A_1323 : vector<16xi1>, vector<16xi32>
      %max3A_1334 = arith.maximumf %max3A_1324, %get3A_1329 : vector<16xf32>
      %add3A_1335 = arith.constant 10 : i32
      %add3A_1336 = arith.addi %mul3A_215, %add3A_1335 : i32
      %get3A_1337 = arith.index_cast %add3A_1336 : i32 to index
      %get3A_1338 = arith.constant 64 : index
      %get3A_1339 = tpu.vector_load %arg5[%get3A_1337, %get3A_1338] {strides = array<i32>} : memref<128x128xf32, #tpu.memory_space<vmem>>, vector<16xf32>,
      %gt3A_1340 = arith.cmpf ogt, %get3A_1339, %max3A_1334 : vector<16xf32>
      %jit3A_1341 = arith.constant 4 : i32
      %broadcast_in_dim3A_1342 = vector.broadcast %jit3A_1341 : i32 to vector<16xi32>
      %select_n3A_1343 = arith.select %gt3A_1340, %broadcast_in_dim3A_1342, %select_n3A_1333 : vector<16xi1>, vector<16xi32>
      %max3A_1344 = arith.maximumf %max3A_1334, %get3A_1339 : vector<16xf32>
      %add3A_1345 = arith.constant 10 : i32
      %add3A_1346 = arith.addi %mul3A_215, %add3A_1345 : i32
      %get3A_1347 = arith.index_cast %add3A_1346 : i32 to index
      %get3A_1348 = arith.constant 80 : index
      %get3A_1349 = tpu.vector_load %arg5[%get3A_1347, %get3A_1348] {strides = array<i32>} : memref<128x128xf32, #tpu.memory_space<vmem>>, vector<16xf32>,
      %gt3A_1350 = arith.cmpf ogt, %get3A_1349, %max3A_1344 : vector<16xf32>
      %jit3A_1351 = arith.constant 5 : i32
      %broadcast_in_dim3A_1352 = vector.broadcast %jit3A_1351 : i32 to vector<16xi32>
      %select_n3A_1353 = arith.select %gt3A_1350, %broadcast_in_dim3A_1352, %select_n3A_1343 : vector<16xi1>, vector<16xi32>
      %max3A_1354 = arith.maximumf %max3A_1344, %get3A_1349 : vector<16xf32>
      %add3A_1355 = arith.constant 10 : i32
      %add3A_1356 = arith.addi %mul3A_215, %add3A_1355 : i32
      %get3A_1357 = arith.index_cast %add3A_1356 : i32 to index
      %get3A_1358 = arith.constant 96 : index
      %get3A_1359 = tpu.vector_load %arg5[%get3A_1357, %get3A_1358] {strides = array<i32>} : memref<128x128xf32, #tpu.memory_space<vmem>>, vector<16xf32>,
      %gt3A_1360 = arith.cmpf ogt, %get3A_1359, %max3A_1354 : vector<16xf32>
      %jit3A_1361 = arith.constant 6 : i32
      %broadcast_in_dim3A_1362 = vector.broadcast %jit3A_1361 : i32 to vector<16xi32>
      %select_n3A_1363 = arith.select %gt3A_1360, %broadcast_in_dim3A_1362, %select_n3A_1353 : vector<16xi1>, vector<16xi32>
      %max3A_1364 = arith.maximumf %max3A_1354, %get3A_1359 : vector<16xf32>
      %add3A_1365 = arith.constant 10 : i32
      %add3A_1366 = arith.addi %mul3A_215, %add3A_1365 : i32
      %get3A_1367 = arith.index_cast %add3A_1366 : i32 to index
      %get3A_1368 = arith.constant 112 : index
      %get3A_1369 = tpu.vector_load %arg5[%get3A_1367, %get3A_1368] {strides = array<i32>} : memref<128x128xf32, #tpu.memory_space<vmem>>, vector<16xf32>,
      %gt3A_1370 = arith.cmpf ogt, %get3A_1369, %max3A_1364 : vector<16xf32>
      %jit3A_1371 = arith.constant 7 : i32
      %broadcast_in_dim3A_1372 = vector.broadcast %jit3A_1371 : i32 to vector<16xi32>
      %select_n3A_1373 = arith.select %gt3A_1370, %broadcast_in_dim3A_1372, %select_n3A_1363 : vector<16xi1>, vector<16xi32>
      %max3A_1374 = arith.maximumf %max3A_1364, %get3A_1369 : vector<16xf32>
      %reduce_max3A_1375 = arith.constant true
      %reduce_max3A_1376 = vector.broadcast %reduce_max3A_1375 : i1 to vector<16xi1>
      %reduce_max3A_1377 = tpu.scan <max>, %max3A_1374 masked %reduce_max3A_1376 : vector<16xf32>, vector<16xi1> -> vector<16xf32>
      %reduce_max3A_1378 = vector.extract %reduce_max3A_1377[15] : f32 from vector<16xf32>
      %eq3A_1379 = vector.broadcast %reduce_max3A_1378 : f32 to vector<16xf32>
      %eq3A_1380 = arith.cmpf oeq, %max3A_1374, %eq3A_1379 : vector<16xf32>
      %mul3A_1381 = arith.constant 16 : i32
      %mul3A_1382 = vector.broadcast %mul3A_1381 : i32 to vector<16xi32>
      %mul3A_1383 = arith.muli %select_n3A_1373, %mul3A_1382 : vector<16xi32>
      %add3A_1384 = arith.addi %mul3A_1383, %iota3A : vector<16xi32>
      %jit3A_1385 = arith.constant 128 : i32
      %broadcast_in_dim3A_1386 = vector.broadcast %jit3A_1385 : i32 to vector<16xi32>
      %select_n3A_1387 = arith.select %eq3A_1380, %add3A_1384, %broadcast_in_dim3A_1386 : vector<16xi1>, vector<16xi32>
      %reduce_min3A_1388 = arith.constant true
      %reduce_min3A_1389 = vector.broadcast %reduce_min3A_1388 : i1 to vector<16xi1>
      %reduce_min3A_1390 = arith.constant -2147483648 : i32
      %reduce_min3A_1391 = vector.broadcast %reduce_min3A_1390 : i32 to vector<16xi32>
      %reduce_min3A_1392 = arith.xori %select_n3A_1387, %reduce_min3A_1391 : vector<16xi32>
      %reduce_min3A_1393 = tpu.scan <min>, %reduce_min3A_1392 masked %reduce_min3A_1389 : vector<16xi32>, vector<16xi1> -> vector<16xi32>
      %reduce_min3A_1394 = arith.xori %reduce_min3A_1393, %reduce_min3A_1391 : vector<16xi32>
      %reduce_min3A_1395 = vector.extract %reduce_min3A_1394[15] : i32 from vector<16xi32>
      %add3A_1396 = arith.addi %mul3A_2, %mul3A_215 : i32
      %add3A_1397 = arith.constant 10 : i32
      %add3A_1398 = arith.addi %add3A_1396, %add3A_1397 : i32
      %mul3A_1399 = arith.constant 128 : i32
      %mul3A_1400 = arith.muli %add3A_1398, %mul3A_1399 : i32
      %add3A_1401 = arith.addi %mul3A_1400, %reduce_min3A_1395 : i32
      %eq3A_1402 = arith.constant 10 : i32
      %eq3A_1403 = vector.broadcast %eq3A_1402 : i32 to vector<16xi32>
      %eq3A_1404 = arith.cmpi eq, %iota3A, %eq3A_1403 : vector<16xi32>
      %broadcast_in_dim3A_1405 = vector.broadcast %add3A_1401 : i32 to vector<16xi32>
      %select_n3A_1406 = arith.select %eq3A_1404, %broadcast_in_dim3A_1405, %select_n3A_1297 : vector<16xi1>, vector<16xi32>
      %add3A_1407 = arith.constant 11 : i32
      %add3A_1408 = arith.addi %mul3A_215, %add3A_1407 : i32
      %get3A_1409 = arith.index_cast %add3A_1408 : i32 to index
      %get3A_1410 = arith.constant 0 : index
      %get3A_1411 = tpu.vector_load %arg5[%get3A_1409, %get3A_1410] {strides = array<i32>} : memref<128x128xf32, #tpu.memory_space<vmem>>, vector<16xf32>,
      %broadcast_in_dim3A_1412 = arith.constant 0 : i32
      %broadcast_in_dim3A_1413 = vector.broadcast %broadcast_in_dim3A_1412 : i32 to vector<16xi32>
      %add3A_1414 = arith.constant 11 : i32
      %add3A_1415 = arith.addi %mul3A_215, %add3A_1414 : i32
      %get3A_1416 = arith.index_cast %add3A_1415 : i32 to index
      %get3A_1417 = arith.constant 16 : index
      %get3A_1418 = tpu.vector_load %arg5[%get3A_1416, %get3A_1417] {strides = array<i32>} : memref<128x128xf32, #tpu.memory_space<vmem>>, vector<16xf32>,
      %gt3A_1419 = arith.cmpf ogt, %get3A_1418, %get3A_1411 : vector<16xf32>
      %jit3A_1420 = arith.constant 1 : i32
      %broadcast_in_dim3A_1421 = vector.broadcast %jit3A_1420 : i32 to vector<16xi32>
      %select_n3A_1422 = arith.select %gt3A_1419, %broadcast_in_dim3A_1421, %broadcast_in_dim3A_1413 : vector<16xi1>, vector<16xi32>
      %max3A_1423 = arith.maximumf %get3A_1411, %get3A_1418 : vector<16xf32>
      %add3A_1424 = arith.constant 11 : i32
      %add3A_1425 = arith.addi %mul3A_215, %add3A_1424 : i32
      %get3A_1426 = arith.index_cast %add3A_1425 : i32 to index
      %get3A_1427 = arith.constant 32 : index
      %get3A_1428 = tpu.vector_load %arg5[%get3A_1426, %get3A_1427] {strides = array<i32>} : memref<128x128xf32, #tpu.memory_space<vmem>>, vector<16xf32>,
      %gt3A_1429 = arith.cmpf ogt, %get3A_1428, %max3A_1423 : vector<16xf32>
      %jit3A_1430 = arith.constant 2 : i32
      %broadcast_in_dim3A_1431 = vector.broadcast %jit3A_1430 : i32 to vector<16xi32>
      %select_n3A_1432 = arith.select %gt3A_1429, %broadcast_in_dim3A_1431, %select_n3A_1422 : vector<16xi1>, vector<16xi32>
      %max3A_1433 = arith.maximumf %max3A_1423, %get3A_1428 : vector<16xf32>
      %add3A_1434 = arith.constant 11 : i32
      %add3A_1435 = arith.addi %mul3A_215, %add3A_1434 : i32
      %get3A_1436 = arith.index_cast %add3A_1435 : i32 to index
      %get3A_1437 = arith.constant 48 : index
      %get3A_1438 = tpu.vector_load %arg5[%get3A_1436, %get3A_1437] {strides = array<i32>} : memref<128x128xf32, #tpu.memory_space<vmem>>, vector<16xf32>,
      %gt3A_1439 = arith.cmpf ogt, %get3A_1438, %max3A_1433 : vector<16xf32>
      %jit3A_1440 = arith.constant 3 : i32
      %broadcast_in_dim3A_1441 = vector.broadcast %jit3A_1440 : i32 to vector<16xi32>
      %select_n3A_1442 = arith.select %gt3A_1439, %broadcast_in_dim3A_1441, %select_n3A_1432 : vector<16xi1>, vector<16xi32>
      %max3A_1443 = arith.maximumf %max3A_1433, %get3A_1438 : vector<16xf32>
      %add3A_1444 = arith.constant 11 : i32
      %add3A_1445 = arith.addi %mul3A_215, %add3A_1444 : i32
      %get3A_1446 = arith.index_cast %add3A_1445 : i32 to index
      %get3A_1447 = arith.constant 64 : index
      %get3A_1448 = tpu.vector_load %arg5[%get3A_1446, %get3A_1447] {strides = array<i32>} : memref<128x128xf32, #tpu.memory_space<vmem>>, vector<16xf32>,
      %gt3A_1449 = arith.cmpf ogt, %get3A_1448, %max3A_1443 : vector<16xf32>
      %jit3A_1450 = arith.constant 4 : i32
      %broadcast_in_dim3A_1451 = vector.broadcast %jit3A_1450 : i32 to vector<16xi32>
      %select_n3A_1452 = arith.select %gt3A_1449, %broadcast_in_dim3A_1451, %select_n3A_1442 : vector<16xi1>, vector<16xi32>
      %max3A_1453 = arith.maximumf %max3A_1443, %get3A_1448 : vector<16xf32>
      %add3A_1454 = arith.constant 11 : i32
      %add3A_1455 = arith.addi %mul3A_215, %add3A_1454 : i32
      %get3A_1456 = arith.index_cast %add3A_1455 : i32 to index
      %get3A_1457 = arith.constant 80 : index
      %get3A_1458 = tpu.vector_load %arg5[%get3A_1456, %get3A_1457] {strides = array<i32>} : memref<128x128xf32, #tpu.memory_space<vmem>>, vector<16xf32>,
      %gt3A_1459 = arith.cmpf ogt, %get3A_1458, %max3A_1453 : vector<16xf32>
      %jit3A_1460 = arith.constant 5 : i32
      %broadcast_in_dim3A_1461 = vector.broadcast %jit3A_1460 : i32 to vector<16xi32>
      %select_n3A_1462 = arith.select %gt3A_1459, %broadcast_in_dim3A_1461, %select_n3A_1452 : vector<16xi1>, vector<16xi32>
      %max3A_1463 = arith.maximumf %max3A_1453, %get3A_1458 : vector<16xf32>
      %add3A_1464 = arith.constant 11 : i32
      %add3A_1465 = arith.addi %mul3A_215, %add3A_1464 : i32
      %get3A_1466 = arith.index_cast %add3A_1465 : i32 to index
      %get3A_1467 = arith.constant 96 : index
      %get3A_1468 = tpu.vector_load %arg5[%get3A_1466, %get3A_1467] {strides = array<i32>} : memref<128x128xf32, #tpu.memory_space<vmem>>, vector<16xf32>,
      %gt3A_1469 = arith.cmpf ogt, %get3A_1468, %max3A_1463 : vector<16xf32>
      %jit3A_1470 = arith.constant 6 : i32
      %broadcast_in_dim3A_1471 = vector.broadcast %jit3A_1470 : i32 to vector<16xi32>
      %select_n3A_1472 = arith.select %gt3A_1469, %broadcast_in_dim3A_1471, %select_n3A_1462 : vector<16xi1>, vector<16xi32>
      %max3A_1473 = arith.maximumf %max3A_1463, %get3A_1468 : vector<16xf32>
      %add3A_1474 = arith.constant 11 : i32
      %add3A_1475 = arith.addi %mul3A_215, %add3A_1474 : i32
      %get3A_1476 = arith.index_cast %add3A_1475 : i32 to index
      %get3A_1477 = arith.constant 112 : index
      %get3A_1478 = tpu.vector_load %arg5[%get3A_1476, %get3A_1477] {strides = array<i32>} : memref<128x128xf32, #tpu.memory_space<vmem>>, vector<16xf32>,
      %gt3A_1479 = arith.cmpf ogt, %get3A_1478, %max3A_1473 : vector<16xf32>
      %jit3A_1480 = arith.constant 7 : i32
      %broadcast_in_dim3A_1481 = vector.broadcast %jit3A_1480 : i32 to vector<16xi32>
      %select_n3A_1482 = arith.select %gt3A_1479, %broadcast_in_dim3A_1481, %select_n3A_1472 : vector<16xi1>, vector<16xi32>
      %max3A_1483 = arith.maximumf %max3A_1473, %get3A_1478 : vector<16xf32>
      %reduce_max3A_1484 = arith.constant true
      %reduce_max3A_1485 = vector.broadcast %reduce_max3A_1484 : i1 to vector<16xi1>
      %reduce_max3A_1486 = tpu.scan <max>, %max3A_1483 masked %reduce_max3A_1485 : vector<16xf32>, vector<16xi1> -> vector<16xf32>
      %reduce_max3A_1487 = vector.extract %reduce_max3A_1486[15] : f32 from vector<16xf32>
      %eq3A_1488 = vector.broadcast %reduce_max3A_1487 : f32 to vector<16xf32>
      %eq3A_1489 = arith.cmpf oeq, %max3A_1483, %eq3A_1488 : vector<16xf32>
      %mul3A_1490 = arith.constant 16 : i32
      %mul3A_1491 = vector.broadcast %mul3A_1490 : i32 to vector<16xi32>
      %mul3A_1492 = arith.muli %select_n3A_1482, %mul3A_1491 : vector<16xi32>
      %add3A_1493 = arith.addi %mul3A_1492, %iota3A : vector<16xi32>
      %jit3A_1494 = arith.constant 128 : i32
      %broadcast_in_dim3A_1495 = vector.broadcast %jit3A_1494 : i32 to vector<16xi32>
      %select_n3A_1496 = arith.select %eq3A_1489, %add3A_1493, %broadcast_in_dim3A_1495 : vector<16xi1>, vector<16xi32>
      %reduce_min3A_1497 = arith.constant true
      %reduce_min3A_1498 = vector.broadcast %reduce_min3A_1497 : i1 to vector<16xi1>
      %reduce_min3A_1499 = arith.constant -2147483648 : i32
      %reduce_min3A_1500 = vector.broadcast %reduce_min3A_1499 : i32 to vector<16xi32>
      %reduce_min3A_1501 = arith.xori %select_n3A_1496, %reduce_min3A_1500 : vector<16xi32>
      %reduce_min3A_1502 = tpu.scan <min>, %reduce_min3A_1501 masked %reduce_min3A_1498 : vector<16xi32>, vector<16xi1> -> vector<16xi32>
      %reduce_min3A_1503 = arith.xori %reduce_min3A_1502, %reduce_min3A_1500 : vector<16xi32>
      %reduce_min3A_1504 = vector.extract %reduce_min3A_1503[15] : i32 from vector<16xi32>
      %add3A_1505 = arith.addi %mul3A_2, %mul3A_215 : i32
      %add3A_1506 = arith.constant 11 : i32
      %add3A_1507 = arith.addi %add3A_1505, %add3A_1506 : i32
      %mul3A_1508 = arith.constant 128 : i32
      %mul3A_1509 = arith.muli %add3A_1507, %mul3A_1508 : i32
      %add3A_1510 = arith.addi %mul3A_1509, %reduce_min3A_1504 : i32
      %eq3A_1511 = arith.constant 11 : i32
      %eq3A_1512 = vector.broadcast %eq3A_1511 : i32 to vector<16xi32>
      %eq3A_1513 = arith.cmpi eq, %iota3A, %eq3A_1512 : vector<16xi32>
      %broadcast_in_dim3A_1514 = vector.broadcast %add3A_1510 : i32 to vector<16xi32>
      %select_n3A_1515 = arith.select %eq3A_1513, %broadcast_in_dim3A_1514, %select_n3A_1406 : vector<16xi1>, vector<16xi32>
      %add3A_1516 = arith.constant 12 : i32
      %add3A_1517 = arith.addi %mul3A_215, %add3A_1516 : i32
      %get3A_1518 = arith.index_cast %add3A_1517 : i32 to index
      %get3A_1519 = arith.constant 0 : index
      %get3A_1520 = tpu.vector_load %arg5[%get3A_1518, %get3A_1519] {strides = array<i32>} : memref<128x128xf32, #tpu.memory_space<vmem>>, vector<16xf32>,
      %broadcast_in_dim3A_1521 = arith.constant 0 : i32
      %broadcast_in_dim3A_1522 = vector.broadcast %broadcast_in_dim3A_1521 : i32 to vector<16xi32>
      %add3A_1523 = arith.constant 12 : i32
      %add3A_1524 = arith.addi %mul3A_215, %add3A_1523 : i32
      %get3A_1525 = arith.index_cast %add3A_1524 : i32 to index
      %get3A_1526 = arith.constant 16 : index
      %get3A_1527 = tpu.vector_load %arg5[%get3A_1525, %get3A_1526] {strides = array<i32>} : memref<128x128xf32, #tpu.memory_space<vmem>>, vector<16xf32>,
      %gt3A_1528 = arith.cmpf ogt, %get3A_1527, %get3A_1520 : vector<16xf32>
      %jit3A_1529 = arith.constant 1 : i32
      %broadcast_in_dim3A_1530 = vector.broadcast %jit3A_1529 : i32 to vector<16xi32>
      %select_n3A_1531 = arith.select %gt3A_1528, %broadcast_in_dim3A_1530, %broadcast_in_dim3A_1522 : vector<16xi1>, vector<16xi32>
      %max3A_1532 = arith.maximumf %get3A_1520, %get3A_1527 : vector<16xf32>
      %add3A_1533 = arith.constant 12 : i32
      %add3A_1534 = arith.addi %mul3A_215, %add3A_1533 : i32
      %get3A_1535 = arith.index_cast %add3A_1534 : i32 to index
      %get3A_1536 = arith.constant 32 : index
      %get3A_1537 = tpu.vector_load %arg5[%get3A_1535, %get3A_1536] {strides = array<i32>} : memref<128x128xf32, #tpu.memory_space<vmem>>, vector<16xf32>,
      %gt3A_1538 = arith.cmpf ogt, %get3A_1537, %max3A_1532 : vector<16xf32>
      %jit3A_1539 = arith.constant 2 : i32
      %broadcast_in_dim3A_1540 = vector.broadcast %jit3A_1539 : i32 to vector<16xi32>
      %select_n3A_1541 = arith.select %gt3A_1538, %broadcast_in_dim3A_1540, %select_n3A_1531 : vector<16xi1>, vector<16xi32>
      %max3A_1542 = arith.maximumf %max3A_1532, %get3A_1537 : vector<16xf32>
      %add3A_1543 = arith.constant 12 : i32
      %add3A_1544 = arith.addi %mul3A_215, %add3A_1543 : i32
      %get3A_1545 = arith.index_cast %add3A_1544 : i32 to index
      %get3A_1546 = arith.constant 48 : index
      %get3A_1547 = tpu.vector_load %arg5[%get3A_1545, %get3A_1546] {strides = array<i32>} : memref<128x128xf32, #tpu.memory_space<vmem>>, vector<16xf32>,
      %gt3A_1548 = arith.cmpf ogt, %get3A_1547, %max3A_1542 : vector<16xf32>
      %jit3A_1549 = arith.constant 3 : i32
      %broadcast_in_dim3A_1550 = vector.broadcast %jit3A_1549 : i32 to vector<16xi32>
      %select_n3A_1551 = arith.select %gt3A_1548, %broadcast_in_dim3A_1550, %select_n3A_1541 : vector<16xi1>, vector<16xi32>
      %max3A_1552 = arith.maximumf %max3A_1542, %get3A_1547 : vector<16xf32>
      %add3A_1553 = arith.constant 12 : i32
      %add3A_1554 = arith.addi %mul3A_215, %add3A_1553 : i32
      %get3A_1555 = arith.index_cast %add3A_1554 : i32 to index
      %get3A_1556 = arith.constant 64 : index
      %get3A_1557 = tpu.vector_load %arg5[%get3A_1555, %get3A_1556] {strides = array<i32>} : memref<128x128xf32, #tpu.memory_space<vmem>>, vector<16xf32>,
      %gt3A_1558 = arith.cmpf ogt, %get3A_1557, %max3A_1552 : vector<16xf32>
      %jit3A_1559 = arith.constant 4 : i32
      %broadcast_in_dim3A_1560 = vector.broadcast %jit3A_1559 : i32 to vector<16xi32>
      %select_n3A_1561 = arith.select %gt3A_1558, %broadcast_in_dim3A_1560, %select_n3A_1551 : vector<16xi1>, vector<16xi32>
      %max3A_1562 = arith.maximumf %max3A_1552, %get3A_1557 : vector<16xf32>
      %add3A_1563 = arith.constant 12 : i32
      %add3A_1564 = arith.addi %mul3A_215, %add3A_1563 : i32
      %get3A_1565 = arith.index_cast %add3A_1564 : i32 to index
      %get3A_1566 = arith.constant 80 : index
      %get3A_1567 = tpu.vector_load %arg5[%get3A_1565, %get3A_1566] {strides = array<i32>} : memref<128x128xf32, #tpu.memory_space<vmem>>, vector<16xf32>,
      %gt3A_1568 = arith.cmpf ogt, %get3A_1567, %max3A_1562 : vector<16xf32>
      %jit3A_1569 = arith.constant 5 : i32
      %broadcast_in_dim3A_1570 = vector.broadcast %jit3A_1569 : i32 to vector<16xi32>
      %select_n3A_1571 = arith.select %gt3A_1568, %broadcast_in_dim3A_1570, %select_n3A_1561 : vector<16xi1>, vector<16xi32>
      %max3A_1572 = arith.maximumf %max3A_1562, %get3A_1567 : vector<16xf32>
      %add3A_1573 = arith.constant 12 : i32
      %add3A_1574 = arith.addi %mul3A_215, %add3A_1573 : i32
      %get3A_1575 = arith.index_cast %add3A_1574 : i32 to index
      %get3A_1576 = arith.constant 96 : index
      %get3A_1577 = tpu.vector_load %arg5[%get3A_1575, %get3A_1576] {strides = array<i32>} : memref<128x128xf32, #tpu.memory_space<vmem>>, vector<16xf32>,
      %gt3A_1578 = arith.cmpf ogt, %get3A_1577, %max3A_1572 : vector<16xf32>
      %jit3A_1579 = arith.constant 6 : i32
      %broadcast_in_dim3A_1580 = vector.broadcast %jit3A_1579 : i32 to vector<16xi32>
      %select_n3A_1581 = arith.select %gt3A_1578, %broadcast_in_dim3A_1580, %select_n3A_1571 : vector<16xi1>, vector<16xi32>
      %max3A_1582 = arith.maximumf %max3A_1572, %get3A_1577 : vector<16xf32>
      %add3A_1583 = arith.constant 12 : i32
      %add3A_1584 = arith.addi %mul3A_215, %add3A_1583 : i32
      %get3A_1585 = arith.index_cast %add3A_1584 : i32 to index
      %get3A_1586 = arith.constant 112 : index
      %get3A_1587 = tpu.vector_load %arg5[%get3A_1585, %get3A_1586] {strides = array<i32>} : memref<128x128xf32, #tpu.memory_space<vmem>>, vector<16xf32>,
      %gt3A_1588 = arith.cmpf ogt, %get3A_1587, %max3A_1582 : vector<16xf32>
      %jit3A_1589 = arith.constant 7 : i32
      %broadcast_in_dim3A_1590 = vector.broadcast %jit3A_1589 : i32 to vector<16xi32>
      %select_n3A_1591 = arith.select %gt3A_1588, %broadcast_in_dim3A_1590, %select_n3A_1581 : vector<16xi1>, vector<16xi32>
      %max3A_1592 = arith.maximumf %max3A_1582, %get3A_1587 : vector<16xf32>
      %reduce_max3A_1593 = arith.constant true
      %reduce_max3A_1594 = vector.broadcast %reduce_max3A_1593 : i1 to vector<16xi1>
      %reduce_max3A_1595 = tpu.scan <max>, %max3A_1592 masked %reduce_max3A_1594 : vector<16xf32>, vector<16xi1> -> vector<16xf32>
      %reduce_max3A_1596 = vector.extract %reduce_max3A_1595[15] : f32 from vector<16xf32>
      %eq3A_1597 = vector.broadcast %reduce_max3A_1596 : f32 to vector<16xf32>
      %eq3A_1598 = arith.cmpf oeq, %max3A_1592, %eq3A_1597 : vector<16xf32>
      %mul3A_1599 = arith.constant 16 : i32
      %mul3A_1600 = vector.broadcast %mul3A_1599 : i32 to vector<16xi32>
      %mul3A_1601 = arith.muli %select_n3A_1591, %mul3A_1600 : vector<16xi32>
      %add3A_1602 = arith.addi %mul3A_1601, %iota3A : vector<16xi32>
      %jit3A_1603 = arith.constant 128 : i32
      %broadcast_in_dim3A_1604 = vector.broadcast %jit3A_1603 : i32 to vector<16xi32>
      %select_n3A_1605 = arith.select %eq3A_1598, %add3A_1602, %broadcast_in_dim3A_1604 : vector<16xi1>, vector<16xi32>
      %reduce_min3A_1606 = arith.constant true
      %reduce_min3A_1607 = vector.broadcast %reduce_min3A_1606 : i1 to vector<16xi1>
      %reduce_min3A_1608 = arith.constant -2147483648 : i32
      %reduce_min3A_1609 = vector.broadcast %reduce_min3A_1608 : i32 to vector<16xi32>
      %reduce_min3A_1610 = arith.xori %select_n3A_1605, %reduce_min3A_1609 : vector<16xi32>
      %reduce_min3A_1611 = tpu.scan <min>, %reduce_min3A_1610 masked %reduce_min3A_1607 : vector<16xi32>, vector<16xi1> -> vector<16xi32>
      %reduce_min3A_1612 = arith.xori %reduce_min3A_1611, %reduce_min3A_1609 : vector<16xi32>
      %reduce_min3A_1613 = vector.extract %reduce_min3A_1612[15] : i32 from vector<16xi32>
      %add3A_1614 = arith.addi %mul3A_2, %mul3A_215 : i32
      %add3A_1615 = arith.constant 12 : i32
      %add3A_1616 = arith.addi %add3A_1614, %add3A_1615 : i32
      %mul3A_1617 = arith.constant 128 : i32
      %mul3A_1618 = arith.muli %add3A_1616, %mul3A_1617 : i32
      %add3A_1619 = arith.addi %mul3A_1618, %reduce_min3A_1613 : i32
      %eq3A_1620 = arith.constant 12 : i32
      %eq3A_1621 = vector.broadcast %eq3A_1620 : i32 to vector<16xi32>
      %eq3A_1622 = arith.cmpi eq, %iota3A, %eq3A_1621 : vector<16xi32>
      %broadcast_in_dim3A_1623 = vector.broadcast %add3A_1619 : i32 to vector<16xi32>
      %select_n3A_1624 = arith.select %eq3A_1622, %broadcast_in_dim3A_1623, %select_n3A_1515 : vector<16xi1>, vector<16xi32>
      %add3A_1625 = arith.constant 13 : i32
      %add3A_1626 = arith.addi %mul3A_215, %add3A_1625 : i32
      %get3A_1627 = arith.index_cast %add3A_1626 : i32 to index
      %get3A_1628 = arith.constant 0 : index
      %get3A_1629 = tpu.vector_load %arg5[%get3A_1627, %get3A_1628] {strides = array<i32>} : memref<128x128xf32, #tpu.memory_space<vmem>>, vector<16xf32>,
      %broadcast_in_dim3A_1630 = arith.constant 0 : i32
      %broadcast_in_dim3A_1631 = vector.broadcast %broadcast_in_dim3A_1630 : i32 to vector<16xi32>
      %add3A_1632 = arith.constant 13 : i32
      %add3A_1633 = arith.addi %mul3A_215, %add3A_1632 : i32
      %get3A_1634 = arith.index_cast %add3A_1633 : i32 to index
      %get3A_1635 = arith.constant 16 : index
      %get3A_1636 = tpu.vector_load %arg5[%get3A_1634, %get3A_1635] {strides = array<i32>} : memref<128x128xf32, #tpu.memory_space<vmem>>, vector<16xf32>,
      %gt3A_1637 = arith.cmpf ogt, %get3A_1636, %get3A_1629 : vector<16xf32>
      %jit3A_1638 = arith.constant 1 : i32
      %broadcast_in_dim3A_1639 = vector.broadcast %jit3A_1638 : i32 to vector<16xi32>
      %select_n3A_1640 = arith.select %gt3A_1637, %broadcast_in_dim3A_1639, %broadcast_in_dim3A_1631 : vector<16xi1>, vector<16xi32>
      %max3A_1641 = arith.maximumf %get3A_1629, %get3A_1636 : vector<16xf32>
      %add3A_1642 = arith.constant 13 : i32
      %add3A_1643 = arith.addi %mul3A_215, %add3A_1642 : i32
      %get3A_1644 = arith.index_cast %add3A_1643 : i32 to index
      %get3A_1645 = arith.constant 32 : index
      %get3A_1646 = tpu.vector_load %arg5[%get3A_1644, %get3A_1645] {strides = array<i32>} : memref<128x128xf32, #tpu.memory_space<vmem>>, vector<16xf32>,
      %gt3A_1647 = arith.cmpf ogt, %get3A_1646, %max3A_1641 : vector<16xf32>
      %jit3A_1648 = arith.constant 2 : i32
      %broadcast_in_dim3A_1649 = vector.broadcast %jit3A_1648 : i32 to vector<16xi32>
      %select_n3A_1650 = arith.select %gt3A_1647, %broadcast_in_dim3A_1649, %select_n3A_1640 : vector<16xi1>, vector<16xi32>
      %max3A_1651 = arith.maximumf %max3A_1641, %get3A_1646 : vector<16xf32>
      %add3A_1652 = arith.constant 13 : i32
      %add3A_1653 = arith.addi %mul3A_215, %add3A_1652 : i32
      %get3A_1654 = arith.index_cast %add3A_1653 : i32 to index
      %get3A_1655 = arith.constant 48 : index
      %get3A_1656 = tpu.vector_load %arg5[%get3A_1654, %get3A_1655] {strides = array<i32>} : memref<128x128xf32, #tpu.memory_space<vmem>>, vector<16xf32>,
      %gt3A_1657 = arith.cmpf ogt, %get3A_1656, %max3A_1651 : vector<16xf32>
      %jit3A_1658 = arith.constant 3 : i32
      %broadcast_in_dim3A_1659 = vector.broadcast %jit3A_1658 : i32 to vector<16xi32>
      %select_n3A_1660 = arith.select %gt3A_1657, %broadcast_in_dim3A_1659, %select_n3A_1650 : vector<16xi1>, vector<16xi32>
      %max3A_1661 = arith.maximumf %max3A_1651, %get3A_1656 : vector<16xf32>
      %add3A_1662 = arith.constant 13 : i32
      %add3A_1663 = arith.addi %mul3A_215, %add3A_1662 : i32
      %get3A_1664 = arith.index_cast %add3A_1663 : i32 to index
      %get3A_1665 = arith.constant 64 : index
      %get3A_1666 = tpu.vector_load %arg5[%get3A_1664, %get3A_1665] {strides = array<i32>} : memref<128x128xf32, #tpu.memory_space<vmem>>, vector<16xf32>,
      %gt3A_1667 = arith.cmpf ogt, %get3A_1666, %max3A_1661 : vector<16xf32>
      %jit3A_1668 = arith.constant 4 : i32
      %broadcast_in_dim3A_1669 = vector.broadcast %jit3A_1668 : i32 to vector<16xi32>
      %select_n3A_1670 = arith.select %gt3A_1667, %broadcast_in_dim3A_1669, %select_n3A_1660 : vector<16xi1>, vector<16xi32>
      %max3A_1671 = arith.maximumf %max3A_1661, %get3A_1666 : vector<16xf32>
      %add3A_1672 = arith.constant 13 : i32
      %add3A_1673 = arith.addi %mul3A_215, %add3A_1672 : i32
      %get3A_1674 = arith.index_cast %add3A_1673 : i32 to index
      %get3A_1675 = arith.constant 80 : index
      %get3A_1676 = tpu.vector_load %arg5[%get3A_1674, %get3A_1675] {strides = array<i32>} : memref<128x128xf32, #tpu.memory_space<vmem>>, vector<16xf32>,
      %gt3A_1677 = arith.cmpf ogt, %get3A_1676, %max3A_1671 : vector<16xf32>
      %jit3A_1678 = arith.constant 5 : i32
      %broadcast_in_dim3A_1679 = vector.broadcast %jit3A_1678 : i32 to vector<16xi32>
      %select_n3A_1680 = arith.select %gt3A_1677, %broadcast_in_dim3A_1679, %select_n3A_1670 : vector<16xi1>, vector<16xi32>
      %max3A_1681 = arith.maximumf %max3A_1671, %get3A_1676 : vector<16xf32>
      %add3A_1682 = arith.constant 13 : i32
      %add3A_1683 = arith.addi %mul3A_215, %add3A_1682 : i32
      %get3A_1684 = arith.index_cast %add3A_1683 : i32 to index
      %get3A_1685 = arith.constant 96 : index
      %get3A_1686 = tpu.vector_load %arg5[%get3A_1684, %get3A_1685] {strides = array<i32>} : memref<128x128xf32, #tpu.memory_space<vmem>>, vector<16xf32>,
      %gt3A_1687 = arith.cmpf ogt, %get3A_1686, %max3A_1681 : vector<16xf32>
      %jit3A_1688 = arith.constant 6 : i32
      %broadcast_in_dim3A_1689 = vector.broadcast %jit3A_1688 : i32 to vector<16xi32>
      %select_n3A_1690 = arith.select %gt3A_1687, %broadcast_in_dim3A_1689, %select_n3A_1680 : vector<16xi1>, vector<16xi32>
      %max3A_1691 = arith.maximumf %max3A_1681, %get3A_1686 : vector<16xf32>
      %add3A_1692 = arith.constant 13 : i32
      %add3A_1693 = arith.addi %mul3A_215, %add3A_1692 : i32
      %get3A_1694 = arith.index_cast %add3A_1693 : i32 to index
      %get3A_1695 = arith.constant 112 : index
      %get3A_1696 = tpu.vector_load %arg5[%get3A_1694, %get3A_1695] {strides = array<i32>} : memref<128x128xf32, #tpu.memory_space<vmem>>, vector<16xf32>,
      %gt3A_1697 = arith.cmpf ogt, %get3A_1696, %max3A_1691 : vector<16xf32>
      %jit3A_1698 = arith.constant 7 : i32
      %broadcast_in_dim3A_1699 = vector.broadcast %jit3A_1698 : i32 to vector<16xi32>
      %select_n3A_1700 = arith.select %gt3A_1697, %broadcast_in_dim3A_1699, %select_n3A_1690 : vector<16xi1>, vector<16xi32>
      %max3A_1701 = arith.maximumf %max3A_1691, %get3A_1696 : vector<16xf32>
      %reduce_max3A_1702 = arith.constant true
      %reduce_max3A_1703 = vector.broadcast %reduce_max3A_1702 : i1 to vector<16xi1>
      %reduce_max3A_1704 = tpu.scan <max>, %max3A_1701 masked %reduce_max3A_1703 : vector<16xf32>, vector<16xi1> -> vector<16xf32>
      %reduce_max3A_1705 = vector.extract %reduce_max3A_1704[15] : f32 from vector<16xf32>
      %eq3A_1706 = vector.broadcast %reduce_max3A_1705 : f32 to vector<16xf32>
      %eq3A_1707 = arith.cmpf oeq, %max3A_1701, %eq3A_1706 : vector<16xf32>
      %mul3A_1708 = arith.constant 16 : i32
      %mul3A_1709 = vector.broadcast %mul3A_1708 : i32 to vector<16xi32>
      %mul3A_1710 = arith.muli %select_n3A_1700, %mul3A_1709 : vector<16xi32>
      %add3A_1711 = arith.addi %mul3A_1710, %iota3A : vector<16xi32>
      %jit3A_1712 = arith.constant 128 : i32
      %broadcast_in_dim3A_1713 = vector.broadcast %jit3A_1712 : i32 to vector<16xi32>
      %select_n3A_1714 = arith.select %eq3A_1707, %add3A_1711, %broadcast_in_dim3A_1713 : vector<16xi1>, vector<16xi32>
      %reduce_min3A_1715 = arith.constant true
      %reduce_min3A_1716 = vector.broadcast %reduce_min3A_1715 : i1 to vector<16xi1>
      %reduce_min3A_1717 = arith.constant -2147483648 : i32
      %reduce_min3A_1718 = vector.broadcast %reduce_min3A_1717 : i32 to vector<16xi32>
      %reduce_min3A_1719 = arith.xori %select_n3A_1714, %reduce_min3A_1718 : vector<16xi32>
      %reduce_min3A_1720 = tpu.scan <min>, %reduce_min3A_1719 masked %reduce_min3A_1716 : vector<16xi32>, vector<16xi1> -> vector<16xi32>
      %reduce_min3A_1721 = arith.xori %reduce_min3A_1720, %reduce_min3A_1718 : vector<16xi32>
      %reduce_min3A_1722 = vector.extract %reduce_min3A_1721[15] : i32 from vector<16xi32>
      %add3A_1723 = arith.addi %mul3A_2, %mul3A_215 : i32
      %add3A_1724 = arith.constant 13 : i32
      %add3A_1725 = arith.addi %add3A_1723, %add3A_1724 : i32
      %mul3A_1726 = arith.constant 128 : i32
      %mul3A_1727 = arith.muli %add3A_1725, %mul3A_1726 : i32
      %add3A_1728 = arith.addi %mul3A_1727, %reduce_min3A_1722 : i32
      %eq3A_1729 = arith.constant 13 : i32
      %eq3A_1730 = vector.broadcast %eq3A_1729 : i32 to vector<16xi32>
      %eq3A_1731 = arith.cmpi eq, %iota3A, %eq3A_1730 : vector<16xi32>
      %broadcast_in_dim3A_1732 = vector.broadcast %add3A_1728 : i32 to vector<16xi32>
      %select_n3A_1733 = arith.select %eq3A_1731, %broadcast_in_dim3A_1732, %select_n3A_1624 : vector<16xi1>, vector<16xi32>
      %add3A_1734 = arith.constant 14 : i32
      %add3A_1735 = arith.addi %mul3A_215, %add3A_1734 : i32
      %get3A_1736 = arith.index_cast %add3A_1735 : i32 to index
      %get3A_1737 = arith.constant 0 : index
      %get3A_1738 = tpu.vector_load %arg5[%get3A_1736, %get3A_1737] {strides = array<i32>} : memref<128x128xf32, #tpu.memory_space<vmem>>, vector<16xf32>,
      %broadcast_in_dim3A_1739 = arith.constant 0 : i32
      %broadcast_in_dim3A_1740 = vector.broadcast %broadcast_in_dim3A_1739 : i32 to vector<16xi32>
      %add3A_1741 = arith.constant 14 : i32
      %add3A_1742 = arith.addi %mul3A_215, %add3A_1741 : i32
      %get3A_1743 = arith.index_cast %add3A_1742 : i32 to index
      %get3A_1744 = arith.constant 16 : index
      %get3A_1745 = tpu.vector_load %arg5[%get3A_1743, %get3A_1744] {strides = array<i32>} : memref<128x128xf32, #tpu.memory_space<vmem>>, vector<16xf32>,
      %gt3A_1746 = arith.cmpf ogt, %get3A_1745, %get3A_1738 : vector<16xf32>
      %jit3A_1747 = arith.constant 1 : i32
      %broadcast_in_dim3A_1748 = vector.broadcast %jit3A_1747 : i32 to vector<16xi32>
      %select_n3A_1749 = arith.select %gt3A_1746, %broadcast_in_dim3A_1748, %broadcast_in_dim3A_1740 : vector<16xi1>, vector<16xi32>
      %max3A_1750 = arith.maximumf %get3A_1738, %get3A_1745 : vector<16xf32>
      %add3A_1751 = arith.constant 14 : i32
      %add3A_1752 = arith.addi %mul3A_215, %add3A_1751 : i32
      %get3A_1753 = arith.index_cast %add3A_1752 : i32 to index
      %get3A_1754 = arith.constant 32 : index
      %get3A_1755 = tpu.vector_load %arg5[%get3A_1753, %get3A_1754] {strides = array<i32>} : memref<128x128xf32, #tpu.memory_space<vmem>>, vector<16xf32>,
      %gt3A_1756 = arith.cmpf ogt, %get3A_1755, %max3A_1750 : vector<16xf32>
      %jit3A_1757 = arith.constant 2 : i32
      %broadcast_in_dim3A_1758 = vector.broadcast %jit3A_1757 : i32 to vector<16xi32>
      %select_n3A_1759 = arith.select %gt3A_1756, %broadcast_in_dim3A_1758, %select_n3A_1749 : vector<16xi1>, vector<16xi32>
      %max3A_1760 = arith.maximumf %max3A_1750, %get3A_1755 : vector<16xf32>
      %add3A_1761 = arith.constant 14 : i32
      %add3A_1762 = arith.addi %mul3A_215, %add3A_1761 : i32
      %get3A_1763 = arith.index_cast %add3A_1762 : i32 to index
      %get3A_1764 = arith.constant 48 : index
      %get3A_1765 = tpu.vector_load %arg5[%get3A_1763, %get3A_1764] {strides = array<i32>} : memref<128x128xf32, #tpu.memory_space<vmem>>, vector<16xf32>,
      %gt3A_1766 = arith.cmpf ogt, %get3A_1765, %max3A_1760 : vector<16xf32>
      %jit3A_1767 = arith.constant 3 : i32
      %broadcast_in_dim3A_1768 = vector.broadcast %jit3A_1767 : i32 to vector<16xi32>
      %select_n3A_1769 = arith.select %gt3A_1766, %broadcast_in_dim3A_1768, %select_n3A_1759 : vector<16xi1>, vector<16xi32>
      %max3A_1770 = arith.maximumf %max3A_1760, %get3A_1765 : vector<16xf32>
      %add3A_1771 = arith.constant 14 : i32
      %add3A_1772 = arith.addi %mul3A_215, %add3A_1771 : i32
      %get3A_1773 = arith.index_cast %add3A_1772 : i32 to index
      %get3A_1774 = arith.constant 64 : index
      %get3A_1775 = tpu.vector_load %arg5[%get3A_1773, %get3A_1774] {strides = array<i32>} : memref<128x128xf32, #tpu.memory_space<vmem>>, vector<16xf32>,
      %gt3A_1776 = arith.cmpf ogt, %get3A_1775, %max3A_1770 : vector<16xf32>
      %jit3A_1777 = arith.constant 4 : i32
      %broadcast_in_dim3A_1778 = vector.broadcast %jit3A_1777 : i32 to vector<16xi32>
      %select_n3A_1779 = arith.select %gt3A_1776, %broadcast_in_dim3A_1778, %select_n3A_1769 : vector<16xi1>, vector<16xi32>
      %max3A_1780 = arith.maximumf %max3A_1770, %get3A_1775 : vector<16xf32>
      %add3A_1781 = arith.constant 14 : i32
      %add3A_1782 = arith.addi %mul3A_215, %add3A_1781 : i32
      %get3A_1783 = arith.index_cast %add3A_1782 : i32 to index
      %get3A_1784 = arith.constant 80 : index
      %get3A_1785 = tpu.vector_load %arg5[%get3A_1783, %get3A_1784] {strides = array<i32>} : memref<128x128xf32, #tpu.memory_space<vmem>>, vector<16xf32>,
      %gt3A_1786 = arith.cmpf ogt, %get3A_1785, %max3A_1780 : vector<16xf32>
      %jit3A_1787 = arith.constant 5 : i32
      %broadcast_in_dim3A_1788 = vector.broadcast %jit3A_1787 : i32 to vector<16xi32>
      %select_n3A_1789 = arith.select %gt3A_1786, %broadcast_in_dim3A_1788, %select_n3A_1779 : vector<16xi1>, vector<16xi32>
      %max3A_1790 = arith.maximumf %max3A_1780, %get3A_1785 : vector<16xf32>
      %add3A_1791 = arith.constant 14 : i32
      %add3A_1792 = arith.addi %mul3A_215, %add3A_1791 : i32
      %get3A_1793 = arith.index_cast %add3A_1792 : i32 to index
      %get3A_1794 = arith.constant 96 : index
      %get3A_1795 = tpu.vector_load %arg5[%get3A_1793, %get3A_1794] {strides = array<i32>} : memref<128x128xf32, #tpu.memory_space<vmem>>, vector<16xf32>,
      %gt3A_1796 = arith.cmpf ogt, %get3A_1795, %max3A_1790 : vector<16xf32>
      %jit3A_1797 = arith.constant 6 : i32
      %broadcast_in_dim3A_1798 = vector.broadcast %jit3A_1797 : i32 to vector<16xi32>
      %select_n3A_1799 = arith.select %gt3A_1796, %broadcast_in_dim3A_1798, %select_n3A_1789 : vector<16xi1>, vector<16xi32>
      %max3A_1800 = arith.maximumf %max3A_1790, %get3A_1795 : vector<16xf32>
      %add3A_1801 = arith.constant 14 : i32
      %add3A_1802 = arith.addi %mul3A_215, %add3A_1801 : i32
      %get3A_1803 = arith.index_cast %add3A_1802 : i32 to index
      %get3A_1804 = arith.constant 112 : index
      %get3A_1805 = tpu.vector_load %arg5[%get3A_1803, %get3A_1804] {strides = array<i32>} : memref<128x128xf32, #tpu.memory_space<vmem>>, vector<16xf32>,
      %gt3A_1806 = arith.cmpf ogt, %get3A_1805, %max3A_1800 : vector<16xf32>
      %jit3A_1807 = arith.constant 7 : i32
      %broadcast_in_dim3A_1808 = vector.broadcast %jit3A_1807 : i32 to vector<16xi32>
      %select_n3A_1809 = arith.select %gt3A_1806, %broadcast_in_dim3A_1808, %select_n3A_1799 : vector<16xi1>, vector<16xi32>
      %max3A_1810 = arith.maximumf %max3A_1800, %get3A_1805 : vector<16xf32>
      %reduce_max3A_1811 = arith.constant true
      %reduce_max3A_1812 = vector.broadcast %reduce_max3A_1811 : i1 to vector<16xi1>
      %reduce_max3A_1813 = tpu.scan <max>, %max3A_1810 masked %reduce_max3A_1812 : vector<16xf32>, vector<16xi1> -> vector<16xf32>
      %reduce_max3A_1814 = vector.extract %reduce_max3A_1813[15] : f32 from vector<16xf32>
      %eq3A_1815 = vector.broadcast %reduce_max3A_1814 : f32 to vector<16xf32>
      %eq3A_1816 = arith.cmpf oeq, %max3A_1810, %eq3A_1815 : vector<16xf32>
      %mul3A_1817 = arith.constant 16 : i32
      %mul3A_1818 = vector.broadcast %mul3A_1817 : i32 to vector<16xi32>
      %mul3A_1819 = arith.muli %select_n3A_1809, %mul3A_1818 : vector<16xi32>
      %add3A_1820 = arith.addi %mul3A_1819, %iota3A : vector<16xi32>
      %jit3A_1821 = arith.constant 128 : i32
      %broadcast_in_dim3A_1822 = vector.broadcast %jit3A_1821 : i32 to vector<16xi32>
      %select_n3A_1823 = arith.select %eq3A_1816, %add3A_1820, %broadcast_in_dim3A_1822 : vector<16xi1>, vector<16xi32>
      %reduce_min3A_1824 = arith.constant true
      %reduce_min3A_1825 = vector.broadcast %reduce_min3A_1824 : i1 to vector<16xi1>
      %reduce_min3A_1826 = arith.constant -2147483648 : i32
      %reduce_min3A_1827 = vector.broadcast %reduce_min3A_1826 : i32 to vector<16xi32>
      %reduce_min3A_1828 = arith.xori %select_n3A_1823, %reduce_min3A_1827 : vector<16xi32>
      %reduce_min3A_1829 = tpu.scan <min>, %reduce_min3A_1828 masked %reduce_min3A_1825 : vector<16xi32>, vector<16xi1> -> vector<16xi32>
      %reduce_min3A_1830 = arith.xori %reduce_min3A_1829, %reduce_min3A_1827 : vector<16xi32>
      %reduce_min3A_1831 = vector.extract %reduce_min3A_1830[15] : i32 from vector<16xi32>
      %add3A_1832 = arith.addi %mul3A_2, %mul3A_215 : i32
      %add3A_1833 = arith.constant 14 : i32
      %add3A_1834 = arith.addi %add3A_1832, %add3A_1833 : i32
      %mul3A_1835 = arith.constant 128 : i32
      %mul3A_1836 = arith.muli %add3A_1834, %mul3A_1835 : i32
      %add3A_1837 = arith.addi %mul3A_1836, %reduce_min3A_1831 : i32
      %eq3A_1838 = arith.constant 14 : i32
      %eq3A_1839 = vector.broadcast %eq3A_1838 : i32 to vector<16xi32>
      %eq3A_1840 = arith.cmpi eq, %iota3A, %eq3A_1839 : vector<16xi32>
      %broadcast_in_dim3A_1841 = vector.broadcast %add3A_1837 : i32 to vector<16xi32>
      %select_n3A_1842 = arith.select %eq3A_1840, %broadcast_in_dim3A_1841, %select_n3A_1733 : vector<16xi1>, vector<16xi32>
      %add3A_1843 = arith.constant 15 : i32
      %add3A_1844 = arith.addi %mul3A_215, %add3A_1843 : i32
      %get3A_1845 = arith.index_cast %add3A_1844 : i32 to index
      %get3A_1846 = arith.constant 0 : index
      %get3A_1847 = tpu.vector_load %arg5[%get3A_1845, %get3A_1846] {strides = array<i32>} : memref<128x128xf32, #tpu.memory_space<vmem>>, vector<16xf32>,
      %broadcast_in_dim3A_1848 = arith.constant 0 : i32
      %broadcast_in_dim3A_1849 = vector.broadcast %broadcast_in_dim3A_1848 : i32 to vector<16xi32>
      %add3A_1850 = arith.constant 15 : i32
      %add3A_1851 = arith.addi %mul3A_215, %add3A_1850 : i32
      %get3A_1852 = arith.index_cast %add3A_1851 : i32 to index
      %get3A_1853 = arith.constant 16 : index
      %get3A_1854 = tpu.vector_load %arg5[%get3A_1852, %get3A_1853] {strides = array<i32>} : memref<128x128xf32, #tpu.memory_space<vmem>>, vector<16xf32>,
      %gt3A_1855 = arith.cmpf ogt, %get3A_1854, %get3A_1847 : vector<16xf32>
      %jit3A_1856 = arith.constant 1 : i32
      %broadcast_in_dim3A_1857 = vector.broadcast %jit3A_1856 : i32 to vector<16xi32>
      %select_n3A_1858 = arith.select %gt3A_1855, %broadcast_in_dim3A_1857, %broadcast_in_dim3A_1849 : vector<16xi1>, vector<16xi32>
      %max3A_1859 = arith.maximumf %get3A_1847, %get3A_1854 : vector<16xf32>
      %add3A_1860 = arith.constant 15 : i32
      %add3A_1861 = arith.addi %mul3A_215, %add3A_1860 : i32
      %get3A_1862 = arith.index_cast %add3A_1861 : i32 to index
      %get3A_1863 = arith.constant 32 : index
      %get3A_1864 = tpu.vector_load %arg5[%get3A_1862, %get3A_1863] {strides = array<i32>} : memref<128x128xf32, #tpu.memory_space<vmem>>, vector<16xf32>,
      %gt3A_1865 = arith.cmpf ogt, %get3A_1864, %max3A_1859 : vector<16xf32>
      %jit3A_1866 = arith.constant 2 : i32
      %broadcast_in_dim3A_1867 = vector.broadcast %jit3A_1866 : i32 to vector<16xi32>
      %select_n3A_1868 = arith.select %gt3A_1865, %broadcast_in_dim3A_1867, %select_n3A_1858 : vector<16xi1>, vector<16xi32>
      %max3A_1869 = arith.maximumf %max3A_1859, %get3A_1864 : vector<16xf32>
      %add3A_1870 = arith.constant 15 : i32
      %add3A_1871 = arith.addi %mul3A_215, %add3A_1870 : i32
      %get3A_1872 = arith.index_cast %add3A_1871 : i32 to index
      %get3A_1873 = arith.constant 48 : index
      %get3A_1874 = tpu.vector_load %arg5[%get3A_1872, %get3A_1873] {strides = array<i32>} : memref<128x128xf32, #tpu.memory_space<vmem>>, vector<16xf32>,
      %gt3A_1875 = arith.cmpf ogt, %get3A_1874, %max3A_1869 : vector<16xf32>
      %jit3A_1876 = arith.constant 3 : i32
      %broadcast_in_dim3A_1877 = vector.broadcast %jit3A_1876 : i32 to vector<16xi32>
      %select_n3A_1878 = arith.select %gt3A_1875, %broadcast_in_dim3A_1877, %select_n3A_1868 : vector<16xi1>, vector<16xi32>
      %max3A_1879 = arith.maximumf %max3A_1869, %get3A_1874 : vector<16xf32>
      %add3A_1880 = arith.constant 15 : i32
      %add3A_1881 = arith.addi %mul3A_215, %add3A_1880 : i32
      %get3A_1882 = arith.index_cast %add3A_1881 : i32 to index
      %get3A_1883 = arith.constant 64 : index
      %get3A_1884 = tpu.vector_load %arg5[%get3A_1882, %get3A_1883] {strides = array<i32>} : memref<128x128xf32, #tpu.memory_space<vmem>>, vector<16xf32>,
      %gt3A_1885 = arith.cmpf ogt, %get3A_1884, %max3A_1879 : vector<16xf32>
      %jit3A_1886 = arith.constant 4 : i32
      %broadcast_in_dim3A_1887 = vector.broadcast %jit3A_1886 : i32 to vector<16xi32>
      %select_n3A_1888 = arith.select %gt3A_1885, %broadcast_in_dim3A_1887, %select_n3A_1878 : vector<16xi1>, vector<16xi32>
      %max3A_1889 = arith.maximumf %max3A_1879, %get3A_1884 : vector<16xf32>
      %add3A_1890 = arith.constant 15 : i32
      %add3A_1891 = arith.addi %mul3A_215, %add3A_1890 : i32
      %get3A_1892 = arith.index_cast %add3A_1891 : i32 to index
      %get3A_1893 = arith.constant 80 : index
      %get3A_1894 = tpu.vector_load %arg5[%get3A_1892, %get3A_1893] {strides = array<i32>} : memref<128x128xf32, #tpu.memory_space<vmem>>, vector<16xf32>,
      %gt3A_1895 = arith.cmpf ogt, %get3A_1894, %max3A_1889 : vector<16xf32>
      %jit3A_1896 = arith.constant 5 : i32
      %broadcast_in_dim3A_1897 = vector.broadcast %jit3A_1896 : i32 to vector<16xi32>
      %select_n3A_1898 = arith.select %gt3A_1895, %broadcast_in_dim3A_1897, %select_n3A_1888 : vector<16xi1>, vector<16xi32>
      %max3A_1899 = arith.maximumf %max3A_1889, %get3A_1894 : vector<16xf32>
      %add3A_1900 = arith.constant 15 : i32
      %add3A_1901 = arith.addi %mul3A_215, %add3A_1900 : i32
      %get3A_1902 = arith.index_cast %add3A_1901 : i32 to index
      %get3A_1903 = arith.constant 96 : index
      %get3A_1904 = tpu.vector_load %arg5[%get3A_1902, %get3A_1903] {strides = array<i32>} : memref<128x128xf32, #tpu.memory_space<vmem>>, vector<16xf32>,
      %gt3A_1905 = arith.cmpf ogt, %get3A_1904, %max3A_1899 : vector<16xf32>
      %jit3A_1906 = arith.constant 6 : i32
      %broadcast_in_dim3A_1907 = vector.broadcast %jit3A_1906 : i32 to vector<16xi32>
      %select_n3A_1908 = arith.select %gt3A_1905, %broadcast_in_dim3A_1907, %select_n3A_1898 : vector<16xi1>, vector<16xi32>
      %max3A_1909 = arith.maximumf %max3A_1899, %get3A_1904 : vector<16xf32>
      %add3A_1910 = arith.constant 15 : i32
      %add3A_1911 = arith.addi %mul3A_215, %add3A_1910 : i32
      %get3A_1912 = arith.index_cast %add3A_1911 : i32 to index
      %get3A_1913 = arith.constant 112 : index
      %get3A_1914 = tpu.vector_load %arg5[%get3A_1912, %get3A_1913] {strides = array<i32>} : memref<128x128xf32, #tpu.memory_space<vmem>>, vector<16xf32>,
      %gt3A_1915 = arith.cmpf ogt, %get3A_1914, %max3A_1909 : vector<16xf32>
      %jit3A_1916 = arith.constant 7 : i32
      %broadcast_in_dim3A_1917 = vector.broadcast %jit3A_1916 : i32 to vector<16xi32>
      %select_n3A_1918 = arith.select %gt3A_1915, %broadcast_in_dim3A_1917, %select_n3A_1908 : vector<16xi1>, vector<16xi32>
      %max3A_1919 = arith.maximumf %max3A_1909, %get3A_1914 : vector<16xf32>
      %reduce_max3A_1920 = arith.constant true
      %reduce_max3A_1921 = vector.broadcast %reduce_max3A_1920 : i1 to vector<16xi1>
      %reduce_max3A_1922 = tpu.scan <max>, %max3A_1919 masked %reduce_max3A_1921 : vector<16xf32>, vector<16xi1> -> vector<16xf32>
      %reduce_max3A_1923 = vector.extract %reduce_max3A_1922[15] : f32 from vector<16xf32>
      %eq3A_1924 = vector.broadcast %reduce_max3A_1923 : f32 to vector<16xf32>
      %eq3A_1925 = arith.cmpf oeq, %max3A_1919, %eq3A_1924 : vector<16xf32>
      %mul3A_1926 = arith.constant 16 : i32
      %mul3A_1927 = vector.broadcast %mul3A_1926 : i32 to vector<16xi32>
      %mul3A_1928 = arith.muli %select_n3A_1918, %mul3A_1927 : vector<16xi32>
      %add3A_1929 = arith.addi %mul3A_1928, %iota3A : vector<16xi32>
      %jit3A_1930 = arith.constant 128 : i32
      %broadcast_in_dim3A_1931 = vector.broadcast %jit3A_1930 : i32 to vector<16xi32>
      %select_n3A_1932 = arith.select %eq3A_1925, %add3A_1929, %broadcast_in_dim3A_1931 : vector<16xi1>, vector<16xi32>
      %reduce_min3A_1933 = arith.constant true
      %reduce_min3A_1934 = vector.broadcast %reduce_min3A_1933 : i1 to vector<16xi1>
      %reduce_min3A_1935 = arith.constant -2147483648 : i32
      %reduce_min3A_1936 = vector.broadcast %reduce_min3A_1935 : i32 to vector<16xi32>
      %reduce_min3A_1937 = arith.xori %select_n3A_1932, %reduce_min3A_1936 : vector<16xi32>
      %reduce_min3A_1938 = tpu.scan <min>, %reduce_min3A_1937 masked %reduce_min3A_1934 : vector<16xi32>, vector<16xi1> -> vector<16xi32>
      %reduce_min3A_1939 = arith.xori %reduce_min3A_1938, %reduce_min3A_1936 : vector<16xi32>
      %reduce_min3A_1940 = vector.extract %reduce_min3A_1939[15] : i32 from vector<16xi32>
      %add3A_1941 = arith.addi %mul3A_2, %mul3A_215 : i32
      %add3A_1942 = arith.constant 15 : i32
      %add3A_1943 = arith.addi %add3A_1941, %add3A_1942 : i32
      %mul3A_1944 = arith.constant 128 : i32
      %mul3A_1945 = arith.muli %add3A_1943, %mul3A_1944 : i32
      %add3A_1946 = arith.addi %mul3A_1945, %reduce_min3A_1940 : i32
      %eq3A_1947 = arith.constant 15 : i32
      %eq3A_1948 = vector.broadcast %eq3A_1947 : i32 to vector<16xi32>
      %eq3A_1949 = arith.cmpi eq, %iota3A, %eq3A_1948 : vector<16xi32>
      %broadcast_in_dim3A_1950 = vector.broadcast %add3A_1946 : i32 to vector<16xi32>
      %select_n3A_1951 = arith.select %eq3A_1949, %broadcast_in_dim3A_1950, %select_n3A_1842 : vector<16xi1>, vector<16xi32>
      %swap3A = arith.index_cast %mul3A_215 : i32 to index
      %swap3A_1952 = tpu.vector_load %arg6[%swap3A] {strides = array<i32>} : memref<128xi32, #tpu.memory_space<vmem>>, vector<16xi32>,
      tpu.vector_store %arg6[%swap3A], %select_n3A_1951 {strides = array<i32>} : memref<128xi32, #tpu.memory_space<vmem>>, vector<16xi32>,
    }
    %scan3A_32 = arith.constant 4 : i32
    %dma_start3A_33 = arith.constant 0 : i32
    %dma_start3A_34 = arith.constant 64 : i32
    %dma_start3A_35 = arith.constant 0 : i32
    %dma_start3A_36 = tpu.memref_slice %arg7[%dma_start3A_34, %dma_start3A_33, %dma_start3A_35] : memref<128x1x512xf32, #tpu.memory_space<vmem>> -> memref<32x1x512xf32, #tpu.memory_space<vmem>>
    %dma_start3A_37 = tpu.memref_squeeze %dma_start3A_36 : memref<32x1x512xf32, #tpu.memory_space<vmem>> -> memref<32x512xf32, #tpu.memory_space<vmem>>
    %dma_start3A_38 = arith.constant 64 : i32
    %dma_start3A_39 = tpu.memref_slice %arg6[%dma_start3A_38] : memref<128xi32, #tpu.memory_space<vmem>> -> memref<32xi32, #tpu.memory_space<vmem>>
    %dma_start3A_40 = arith.constant 0 : i32
    %dma_start3A_41 = arith.constant 0 : i32
    %dma_start3A_42 = tpu.memref_slice %arg2[%dma_start3A_40, %dma_start3A_41] : memref<524288x512xf32, #tpu.memory_space<hbm>> -> memref<524288x512xf32, #tpu.memory_space<hbm>>
    tpu.enqueue_indirect_dma source(%dma_start3A_42 : memref<524288x512xf32, #tpu.memory_space<hbm>>) target(%dma_start3A_37 : memref<32x512xf32, #tpu.memory_space<vmem>>) offsets(%dma_start3A_39 : memref<32xi32, #tpu.memory_space<vmem>>) semaphore(%arg10 : memref<!tpu.dma_semaphore, #tpu.memory_space<semaphore_mem>>)
    %dma_start3A_43 = arith.constant 0 : i32
    %dma_start3A_44 = arith.constant 96 : i32
    %dma_start3A_45 = arith.constant 0 : i32
    %dma_start3A_46 = tpu.memref_slice %arg7[%dma_start3A_44, %dma_start3A_43, %dma_start3A_45] : memref<128x1x512xf32, #tpu.memory_space<vmem>> -> memref<32x1x512xf32, #tpu.memory_space<vmem>>
    %dma_start3A_47 = tpu.memref_squeeze %dma_start3A_46 : memref<32x1x512xf32, #tpu.memory_space<vmem>> -> memref<32x512xf32, #tpu.memory_space<vmem>>
    %dma_start3A_48 = arith.constant 96 : i32
    %dma_start3A_49 = tpu.memref_slice %arg6[%dma_start3A_48] : memref<128xi32, #tpu.memory_space<vmem>> -> memref<32xi32, #tpu.memory_space<vmem>>
    %dma_start3A_50 = arith.constant 0 : i32
    %dma_start3A_51 = arith.constant 0 : i32
    %dma_start3A_52 = tpu.memref_slice %arg2[%dma_start3A_50, %dma_start3A_51] : memref<524288x512xf32, #tpu.memory_space<hbm>> -> memref<524288x512xf32, #tpu.memory_space<hbm>>
    tpu.enqueue_indirect_dma source(%dma_start3A_52 : memref<524288x512xf32, #tpu.memory_space<hbm>>) target(%dma_start3A_47 : memref<32x512xf32, #tpu.memory_space<vmem>>) offsets(%dma_start3A_49 : memref<32xi32, #tpu.memory_space<vmem>>) semaphore(%arg11 : memref<!tpu.dma_semaphore, #tpu.memory_space<semaphore_mem>>)
    %dma_wait3A = arith.constant 0 : i32
    %dma_wait3A_53 = arith.constant 0 : i32
    %dma_wait3A_54 = arith.constant 0 : i32
    %dma_wait3A_55 = tpu.memref_slice %arg7[%dma_wait3A_53, %dma_wait3A, %dma_wait3A_54] : memref<128x1x512xf32, #tpu.memory_space<vmem>> -> memref<32x1x512xf32, #tpu.memory_space<vmem>>
    %dma_wait3A_56 = tpu.memref_squeeze %dma_wait3A_55 : memref<32x1x512xf32, #tpu.memory_space<vmem>> -> memref<32x512xf32, #tpu.memory_space<vmem>>
    %dma_wait3A_57 = arith.constant 0 : i32
    %dma_wait3A_58 = tpu.memref_slice %arg6[%dma_wait3A_57] : memref<128xi32, #tpu.memory_space<vmem>> -> memref<32xi32, #tpu.memory_space<vmem>>
    %dma_wait3A_59 = arith.constant 0 : i32
    %dma_wait3A_60 = arith.constant 0 : i32
    %dma_wait3A_61 = tpu.memref_slice %arg2[%dma_wait3A_59, %dma_wait3A_60] : memref<524288x512xf32, #tpu.memory_space<hbm>> -> memref<524288x512xf32, #tpu.memory_space<hbm>>
    tpu.wait_indirect_dma semaphore(%arg8 : memref<!tpu.dma_semaphore, #tpu.memory_space<semaphore_mem>>) src(%dma_wait3A_61 : memref<524288x512xf32, #tpu.memory_space<hbm>>) dst(%dma_wait3A_56 : memref<32x512xf32, #tpu.memory_space<vmem>>)
    %add3A_62 = arith.constant 0 : i32
    %add3A_63 = arith.addi %mul3A_2, %add3A_62 : i32
    %dma_start3A_64 = arith.constant 0 : i32
    %dma_start3A_65 = arith.constant 0 : i32
    %dma_start3A_66 = arith.constant 0 : i32
    %dma_start3A_67 = tpu.memref_slice %arg7[%dma_start3A_64, %dma_start3A_65, %dma_start3A_66] : memref<128x1x512xf32, #tpu.memory_space<vmem>> -> memref<32x1x512xf32, #tpu.memory_space<vmem>>
    %dma_start3A_68 = arith.constant 0 : i32
    %dma_start3A_69 = arith.constant 0 : i32
    %dma_start3A_70 = tpu.memref_slice %arg4[%add3A_63, %dma_start3A_68, %dma_start3A_69] : memref<4096x1x512xf32, #tpu.memory_space<hbm>> -> memref<32x1x512xf32, #tpu.memory_space<hbm>>
    %dma_start3A_71 = arith.constant 0 : i32
    %dma_start3A_72 = arith.constant 0 : i32
    %dma_start3A_73 = tpu.memref_slice %arg4[%add3A_63, %dma_start3A_71, %dma_start3A_72] : memref<4096x1x512xf32, #tpu.memory_space<hbm>> -> memref<32x1x512xf32, #tpu.memory_space<hbm>>
    %dma_start3A_74 = arith.constant 0 : i32
    %dma_start3A_75 = arith.constant 0 : i32
    %dma_start3A_76 = arith.constant 0 : i32
    %dma_start3A_77 = tpu.memref_slice %arg7[%dma_start3A_74, %dma_start3A_75, %dma_start3A_76] : memref<128x1x512xf32, #tpu.memory_space<vmem>> -> memref<32x1x512xf32, #tpu.memory_space<vmem>>
    tpu.enqueue_dma source(%dma_start3A_77 : memref<32x1x512xf32, #tpu.memory_space<vmem>>) target(%dma_start3A_73 : memref<32x1x512xf32, #tpu.memory_space<hbm>>) target_semaphore(%arg8 : memref<!tpu.dma_semaphore, #tpu.memory_space<semaphore_mem>>)
    %dma_wait3A_78 = arith.constant 0 : i32
    %dma_wait3A_79 = arith.constant 32 : i32
    %dma_wait3A_80 = arith.constant 0 : i32
    %dma_wait3A_81 = tpu.memref_slice %arg7[%dma_wait3A_79, %dma_wait3A_78, %dma_wait3A_80] : memref<128x1x512xf32, #tpu.memory_space<vmem>> -> memref<32x1x512xf32, #tpu.memory_space<vmem>>
    %dma_wait3A_82 = tpu.memref_squeeze %dma_wait3A_81 : memref<32x1x512xf32, #tpu.memory_space<vmem>> -> memref<32x512xf32, #tpu.memory_space<vmem>>
    %dma_wait3A_83 = arith.constant 32 : i32
    %dma_wait3A_84 = tpu.memref_slice %arg6[%dma_wait3A_83] : memref<128xi32, #tpu.memory_space<vmem>> -> memref<32xi32, #tpu.memory_space<vmem>>
    %dma_wait3A_85 = arith.constant 0 : i32
    %dma_wait3A_86 = arith.constant 0 : i32
    %dma_wait3A_87 = tpu.memref_slice %arg2[%dma_wait3A_85, %dma_wait3A_86] : memref<524288x512xf32, #tpu.memory_space<hbm>> -> memref<524288x512xf32, #tpu.memory_space<hbm>>
    tpu.wait_indirect_dma semaphore(%arg9 : memref<!tpu.dma_semaphore, #tpu.memory_space<semaphore_mem>>) src(%dma_wait3A_87 : memref<524288x512xf32, #tpu.memory_space<hbm>>) dst(%dma_wait3A_82 : memref<32x512xf32, #tpu.memory_space<vmem>>)
    %add3A_88 = arith.constant 32 : i32
    %add3A_89 = arith.addi %mul3A_2, %add3A_88 : i32
    %dma_start3A_90 = arith.constant 32 : i32
    %dma_start3A_91 = arith.constant 0 : i32
    %dma_start3A_92 = arith.constant 0 : i32
    %dma_start3A_93 = tpu.memref_slice %arg7[%dma_start3A_90, %dma_start3A_91, %dma_start3A_92] : memref<128x1x512xf32, #tpu.memory_space<vmem>> -> memref<32x1x512xf32, #tpu.memory_space<vmem>>
    %dma_start3A_94 = arith.constant 0 : i32
    %dma_start3A_95 = arith.constant 0 : i32
    %dma_start3A_96 = tpu.memref_slice %arg4[%add3A_89, %dma_start3A_94, %dma_start3A_95] : memref<4096x1x512xf32, #tpu.memory_space<hbm>> -> memref<32x1x512xf32, #tpu.memory_space<hbm>>
    %dma_start3A_97 = arith.constant 0 : i32
    %dma_start3A_98 = arith.constant 0 : i32
    %dma_start3A_99 = tpu.memref_slice %arg4[%add3A_89, %dma_start3A_97, %dma_start3A_98] : memref<4096x1x512xf32, #tpu.memory_space<hbm>> -> memref<32x1x512xf32, #tpu.memory_space<hbm>>
    %dma_start3A_100 = arith.constant 32 : i32
    %dma_start3A_101 = arith.constant 0 : i32
    %dma_start3A_102 = arith.constant 0 : i32
    %dma_start3A_103 = tpu.memref_slice %arg7[%dma_start3A_100, %dma_start3A_101, %dma_start3A_102] : memref<128x1x512xf32, #tpu.memory_space<vmem>> -> memref<32x1x512xf32, #tpu.memory_space<vmem>>
    tpu.enqueue_dma source(%dma_start3A_103 : memref<32x1x512xf32, #tpu.memory_space<vmem>>) target(%dma_start3A_99 : memref<32x1x512xf32, #tpu.memory_space<hbm>>) target_semaphore(%arg9 : memref<!tpu.dma_semaphore, #tpu.memory_space<semaphore_mem>>)
    %dma_wait3A_104 = arith.constant 0 : i32
    %dma_wait3A_105 = arith.constant 64 : i32
    %dma_wait3A_106 = arith.constant 0 : i32
    %dma_wait3A_107 = tpu.memref_slice %arg7[%dma_wait3A_105, %dma_wait3A_104, %dma_wait3A_106] : memref<128x1x512xf32, #tpu.memory_space<vmem>> -> memref<32x1x512xf32, #tpu.memory_space<vmem>>
    %dma_wait3A_108 = tpu.memref_squeeze %dma_wait3A_107 : memref<32x1x512xf32, #tpu.memory_space<vmem>> -> memref<32x512xf32, #tpu.memory_space<vmem>>
    %dma_wait3A_109 = arith.constant 64 : i32
    %dma_wait3A_110 = tpu.memref_slice %arg6[%dma_wait3A_109] : memref<128xi32, #tpu.memory_space<vmem>> -> memref<32xi32, #tpu.memory_space<vmem>>
    %dma_wait3A_111 = arith.constant 0 : i32
    %dma_wait3A_112 = arith.constant 0 : i32
    %dma_wait3A_113 = tpu.memref_slice %arg2[%dma_wait3A_111, %dma_wait3A_112] : memref<524288x512xf32, #tpu.memory_space<hbm>> -> memref<524288x512xf32, #tpu.memory_space<hbm>>
    tpu.wait_indirect_dma semaphore(%arg10 : memref<!tpu.dma_semaphore, #tpu.memory_space<semaphore_mem>>) src(%dma_wait3A_113 : memref<524288x512xf32, #tpu.memory_space<hbm>>) dst(%dma_wait3A_108 : memref<32x512xf32, #tpu.memory_space<vmem>>)
    %add3A_114 = arith.constant 64 : i32
    %add3A_115 = arith.addi %mul3A_2, %add3A_114 : i32
    %dma_start3A_116 = arith.constant 64 : i32
    %dma_start3A_117 = arith.constant 0 : i32
    %dma_start3A_118 = arith.constant 0 : i32
    %dma_start3A_119 = tpu.memref_slice %arg7[%dma_start3A_116, %dma_start3A_117, %dma_start3A_118] : memref<128x1x512xf32, #tpu.memory_space<vmem>> -> memref<32x1x512xf32, #tpu.memory_space<vmem>>
    %dma_start3A_120 = arith.constant 0 : i32
    %dma_start3A_121 = arith.constant 0 : i32
    %dma_start3A_122 = tpu.memref_slice %arg4[%add3A_115, %dma_start3A_120, %dma_start3A_121] : memref<4096x1x512xf32, #tpu.memory_space<hbm>> -> memref<32x1x512xf32, #tpu.memory_space<hbm>>
    %dma_start3A_123 = arith.constant 0 : i32
    %dma_start3A_124 = arith.constant 0 : i32
    %dma_start3A_125 = tpu.memref_slice %arg4[%add3A_115, %dma_start3A_123, %dma_start3A_124] : memref<4096x1x512xf32, #tpu.memory_space<hbm>> -> memref<32x1x512xf32, #tpu.memory_space<hbm>>
    %dma_start3A_126 = arith.constant 64 : i32
    %dma_start3A_127 = arith.constant 0 : i32
    %dma_start3A_128 = arith.constant 0 : i32
    %dma_start3A_129 = tpu.memref_slice %arg7[%dma_start3A_126, %dma_start3A_127, %dma_start3A_128] : memref<128x1x512xf32, #tpu.memory_space<vmem>> -> memref<32x1x512xf32, #tpu.memory_space<vmem>>
    tpu.enqueue_dma source(%dma_start3A_129 : memref<32x1x512xf32, #tpu.memory_space<vmem>>) target(%dma_start3A_125 : memref<32x1x512xf32, #tpu.memory_space<hbm>>) target_semaphore(%arg10 : memref<!tpu.dma_semaphore, #tpu.memory_space<semaphore_mem>>)
    %dma_wait3A_130 = arith.constant 0 : i32
    %dma_wait3A_131 = arith.constant 96 : i32
    %dma_wait3A_132 = arith.constant 0 : i32
    %dma_wait3A_133 = tpu.memref_slice %arg7[%dma_wait3A_131, %dma_wait3A_130, %dma_wait3A_132] : memref<128x1x512xf32, #tpu.memory_space<vmem>> -> memref<32x1x512xf32, #tpu.memory_space<vmem>>
    %dma_wait3A_134 = tpu.memref_squeeze %dma_wait3A_133 : memref<32x1x512xf32, #tpu.memory_space<vmem>> -> memref<32x512xf32, #tpu.memory_space<vmem>>
    %dma_wait3A_135 = arith.constant 96 : i32
    %dma_wait3A_136 = tpu.memref_slice %arg6[%dma_wait3A_135] : memref<128xi32, #tpu.memory_space<vmem>> -> memref<32xi32, #tpu.memory_space<vmem>>
    %dma_wait3A_137 = arith.constant 0 : i32
    %dma_wait3A_138 = arith.constant 0 : i32
    %dma_wait3A_139 = tpu.memref_slice %arg2[%dma_wait3A_137, %dma_wait3A_138] : memref<524288x512xf32, #tpu.memory_space<hbm>> -> memref<524288x512xf32, #tpu.memory_space<hbm>>
    tpu.wait_indirect_dma semaphore(%arg11 : memref<!tpu.dma_semaphore, #tpu.memory_space<semaphore_mem>>) src(%dma_wait3A_139 : memref<524288x512xf32, #tpu.memory_space<hbm>>) dst(%dma_wait3A_134 : memref<32x512xf32, #tpu.memory_space<vmem>>)
    %add3A_140 = arith.constant 96 : i32
    %add3A_141 = arith.addi %mul3A_2, %add3A_140 : i32
    %dma_start3A_142 = arith.constant 96 : i32
    %dma_start3A_143 = arith.constant 0 : i32
    %dma_start3A_144 = arith.constant 0 : i32
    %dma_start3A_145 = tpu.memref_slice %arg7[%dma_start3A_142, %dma_start3A_143, %dma_start3A_144] : memref<128x1x512xf32, #tpu.memory_space<vmem>> -> memref<32x1x512xf32, #tpu.memory_space<vmem>>
    %dma_start3A_146 = arith.constant 0 : i32
    %dma_start3A_147 = arith.constant 0 : i32
    %dma_start3A_148 = tpu.memref_slice %arg4[%add3A_141, %dma_start3A_146, %dma_start3A_147] : memref<4096x1x512xf32, #tpu.memory_space<hbm>> -> memref<32x1x512xf32, #tpu.memory_space<hbm>>
    %dma_start3A_149 = arith.constant 0 : i32
    %dma_start3A_150 = arith.constant 0 : i32
    %dma_start3A_151 = tpu.memref_slice %arg4[%add3A_141, %dma_start3A_149, %dma_start3A_150] : memref<4096x1x512xf32, #tpu.memory_space<hbm>> -> memref<32x1x512xf32, #tpu.memory_space<hbm>>
    %dma_start3A_152 = arith.constant 96 : i32
    %dma_start3A_153 = arith.constant 0 : i32
    %dma_start3A_154 = arith.constant 0 : i32
    %dma_start3A_155 = tpu.memref_slice %arg7[%dma_start3A_152, %dma_start3A_153, %dma_start3A_154] : memref<128x1x512xf32, #tpu.memory_space<vmem>> -> memref<32x1x512xf32, #tpu.memory_space<vmem>>
    tpu.enqueue_dma source(%dma_start3A_155 : memref<32x1x512xf32, #tpu.memory_space<vmem>>) target(%dma_start3A_151 : memref<32x1x512xf32, #tpu.memory_space<hbm>>) target_semaphore(%arg11 : memref<!tpu.dma_semaphore, #tpu.memory_space<semaphore_mem>>)
    %dma_wait3A_156 = arith.constant 0 : i32
    %dma_wait3A_157 = arith.constant 0 : i32
    %dma_wait3A_158 = arith.constant 0 : i32
    %dma_wait3A_159 = tpu.memref_slice %arg7[%dma_wait3A_156, %dma_wait3A_157, %dma_wait3A_158] : memref<128x1x512xf32, #tpu.memory_space<vmem>> -> memref<32x1x512xf32, #tpu.memory_space<vmem>>
    %dma_wait3A_160 = arith.constant 0 : i32
    %dma_wait3A_161 = arith.constant 0 : i32
    %dma_wait3A_162 = tpu.memref_slice %arg4[%add3A_63, %dma_wait3A_160, %dma_wait3A_161] : memref<4096x1x512xf32, #tpu.memory_space<hbm>> -> memref<32x1x512xf32, #tpu.memory_space<hbm>>
    %dma_wait3A_163 = arith.constant 0 : i32
    %dma_wait3A_164 = arith.constant 0 : i32
    %dma_wait3A_165 = tpu.memref_slice %arg4[%add3A_63, %dma_wait3A_163, %dma_wait3A_164] : memref<4096x1x512xf32, #tpu.memory_space<hbm>> -> memref<32x1x512xf32, #tpu.memory_space<hbm>>
    %dma_wait3A_166 = arith.constant 0 : i32
    %dma_wait3A_167 = arith.constant 0 : i32
    %dma_wait3A_168 = arith.constant 0 : i32
    %dma_wait3A_169 = tpu.memref_slice %arg7[%dma_wait3A_166, %dma_wait3A_167, %dma_wait3A_168] : memref<128x1x512xf32, #tpu.memory_space<vmem>> -> memref<32x1x512xf32, #tpu.memory_space<vmem>>
    tpu.wait_dma2 semaphore(%arg8 : memref<!tpu.dma_semaphore, #tpu.memory_space<semaphore_mem>>) src(%dma_wait3A_169 : memref<32x1x512xf32, #tpu.memory_space<vmem>>) dst(%dma_wait3A_165 : memref<32x1x512xf32, #tpu.memory_space<hbm>>)
    %dma_wait3A_170 = arith.constant 32 : i32
    %dma_wait3A_171 = arith.constant 0 : i32
    %dma_wait3A_172 = arith.constant 0 : i32
    %dma_wait3A_173 = tpu.memref_slice %arg7[%dma_wait3A_170, %dma_wait3A_171, %dma_wait3A_172] : memref<128x1x512xf32, #tpu.memory_space<vmem>> -> memref<32x1x512xf32, #tpu.memory_space<vmem>>
    %dma_wait3A_174 = arith.constant 0 : i32
    %dma_wait3A_175 = arith.constant 0 : i32
    %dma_wait3A_176 = tpu.memref_slice %arg4[%add3A_89, %dma_wait3A_174, %dma_wait3A_175] : memref<4096x1x512xf32, #tpu.memory_space<hbm>> -> memref<32x1x512xf32, #tpu.memory_space<hbm>>
    %dma_wait3A_177 = arith.constant 0 : i32
    %dma_wait3A_178 = arith.constant 0 : i32
    %dma_wait3A_179 = tpu.memref_slice %arg4[%add3A_89, %dma_wait3A_177, %dma_wait3A_178] : memref<4096x1x512xf32, #tpu.memory_space<hbm>> -> memref<32x1x512xf32, #tpu.memory_space<hbm>>
    %dma_wait3A_180 = arith.constant 32 : i32
    %dma_wait3A_181 = arith.constant 0 : i32
    %dma_wait3A_182 = arith.constant 0 : i32
    %dma_wait3A_183 = tpu.memref_slice %arg7[%dma_wait3A_180, %dma_wait3A_181, %dma_wait3A_182] : memref<128x1x512xf32, #tpu.memory_space<vmem>> -> memref<32x1x512xf32, #tpu.memory_space<vmem>>
    tpu.wait_dma2 semaphore(%arg9 : memref<!tpu.dma_semaphore, #tpu.memory_space<semaphore_mem>>) src(%dma_wait3A_183 : memref<32x1x512xf32, #tpu.memory_space<vmem>>) dst(%dma_wait3A_179 : memref<32x1x512xf32, #tpu.memory_space<hbm>>)
    %dma_wait3A_184 = arith.constant 64 : i32
    %dma_wait3A_185 = arith.constant 0 : i32
    %dma_wait3A_186 = arith.constant 0 : i32
    %dma_wait3A_187 = tpu.memref_slice %arg7[%dma_wait3A_184, %dma_wait3A_185, %dma_wait3A_186] : memref<128x1x512xf32, #tpu.memory_space<vmem>> -> memref<32x1x512xf32, #tpu.memory_space<vmem>>
    %dma_wait3A_188 = arith.constant 0 : i32
    %dma_wait3A_189 = arith.constant 0 : i32
    %dma_wait3A_190 = tpu.memref_slice %arg4[%add3A_115, %dma_wait3A_188, %dma_wait3A_189] : memref<4096x1x512xf32, #tpu.memory_space<hbm>> -> memref<32x1x512xf32, #tpu.memory_space<hbm>>
    %dma_wait3A_191 = arith.constant 0 : i32
    %dma_wait3A_192 = arith.constant 0 : i32
    %dma_wait3A_193 = tpu.memref_slice %arg4[%add3A_115, %dma_wait3A_191, %dma_wait3A_192] : memref<4096x1x512xf32, #tpu.memory_space<hbm>> -> memref<32x1x512xf32, #tpu.memory_space<hbm>>
    %dma_wait3A_194 = arith.constant 64 : i32
    %dma_wait3A_195 = arith.constant 0 : i32
    %dma_wait3A_196 = arith.constant 0 : i32
    %dma_wait3A_197 = tpu.memref_slice %arg7[%dma_wait3A_194, %dma_wait3A_195, %dma_wait3A_196] : memref<128x1x512xf32, #tpu.memory_space<vmem>> -> memref<32x1x512xf32, #tpu.memory_space<vmem>>
    tpu.wait_dma2 semaphore(%arg10 : memref<!tpu.dma_semaphore, #tpu.memory_space<semaphore_mem>>) src(%dma_wait3A_197 : memref<32x1x512xf32, #tpu.memory_space<vmem>>) dst(%dma_wait3A_193 : memref<32x1x512xf32, #tpu.memory_space<hbm>>)
    %dma_wait3A_198 = arith.constant 96 : i32
    %dma_wait3A_199 = arith.constant 0 : i32
    %dma_wait3A_200 = arith.constant 0 : i32
    %dma_wait3A_201 = tpu.memref_slice %arg7[%dma_wait3A_198, %dma_wait3A_199, %dma_wait3A_200] : memref<128x1x512xf32, #tpu.memory_space<vmem>> -> memref<32x1x512xf32, #tpu.memory_space<vmem>>
    %dma_wait3A_202 = arith.constant 0 : i32
    %dma_wait3A_203 = arith.constant 0 : i32
    %dma_wait3A_204 = tpu.memref_slice %arg4[%add3A_141, %dma_wait3A_202, %dma_wait3A_203] : memref<4096x1x512xf32, #tpu.memory_space<hbm>> -> memref<32x1x512xf32, #tpu.memory_space<hbm>>
    %dma_wait3A_205 = arith.constant 0 : i32
    %dma_wait3A_206 = arith.constant 0 : i32
    %dma_wait3A_207 = tpu.memref_slice %arg4[%add3A_141, %dma_wait3A_205, %dma_wait3A_206] : memref<4096x1x512xf32, #tpu.memory_space<hbm>> -> memref<32x1x512xf32, #tpu.memory_space<hbm>>
    %dma_wait3A_208 = arith.constant 96 : i32
    %dma_wait3A_209 = arith.constant 0 : i32
    %dma_wait3A_210 = arith.constant 0 : i32
    %dma_wait3A_211 = tpu.memref_slice %arg7[%dma_wait3A_208, %dma_wait3A_209, %dma_wait3A_210] : memref<128x1x512xf32, #tpu.memory_space<vmem>> -> memref<32x1x512xf32, #tpu.memory_space<vmem>>
    tpu.wait_dma2 semaphore(%arg11 : memref<!tpu.dma_semaphore, #tpu.memory_space<semaphore_mem>>) src(%dma_wait3A_211 : memref<32x1x512xf32, #tpu.memory_space<vmem>>) dst(%dma_wait3A_207 : memref<32x1x512xf32, #tpu.memory_space<hbm>>)
    return
  }
}

</mosaic_0001>

<sc_bundles>
// kernel: kernel.3.cloned.1.call-start
scs
__scs_entry_jumppad:
0x0: {  	(pc) =	sbr.rel $0x88, $3  }
0x1: {  	(tag) =	ssettag $0x0;
	lr =	simm.s32 $0x1  }
0x2: {  	[smem:$0x3F9F] =	sst lr;
	_ =	strace $0xD0000000  }
0x3: {  	_ = 	snop  }
0x4: {  	_ = 	snop  }
0x5: {  	_ = 	snop  }
0x6: {  	_ = 	snop  }
0x7: {  	_ = 	snop  }
__scs_overlays_trampoline_lowered:
0x8: {  	[smem:$0x3FAE] =	sst s0  }
0x9: {  	[smem:$0x3FAF] =	sst s1  }
0xa: {  	[smem:$0x3FB0] =	sst s2  }
0xb: {  	[smem:$0x3FB1] =	sst s3  }
0xc: {  	[smem:$0x3FB2] =	sst s4  }
0xd: {  	[smem:$0x3FB3] =	sst s5  }
0xe: {  	[smem:$0x3FB4] =	sst s6  }
0xf: {  	[smem:$0x3FB5] =	sst s7  }
0x10: {  	[smem:$0x3FB6] =	sst s8  }
0x11: {  	[smem:$0x3FB7] =	sst s9;
	s0 =	simm.s32 @!p0 $0x0  }
0x12: {  	s1 =	sld [smem:$0x3F9D];
	s0 =	simm.s32 @p0 $0x1  }
0x13: {  	[smem:$0x3FB8] =	sst s0;
	s0 =	simm.s32 @!p1 $0x0  }
0x14: {  	s2 =	sld [smem:$0x3F9C];
	s0 =	simm.s32 @p1 $0x1  }
0x15: {  	[smem:$0x3FB9] =	sst s0;
	s0 =	simm.s32 @!p2 $0x0  }
0x16: {  	s3 =	sld [smem:$0x3FDB];
	s0 =	simm.s32 @p2 $0x1  }
0x17: {  	s4 =	simm.s32 $0x1BF5;
	[smem:$0x3FBB] =	sst s0  }
0x18: {  	s0 =	sld [smem:$0x3F9E];
	_ =	swait.ge [sflag:s4], $0x0  }
0x19: {  	s7 =	sld [smem:$0x3F9F]  }
0x1a: {  	s8 =	sadd.s32 $0xFFFFE003, lr  }
0x1b: {  	s9 =	sadd.s32 $0xFFFFFEF7, lr;
	s5 =	simm.s32 $0xFFFFFFFF;
	p2 =	slt.u32 s8, $0xFFFFF086  }
0x1c: {  	p1 =	slt.u32 s9, $0xF7A;
	s5 =	simm.s32 @!p2 $0x0  }
0x1d: {  	s5 =	simm.s32 @p1 $0x1;
	p0 =	seq.s32 s7, s2  }
0x1e: {  	s7 =	smul.u32 @!p0 $0xF7A, s2;
	p2 =	seq.s32 @!p0 s5, $0x0  }
0x1f: {  	s9 =	smul.u32 $0xF7A, s1;
	s8 =	simm.s32 @!p0 $0x1BF5;
	p2 =	por !p2, p0  }
0x20: {  	[sflag:s8] =	ssyncset.s32 @!p0 $0xFFFFF086;
	s6 =	sadd.s32 @!p0 s3, s7;
	s7 =	simm.s32 @!p0 $0x108  }
0x21: {  	s3 =	sadd.s32 s3, s9;
	s6 =	sadd.s32 @!p0 $0x88, s6;
	s7 =	simm.s32 @p2 $0x1082  }
0x22: {  	[simem:s7], [sflag:s8] =	dma.local @!p0 [hbm:s6], $0xF7A  }
0x23: {  	s9 =	sor.u32 $0xD0000000, s2;
	s6 =	simm.s32 $0x108;
	_ =	swait.ge @!p0 [sflag:s8], $0x0  }
0x24: {  	s3 =	sadd.s32 $0x88, s3;
	s6 =	simm.s32 @!p1 $0x1082;
	[sflag:s4] =	ssyncset.s32 $0xFFFFF086  }
0x25: {  	[simem:s6], [sflag:s4] =	dma.local [hbm:s3], $0xF7A  }
0x26: {  	[smem:$0x3F9F] =	sst s1;
	(tag) =	ssettag s2;
	_ =	strace s9  }
0x27: {  	s1 =	sld [smem:$0x3FAF]  }
0x28: {  	s2 =	sld [smem:$0x3FB0]  }
0x29: {  	s4 =	sld [smem:$0x3FB2]  }
0x2a: {  	p0 =	seq.s32 s5, $0x0;
	s5 =	sld [smem:$0x3FB3]  }
0x2b: {  	s6 =	sld [smem:$0x3FB4]  }
0x2c: {  	s7 =	sld [smem:$0x3FB5]  }
0x2d: {  	s3 =	simm.s32 $0x108;
	s8 =	sld [smem:$0x3FB6]  }
0x2e: {  	s3 =	simm.s32 @!p0 $0x1082;
	s9 =	sld [smem:$0x3FB7]  }
0x2f: {  	lr =	sadd.s32 s0, s3;
	s0 =	sld [smem:$0x3FAE]  }
0x30: {  	s3 =	sld [smem:$0x3FB1]  }
0x31: {  	[smem:$0x3FBA] =	sst s10  }
0x32: {  	s10 =	sld [smem:$0x3FB8];
	_ =	sdelay $0x3  }
0x33: {  	p0 =	seq.s32 s10, $0x1;
	s10 =	sld [smem:$0x3FBA];
	_ =	sdelay $0x3  }
0x34: {  	[smem:$0x3FBA] =	sst s10  }
0x35: {  	s10 =	sld [smem:$0x3FB9];
	_ =	sdelay $0x3  }
0x36: {  	p1 =	seq.s32 s10, $0x1;
	s10 =	sld [smem:$0x3FBA];
	_ =	sdelay $0x3  }
0x37: {  	[smem:$0x3FBA] =	sst s10  }
0x38: {  	s10 =	sld [smem:$0x3FBB]  }
0x39: {  	_ = 	snop;
	(pc) =	sbr.ind lr, $3  }
0x3a: {  	_ = 	snop  }
0x3b: {  	_ = 	snop  }
0x3c: {  	p2 =	seq.s32 s10, $0x1;
	s10 =	sld [smem:$0x3FBA]  }
0x3d: {  	_ =	shalt  }
0x3e: {  	_ =	shalt  }
0x3f: {  	_ =	shalt  }
0x40: {  	_ =	shalt  }
0x41: {  	_ =	shalt  }
0x42: {  	_ =	shalt  }
0x43: {  	_ =	shalt  }
0x44: {  	_ =	shalt  }
0x45: {  	_ =	shalt  }
0x46: {  	_ =	shalt  }
0x47: {  	_ =	shalt  }
0x48: {  	_ =	shalt  }
0x49: {  	_ =	shalt  }
0x4a: {  	_ =	shalt  }
0x4b: {  	_ =	shalt  }
0x4c: {  	_ =	shalt  }
0x4d: {  	_ =	shalt  }
0x4e: {  	_ =	shalt  }
0x4f: {  	_ =	shalt  }
0x50: {  	_ =	shalt  }
0x51: {  	_ =	shalt  }
0x52: {  	_ =	shalt  }
0x53: {  	_ =	shalt  }
0x54: {  	_ =	shalt  }
0x55: {  	_ =	shalt  }
0x56: {  	_ =	shalt  }
0x57: {  	_ =	shalt  }
0x58: {  	_ =	shalt  }
0x59: {  	_ =	shalt  }
0x5a: {  	_ =	shalt  }
0x5b: {  	_ =	shalt  }
0x5c: {  	_ =	shalt  }
0x5d: {  	_ =	shalt  }
0x5e: {  	_ =	shalt  }
0x5f: {  	_ =	shalt  }
0x60: {  	_ =	shalt  }
0x61: {  	_ =	shalt  }
0x62: {  	_ =	shalt  }
0x63: {  	_ =	shalt  }
0x64: {  	_ =	shalt  }
0x65: {  	_ =	shalt  }
0x66: {  	_ =	shalt  }
0x67: {  	_ =	shalt  }
0x68: {  	_ =	shalt  }
0x69: {  	_ =	shalt  }
0x6a: {  	_ =	shalt  }
0x6b: {  	_ =	shalt  }
0x6c: {  	_ =	shalt  }
0x6d: {  	_ =	shalt  }
0x6e: {  	_ =	shalt  }
0x6f: {  	_ =	shalt  }
0x70: {  	_ =	shalt  }
0x71: {  	_ =	shalt  }
0x72: {  	_ =	shalt  }
0x73: {  	_ =	shalt  }
0x74: {  	_ =	shalt  }
0x75: {  	_ =	shalt  }
0x76: {  	_ =	shalt  }
0x77: {  	_ =	shalt  }
0x78: {  	_ =	shalt  }
0x79: {  	_ =	shalt  }
0x7a: {  	_ =	shalt  }
0x7b: {  	_ =	shalt  }
0x7c: {  	_ =	shalt  }
0x7d: {  	_ =	shalt  }
0x7e: {  	_ =	shalt  }
0x7f: {  	_ =	shalt  }
0x80: {  	_ =	shalt  }
0x81: {  	_ =	shalt  }
0x82: {  	_ =	shalt  }
0x83: {  	_ =	shalt  }
0x84: {  	_ =	shalt  }
0x85: {  	_ =	shalt  }
0x86: {  	_ =	shalt  }
0x87: {  	_ =	shalt  }
.Lfunc_end0:
.L_simem_size_0:
called_computation_lowered:
.L_overlay_start_0:
0x88: {  	s2 =	sld [smem:$0x3FD9]  }
0x89: {  	s3 =	sld [smem:$0x3FFE];
	_ =	sdelay $0x1  }
0x8a: {  	s1 =	srdreg.scid  }
0x8b: {  	s0 =	sand.u32 $0x1, s1  }
0x8c: {  	s18 =	sshll.u32 s0, $0xA;
	s2 =	sadd.s32 s3, s2  }
0x8d: {  	s2 =	sadd.s32 s2, s18  }
0x8e: {  	[smem:$0x3FC6] =	sst s2  }
0x8f: {  	_ = 	snop  }
0x90: {  	s2 =	sld [smem:$0x3FC9]  }
0x91: {  	s19 =	sld [smem:$0x3FC8]  }
0x92: {  	s4 =	sld [smem:$0x3FD0];
	(tm) =	ssettm $0x1  }
0x93: {  	s5 =	sld [smem:$0x3FFB];
	_ =	sdelay $0x3  }
0x94: {  	_ =	strace s5  }
0x95: {  	s5 =	sld [smem:$0x3FFC];
	_ =	sdelay $0x3  }
0x96: {  	_ =	strace s5  }
0x97: {  	s5 =	sld [smem:$0x3FFD];
	_ =	sdelay $0x3  }
0x98: {  	_ =	strace s5  }
0x99: {  	_ =	strace $0x8FFFFFFF  }
0x9a: {  	s20 =	sld [smem:$0x3FDB];
	_ =	sdelay $0x1  }
0x9b: {  	s6 =	simm.s32 $_scs_section_size  }
0x9c: {  	s7 =	simm.s32 $_size__tile_overlayer_lowered;
	s8 =	simm.s32 $_tile_overlayer_lowered  }
0x9d: {  	s23 =	simm.s32 $0x1BFF;
	s22 =	sshll.u32 s8, $0x1;
	s5 =	sadd.s32 s6, s20  }
0x9e: {  	s9 =	simm.s32 $0x0;
	s21 =	sshll.u32 s7, $0x1;
	s7 =	sadd.s32 s22, s5  }
0x9f: {  	[timem:s9], [sflag:s23] =	dma.local [hbm:s7], s21  }
0xa0: {  	_ =	swait.ge [sflag:s23], s21  }
0xa1: {  	s6 =	ssub.s32 $0x0, s21;
	[sflag:s23] =	ssyncset.done $0x0  }
0xa2: {  	[sflag:s23] =	ssyncadd.s32 s6;
	_ =	sdelay $0x1  }
0xa3: {  	s24 =	simm.s32 $0x1B8B  }
0xa4: {  	_ =	swait.ge [sflag:s24], $0x1  }
0xa5: {  	[sflag:s24] =	ssyncset.done $0x0  }
0xa6: {  	s25 =	simm.s32 $0x1B8E;
	[sflag:s24] =	ssyncadd.s32 $0xFFFFFFFF  }
0xa7: {  	s26 =	simm.s32 $execute0_lowered;
	[smem:$0x3FD2] =	sst s25  }
0xa8: {  	s6 =	sshll.u32 s26, $0x1;
	_ =	strace $0x80000046;
	[dreg:$0x1] =	wrdreg $0xFFFFFFFF  }
0xa9: {  	s28 =	simm.s32 $_size_execute0_lowered;
	s5 =	sadd.s32 s5, s6;
	[dreg:$0x0] =	wrdreg $0x0  }
0xaa: {  	s6 =	sshll.u32 s28, $0x1;
	[dreg:$0x2] =	wrdreg s5  }
0xab: {  	[dreg:$0x3] =	wrdreg s6  }
0xac: {  	[dreg:$0x4] =	wrdreg $0xC0  }
0xad: {  	_ =	task [dreg:s9], $0x5FFFF  }
0xae: {  	[dreg:$0x1] =	wrdreg $0xFFFFFFFF  }
0xaf: {  	[dreg:$0x0] =	wrdreg $0x60  }
0xb0: {  	[dreg:$0x2] =	wrdreg s2  }
0xb1: {  	[dreg:$0x3] =	wrdreg s19  }
0xb2: {  	[dreg:$0x4] =	wrdreg s4  }
0xb3: {  	[dreg:$0x5] =	wrdreg $0x9  }
0xb4: {  	_ =	task.clear_ibuf [dreg:s9], $0x6FFFF;
	_ =	strace $0x90000046  }
0xb5: {  	s29 =	simm.s32 $0x9;
	_ =	strace $0x80000048  }
0xb6: {  	_ =	swait.ge [sflag:s29], $0x1  }
0xb7: {  	[sflag:s29] =	ssyncadd.s32 $0xFFFFFFFF  }
0xb8: {  	_ =	strace $0x90000048  }
0xb9: {  	_ =	sfence  }
0xba: {  	s30 =	sld [smem:$0x0];
	_ =	sdelay $0x2  }
0xbb: {  	s31 =	sshll.u32 s1, $0xD;
	s1 =	sshrl.u32 s1, $0x2  }
0xbc: {  	s3 =	sand.u32 $0x4000, s31;
	s1 =	sadd.s32 s1, s30  }
0xbd: {  	s0 =	sor.u32 s3, s0;
	s1 =	sshll.u32 s1, $0x11  }
0xbe: {  	s0 =	sor.u32 s1, s0  }
0xbf: {  	s0 =	sadd.s32 $0x8F2B, s0  }
0xc0: {  	[sflag:s0] =	ssyncadd.remote.s32 $0x1  }
0xc1: {  	_ =	sfence.sel $0xFFFF  }
0xc2: {  	[dreg:$0x0] =	wrdreg $0xFFFFFFFF;
	(pc) =	sbr.abs _section_cstart, $3  }
0xc3: {  	[dreg:$0x1] =	wrdreg $0xFFFFFFFF  }
0xc4: {  	_ =	task.clear_ibuf [dreg:s9], $0x2FFFF;
	_ =	strace $0x9FFFFFFF  }
0xc5: {  	(tm) =	ssettm $0x7FFFFFFF  }
tec
execute0_lowered:
.L_overlay_start_1:
0x0: {  	(tag) =	ssettag $0x1  }
0x1: {  	s1 =	rddreg [dreg:$0x0]  }
0x2: {  	s0 =	rddreg [dreg:$0x1];
	v0 =	vlaneseq.u32  }
0x3: {  	s2 =	rddreg [dreg:$0x2];
	vm0 =	vcmask $0x300;
	vm1 =	vcmask $0x704;
	vm2 =	vcmask $0xB08  }
0x4: {  	s4 =	srdreg.scid;
	s3 =	simm.s32 $0x0;
	s11 =	stileid.u32;
	vm3 =	vcmask $0xF0C;
	vm4 =	vcmask $0x1310;
	vm5 =	vcmask $0x1714  }
0x5: {  	s17 =	simm.s32 $0xC080;
	vm6 =	vcmask $0x1B18;
	vm7 =	vcmask $0x1F1C;
	vm8 =	vcmask $0x2320;
	s30 =	simm.s32 $0x1;
	s31 =	simm.s32 $0x2  }
0x6: {  	vm9 =	vcmask $0x2724;
	vm10 =	vcmask $0x2B28;
	vm11 =	vcmask $0x2F2C;
	s13 =	simm.s32 $0x4;
	s14 =	simm.s32 $0x0;
	s10 =	sand.u32 $0x1, s4  }
0x7: {  	vm12 =	vcmask $0x3330;
	vm13 =	vcmask $0x3734;
	vm14 =	vcmask $0x3B38;
	[smem:$0x7FF] =	sst s3;
	s21 =	sshll.u32 s11, $0x8;
	s5 =	sshll.u32 s10, $0x7  }
0x8: {  	v9 =	vimm.s32 $0x7;
	v10 =	vimm.s32 $0x2;
	v11 =	vimm.s32 $0x0;
	s28 =	sshll.u32 s11, $0xF;
	s6 =	ssub.s32 $0x2, s10;
	s4 =	sor.u32 s5, s21  }
0x9: {  	v12 =	vimm.s32 $0x1;
	v13 =	vimm.s32 $0x3;
	v14 =	vimm.s32 $0x4;
	_ =	strace $0x80000047;
	s22 =	sshrl.u32 s6, $0x1;
	s7 =	sshll.u32 s4, $0x4  }
0xa: {  	v15 =	vimm.s32 $0x5;
	v16 =	vimm.s32 $0x6;
	v18 =	vimm.s32 $0x9;
	s8 =	sshll.u32 s4, $0x6;
	s9 =	ssub.s32 s6, s22;
	s0 =	sadd.s32 s0, s7  }
0xb: {  	v19 =	vimm.s32 $0xA;
	v20 =	vimm.s32 $0xB;
	v21 =	vimm.s32 $0xC;
	s5 =	sadd.s32 s2, s8;
	s26 =	smax.u32 s9, $0x1;
	[dreg:$0x4] =	wrdreg s0  }
0xc: {  	v22 =	vimm.s32 $0xD;
	s11 =	simm.s32 $0x5;
	v1 =	vor.u32 $0x80000010, v0;
	v2 =	vor.u32 $0x80000020, v0;
	s23 =	sadd.s32 $0x800, s5;
	[dreg:$0x8] =	wrdreg s26  }
0xd: {  	v17 =	vimm.s32 $0x8;
	v3 =	vor.u32 $0x80000030, v0;
	v4 =	vor.u32 $0x80000040, v0;
	s29 =	sshll.u32 s10, $0xE;
	s24 =	sadd.s32 $0x1000, s5;
	[dreg:$0x5] =	wrdreg s23  }
0xe: {  	v23 =	vimm.s32 $0xE;
	v5 =	vor.u32 $0x80000050, v0;
	v6 =	vor.u32 $0x80000060, v0;
	s10 =	sor.u32 s29, s28;
	s25 =	sadd.s32 $0x1800, s5;
	[dreg:$0x6] =	wrdreg s24  }
0xf: {  	v24 =	vimm.s32 $0xF;
	v7 =	vor.u32 $0x80000070, v0;
	v8 =	vor.u32 $0x80000000, v0;
	s2 =	simm.s32 $0x10080;
	s0 =	simm.s32 $0x3;
	[dreg:$0x7] =	wrdreg s25  }
.LBB2_1:
0x10: {  	s4 =	rddreg [dreg:$0x4]  }
0x11: {  	[tilespmem:s3], [sflag:$0x5] =	stream.linear.gather [hbm4b:s4+s3], $0x4000, $0x38;
	[tilespmem:$0x14080] =	vst v63  }
0x12: {  	_ =	swait.ge [sflag:s11], $0x4000  }
0x13: {  	s15 =	simm.s32 $0x4000;
	[sflag:s11] =	ssyncset.done $0x0  }
0x14: {  	s16 =	simm.s32 $0x400;
	s18 =	simm.s32 $0x0;
	[sflag:s11] =	ssyncadd.s32 $0xFFFFC000  }
.LBB2_2:
0x15: {  	v25 =	vld [tilespmem:s16+$0xFFFFFC00]  }
0x16: {  	v26 =	vld [tilespmem:s16+$0xFFFFFC10]  }
0x17: {  	v27 =	vld [tilespmem:s16+$0xFFFFFC20]  }
0x18: {  	v28 =	vld [tilespmem:s16+$0xFFFFFC30]  }
0x19: {  	v29 =	vld [tilespmem:s16+$0xFFFFFC40]  }
0x1a: {  	v30 =	vld [tilespmem:s16+$0xFFFFFC50]  }
0x1b: {  	v32 =	vld [tilespmem:s16+$0xFFFFFC60];
	v31 =	vmax.f32 v25, v26  }
0x1c: {  	v34 =	vld [tilespmem:s16+$0xFFFFFC70];
	v33 =	vmax.f32 v31, v27  }
0x1d: {  	v35 =	vmax.f32 v33, v28  }
0x1e: {  	v36 =	vmax.f32 v35, v29  }
0x1f: {  	v37 =	vmax.f32 v36, v30  }
0x20: {  	v38 =	vmax.f32 v37, v32  }
0x21: {  	v40 =	vld [tilespmem:s16+$0xFFFFFC80];
	v39 =	vmax.f32 v38, v34  }
0x22: {  	v41 =	vld [tilespmem:s16+$0xFFFFFC90];
	(xrf0) =	vmax.scan.msk.f32 $0xffff, v39  }
0x23: {  	vm15 =	vgt.f32 v26, v25;
	v25 =	vld [tilespmem:s16+$0xFFFFFCA0]  }
0x24: {  	v26 =	vsel vm15, v1, v8;
	vm15 =	vgt.f32 v27, v31;
	v27 =	vld [tilespmem:s16+$0xFFFFFCB0]  }
0x25: {  	v60 =	vld [tilespmem:s16+$0xFFFFFCC0];
	v26 =	vsel vm15, v2, v26;
	vm15 =	vgt.f32 v28, v33  }
0x26: {  	v61 =	vld [tilespmem:s16+$0xFFFFFCD0];
	v26 =	vsel vm15, v3, v26;
	vm15 =	vgt.f32 v29, v35  }
0x27: {  	v63 =	vld [tilespmem:s16+$0xFFFFFCE0];
	v62 =	vmax.f32 v40, v41;
	v26 =	vsel vm15, v4, v26;
	vm15 =	vgt.f32 v30, v36  }
0x28: {  	v47 =	vld [tilespmem:s16+$0xFFFFFCF0];
	v26 =	vsel vm15, v5, v26;
	v46 =	vmax.f32 v62, v25;
	v45, _, _ =	vpop (xrf0)  }
0x29: {  	vm15 =	vgt.f32 v32, v37;
	v49 =	vmax.f32 v46, v27;
	v48 =	vbroadcast v45, $0xF  }
0x2a: {  	v26 =	vsel vm15, v6, v26;
	vm15 =	vgt.f32 v34, v38;
	v50 =	vmax.f32 v49, v60  }
0x2b: {  	v26 =	vsel vm15, v7, v26;
	v51 =	vmax.f32 v50, v61;
	vm15 =	veq.f32 v39, v48  }
0x2c: {  	v52 =	vmax.f32 v51, v63;
	v26 =	vnsel vm15, $0x80000080, v26  }
0x2d: {  	v53 =	vld [tilespmem:s16+$0xFFFFFD00];
	(xrf0) =	vmin.scan.msk.u32 $0xffff, v26;
	v26 =	vmax.f32 v52, v47  }
0x2e: {  	v54 =	vld [tilespmem:s16+$0xFFFFFD10];
	vm15 =	vgt.f32 v41, v40;
	(xrf0) =	vmax.scan.msk.f32 $0xffff, v26  }
0x2f: {  	v55 =	vld [tilespmem:s16+$0xFFFFFD20];
	v41 =	vsel vm15, v1, v8;
	vm15 =	vgt.f32 v25, v62  }
0x30: {  	v56 =	vld [tilespmem:s16+$0xFFFFFD30];
	v25 =	vsel vm15, v2, v41  }
0x31: {  	vm15 =	vgt.f32 v27, v46;
	v27 =	vld [tilespmem:s16+$0xFFFFFD40]  }
0x32: {  	v57 =	vld [tilespmem:s16+$0xFFFFFD50];
	v35 =	vsel vm15, v3, v25;
	vm15 =	vgt.f32 v60, v49  }
0x33: {  	v59 =	vld [tilespmem:s16+$0xFFFFFD60];
	v58 =	vmax.f32 v53, v54;
	v33 =	vsel vm15, v4, v35;
	vm15 =	vgt.f32 v61, v50;
	v25, _, _ =	vpop (xrf0)  }
0x34: {  	v42 =	vld [tilespmem:s16+$0xFFFFFD70];
	v61 =	vmax.f32 v58, v55;
	v33 =	vsel vm15, v5, v33;
	v60, _, _ =	vpop (xrf0)  }
0x35: {  	vm15 =	vgt.f32 v63, v51;
	v63 =	vmax.f32 v61, v56;
	v62 =	vbroadcast v60, $0xF  }
0x36: {  	v33 =	vsel vm15, v6, v33;
	vm15 =	vgt.f32 v47, v52;
	v45 =	vmax.f32 v63, v27  }
0x37: {  	v33 =	vsel vm15, v7, v33;
	v46 =	vmax.f32 v45, v57;
	vm15 =	veq.f32 v26, v62  }
0x38: {  	v43 =	vld [tilespmem:s16+$0xFFFFFD90];
	v47 =	vmax.f32 v46, v59;
	v26 =	vnsel vm15, $0x80000080, v33  }
0x39: {  	v49 =	vld [tilespmem:s16+$0xFFFFFD80];
	v48 =	vmax.f32 v47, v42;
	(xrf0) =	vmin.scan.msk.u32 $0xffff, v26  }
0x3a: {  	v50 =	vld [tilespmem:s16+$0xFFFFFDA0];
	vm15 =	vgt.f32 v54, v53;
	(xrf0) =	vmax.scan.msk.f32 $0xffff, v48  }
0x3b: {  	v51 =	vld [tilespmem:s16+$0xFFFFFDB0];
	v26 =	vsel vm15, v1, v8;
	vm15 =	vgt.f32 v55, v58  }
0x3c: {  	v26 =	vsel vm15, v2, v26  }
0x3d: {  	v30 =	vld [tilespmem:s16+$0xFFFFFDC0]  }
0x3e: {  	v53 =	vld [tilespmem:s16+$0xFFFFFDD0];
	v54 =	vmax.f32 v49, v43;
	vm15 =	vgt.f32 v56, v61  }
0x3f: {  	v35 =	vld [tilespmem:s16+$0xFFFFFDE0];
	v56 =	vmax.f32 v54, v50;
	v52 =	vsel vm15, v3, v26;
	vm15 =	vgt.f32 v27, v63;
	v26, _, _ =	vpop (xrf0)  }
0x40: {  	v41 =	vld [tilespmem:s16+$0xFFFFFDF0];
	v58 =	vmax.f32 v56, v51;
	v27 =	vsel vm15, v4, v52;
	vm15 =	vgt.f32 v57, v45;
	v55, _, _ =	vpop (xrf0)  }
0x41: {  	v27 =	vsel vm15, v5, v27;
	vm15 =	vgt.f32 v59, v46;
	v57 =	vbroadcast v55, $0xF  }
0x42: {  	v59 =	vmax.f32 v58, v30;
	v27 =	vsel vm15, v6, v27;
	vm15 =	vgt.f32 v42, v47  }
0x43: {  	v60 =	vmax.f32 v59, v53;
	v27 =	vsel vm15, v7, v27;
	vm15 =	veq.f32 v48, v57  }
0x44: {  	v61 =	vmax.f32 v60, v35;
	v27 =	vnsel vm15, $0x80000080, v27  }
0x45: {  	v44 =	vld [tilespmem:s16+$0xFFFFFE10];
	v62 =	vmax.f32 v61, v41;
	(xrf0) =	vmin.scan.msk.u32 $0xffff, v27  }
0x46: {  	v63 =	vld [tilespmem:s16+$0xFFFFFE00];
	vm15 =	vgt.f32 v43, v49;
	(xrf0) =	vmax.scan.msk.f32 $0xffff, v62  }
0x47: {  	v48 =	vld [tilespmem:s16+$0xFFFFFE20];
	v27 =	vsel vm15, v1, v8;
	vm15 =	vgt.f32 v50, v54  }
0x48: {  	v49 =	vld [tilespmem:s16+$0xFFFFFE30];
	v27 =	vsel vm15, v2, v27  }
0x49: {  	v50 =	vld [tilespmem:s16+$0xFFFFFE40];
	vm15 =	vgt.f32 v51, v56  }
0x4a: {  	v52 =	vld [tilespmem:s16+$0xFFFFFE50];
	v51 =	vsel vm15, v3, v27;
	vm15 =	vgt.f32 v30, v58  }
0x4b: {  	v33 =	vld [tilespmem:s16+$0xFFFFFE60];
	v34 =	vsel vm15, v4, v51;
	vm15 =	vgt.f32 v53, v59;
	v53 =	vmax.f32 v63, v44;
	v27, _, _ =	vpop (xrf0)  }
0x4c: {  	v43 =	vld [tilespmem:s16+$0xFFFFFE70];
	v34 =	vsel vm15, v5, v34;
	v55 =	vmax.f32 v53, v48;
	v54, _, _ =	vpop (xrf0)  }
0x4d: {  	vm15 =	vgt.f32 v35, v60;
	v57 =	vmax.f32 v55, v49;
	v56 =	vbroadcast v54, $0xF  }
0x4e: {  	v34 =	vsel vm15, v6, v34;
	vm15 =	vgt.f32 v41, v61;
	v58 =	vmax.f32 v57, v50  }
0x4f: {  	v34 =	vsel vm15, v7, v34;
	v59 =	vmax.f32 v58, v52;
	vm15 =	veq.f32 v62, v56  }
0x50: {  	v60 =	vmax.f32 v59, v33;
	v34 =	vnsel vm15, $0x80000080, v34  }
0x51: {  	v51 =	vld [tilespmem:s16+$0xFFFFFE80];
	v61 =	vmax.f32 v60, v43;
	(xrf0) =	vmin.scan.msk.u32 $0xffff, v34  }
0x52: {  	v62 =	vld [tilespmem:s16+$0xFFFFFE90];
	(xrf0) =	vmax.scan.msk.f32 $0xffff, v61  }
0x53: {  	vm15 =	vgt.f32 v44, v63;
	v63 =	vld [tilespmem:s16+$0xFFFFFEA0]  }
0x54: {  	v44 =	vsel vm15, v1, v8;
	vm15 =	vgt.f32 v48, v53;
	v48 =	vld [tilespmem:s16+$0xFFFFFEB0]  }
0x55: {  	v37 =	vsel vm15, v2, v44;
	vm15 =	vgt.f32 v49, v55;
	v49 =	vld [tilespmem:s16+$0xFFFFFEC0]  }
0x56: {  	v37 =	vsel vm15, v3, v37;
	vm15 =	vgt.f32 v50, v57;
	v50 =	vld [tilespmem:s16+$0xFFFFFED0]  }
0x57: {  	v36 =	vld [tilespmem:s16+$0xFFFFFEE0];
	v29 =	vsel vm15, v4, v37;
	vm15 =	vgt.f32 v52, v58;
	v52 =	vmax.f32 v51, v62;
	v28, _, _ =	vpop (xrf0)  }
0x58: {  	v45 =	vld [tilespmem:s16+$0xFFFFFEF0];
	v29 =	vsel vm15, v5, v29;
	v54 =	vmax.f32 v52, v63;
	v53, _, _ =	vpop (xrf0)  }
0x59: {  	vm15 =	vgt.f32 v33, v59;
	v56 =	vmax.f32 v54, v48;
	v55 =	vbroadcast v53, $0xF  }
0x5a: {  	v29 =	vsel vm15, v6, v29;
	vm15 =	vgt.f32 v43, v60;
	v57 =	vmax.f32 v56, v49  }
0x5b: {  	v29 =	vsel vm15, v7, v29;
	v58 =	vmax.f32 v57, v50;
	vm15 =	veq.f32 v61, v55  }
0x5c: {  	v59 =	vmax.f32 v58, v36;
	v29 =	vnsel vm15, $0x80000080, v29  }
0x5d: {  	v46 =	vld [tilespmem:s16+$0xFFFFFF10];
	v60 =	vmax.f32 v59, v45;
	(xrf0) =	vmin.scan.msk.u32 $0xffff, v29  }
0x5e: {  	v61 =	vld [tilespmem:s16+$0xFFFFFF00];
	vm15 =	vgt.f32 v62, v51;
	(xrf0) =	vmax.scan.msk.f32 $0xffff, v60  }
0x5f: {  	v62 =	vld [tilespmem:s16+$0xFFFFFF20];
	v51 =	vsel vm15, v1, v8;
	vm15 =	vgt.f32 v63, v52  }
0x60: {  	v30 =	vld [tilespmem:s16+$0xFFFFFF30];
	v29 =	vsel vm15, v2, v51  }
0x61: {  	v32 =	vld [tilespmem:s16+$0xFFFFFF40];
	vm15 =	vgt.f32 v48, v54  }
0x62: {  	v53 =	vld [tilespmem:s16+$0xFFFFFF50];
	v52 =	vsel vm15, v3, v29;
	vm15 =	vgt.f32 v49, v56  }
0x63: {  	v48 =	vld [tilespmem:s16+$0xFFFFFF60];
	v40 =	vsel vm15, v4, v52;
	vm15 =	vgt.f32 v50, v57;
	v63 =	vmax.f32 v61, v46;
	v29, _, _ =	vpop (xrf0)  }
0x64: {  	v51 =	vld [tilespmem:s16+$0xFFFFFF70];
	v40 =	vsel vm15, v5, v40;
	v50 =	vmax.f32 v63, v62;
	v49, _, _ =	vpop (xrf0)  }
0x65: {  	vm15 =	vgt.f32 v36, v58;
	v55 =	vmax.f32 v50, v30;
	v54 =	vbroadcast v49, $0xF  }
0x66: {  	v40 =	vsel vm15, v6, v40;
	vm15 =	vgt.f32 v45, v59;
	v56 =	vmax.f32 v55, v32  }
0x67: {  	v40 =	vsel vm15, v7, v40;
	v57 =	vmax.f32 v56, v53;
	vm15 =	veq.f32 v60, v54  }
0x68: {  	v58 =	vmax.f32 v57, v48;
	v38 =	vnsel vm15, $0x80000080, v40  }
0x69: {  	v41 =	vld [tilespmem:s16+$0xFFFFFF80];
	v59 =	vmax.f32 v58, v51;
	(xrf0) =	vmin.scan.msk.u32 $0xffff, v38  }
0x6a: {  	v60 =	vld [tilespmem:s16+$0xFFFFFF90];
	(xrf0) =	vmax.scan.msk.f32 $0xffff, v59  }
0x6b: {  	vm15 =	vgt.f32 v46, v61;
	v61 =	vld [tilespmem:s16+$0xFFFFFFA0]  }
0x6c: {  	v46 =	vsel vm15, v1, v8;
	vm15 =	vgt.f32 v62, v63;
	v62 =	vld [tilespmem:s16+$0xFFFFFFB0]  }
0x6d: {  	v42 =	vld [tilespmem:s16+$0xFFFFFFC0];
	v39 =	vsel vm15, v2, v46;
	vm15 =	vgt.f32 v30, v50  }
0x6e: {  	v39 =	vsel vm15, v3, v39;
	vm15 =	vgt.f32 v32, v55;
	v32 =	vld [tilespmem:s16+$0xFFFFFFD0]  }
0x6f: {  	v34 =	vld [tilespmem:s16+$0xFFFFFFE0];
	v36 =	vsel vm15, v4, v39;
	vm15 =	vgt.f32 v53, v56;
	v63 =	vmax.f32 v41, v60;
	v30, _, _ =	vpop (xrf0)  }
0x70: {  	v47 =	vld [tilespmem:s16+$0xFFFFFFF0];
	v36 =	vsel vm15, v5, v36;
	v53 =	vmax.f32 v63, v61;
	v52, _, _ =	vpop (xrf0)  }
0x71: {  	vm15 =	vgt.f32 v48, v57;
	v55 =	vmax.f32 v53, v62;
	v54 =	vbroadcast v52, $0xF  }
0x72: {  	v36 =	vsel vm15, v6, v36;
	vm15 =	vgt.f32 v51, v58;
	v56 =	vmax.f32 v55, v42  }
0x73: {  	v36 =	vsel vm15, v7, v36;
	v57 =	vmax.f32 v56, v32;
	vm15 =	veq.f32 v59, v54  }
0x74: {  	v58 =	vmax.f32 v57, v34;
	v31 =	vnsel vm15, $0x80000080, v36  }
0x75: {  	v44 =	vld [tilespmem:s16+$0x0];
	v59 =	vmax.f32 v58, v47;
	(xrf0) =	vmin.scan.msk.u32 $0xffff, v31  }
0x76: {  	v48 =	vld [tilespmem:s16+$0x10];
	vm15 =	vgt.f32 v60, v41;
	(xrf0) =	vmax.scan.msk.f32 $0xffff, v59  }
0x77: {  	v41 =	vld [tilespmem:s16+$0x20];
	v60 =	vsel vm15, v1, v8;
	vm15 =	vgt.f32 v61, v63  }
0x78: {  	v61 =	vld [tilespmem:s16+$0x30];
	v31 =	vsel vm15, v2, v60  }
0x79: {  	v35 =	vld [tilespmem:s16+$0x40];
	vm15 =	vgt.f32 v62, v53  }
0x7a: {  	v63 =	vld [tilespmem:s16+$0x50];
	v62 =	vsel vm15, v3, v31;
	vm15 =	vgt.f32 v42, v55  }
0x7b: {  	v39 =	vld [tilespmem:s16+$0x60];
	v52 =	vmax.f32 v44, v48;
	v42 =	vsel vm15, v4, v62;
	vm15 =	vgt.f32 v32, v56;
	v31, _, _ =	vpop (xrf0)  }
0x7c: {  	v46 =	vld [tilespmem:s16+$0x70];
	v42 =	vsel vm15, v5, v42;
	v54 =	vmax.f32 v52, v41;
	v53, _, _ =	vpop (xrf0)  }
0x7d: {  	vm15 =	vgt.f32 v34, v57;
	v56 =	vmax.f32 v54, v61;
	v55 =	vbroadcast v53, $0xF  }
0x7e: {  	v42 =	vsel vm15, v6, v42;
	vm15 =	vgt.f32 v47, v58;
	v57 =	vmax.f32 v56, v35  }
0x7f: {  	v42 =	vsel vm15, v7, v42;
	v58 =	vmax.f32 v57, v63;
	vm15 =	veq.f32 v59, v55  }
0x80: {  	v59 =	vmax.f32 v58, v39;
	v40 =	vnsel vm15, $0x80000080, v42  }
0x81: {  	v43 =	vld [tilespmem:s16+$0x80];
	v60 =	vmax.f32 v59, v46;
	(xrf0) =	vmin.scan.msk.u32 $0xffff, v40  }
0x82: {  	v47 =	vld [tilespmem:s16+$0x90];
	vm15 =	vgt.f32 v48, v44;
	(xrf0) =	vmax.scan.msk.f32 $0xffff, v60  }
0x83: {  	v44 =	vld [tilespmem:s16+$0xA0];
	v48 =	vsel vm15, v1, v8;
	vm15 =	vgt.f32 v41, v52  }
0x84: {  	v41 =	vld [tilespmem:s16+$0xB0];
	v32 =	vsel vm15, v2, v48  }
0x85: {  	vm15 =	vgt.f32 v61, v54;
	v61 =	vld [tilespmem:s16+$0xC0]  }
0x86: {  	v62 =	vld [tilespmem:s16+$0xD0];
	v45 =	vsel vm15, v3, v32;
	vm15 =	vgt.f32 v35, v56  }
0x87: {  	v37 =	vld [tilespmem:s16+$0xE0];
	v38 =	vsel vm15, v4, v45;
	vm15 =	vgt.f32 v63, v57;
	v63 =	vmax.f32 v43, v47;
	v32, _, _ =	vpop (xrf0)  }
0x88: {  	v49 =	vld [tilespmem:s16+$0xF0];
	v38 =	vsel vm15, v5, v38;
	v53 =	vmax.f32 v63, v44;
	v52, _, _ =	vpop (xrf0)  }
0x89: {  	vm15 =	vgt.f32 v39, v58;
	v55 =	vmax.f32 v53, v41;
	v54 =	vbroadcast v52, $0xF  }
0x8a: {  	v38 =	vsel vm15, v6, v38;
	vm15 =	vgt.f32 v46, v59;
	v56 =	vmax.f32 v55, v61  }
0x8b: {  	v38 =	vsel vm15, v7, v38;
	v57 =	vmax.f32 v56, v62;
	vm15 =	veq.f32 v60, v54  }
0x8c: {  	v58 =	vmax.f32 v57, v37;
	v38 =	vnsel vm15, $0x80000080, v38  }
0x8d: {  	v45 =	vld [tilespmem:s16+$0x100];
	v59 =	vmax.f32 v58, v49;
	(xrf0) =	vmin.scan.msk.u32 $0xffff, v38  }
0x8e: {  	v60 =	vld [tilespmem:s16+$0x110];
	(xrf0) =	vmax.scan.msk.f32 $0xffff, v59  }
0x8f: {  	vm15 =	vgt.f32 v47, v43;
	v43 =	vld [tilespmem:s16+$0x120]  }
0x90: {  	v36 =	vld [tilespmem:s16+$0x130];
	v47 =	vsel vm15, v1, v8;
	vm15 =	vgt.f32 v44, v63  }
0x91: {  	v44 =	vsel vm15, v2, v47;
	vm15 =	vgt.f32 v41, v53;
	v41 =	vld [tilespmem:s16+$0x140]  }
0x92: {  	v39 =	vld [tilespmem:s16+$0x150];
	v44 =	vsel vm15, v3, v44;
	vm15 =	vgt.f32 v61, v55  }
0x93: {  	v42 =	vld [tilespmem:s16+$0x160];
	v44 =	vsel vm15, v4, v44;
	vm15 =	vgt.f32 v62, v56;
	v61 =	vmax.f32 v45, v60;
	v33, _, _ =	vpop (xrf0)  }
0x94: {  	v50 =	vld [tilespmem:s16+$0x170];
	v44 =	vsel vm15, v5, v44;
	v63 =	vmax.f32 v61, v43;
	v62, _, _ =	vpop (xrf0)  }
0x95: {  	vm15 =	vgt.f32 v37, v57;
	v55 =	vmax.f32 v63, v36;
	v54 =	vbroadcast v62, $0xF  }
0x96: {  	v44 =	vsel vm15, v6, v44;
	vm15 =	vgt.f32 v49, v58;
	v56 =	vmax.f32 v55, v41  }
0x97: {  	v44 =	vsel vm15, v7, v44;
	v57 =	vmax.f32 v56, v39;
	vm15 =	veq.f32 v59, v54  }
0x98: {  	v58 =	vmax.f32 v57, v42;
	v34 =	vnsel vm15, $0x80000080, v44  }
0x99: {  	v51 =	vld [tilespmem:s16+$0x190];
	v59 =	vmax.f32 v58, v50;
	(xrf0) =	vmin.scan.msk.u32 $0xffff, v34  }
0x9a: {  	v49 =	vld [tilespmem:s16+$0x180];
	vm15 =	vgt.f32 v60, v45;
	(xrf0) =	vmax.scan.msk.f32 $0xffff, v59  }
0x9b: {  	v45 =	vld [tilespmem:s16+$0x1A0];
	v60 =	vsel vm15, v1, v8;
	vm15 =	vgt.f32 v43, v61  }
0x9c: {  	v35 =	vld [tilespmem:s16+$0x1B0];
	v34 =	vsel vm15, v2, v60  }
0x9d: {  	vm15 =	vgt.f32 v36, v63;
	v36 =	vld [tilespmem:s16+$0x1C0]  }
0x9e: {  	v62 =	vld [tilespmem:s16+$0x1D0];
	v61 =	vsel vm15, v3, v34;
	vm15 =	vgt.f32 v41, v55  }
0x9f: {  	v40 =	vld [tilespmem:s16+$0x1E0];
	v63 =	vmax.f32 v49, v51;
	v41 =	vsel vm15, v4, v61;
	vm15 =	vgt.f32 v39, v56;
	v34, _, _ =	vpop (xrf0)  }
0xa0: {  	v48 =	vld [tilespmem:s16+$0x1F0];
	v41 =	vsel vm15, v5, v41;
	v55 =	vmax.f32 v63, v45;
	v54, _, _ =	vpop (xrf0)  }
0xa1: {  	vm15 =	vgt.f32 v42, v57;
	v57 =	vmax.f32 v55, v35;
	v56 =	vbroadcast v54, $0xF  }
0xa2: {  	v41 =	vsel vm15, v6, v41;
	vm15 =	vgt.f32 v50, v58;
	v58 =	vmax.f32 v57, v36  }
0xa3: {  	v41 =	vsel vm15, v7, v41;
	vm15 =	veq.f32 v59, v56;
	v59 =	vmax.f32 v58, v62  }
0xa4: {  	v41 =	vnsel vm15, $0x80000080, v41;
	v60 =	vmax.f32 v59, v40  }
0xa5: {  	v47 =	vld [tilespmem:s16+$0x200];
	(xrf0) =	vmin.scan.msk.u32 $0xffff, v41;
	v61 =	vmax.f32 v60, v48  }
0xa6: {  	v50 =	vld [tilespmem:s16+$0x210];
	(xrf0) =	vmax.scan.msk.f32 $0xffff, v61  }
0xa7: {  	vm15 =	vgt.f32 v51, v49;
	v49 =	vld [tilespmem:s16+$0x220]  }
0xa8: {  	v39 =	vld [tilespmem:s16+$0x230];
	v51 =	vsel vm15, v1, v8;
	vm15 =	vgt.f32 v45, v63  }
0xa9: {  	v46 =	vld [tilespmem:s16+$0x240];
	v45 =	vsel vm15, v2, v51;
	vm15 =	vgt.f32 v35, v55  }
0xaa: {  	v45 =	vsel vm15, v3, v45;
	vm15 =	vgt.f32 v36, v57;
	v36 =	vld [tilespmem:s16+$0x250]  }
0xab: {  	v43 =	vld [tilespmem:s16+$0x260];
	v37 =	vmax.f32 v47, v50;
	v42 =	vsel vm15, v4, v45;
	vm15 =	vgt.f32 v62, v58;
	v35, _, _ =	vpop (xrf0)  }
0xac: {  	v52 =	vld [tilespmem:s16+$0x270];
	v42 =	vsel vm15, v5, v42;
	v63 =	vmax.f32 v37, v49;
	v62, _, _ =	vpop (xrf0)  }
0xad: {  	vm15 =	vgt.f32 v40, v59;
	v57 =	vmax.f32 v63, v39;
	v56 =	vbroadcast v62, $0xF  }
0xae: {  	v42 =	vsel vm15, v6, v42;
	vm15 =	vgt.f32 v48, v60;
	v58 =	vmax.f32 v57, v46  }
0xaf: {  	v42 =	vsel vm15, v7, v42;
	v59 =	vmax.f32 v58, v36;
	vm15 =	veq.f32 v61, v56  }
0xb0: {  	v60 =	vmax.f32 v59, v43;
	v41 =	vnsel vm15, $0x80000080, v42  }
0xb1: {  	v45 =	vld [tilespmem:s16+$0x280];
	v61 =	vmax.f32 v60, v52;
	(xrf0) =	vmin.scan.msk.u32 $0xffff, v41  }
0xb2: {  	v48 =	vld [tilespmem:s16+$0x290];
	(xrf0) =	vmax.scan.msk.f32 $0xffff, v61  }
0xb3: {  	vm15 =	vgt.f32 v50, v47;
	v47 =	vld [tilespmem:s16+$0x2A0]  }
0xb4: {  	v50 =	vsel vm15, v1, v8;
	vm15 =	vgt.f32 v49, v37;
	v37 =	vld [tilespmem:s16+$0x2B0]  }
0xb5: {  	v49 =	vsel vm15, v2, v50;
	vm15 =	vgt.f32 v39, v63;
	v39 =	vld [tilespmem:s16+$0x2C0]  }
0xb6: {  	v40 =	vld [tilespmem:s16+$0x2D0];
	v49 =	vsel vm15, v3, v49;
	vm15 =	vgt.f32 v46, v57  }
0xb7: {  	v44 =	vld [tilespmem:s16+$0x2E0];
	v49 =	vsel vm15, v4, v49;
	vm15 =	vgt.f32 v36, v58;
	v36 =	vmax.f32 v45, v48;
	v46, _, _ =	vpop (xrf0)  }
0xb8: {  	v53 =	vld [tilespmem:s16+$0x2F0];
	v49 =	vsel vm15, v5, v49;
	v63 =	vmax.f32 v36, v47;
	v62, _, _ =	vpop (xrf0)  }
0xb9: {  	vm15 =	vgt.f32 v43, v59;
	v57 =	vmax.f32 v63, v37;
	v56 =	vbroadcast v62, $0xF  }
0xba: {  	v49 =	vsel vm15, v6, v49;
	vm15 =	vgt.f32 v52, v60;
	v58 =	vmax.f32 v57, v39  }
0xbb: {  	v49 =	vsel vm15, v7, v49;
	v59 =	vmax.f32 v58, v40;
	vm15 =	veq.f32 v61, v56  }
0xbc: {  	v60 =	vmax.f32 v59, v44;
	v41 =	vnsel vm15, $0x80000080, v49  }
0xbd: {  	v50 =	vld [tilespmem:s16+$0x300];
	v61 =	vmax.f32 v60, v53;
	(xrf0) =	vmin.scan.msk.u32 $0xffff, v41  }
0xbe: {  	v52 =	vld [tilespmem:s16+$0x310];
	(xrf0) =	vmax.scan.msk.f32 $0xffff, v61  }
0xbf: {  	vm15 =	vgt.f32 v48, v45;
	v45 =	vld [tilespmem:s16+$0x320]  }
0xc0: {  	v48 =	vsel vm15, v1, v8;
	vm15 =	vgt.f32 v47, v36;
	v36 =	vld [tilespmem:s16+$0x330]  }
0xc1: {  	v47 =	vsel vm15, v2, v48;
	vm15 =	vgt.f32 v37, v63;
	v37 =	vld [tilespmem:s16+$0x340]  }
0xc2: {  	v47 =	vsel vm15, v3, v47;
	vm15 =	vgt.f32 v39, v57;
	v39 =	vld [tilespmem:s16+$0x350]  }
0xc3: {  	v42 =	vld [tilespmem:s16+$0x360];
	v47 =	vsel vm15, v4, v47;
	vm15 =	vgt.f32 v40, v58;
	v40 =	vmax.f32 v50, v52;
	v43, _, _ =	vpop (xrf0)  }
0xc4: {  	v54 =	vld [tilespmem:s16+$0x370];
	v47 =	vsel vm15, v5, v47;
	v63 =	vmax.f32 v40, v45;
	v62, _, _ =	vpop (xrf0)  }
0xc5: {  	vm15 =	vgt.f32 v44, v59;
	v58 =	vmax.f32 v63, v36;
	v57 =	vbroadcast v62, $0xF  }
0xc6: {  	v47 =	vsel vm15, v6, v47;
	vm15 =	vgt.f32 v53, v60;
	v59 =	vmax.f32 v58, v37  }
0xc7: {  	v47 =	vsel vm15, v7, v47;
	v60 =	vmax.f32 v59, v39;
	vm15 =	veq.f32 v61, v57  }
0xc8: {  	v61 =	vmax.f32 v60, v42;
	v41 =	vnsel vm15, $0x80000080, v47  }
0xc9: {  	v49 =	vld [tilespmem:s16+$0x380];
	v62 =	vmax.f32 v61, v54;
	(xrf0) =	vmin.scan.msk.u32 $0xffff, v41  }
0xca: {  	v53 =	vld [tilespmem:s16+$0x390];
	(xrf0) =	vmax.scan.msk.f32 $0xffff, v62  }
0xcb: {  	vm15 =	vgt.f32 v52, v50;
	v50 =	vld [tilespmem:s16+$0x3A0]  }
0xcc: {  	v52 =	vsel vm15, v1, v8;
	vm15 =	vgt.f32 v45, v40;
	v40 =	vld [tilespmem:s16+$0x3B0]  }
0xcd: {  	v45 =	vsel vm15, v2, v52;
	vm15 =	vgt.f32 v36, v63;
	v36 =	vld [tilespmem:s16+$0x3C0]  }
0xce: {  	v45 =	vsel vm15, v3, v45;
	vm15 =	vgt.f32 v37, v58;
	v37 =	vld [tilespmem:s16+$0x3D0]  }
0xcf: {  	v48 =	vld [tilespmem:s16+$0x3E0];
	v45 =	vsel vm15, v4, v45;
	vm15 =	vgt.f32 v39, v59;
	v39 =	vmax.f32 v49, v53;
	v44, _, _ =	vpop (xrf0)  }
0xd0: {  	v55 =	vld [tilespmem:s16+$0x3F0];
	v45 =	vsel vm15, v5, v45;
	v57 =	vmax.f32 v39, v50;
	v63, _, _ =	vpop (xrf0)  }
0xd1: {  	vm15 =	vgt.f32 v42, v60;
	v59 =	vmax.f32 v57, v40;
	v58 =	vbroadcast v63, $0xF  }
0xd2: {  	v45 =	vsel vm15, v6, v45;
	vm15 =	vgt.f32 v54, v61;
	v60 =	vmax.f32 v59, v36  }
0xd3: {  	v45 =	vsel vm15, v7, v45;
	v61 =	vmax.f32 v60, v37;
	vm15 =	veq.f32 v62, v58  }
0xd4: {  	v62 =	vmax.f32 v61, v48;
	v41 =	vnsel vm15, $0x80000080, v45  }
0xd5: {  	v63 =	vmax.f32 v62, v55;
	(xrf0) =	vmin.scan.msk.u32 $0xffff, v41  }
0xd6: {  	(xrf0) =	vmax.scan.msk.f32 $0xffff, v63;
	_ =	sdelay $0x1  }
0xd7: {  	(v2sf) =	vpush v25, $0xF;
	vm15 =	vgt.f32 v53, v49  }
0xd8: {  	(v2sf) =	vpush v26, $0xF;
	v49 =	vsel vm15, v1, v8;
	vm15 =	vgt.f32 v50, v39  }
0xd9: {  	(v2sf) =	vpush v27, $0xF;
	v39 =	vsel vm15, v2, v49;
	vm15 =	vgt.f32 v40, v57  }
0xda: {  	(v2sf) =	vpush v28, $0xF;
	v25 =	vsel vm15, v3, v39;
	vm15 =	vgt.f32 v36, v59;
	v26, _, _ =	vpop (xrf0)  }
0xdb: {  	(v2sf) =	vpush v29, $0xF;
	v25 =	vsel vm15, v4, v25;
	vm15 =	vgt.f32 v37, v60;
	v27, _, _ =	vpop (xrf0)  }
0xdc: {  	v25 =	vsel vm15, v5, v25;
	vm15 =	vgt.f32 v48, v61;
	v27 =	vbroadcast v27, $0xF  }
0xdd: {  	(v2sf) =	vpush v30, $0xF;
	v25 =	vsel vm15, v6, v25;
	vm15 =	vgt.f32 v55, v62  }
0xde: {  	(v2sf) =	vpush v31, $0xF;
	v25 =	vsel vm15, v7, v25;
	vm15 =	veq.f32 v63, v27  }
0xdf: {  	(v2sf) =	vpush v32, $0xF;
	v25 =	vnsel vm15, $0x80000080, v25  }
0xe0: {  	(v2sf) =	vpush v33, $0xF;
	(xrf0) =	vmin.scan.msk.u32 $0xffff, v25  }
0xe1: {  	(v2sf) =	vpush v34, $0xF  }
0xe2: {  	(v2sf) =	vpush v35, $0xF  }
0xe3: {  	(v2sf) =	vpush v46, $0xF  }
0xe4: {  	(v2sf) =	vpush v43, $0xF  }
0xe5: {  	(v2sf) =	vpush v44, $0xF  }
0xe6: {  	(v2sf) =	vpush v26, $0xF;
	v25, _, _ =	vpop (xrf0)  }
0xe7: {  	s19 =	spop (v2sf);
	(v2sf) =	vpush v25, $0xF  }
0xe8: {  	s20 =	spop (v2sf)  }
0xe9: {  	s21 =	spop (v2sf)  }
0xea: {  	s22 =	spop (v2sf)  }
0xeb: {  	s23 =	spop (v2sf)  }
0xec: {  	s25 =	spop (v2sf)  }
0xed: {  	s26 =	spop (v2sf)  }
0xee: {  	s28 =	spop (v2sf)  }
0xef: {  	s29 =	spop (v2sf)  }
0xf0: {  	s12 =	spop (v2sf)  }
0xf1: {  	s4 =	spop (v2sf)  }
0xf2: {  	s6 =	spop (v2sf)  }
0xf3: {  	s7 =	spop (v2sf)  }
0xf4: {  	s8 =	spop (v2sf)  }
0xf5: {  	s9 =	spop (v2sf)  }
0xf6: {  	s24 =	spop (v2sf)  }
0xf7: {  	s19 =	sadd.s32 s19, s10;
	s24 =	sadd.s32 s24, s10  }
0xf8: {  	p0 =	sne.s32 s18, $0x1800;
	s19 =	sadd.s32 s18, s19;
	s24 =	sadd.s32 s18, s24  }
0xf9: {  	s19 =	sadd.s32 $0x80000000, s19;
	s20 =	sadd.s32 s20, s10;
	s24 =	sadd.s32 $0x80000780, s24  }
0xfa: {  	s20 =	sadd.s32 s18, s20;
	s21 =	sadd.s32 s21, s10;
	s22 =	sadd.s32 s22, s10;
	v25 =	vmov s24  }
0xfb: {  	s20 =	sadd.s32 $0x80000080, s20;
	s21 =	sadd.s32 s18, s21;
	s22 =	sadd.s32 s18, s22;
	v25 =	vsel vm0, s19, v25  }
0xfc: {  	s26 =	sadd.s32 s26, s10;
	s24 =	sadd.s32 s23, s10;
	s19 =	sadd.s32 $0x80000100, s21;
	v25 =	vsel vm1, s20, v25  }
0xfd: {  	s23 =	sadd.s32 s25, s10;
	s20 =	sadd.s32 $0x80000180, s22;
	s22 =	sadd.s32 s18, s24;
	v25 =	vsel vm2, s19, v25  }
0xfe: {  	s12 =	sadd.s32 s12, s10;
	s25 =	sadd.s32 s18, s23;
	s24 =	sadd.s32 $0x80000200, s22;
	v25 =	vsel vm3, s20, v25  }
0xff: {  	s23 =	sadd.s32 s28, s10;
	s22 =	sadd.s32 s18, s26;
	s20 =	sadd.s32 $0x80000280, s25;
	v25 =	vsel vm4, s24, v25  }
0x100: {  	s26 =	sadd.s32 s29, s10;
	s25 =	sadd.s32 s18, s23;
	s24 =	sadd.s32 $0x80000300, s22;
	v25 =	vsel vm5, s20, v25  }
0x101: {  	s12 =	sadd.s32 s18, s12;
	s29 =	sadd.s32 s18, s26;
	s28 =	sadd.s32 $0x80000380, s25;
	v25 =	vsel vm6, s24, v25  }
0x102: {  	s12 =	sadd.s32 $0x80000480, s12;
	s4 =	sadd.s32 s4, s10;
	s22 =	sadd.s32 $0x80000400, s29;
	v25 =	vsel vm7, s28, v25  }
0x103: {  	s4 =	sadd.s32 s18, s4;
	s6 =	sadd.s32 s6, s10;
	s7 =	sadd.s32 s7, s10;
	v25 =	vsel vm8, s22, v25  }
0x104: {  	s4 =	sadd.s32 $0x80000500, s4;
	s6 =	sadd.s32 s18, s6;
	s7 =	sadd.s32 s18, s7;
	v25 =	vsel vm9, s12, v25  }
0x105: {  	s6 =	sadd.s32 $0x80000580, s6;
	s8 =	sadd.s32 s8, s10;
	s23 =	sadd.s32 $0x80000600, s7;
	v25 =	vsel vm10, s4, v25  }
.Ltmp0:
0x106: {  	s25 =	sadd.s32 s9, s10;
	s24 =	sadd.s32 s18, s8;
	v25 =	vsel vm11, s6, v25;
	(pc) =	sbr.rel @p0 .LBB2_2-.Ltmp0, $4  }
0x107: {  	s26 =	sadd.s32 $0x80000680, s24;
	s28 =	sadd.s32 s18, s25;
	v25 =	vsel vm12, s23, v25  }
0x108: {  	s29 =	sadd.s32 $0x80000700, s28;
	v25 =	vsel vm13, s26, v25  }
0x109: {  	v25 =	vsel vm14, s29, v25  }
0x10a: {  	s16 =	sadd.s32 $0x800, s16;
	s18 =	sadd.s32 $0x800, s18;
	[tilespmem:s15+$0x0] =	vst v25;
	s15 =	sadd.s32 $0x10, s15  }
0x10b: {  	v25 =	vld [tilespmem:$0x4000];
	_ =	sdelay $0x4  }
0x10c: {  	v26 =	vshll.u32 v25, $0x2  }
0x10d: {  	v25 =	vand.u32 $0x7, v25;
	v26 =	vand.u32 $0xFFFFFFE0, v26  }
0x10e: {  	v26 =	vor.u32 v25, v26  }
0x10f: {  	v25 =	vmul.u32 $0x8, v0;
	v27 =	vperm.xlane v26, v11;
	_ =	sdelay $0x1  }
0x110: {  	v28 =	vperm.xlane v26, v12;
	v27 =	vadd.s32 v25, v27;
	_ =	sdelay $0x1  }
0x111: {  	v29 =	vperm.xlane v26, v10;
	v28 =	vadd.s32 v25, v28;
	_ =	sdelay $0x1  }
0x112: {  	vm15 =	vmmov $0xf;
	s15 =	simm.s32 $0x0;
	s4 =	simm.s32 $0x4080;
	v30 =	vperm.xlane v26, v13;
	v29 =	vadd.s32 v25, v29  }
0x113: {  	[tilespmem:s4], [sflag:$0x1] =	stream.indirect_vreg.gather [hbm4b:s1+s15], $0x80, v27, vm15, $0xb8;
	[tilespmem:$0x14080] =	vst v63  }
0x114: {  	s16 =	simm.s32 $0x4280;
	v41 =	vperm.xlane v26, v14;
	v27 =	vadd.s32 v25, v30  }
0x115: {  	[tilespmem:s16], [sflag:$0x1] =	stream.indirect_vreg.gather [hbm4b:s1+s15], $0x80, v28, vm15, $0xb8;
	[tilespmem:$0x14080] =	vst v63  }
0x116: {  	s18 =	simm.s32 $0x4480;
	v43 =	vperm.xlane v26, v15;
	v42 =	vadd.s32 v25, v41  }
0x117: {  	[tilespmem:s18], [sflag:$0x1] =	stream.indirect_vreg.gather [hbm4b:s1+s15], $0x80, v29, vm15, $0xb8;
	[tilespmem:$0x14080] =	vst v63  }
0x118: {  	s19 =	simm.s32 $0x4680;
	v45 =	vperm.xlane v26, v16;
	v44 =	vadd.s32 v25, v43  }
0x119: {  	[tilespmem:s19], [sflag:$0x1] =	stream.indirect_vreg.gather [hbm4b:s1+s15], $0x80, v27, vm15, $0xb8;
	[tilespmem:$0x14080] =	vst v63  }
0x11a: {  	s20 =	simm.s32 $0x4880;
	v46 =	vperm.xlane v26, v9;
	v27 =	vadd.s32 v25, v45  }
0x11b: {  	[tilespmem:s20], [sflag:$0x1] =	stream.indirect_vreg.gather [hbm4b:s1+s15], $0x80, v42, vm15, $0xb8;
	[tilespmem:$0x14080] =	vst v63  }
0x11c: {  	s21 =	simm.s32 $0x4A80;
	v48 =	vperm.xlane v26, v17;
	v47 =	vadd.s32 v25, v46  }
0x11d: {  	[tilespmem:s21], [sflag:$0x1] =	stream.indirect_vreg.gather [hbm4b:s1+s15], $0x80, v44, vm15, $0xb8;
	[tilespmem:$0x14080] =	vst v63  }
0x11e: {  	s22 =	simm.s32 $0x4C80;
	v50 =	vperm.xlane v26, v18;
	v49 =	vadd.s32 v25, v48  }
0x11f: {  	[tilespmem:s22], [sflag:$0x1] =	stream.indirect_vreg.gather [hbm4b:s1+s15], $0x80, v27, vm15, $0xb8;
	[tilespmem:$0x14080] =	vst v63  }
0x120: {  	s23 =	simm.s32 $0x4E80;
	v51 =	vperm.xlane v26, v19;
	v27 =	vadd.s32 v25, v50  }
0x121: {  	[tilespmem:s23], [sflag:$0x1] =	stream.indirect_vreg.gather [hbm4b:s1+s15], $0x80, v47, vm15, $0xb8;
	[tilespmem:$0x14080] =	vst v63  }
0x122: {  	s24 =	simm.s32 $0x5080;
	v53 =	vperm.xlane v26, v20;
	v52 =	vadd.s32 v25, v51  }
0x123: {  	[tilespmem:s24], [sflag:$0x1] =	stream.indirect_vreg.gather [hbm4b:s1+s15], $0x80, v49, vm15, $0xb8;
	[tilespmem:$0x14080] =	vst v63  }
0x124: {  	s25 =	simm.s32 $0x5280;
	v55 =	vperm.xlane v26, v21;
	v54 =	vadd.s32 v25, v53  }
0x125: {  	[tilespmem:s25], [sflag:$0x1] =	stream.indirect_vreg.gather [hbm4b:s1+s15], $0x80, v27, vm15, $0xb8;
	[tilespmem:$0x14080] =	vst v63  }
0x126: {  	s26 =	simm.s32 $0x5480;
	v56 =	vperm.xlane v26, v22;
	v27 =	vadd.s32 v25, v55  }
0x127: {  	[tilespmem:s26], [sflag:$0x1] =	stream.indirect_vreg.gather [hbm4b:s1+s15], $0x80, v52, vm15, $0xb8;
	[tilespmem:$0x14080] =	vst v63  }
0x128: {  	s28 =	simm.s32 $0x5680;
	v58 =	vperm.xlane v26, v23;
	v57 =	vadd.s32 v25, v56  }
0x129: {  	[tilespmem:s28], [sflag:$0x1] =	stream.indirect_vreg.gather [hbm4b:s1+s15], $0x80, v54, vm15, $0xb8;
	[tilespmem:$0x14080] =	vst v63  }
0x12a: {  	s29 =	simm.s32 $0x5880;
	v26 =	vperm.xlane v26, v24;
	v59 =	vadd.s32 v25, v58  }
0x12b: {  	[tilespmem:s29], [sflag:$0x1] =	stream.indirect_vreg.gather [hbm4b:s1+s15], $0x80, v27, vm15, $0xb8;
	[tilespmem:$0x14080] =	vst v63  }
0x12c: {  	s6 =	simm.s32 $0x5A80;
	v26 =	vadd.s32 v25, v26  }
0x12d: {  	[tilespmem:s6], [sflag:$0x1] =	stream.indirect_vreg.gather [hbm4b:s1+s15], $0x80, v57, vm15, $0xb8;
	[tilespmem:$0x14080] =	vst v63  }
0x12e: {  	s7 =	simm.s32 $0x5C80  }
0x12f: {  	[tilespmem:s7], [sflag:$0x1] =	stream.indirect_vreg.gather [hbm4b:s1+s15], $0x80, v59, vm15, $0xb8;
	[tilespmem:$0x14080] =	vst v63  }
0x130: {  	s8 =	simm.s32 $0x5E80  }
0x131: {  	[tilespmem:s8], [sflag:$0x1] =	stream.indirect_vreg.gather [hbm4b:s1+s15], $0x80, v26, vm15, $0xb8;
	[tilespmem:$0x14080] =	vst v63  }
0x132: {  	v26 =	vld [tilespmem:$0x4010];
	_ =	sdelay $0x4  }
0x133: {  	v27 =	vshll.u32 v26, $0x2  }
0x134: {  	v26 =	vand.u32 $0x7, v26;
	v27 =	vand.u32 $0xFFFFFFE0, v27  }
0x135: {  	v26 =	vor.u32 v26, v27  }
0x136: {  	v27 =	vperm.xlane v26, v11;
	_ =	sdelay $0x1  }
0x137: {  	v60 =	vperm.xlane v26, v12;
	v27 =	vadd.s32 v25, v27;
	_ =	sdelay $0x1  }
0x138: {  	v61 =	vperm.xlane v26, v10;
	v28 =	vadd.s32 v25, v60;
	_ =	sdelay $0x1  }
0x139: {  	s9 =	simm.s32 $0x6080;
	v62 =	vperm.xlane v26, v13;
	v29 =	vadd.s32 v25, v61  }
0x13a: {  	[tilespmem:s9], [sflag:$0x1] =	stream.indirect_vreg.gather [hbm4b:s1+s15], $0x80, v27, vm15, $0xb8;
	[tilespmem:$0x14080] =	vst v63  }
0x13b: {  	s12 =	simm.s32 $0x6280;
	v63 =	vperm.xlane v26, v14;
	v27 =	vadd.s32 v25, v62  }
0x13c: {  	[tilespmem:s12], [sflag:$0x1] =	stream.indirect_vreg.gather [hbm4b:s1+s15], $0x80, v28, vm15, $0xb8;
	[tilespmem:$0x14080] =	vst v63  }
0x13d: {  	s16 =	simm.s32 $0x6480;
	v34 =	vperm.xlane v26, v15;
	v33 =	vadd.s32 v25, v63  }
0x13e: {  	[tilespmem:s16], [sflag:$0x1] =	stream.indirect_vreg.gather [hbm4b:s1+s15], $0x80, v29, vm15, $0xb8;
	[tilespmem:$0x14080] =	vst v63  }
0x13f: {  	s18 =	simm.s32 $0x6680;
	v36 =	vperm.xlane v26, v16;
	v35 =	vadd.s32 v25, v34  }
0x140: {  	[tilespmem:s18], [sflag:$0x1] =	stream.indirect_vreg.gather [hbm4b:s1+s15], $0x80, v27, vm15, $0xb8;
	[tilespmem:$0x14080] =	vst v63  }
0x141: {  	s19 =	simm.s32 $0x6880;
	v37 =	vperm.xlane v26, v9;
	v27 =	vadd.s32 v25, v36  }
0x142: {  	[tilespmem:s19], [sflag:$0x1] =	stream.indirect_vreg.gather [hbm4b:s1+s15], $0x80, v33, vm15, $0xb8;
	[tilespmem:$0x14080] =	vst v63  }
0x143: {  	s20 =	simm.s32 $0x6A80;
	v39 =	vperm.xlane v26, v17;
	v38 =	vadd.s32 v25, v37  }
0x144: {  	[tilespmem:s20], [sflag:$0x1] =	stream.indirect_vreg.gather [hbm4b:s1+s15], $0x80, v35, vm15, $0xb8;
	[tilespmem:$0x14080] =	vst v63  }
0x145: {  	s21 =	simm.s32 $0x6C80;
	v41 =	vperm.xlane v26, v18;
	v40 =	vadd.s32 v25, v39  }
0x146: {  	[tilespmem:s21], [sflag:$0x1] =	stream.indirect_vreg.gather [hbm4b:s1+s15], $0x80, v27, vm15, $0xb8;
	[tilespmem:$0x14080] =	vst v63  }
0x147: {  	s22 =	simm.s32 $0x6E80;
	v42 =	vperm.xlane v26, v19;
	v27 =	vadd.s32 v25, v41  }
0x148: {  	[tilespmem:s22], [sflag:$0x1] =	stream.indirect_vreg.gather [hbm4b:s1+s15], $0x80, v38, vm15, $0xb8;
	[tilespmem:$0x14080] =	vst v63  }
0x149: {  	s23 =	simm.s32 $0x7080;
	v44 =	vperm.xlane v26, v20;
	v43 =	vadd.s32 v25, v42  }
0x14a: {  	[tilespmem:s23], [sflag:$0x1] =	stream.indirect_vreg.gather [hbm4b:s1+s15], $0x80, v40, vm15, $0xb8;
	[tilespmem:$0x14080] =	vst v63  }
0x14b: {  	s24 =	simm.s32 $0x7280;
	v46 =	vperm.xlane v26, v21;
	v45 =	vadd.s32 v25, v44  }
0x14c: {  	[tilespmem:s24], [sflag:$0x1] =	stream.indirect_vreg.gather [hbm4b:s1+s15], $0x80, v27, vm15, $0xb8;
	[tilespmem:$0x14080] =	vst v63  }
0x14d: {  	s25 =	simm.s32 $0x7480;
	v47 =	vperm.xlane v26, v22;
	v27 =	vadd.s32 v25, v46  }
0x14e: {  	[tilespmem:s25], [sflag:$0x1] =	stream.indirect_vreg.gather [hbm4b:s1+s15], $0x80, v43, vm15, $0xb8;
	[tilespmem:$0x14080] =	vst v63  }
0x14f: {  	s26 =	simm.s32 $0x7680;
	v49 =	vperm.xlane v26, v23;
	v48 =	vadd.s32 v25, v47  }
0x150: {  	[tilespmem:s26], [sflag:$0x1] =	stream.indirect_vreg.gather [hbm4b:s1+s15], $0x80, v45, vm15, $0xb8;
	[tilespmem:$0x14080] =	vst v63  }
0x151: {  	s28 =	simm.s32 $0x7880;
	v26 =	vperm.xlane v26, v24;
	v50 =	vadd.s32 v25, v49  }
0x152: {  	[tilespmem:s28], [sflag:$0x1] =	stream.indirect_vreg.gather [hbm4b:s1+s15], $0x80, v27, vm15, $0xb8;
	[tilespmem:$0x14080] =	vst v63  }
0x153: {  	s29 =	simm.s32 $0x7A80;
	v26 =	vadd.s32 v25, v26  }
0x154: {  	[tilespmem:s29], [sflag:$0x1] =	stream.indirect_vreg.gather [hbm4b:s1+s15], $0x80, v48, vm15, $0xb8;
	[tilespmem:$0x14080] =	vst v63  }
0x155: {  	s6 =	simm.s32 $0x7C80  }
0x156: {  	[tilespmem:s6], [sflag:$0x1] =	stream.indirect_vreg.gather [hbm4b:s1+s15], $0x80, v50, vm15, $0xb8;
	[tilespmem:$0x14080] =	vst v63  }
0x157: {  	s7 =	simm.s32 $0x7E80  }
0x158: {  	[tilespmem:s7], [sflag:$0x1] =	stream.indirect_vreg.gather [hbm4b:s1+s15], $0x80, v26, vm15, $0xb8;
	[tilespmem:$0x14080] =	vst v63  }
0x159: {  	v26 =	vld [tilespmem:$0x4020];
	_ =	sdelay $0x4  }
0x15a: {  	v27 =	vshll.u32 v26, $0x2  }
0x15b: {  	v26 =	vand.u32 $0x7, v26;
	v27 =	vand.u32 $0xFFFFFFE0, v27  }
0x15c: {  	v26 =	vor.u32 v26, v27  }
0x15d: {  	v27 =	vperm.xlane v26, v11;
	_ =	sdelay $0x1  }
0x15e: {  	v51 =	vperm.xlane v26, v12;
	v27 =	vadd.s32 v25, v27;
	_ =	sdelay $0x1  }
0x15f: {  	v52 =	vperm.xlane v26, v10;
	v28 =	vadd.s32 v25, v51;
	_ =	sdelay $0x1  }
0x160: {  	s8 =	simm.s32 $0x8080;
	v53 =	vperm.xlane v26, v13;
	v29 =	vadd.s32 v25, v52  }
0x161: {  	[tilespmem:s8], [sflag:$0x2] =	stream.indirect_vreg.gather [hbm4b:s1+s15], $0x80, v27, vm15, $0xb8;
	[tilespmem:$0x14080] =	vst v63  }
0x162: {  	s9 =	simm.s32 $0x8280;
	v54 =	vperm.xlane v26, v14;
	v27 =	vadd.s32 v25, v53  }
0x163: {  	[tilespmem:s9], [sflag:$0x2] =	stream.indirect_vreg.gather [hbm4b:s1+s15], $0x80, v28, vm15, $0xb8;
	[tilespmem:$0x14080] =	vst v63  }
0x164: {  	s12 =	simm.s32 $0x8480;
	v56 =	vperm.xlane v26, v15;
	v55 =	vadd.s32 v25, v54  }
0x165: {  	[tilespmem:s12], [sflag:$0x2] =	stream.indirect_vreg.gather [hbm4b:s1+s15], $0x80, v29, vm15, $0xb8;
	[tilespmem:$0x14080] =	vst v63  }
0x166: {  	s16 =	simm.s32 $0x8680;
	v58 =	vperm.xlane v26, v16;
	v57 =	vadd.s32 v25, v56  }
0x167: {  	[tilespmem:s16], [sflag:$0x2] =	stream.indirect_vreg.gather [hbm4b:s1+s15], $0x80, v27, vm15, $0xb8;
	[tilespmem:$0x14080] =	vst v63  }
0x168: {  	s18 =	simm.s32 $0x8880;
	v59 =	vperm.xlane v26, v9;
	v27 =	vadd.s32 v25, v58  }
0x169: {  	[tilespmem:s18], [sflag:$0x2] =	stream.indirect_vreg.gather [hbm4b:s1+s15], $0x80, v55, vm15, $0xb8;
	[tilespmem:$0x14080] =	vst v63  }
0x16a: {  	s19 =	simm.s32 $0x8A80;
	v61 =	vperm.xlane v26, v17;
	v60 =	vadd.s32 v25, v59  }
0x16b: {  	[tilespmem:s19], [sflag:$0x2] =	stream.indirect_vreg.gather [hbm4b:s1+s15], $0x80, v57, vm15, $0xb8;
	[tilespmem:$0x14080] =	vst v63  }
0x16c: {  	s20 =	simm.s32 $0x8C80;
	v63 =	vperm.xlane v26, v18;
	v62 =	vadd.s32 v25, v61  }
0x16d: {  	[tilespmem:s20], [sflag:$0x2] =	stream.indirect_vreg.gather [hbm4b:s1+s15], $0x80, v27, vm15, $0xb8;
	[tilespmem:$0x14080] =	vst v63  }
0x16e: {  	s21 =	simm.s32 $0x8E80;
	v33 =	vperm.xlane v26, v19;
	v27 =	vadd.s32 v25, v63  }
0x16f: {  	[tilespmem:s21], [sflag:$0x2] =	stream.indirect_vreg.gather [hbm4b:s1+s15], $0x80, v60, vm15, $0xb8;
	[tilespmem:$0x14080] =	vst v63  }
0x170: {  	s22 =	simm.s32 $0x9080;
	v35 =	vperm.xlane v26, v20;
	v34 =	vadd.s32 v25, v33  }
0x171: {  	[tilespmem:s22], [sflag:$0x2] =	stream.indirect_vreg.gather [hbm4b:s1+s15], $0x80, v62, vm15, $0xb8;
	[tilespmem:$0x14080] =	vst v63  }
0x172: {  	s23 =	simm.s32 $0x9280;
	v37 =	vperm.xlane v26, v21;
	v36 =	vadd.s32 v25, v35  }
0x173: {  	[tilespmem:s23], [sflag:$0x2] =	stream.indirect_vreg.gather [hbm4b:s1+s15], $0x80, v27, vm15, $0xb8;
	[tilespmem:$0x14080] =	vst v63  }
0x174: {  	s24 =	simm.s32 $0x9480;
	v38 =	vperm.xlane v26, v22;
	v27 =	vadd.s32 v25, v37  }
0x175: {  	[tilespmem:s24], [sflag:$0x2] =	stream.indirect_vreg.gather [hbm4b:s1+s15], $0x80, v34, vm15, $0xb8;
	[tilespmem:$0x14080] =	vst v63  }
0x176: {  	s25 =	simm.s32 $0x9680;
	v40 =	vperm.xlane v26, v23;
	v39 =	vadd.s32 v25, v38  }
0x177: {  	[tilespmem:s25], [sflag:$0x2] =	stream.indirect_vreg.gather [hbm4b:s1+s15], $0x80, v36, vm15, $0xb8;
	[tilespmem:$0x14080] =	vst v63  }
0x178: {  	s26 =	simm.s32 $0x9880;
	v26 =	vperm.xlane v26, v24;
	v41 =	vadd.s32 v25, v40  }
0x179: {  	[tilespmem:s26], [sflag:$0x2] =	stream.indirect_vreg.gather [hbm4b:s1+s15], $0x80, v27, vm15, $0xb8;
	[tilespmem:$0x14080] =	vst v63  }
0x17a: {  	s28 =	simm.s32 $0x9A80;
	v26 =	vadd.s32 v25, v26  }
0x17b: {  	[tilespmem:s28], [sflag:$0x2] =	stream.indirect_vreg.gather [hbm4b:s1+s15], $0x80, v39, vm15, $0xb8;
	[tilespmem:$0x14080] =	vst v63  }
0x17c: {  	s29 =	simm.s32 $0x9C80  }
0x17d: {  	[tilespmem:s29], [sflag:$0x2] =	stream.indirect_vreg.gather [hbm4b:s1+s15], $0x80, v41, vm15, $0xb8;
	[tilespmem:$0x14080] =	vst v63  }
0x17e: {  	s6 =	simm.s32 $0x9E80  }
0x17f: {  	[tilespmem:s6], [sflag:$0x2] =	stream.indirect_vreg.gather [hbm4b:s1+s15], $0x80, v26, vm15, $0xb8;
	[tilespmem:$0x14080] =	vst v63  }
0x180: {  	v26 =	vld [tilespmem:$0x4030];
	_ =	sdelay $0x4  }
0x181: {  	v27 =	vshll.u32 v26, $0x2  }
0x182: {  	v26 =	vand.u32 $0x7, v26;
	v27 =	vand.u32 $0xFFFFFFE0, v27  }
0x183: {  	v26 =	vor.u32 v26, v27  }
0x184: {  	v27 =	vperm.xlane v26, v11;
	_ =	sdelay $0x1  }
0x185: {  	v42 =	vperm.xlane v26, v12;
	v27 =	vadd.s32 v25, v27;
	_ =	sdelay $0x1  }
0x186: {  	v43 =	vperm.xlane v26, v10;
	v28 =	vadd.s32 v25, v42;
	_ =	sdelay $0x1  }
0x187: {  	s7 =	simm.s32 $0xA080;
	v44 =	vperm.xlane v26, v13;
	v29 =	vadd.s32 v25, v43  }
0x188: {  	[tilespmem:s7], [sflag:$0x2] =	stream.indirect_vreg.gather [hbm4b:s1+s15], $0x80, v27, vm15, $0xb8;
	[tilespmem:$0x14080] =	vst v63  }
0x189: {  	s8 =	simm.s32 $0xA280;
	v45 =	vperm.xlane v26, v14;
	v27 =	vadd.s32 v25, v44  }
0x18a: {  	[tilespmem:s8], [sflag:$0x2] =	stream.indirect_vreg.gather [hbm4b:s1+s15], $0x80, v28, vm15, $0xb8;
	[tilespmem:$0x14080] =	vst v63  }
0x18b: {  	s9 =	simm.s32 $0xA480;
	v47 =	vperm.xlane v26, v15;
	v46 =	vadd.s32 v25, v45  }
0x18c: {  	[tilespmem:s9], [sflag:$0x2] =	stream.indirect_vreg.gather [hbm4b:s1+s15], $0x80, v29, vm15, $0xb8;
	[tilespmem:$0x14080] =	vst v63  }
0x18d: {  	s12 =	simm.s32 $0xA680;
	v49 =	vperm.xlane v26, v16;
	v48 =	vadd.s32 v25, v47  }
0x18e: {  	[tilespmem:s12], [sflag:$0x2] =	stream.indirect_vreg.gather [hbm4b:s1+s15], $0x80, v27, vm15, $0xb8;
	[tilespmem:$0x14080] =	vst v63  }
0x18f: {  	s16 =	simm.s32 $0xA880;
	v50 =	vperm.xlane v26, v9;
	v27 =	vadd.s32 v25, v49  }
0x190: {  	[tilespmem:s16], [sflag:$0x2] =	stream.indirect_vreg.gather [hbm4b:s1+s15], $0x80, v46, vm15, $0xb8;
	[tilespmem:$0x14080] =	vst v63  }
0x191: {  	s18 =	simm.s32 $0xAA80;
	v52 =	vperm.xlane v26, v17;
	v51 =	vadd.s32 v25, v50  }
0x192: {  	[tilespmem:s18], [sflag:$0x2] =	stream.indirect_vreg.gather [hbm4b:s1+s15], $0x80, v48, vm15, $0xb8;
	[tilespmem:$0x14080] =	vst v63  }
0x193: {  	s19 =	simm.s32 $0xAC80;
	v54 =	vperm.xlane v26, v18;
	v53 =	vadd.s32 v25, v52  }
0x194: {  	[tilespmem:s19], [sflag:$0x2] =	stream.indirect_vreg.gather [hbm4b:s1+s15], $0x80, v27, vm15, $0xb8;
	[tilespmem:$0x14080] =	vst v63  }
0x195: {  	s20 =	simm.s32 $0xAE80;
	v55 =	vperm.xlane v26, v19;
	v27 =	vadd.s32 v25, v54  }
0x196: {  	[tilespmem:s20], [sflag:$0x2] =	stream.indirect_vreg.gather [hbm4b:s1+s15], $0x80, v51, vm15, $0xb8;
	[tilespmem:$0x14080] =	vst v63  }
0x197: {  	s21 =	simm.s32 $0xB080;
	v57 =	vperm.xlane v26, v20;
	v56 =	vadd.s32 v25, v55  }
0x198: {  	[tilespmem:s21], [sflag:$0x2] =	stream.indirect_vreg.gather [hbm4b:s1+s15], $0x80, v53, vm15, $0xb8;
	[tilespmem:$0x14080] =	vst v63  }
0x199: {  	s22 =	simm.s32 $0xB280;
	v59 =	vperm.xlane v26, v21;
	v58 =	vadd.s32 v25, v57  }
0x19a: {  	[tilespmem:s22], [sflag:$0x2] =	stream.indirect_vreg.gather [hbm4b:s1+s15], $0x80, v27, vm15, $0xb8;
	[tilespmem:$0x14080] =	vst v63  }
0x19b: {  	s23 =	simm.s32 $0xB480;
	v60 =	vperm.xlane v26, v22;
	v27 =	vadd.s32 v25, v59  }
0x19c: {  	[tilespmem:s23], [sflag:$0x2] =	stream.indirect_vreg.gather [hbm4b:s1+s15], $0x80, v56, vm15, $0xb8;
	[tilespmem:$0x14080] =	vst v63  }
0x19d: {  	s24 =	simm.s32 $0xB680;
	v62 =	vperm.xlane v26, v23;
	v61 =	vadd.s32 v25, v60  }
0x19e: {  	[tilespmem:s24], [sflag:$0x2] =	stream.indirect_vreg.gather [hbm4b:s1+s15], $0x80, v58, vm15, $0xb8;
	[tilespmem:$0x14080] =	vst v63  }
0x19f: {  	s25 =	simm.s32 $0xB880;
	v26 =	vperm.xlane v26, v24;
	v63 =	vadd.s32 v25, v62  }
0x1a0: {  	[tilespmem:s25], [sflag:$0x2] =	stream.indirect_vreg.gather [hbm4b:s1+s15], $0x80, v27, vm15, $0xb8;
	[tilespmem:$0x14080] =	vst v63  }
0x1a1: {  	s26 =	simm.s32 $0xBA80;
	v26 =	vadd.s32 v25, v26  }
0x1a2: {  	[tilespmem:s26], [sflag:$0x2] =	stream.indirect_vreg.gather [hbm4b:s1+s15], $0x80, v61, vm15, $0xb8;
	[tilespmem:$0x14080] =	vst v63  }
0x1a3: {  	s28 =	simm.s32 $0xBC80  }
0x1a4: {  	[tilespmem:s28], [sflag:$0x2] =	stream.indirect_vreg.gather [hbm4b:s1+s15], $0x80, v63, vm15, $0xb8;
	[tilespmem:$0x14080] =	vst v63  }
0x1a5: {  	s29 =	simm.s32 $0xBE80;
	s16 =	simm.s32 $0x4040;
	s18 =	simm.s32 $0x27F0  }
0x1a6: {  	[tilespmem:s29], [sflag:$0x2] =	stream.indirect_vreg.gather [hbm4b:s1+s15], $0x80, v26, vm15, $0xb8;
	[tilespmem:$0x14080] =	vst v63  }
.LBB2_4:
0x1a7: {  	v26 =	vld [tilespmem:s18+$0xFFFFF810]  }
0x1a8: {  	v27 =	vld [tilespmem:s18+$0xFFFFF820]  }
0x1a9: {  	v28 =	vld [tilespmem:s18+$0xFFFFF830]  }
0x1aa: {  	v29 =	vld [tilespmem:s18+$0xFFFFF840]  }
0x1ab: {  	v30 =	vld [tilespmem:s18+$0xFFFFF850]  }
0x1ac: {  	v31 =	vld [tilespmem:s18+$0xFFFFF860]  }
0x1ad: {  	v33 =	vld [tilespmem:s18+$0xFFFFF870];
	v32 =	vmax.f32 v26, v27  }
0x1ae: {  	v35 =	vld [tilespmem:s18+$0xFFFFF880];
	v34 =	vmax.f32 v32, v28  }
0x1af: {  	vm14 =	vmmov vm13;
	v36 =	vmax.f32 v34, v29  }
0x1b0: {  	vm13 =	vmmov vm12;
	vm12 =	vmmov vm11;
	v37 =	vmax.f32 v36, v30  }
0x1b1: {  	vm11 =	vmmov vm10;
	vm10 =	vmmov vm9;
	v38 =	vmax.f32 v37, v31  }
0x1b2: {  	vm9 =	vmmov vm8;
	vm8 =	vmmov vm7;
	v39 =	vmax.f32 v38, v33  }
0x1b3: {  	v41 =	vld [tilespmem:s18+$0xFFFFF890];
	vm7 =	vmmov vm6;
	vm6 =	vmmov vm5;
	v40 =	vmax.f32 v39, v35  }
0x1b4: {  	v42 =	vld [tilespmem:s18+$0xFFFFF8A0];
	vm5 =	vmmov vm4;
	vm4 =	vmmov vm3;
	vm3 =	vmmov vm2;
	(xrf0) =	vmax.scan.msk.f32 $0xffff, v40  }
0x1b5: {  	vm2 =	vmmov vm1;
	vm1 =	vmmov vm0;
	vm0 =	vgt.f32 v27, v26;
	v26 =	vld [tilespmem:s18+$0xFFFFF8B0]  }
0x1b6: {  	v56 =	vld [tilespmem:s18+$0xFFFFF8C0];
	v27 =	vsel vm0, v1, v8;
	vm0 =	vgt.f32 v28, v32  }
0x1b7: {  	v57 =	vld [tilespmem:s18+$0xFFFFF8D0];
	v27 =	vsel vm0, v2, v27;
	vm0 =	vgt.f32 v29, v34  }
0x1b8: {  	v58 =	vld [tilespmem:s18+$0xFFFFF8E0];
	v27 =	vsel vm0, v3, v27;
	vm0 =	vgt.f32 v30, v36  }
0x1b9: {  	v60 =	vld [tilespmem:s18+$0xFFFFF8F0];
	v59 =	vmax.f32 v41, v42;
	v27 =	vsel vm0, v4, v27;
	vm0 =	vgt.f32 v31, v37  }
0x1ba: {  	v63 =	vld [tilespmem:s18+$0xFFFFF900];
	v27 =	vsel vm0, v5, v27;
	v62 =	vmax.f32 v59, v26;
	v61, _, _ =	vpop (xrf0)  }
0x1bb: {  	vm0 =	vgt.f32 v33, v38;
	v45 =	vmax.f32 v62, v56;
	v44 =	vbroadcast v61, $0xF  }
0x1bc: {  	v27 =	vsel vm0, v6, v27;
	vm0 =	vgt.f32 v35, v39;
	v46 =	vmax.f32 v45, v57  }
0x1bd: {  	v27 =	vsel vm0, v7, v27;
	v47 =	vmax.f32 v46, v58;
	vm0 =	veq.f32 v40, v44  }
0x1be: {  	v49 =	vld [tilespmem:s18+$0xFFFFF910];
	v48 =	vmax.f32 v47, v60;
	v27 =	vnsel vm0, $0x80000080, v27  }
0x1bf: {  	v50 =	vld [tilespmem:s18+$0xFFFFF920];
	(xrf0) =	vmin.scan.msk.u32 $0xffff, v27;
	v27 =	vmax.f32 v48, v63  }
0x1c0: {  	v51 =	vld [tilespmem:s18+$0xFFFFF930];
	vm0 =	vgt.f32 v42, v41;
	(xrf0) =	vmax.scan.msk.f32 $0xffff, v27  }
0x1c1: {  	v52 =	vld [tilespmem:s18+$0xFFFFF940];
	v42 =	vsel vm0, v1, v8;
	vm0 =	vgt.f32 v26, v59  }
0x1c2: {  	v26 =	vsel vm0, v2, v42  }
0x1c3: {  	v53 =	vld [tilespmem:s18+$0xFFFFF950]  }
0x1c4: {  	v54 =	vld [tilespmem:s18+$0xFFFFF960];
	v55 =	vmax.f32 v49, v50;
	vm0 =	vgt.f32 v56, v62  }
0x1c5: {  	v35 =	vld [tilespmem:s18+$0xFFFFF970];
	v36 =	vsel vm0, v3, v26;
	vm0 =	vgt.f32 v57, v45;
	v57 =	vmax.f32 v55, v51;
	v26, _, _ =	vpop (xrf0)  }
0x1c6: {  	v43 =	vld [tilespmem:s18+$0xFFFFF980];
	v34 =	vsel vm0, v4, v36;
	vm0 =	vgt.f32 v58, v46;
	v59 =	vmax.f32 v57, v52;
	v56, _, _ =	vpop (xrf0)  }
0x1c7: {  	v34 =	vsel vm0, v5, v34;
	vm0 =	vgt.f32 v60, v47;
	v58 =	vbroadcast v56, $0xF  }
0x1c8: {  	v60 =	vmax.f32 v59, v53;
	v34 =	vsel vm0, v6, v34;
	vm0 =	vgt.f32 v63, v48  }
0x1c9: {  	v61 =	vmax.f32 v60, v54;
	v34 =	vsel vm0, v7, v34;
	vm0 =	veq.f32 v27, v58  }
0x1ca: {  	v62 =	vmax.f32 v61, v35;
	v27 =	vnsel vm0, $0x80000080, v34  }
0x1cb: {  	v44 =	vld [tilespmem:s18+$0xFFFFF9A0];
	v63 =	vmax.f32 v62, v43;
	(xrf0) =	vmin.scan.msk.u32 $0xffff, v27  }
0x1cc: {  	v48 =	vld [tilespmem:s18+$0xFFFFF990];
	vm0 =	vgt.f32 v50, v49;
	(xrf0) =	vmax.scan.msk.f32 $0xffff, v63  }
0x1cd: {  	v49 =	vld [tilespmem:s18+$0xFFFFF9B0];
	v27 =	vsel vm0, v1, v8;
	vm0 =	vgt.f32 v51, v55  }
0x1ce: {  	v50 =	vld [tilespmem:s18+$0xFFFFF9C0];
	v27 =	vsel vm0, v2, v27  }
0x1cf: {  	v51 =	vld [tilespmem:s18+$0xFFFFF9D0];
	vm0 =	vgt.f32 v52, v57  }
0x1d0: {  	v52 =	vsel vm0, v3, v27;
	vm0 =	vgt.f32 v53, v59;
	v53 =	vld [tilespmem:s18+$0xFFFFF9E0]  }
0x1d1: {  	v36 =	vld [tilespmem:s18+$0xFFFFF9F0];
	v28 =	vsel vm0, v4, v52;
	vm0 =	vgt.f32 v54, v60;
	v54 =	vmax.f32 v48, v44;
	v27, _, _ =	vpop (xrf0)  }
0x1d2: {  	v42 =	vld [tilespmem:s18+$0xFFFFFA00];
	v28 =	vsel vm0, v5, v28;
	v56 =	vmax.f32 v54, v49;
	v55, _, _ =	vpop (xrf0)  }
0x1d3: {  	vm0 =	vgt.f32 v35, v61;
	v58 =	vmax.f32 v56, v50;
	v57 =	vbroadcast v55, $0xF  }
0x1d4: {  	v28 =	vsel vm0, v6, v28;
	vm0 =	vgt.f32 v43, v62;
	v59 =	vmax.f32 v58, v51  }
0x1d5: {  	v28 =	vsel vm0, v7, v28;
	v60 =	vmax.f32 v59, v53;
	vm0 =	veq.f32 v63, v57  }
0x1d6: {  	v61 =	vmax.f32 v60, v36;
	v28 =	vnsel vm0, $0x80000080, v28  }
0x1d7: {  	v45 =	vld [tilespmem:s18+$0xFFFFFA20];
	v62 =	vmax.f32 v61, v42;
	(xrf0) =	vmin.scan.msk.u32 $0xffff, v28  }
0x1d8: {  	v63 =	vld [tilespmem:s18+$0xFFFFFA10];
	vm0 =	vgt.f32 v44, v48;
	(xrf0) =	vmax.scan.msk.f32 $0xffff, v62  }
0x1d9: {  	v38 =	vld [tilespmem:s18+$0xFFFFFA30];
	v48 =	vsel vm0, v1, v8;
	vm0 =	vgt.f32 v49, v54  }
0x1da: {  	v49 =	vld [tilespmem:s18+$0xFFFFFA40];
	v28 =	vsel vm0, v2, v48  }
0x1db: {  	v30 =	vld [tilespmem:s18+$0xFFFFFA50];
	vm0 =	vgt.f32 v50, v56  }
0x1dc: {  	v50 =	vsel vm0, v3, v28;
	vm0 =	vgt.f32 v51, v58;
	v51 =	vld [tilespmem:s18+$0xFFFFFA60]  }
0x1dd: {  	v34 =	vld [tilespmem:s18+$0xFFFFFA70];
	v35 =	vsel vm0, v4, v50;
	vm0 =	vgt.f32 v53, v59;
	v52 =	vmax.f32 v63, v45;
	v28, _, _ =	vpop (xrf0)  }
0x1de: {  	v44 =	vld [tilespmem:s18+$0xFFFFFA80];
	v35 =	vsel vm0, v5, v35;
	v54 =	vmax.f32 v52, v38;
	v53, _, _ =	vpop (xrf0)  }
0x1df: {  	vm0 =	vgt.f32 v36, v60;
	v56 =	vmax.f32 v54, v49;
	v55 =	vbroadcast v53, $0xF  }
0x1e0: {  	v35 =	vsel vm0, v6, v35;
	vm0 =	vgt.f32 v42, v61;
	v57 =	vmax.f32 v56, v30  }
0x1e1: {  	v35 =	vsel vm0, v7, v35;
	v58 =	vmax.f32 v57, v51;
	vm0 =	veq.f32 v62, v55  }
0x1e2: {  	v59 =	vmax.f32 v58, v34;
	v35 =	vnsel vm0, $0x80000080, v35  }
0x1e3: {  	v61 =	vld [tilespmem:s18+$0xFFFFFA90];
	v60 =	vmax.f32 v59, v44;
	(xrf0) =	vmin.scan.msk.u32 $0xffff, v35  }
0x1e4: {  	v62 =	vld [tilespmem:s18+$0xFFFFFAA0];
	(xrf0) =	vmax.scan.msk.f32 $0xffff, v60  }
0x1e5: {  	vm0 =	vgt.f32 v45, v63;
	v63 =	vld [tilespmem:s18+$0xFFFFFAB0]  }
0x1e6: {  	v48 =	vld [tilespmem:s18+$0xFFFFFAC0];
	v45 =	vsel vm0, v1, v8;
	vm0 =	vgt.f32 v38, v52  }
0x1e7: {  	v38 =	vsel vm0, v2, v45;
	vm0 =	vgt.f32 v49, v54;
	v49 =	vld [tilespmem:s18+$0xFFFFFAD0]  }
0x1e8: {  	v50 =	vld [tilespmem:s18+$0xFFFFFAE0];
	v38 =	vsel vm0, v3, v38;
	vm0 =	vgt.f32 v30, v56  }
0x1e9: {  	v37 =	vld [tilespmem:s18+$0xFFFFFAF0];
	v30 =	vsel vm0, v4, v38;
	vm0 =	vgt.f32 v51, v57;
	v51 =	vmax.f32 v61, v62;
	v29, _, _ =	vpop (xrf0)  }
0x1ea: {  	v46 =	vld [tilespmem:s18+$0xFFFFFB00];
	v30 =	vsel vm0, v5, v30;
	v53 =	vmax.f32 v51, v63;
	v52, _, _ =	vpop (xrf0)  }
0x1eb: {  	vm0 =	vgt.f32 v34, v58;
	v55 =	vmax.f32 v53, v48;
	v54 =	vbroadcast v52, $0xF  }
0x1ec: {  	v30 =	vsel vm0, v6, v30;
	vm0 =	vgt.f32 v44, v59;
	v56 =	vmax.f32 v55, v49  }
0x1ed: {  	v30 =	vsel vm0, v7, v30;
	v57 =	vmax.f32 v56, v50;
	vm0 =	veq.f32 v60, v54  }
0x1ee: {  	v58 =	vmax.f32 v57, v37;
	v30 =	vnsel vm0, $0x80000080, v30  }
0x1ef: {  	v47 =	vld [tilespmem:s18+$0xFFFFFB20];
	v59 =	vmax.f32 v58, v46;
	(xrf0) =	vmin.scan.msk.u32 $0xffff, v30  }
0x1f0: {  	v60 =	vld [tilespmem:s18+$0xFFFFFB10];
	vm0 =	vgt.f32 v62, v61;
	(xrf0) =	vmax.scan.msk.f32 $0xffff, v59  }
0x1f1: {  	v40 =	vld [tilespmem:s18+$0xFFFFFB30];
	v61 =	vsel vm0, v1, v8;
	vm0 =	vgt.f32 v63, v51  }
0x1f2: {  	v62 =	vld [tilespmem:s18+$0xFFFFFB40];
	v30 =	vsel vm0, v2, v61  }
0x1f3: {  	v63 =	vld [tilespmem:s18+$0xFFFFFB50];
	vm0 =	vgt.f32 v48, v53  }
0x1f4: {  	v48 =	vsel vm0, v3, v30;
	vm0 =	vgt.f32 v49, v55;
	v49 =	vld [tilespmem:s18+$0xFFFFFB60]  }
0x1f5: {  	v38 =	vld [tilespmem:s18+$0xFFFFFB70];
	v41 =	vsel vm0, v4, v48;
	vm0 =	vgt.f32 v50, v56;
	v50 =	vmax.f32 v60, v47;
	v30, _, _ =	vpop (xrf0)  }
0x1f6: {  	v45 =	vld [tilespmem:s18+$0xFFFFFB80];
	v41 =	vsel vm0, v5, v41;
	v52 =	vmax.f32 v50, v40;
	v51, _, _ =	vpop (xrf0)  }
0x1f7: {  	vm0 =	vgt.f32 v37, v57;
	v54 =	vmax.f32 v52, v62;
	v53 =	vbroadcast v51, $0xF  }
0x1f8: {  	v41 =	vsel vm0, v6, v41;
	vm0 =	vgt.f32 v46, v58;
	v55 =	vmax.f32 v54, v63  }
0x1f9: {  	v41 =	vsel vm0, v7, v41;
	v56 =	vmax.f32 v55, v49;
	vm0 =	veq.f32 v59, v53  }
0x1fa: {  	v57 =	vmax.f32 v56, v38;
	v39 =	vnsel vm0, $0x80000080, v41  }
0x1fb: {  	v42 =	vld [tilespmem:s18+$0xFFFFFB90];
	v58 =	vmax.f32 v57, v45;
	(xrf0) =	vmin.scan.msk.u32 $0xffff, v39  }
0x1fc: {  	v59 =	vld [tilespmem:s18+$0xFFFFFBA0];
	(xrf0) =	vmax.scan.msk.f32 $0xffff, v58  }
0x1fd: {  	vm0 =	vgt.f32 v47, v60;
	v60 =	vld [tilespmem:s18+$0xFFFFFBB0]  }
0x1fe: {  	v61 =	vld [tilespmem:s18+$0xFFFFFBC0];
	v47 =	vsel vm0, v1, v8;
	vm0 =	vgt.f32 v40, v50  }
0x1ff: {  	v43 =	vld [tilespmem:s18+$0xFFFFFBD0];
	v40 =	vsel vm0, v2, v47;
	vm0 =	vgt.f32 v62, v52  }
0x200: {  	v33 =	vld [tilespmem:s18+$0xFFFFFBE0];
	v40 =	vsel vm0, v3, v40;
	vm0 =	vgt.f32 v63, v54  }
0x201: {  	v35 =	vld [tilespmem:s18+$0xFFFFFBF0];
	v37 =	vsel vm0, v4, v40;
	vm0 =	vgt.f32 v49, v55;
	v62 =	vmax.f32 v42, v59;
	v31, _, _ =	vpop (xrf0)  }
0x202: {  	v48 =	vld [tilespmem:s18+$0xFFFFFC00];
	v37 =	vsel vm0, v5, v37;
	v52 =	vmax.f32 v62, v60;
	v63, _, _ =	vpop (xrf0)  }
0x203: {  	vm0 =	vgt.f32 v38, v56;
	v54 =	vmax.f32 v52, v61;
	v53 =	vbroadcast v63, $0xF  }
0x204: {  	v37 =	vsel vm0, v6, v37;
	vm0 =	vgt.f32 v45, v57;
	v55 =	vmax.f32 v54, v43  }
0x205: {  	v37 =	vsel vm0, v7, v37;
	v56 =	vmax.f32 v55, v33;
	vm0 =	veq.f32 v58, v53  }
0x206: {  	v57 =	vmax.f32 v56, v35;
	v32 =	vnsel vm0, $0x80000080, v37  }
0x207: {  	v49 =	vld [tilespmem:s18+$0xFFFFFC20];
	v58 =	vmax.f32 v57, v48;
	(xrf0) =	vmin.scan.msk.u32 $0xffff, v32  }
0x208: {  	v45 =	vld [tilespmem:s18+$0xFFFFFC10];
	vm0 =	vgt.f32 v59, v42;
	(xrf0) =	vmax.scan.msk.f32 $0xffff, v58  }
0x209: {  	v42 =	vld [tilespmem:s18+$0xFFFFFC30];
	v59 =	vsel vm0, v1, v8;
	vm0 =	vgt.f32 v60, v62  }
0x20a: {  	v60 =	vld [tilespmem:s18+$0xFFFFFC40];
	v32 =	vsel vm0, v2, v59  }
0x20b: {  	v36 =	vld [tilespmem:s18+$0xFFFFFC50];
	vm0 =	vgt.f32 v61, v52  }
0x20c: {  	v62 =	vld [tilespmem:s18+$0xFFFFFC60];
	v61 =	vsel vm0, v3, v32;
	vm0 =	vgt.f32 v43, v54  }
0x20d: {  	v40 =	vld [tilespmem:s18+$0xFFFFFC70];
	v63 =	vmax.f32 v45, v49;
	v43 =	vsel vm0, v4, v61;
	vm0 =	vgt.f32 v33, v55;
	v32, _, _ =	vpop (xrf0)  }
0x20e: {  	v47 =	vld [tilespmem:s18+$0xFFFFFC80];
	v43 =	vsel vm0, v5, v43;
	v53 =	vmax.f32 v63, v42;
	v52, _, _ =	vpop (xrf0)  }
0x20f: {  	vm0 =	vgt.f32 v35, v56;
	v55 =	vmax.f32 v53, v60;
	v54 =	vbroadcast v52, $0xF  }
0x210: {  	v43 =	vsel vm0, v6, v43;
	vm0 =	vgt.f32 v48, v57;
	v56 =	vmax.f32 v55, v36  }
0x211: {  	v43 =	vsel vm0, v7, v43;
	v57 =	vmax.f32 v56, v62;
	vm0 =	veq.f32 v58, v54  }
0x212: {  	v58 =	vmax.f32 v57, v40;
	v41 =	vnsel vm0, $0x80000080, v43  }
0x213: {  	v44 =	vld [tilespmem:s18+$0xFFFFFC90];
	v59 =	vmax.f32 v58, v47;
	(xrf0) =	vmin.scan.msk.u32 $0xffff, v41  }
0x214: {  	v48 =	vld [tilespmem:s18+$0xFFFFFCA0];
	vm0 =	vgt.f32 v49, v45;
	(xrf0) =	vmax.scan.msk.f32 $0xffff, v59  }
0x215: {  	v45 =	vld [tilespmem:s18+$0xFFFFFCB0];
	v49 =	vsel vm0, v1, v8;
	vm0 =	vgt.f32 v42, v63  }
0x216: {  	v42 =	vld [tilespmem:s18+$0xFFFFFCC0];
	v33 =	vsel vm0, v2, v49  }
0x217: {  	vm0 =	vgt.f32 v60, v53;
	v60 =	vld [tilespmem:s18+$0xFFFFFCD0]  }
0x218: {  	v61 =	vld [tilespmem:s18+$0xFFFFFCE0];
	v46 =	vsel vm0, v3, v33;
	vm0 =	vgt.f32 v36, v55  }
0x219: {  	v63 =	vld [tilespmem:s18+$0xFFFFFCF0];
	v39 =	vsel vm0, v4, v46;
	vm0 =	vgt.f32 v62, v56;
	v62 =	vmax.f32 v44, v48;
	v33, _, _ =	vpop (xrf0)  }
0x21a: {  	v50 =	vld [tilespmem:s18+$0xFFFFFD00];
	v39 =	vsel vm0, v5, v39;
	v53 =	vmax.f32 v62, v45;
	v52, _, _ =	vpop (xrf0)  }
0x21b: {  	vm0 =	vgt.f32 v40, v57;
	v55 =	vmax.f32 v53, v42;
	v54 =	vbroadcast v52, $0xF  }
0x21c: {  	v39 =	vsel vm0, v6, v39;
	vm0 =	vgt.f32 v47, v58;
	v56 =	vmax.f32 v55, v60  }
0x21d: {  	v39 =	vsel vm0, v7, v39;
	v57 =	vmax.f32 v56, v61;
	vm0 =	veq.f32 v59, v54  }
0x21e: {  	v58 =	vmax.f32 v57, v63;
	v39 =	vnsel vm0, $0x80000080, v39  }
0x21f: {  	v46 =	vld [tilespmem:s18+$0xFFFFFD10];
	v59 =	vmax.f32 v58, v50;
	(xrf0) =	vmin.scan.msk.u32 $0xffff, v39  }
0x220: {  	v47 =	vld [tilespmem:s18+$0xFFFFFD20];
	(xrf0) =	vmax.scan.msk.f32 $0xffff, v59  }
0x221: {  	vm0 =	vgt.f32 v48, v44;
	v44 =	vld [tilespmem:s18+$0xFFFFFD30]  }
0x222: {  	v37 =	vld [tilespmem:s18+$0xFFFFFD40];
	v48 =	vsel vm0, v1, v8;
	vm0 =	vgt.f32 v45, v62  }
0x223: {  	v45 =	vsel vm0, v2, v48;
	vm0 =	vgt.f32 v42, v53;
	v42 =	vld [tilespmem:s18+$0xFFFFFD50]  }
0x224: {  	v40 =	vld [tilespmem:s18+$0xFFFFFD60];
	v45 =	vsel vm0, v3, v45;
	vm0 =	vgt.f32 v60, v55  }
0x225: {  	v43 =	vld [tilespmem:s18+$0xFFFFFD70];
	v36 =	vmax.f32 v46, v47;
	v45 =	vsel vm0, v4, v45;
	vm0 =	vgt.f32 v61, v56;
	v34, _, _ =	vpop (xrf0)  }
0x226: {  	v51 =	vld [tilespmem:s18+$0xFFFFFD80];
	v45 =	vsel vm0, v5, v45;
	v61 =	vmax.f32 v36, v44;
	v60, _, _ =	vpop (xrf0)  }
0x227: {  	vm0 =	vgt.f32 v63, v57;
	v63 =	vmax.f32 v61, v37;
	v62 =	vbroadcast v60, $0xF  }
0x228: {  	v45 =	vsel vm0, v6, v45;
	vm0 =	vgt.f32 v50, v58;
	v56 =	vmax.f32 v63, v42  }
0x229: {  	v45 =	vsel vm0, v7, v45;
	v57 =	vmax.f32 v56, v40;
	vm0 =	veq.f32 v59, v62  }
0x22a: {  	v58 =	vmax.f32 v57, v43;
	v35 =	vnsel vm0, $0x80000080, v45  }
0x22b: {  	v52 =	vld [tilespmem:s18+$0xFFFFFDA0];
	v59 =	vmax.f32 v58, v51;
	(xrf0) =	vmin.scan.msk.u32 $0xffff, v35  }
0x22c: {  	v50 =	vld [tilespmem:s18+$0xFFFFFD90];
	vm0 =	vgt.f32 v47, v46;
	(xrf0) =	vmax.scan.msk.f32 $0xffff, v59  }
0x22d: {  	v46 =	vld [tilespmem:s18+$0xFFFFFDB0];
	v60 =	vsel vm0, v1, v8;
	vm0 =	vgt.f32 v44, v36  }
0x22e: {  	v36 =	vld [tilespmem:s18+$0xFFFFFDC0];
	v35 =	vsel vm0, v2, v60  }
0x22f: {  	vm0 =	vgt.f32 v37, v61;
	v37 =	vld [tilespmem:s18+$0xFFFFFDD0]  }
0x230: {  	v38 =	vld [tilespmem:s18+$0xFFFFFDE0];
	v61 =	vsel vm0, v3, v35;
	vm0 =	vgt.f32 v42, v63  }
0x231: {  	v41 =	vld [tilespmem:s18+$0xFFFFFDF0];
	v42 =	vsel vm0, v4, v61;
	vm0 =	vgt.f32 v40, v56;
	v40 =	vmax.f32 v50, v52;
	v35, _, _ =	vpop (xrf0)  }
0x232: {  	v49 =	vld [tilespmem:s18+$0xFFFFFE00];
	v42 =	vsel vm0, v5, v42;
	v63 =	vmax.f32 v40, v46;
	v62, _, _ =	vpop (xrf0)  }
0x233: {  	vm0 =	vgt.f32 v43, v57;
	v57 =	vmax.f32 v63, v36;
	v56 =	vbroadcast v62, $0xF  }
0x234: {  	v42 =	vsel vm0, v6, v42;
	vm0 =	vgt.f32 v51, v58;
	v58 =	vmax.f32 v57, v37  }
0x235: {  	v42 =	vsel vm0, v7, v42;
	vm0 =	veq.f32 v59, v56;
	v59 =	vmax.f32 v58, v38  }
0x236: {  	v42 =	vnsel vm0, $0x80000080, v42;
	v60 =	vmax.f32 v59, v41  }
0x237: {  	v48 =	vld [tilespmem:s18+$0xFFFFFE10];
	(xrf0) =	vmin.scan.msk.u32 $0xffff, v42;
	v61 =	vmax.f32 v60, v49  }
0x238: {  	v51 =	vld [tilespmem:s18+$0xFFFFFE20];
	(xrf0) =	vmax.scan.msk.f32 $0xffff, v61  }
0x239: {  	vm0 =	vgt.f32 v52, v50;
	v50 =	vld [tilespmem:s18+$0xFFFFFE30]  }
0x23a: {  	v52 =	vsel vm0, v1, v8;
	vm0 =	vgt.f32 v46, v40;
	v40 =	vld [tilespmem:s18+$0xFFFFFE40]  }
0x23b: {  	v47 =	vld [tilespmem:s18+$0xFFFFFE50];
	v46 =	vsel vm0, v2, v52;
	vm0 =	vgt.f32 v36, v63  }
0x23c: {  	v46 =	vsel vm0, v3, v46;
	vm0 =	vgt.f32 v37, v57;
	v37 =	vld [tilespmem:s18+$0xFFFFFE60]  }
0x23d: {  	v44 =	vld [tilespmem:s18+$0xFFFFFE70];
	v43 =	vsel vm0, v4, v46;
	vm0 =	vgt.f32 v38, v58;
	v38 =	vmax.f32 v48, v51;
	v36, _, _ =	vpop (xrf0)  }
0x23e: {  	v53 =	vld [tilespmem:s18+$0xFFFFFE80];
	v43 =	vsel vm0, v5, v43;
	v63 =	vmax.f32 v38, v50;
	v62, _, _ =	vpop (xrf0)  }
0x23f: {  	vm0 =	vgt.f32 v41, v59;
	v57 =	vmax.f32 v63, v40;
	v56 =	vbroadcast v62, $0xF  }
0x240: {  	v43 =	vsel vm0, v6, v43;
	vm0 =	vgt.f32 v49, v60;
	v58 =	vmax.f32 v57, v47  }
0x241: {  	v43 =	vsel vm0, v7, v43;
	v59 =	vmax.f32 v58, v37;
	vm0 =	veq.f32 v61, v56  }
0x242: {  	v60 =	vmax.f32 v59, v44;
	v42 =	vnsel vm0, $0x80000080, v43  }
0x243: {  	v46 =	vld [tilespmem:s18+$0xFFFFFE90];
	v61 =	vmax.f32 v60, v53;
	(xrf0) =	vmin.scan.msk.u32 $0xffff, v42  }
0x244: {  	v49 =	vld [tilespmem:s18+$0xFFFFFEA0];
	(xrf0) =	vmax.scan.msk.f32 $0xffff, v61  }
0x245: {  	vm0 =	vgt.f32 v51, v48;
	v48 =	vld [tilespmem:s18+$0xFFFFFEB0]  }
0x246: {  	v51 =	vsel vm0, v1, v8;
	vm0 =	vgt.f32 v50, v38;
	v38 =	vld [tilespmem:s18+$0xFFFFFEC0]  }
0x247: {  	v50 =	vsel vm0, v2, v51;
	vm0 =	vgt.f32 v40, v63;
	v40 =	vld [tilespmem:s18+$0xFFFFFED0]  }
0x248: {  	v41 =	vld [tilespmem:s18+$0xFFFFFEE0];
	v50 =	vsel vm0, v3, v50;
	vm0 =	vgt.f32 v47, v57  }
0x249: {  	v45 =	vld [tilespmem:s18+$0xFFFFFEF0];
	v50 =	vsel vm0, v4, v50;
	vm0 =	vgt.f32 v37, v58;
	v37 =	vmax.f32 v46, v49;
	v47, _, _ =	vpop (xrf0)  }
0x24a: {  	v54 =	vld [tilespmem:s18+$0xFFFFFF00];
	v50 =	vsel vm0, v5, v50;
	v63 =	vmax.f32 v37, v48;
	v62, _, _ =	vpop (xrf0)  }
0x24b: {  	vm0 =	vgt.f32 v44, v59;
	v57 =	vmax.f32 v63, v38;
	v56 =	vbroadcast v62, $0xF  }
0x24c: {  	v50 =	vsel vm0, v6, v50;
	vm0 =	vgt.f32 v53, v60;
	v58 =	vmax.f32 v57, v40  }
0x24d: {  	v50 =	vsel vm0, v7, v50;
	v59 =	vmax.f32 v58, v41;
	vm0 =	veq.f32 v61, v56  }
0x24e: {  	v60 =	vmax.f32 v59, v45;
	v42 =	vnsel vm0, $0x80000080, v50  }
0x24f: {  	v51 =	vld [tilespmem:s18+$0xFFFFFF10];
	v61 =	vmax.f32 v60, v54;
	(xrf0) =	vmin.scan.msk.u32 $0xffff, v42  }
0x250: {  	v53 =	vld [tilespmem:s18+$0xFFFFFF20];
	(xrf0) =	vmax.scan.msk.f32 $0xffff, v61  }
0x251: {  	vm0 =	vgt.f32 v49, v46;
	v46 =	vld [tilespmem:s18+$0xFFFFFF30]  }
0x252: {  	v49 =	vsel vm0, v1, v8;
	vm0 =	vgt.f32 v48, v37;
	v37 =	vld [tilespmem:s18+$0xFFFFFF40]  }
0x253: {  	v48 =	vsel vm0, v2, v49;
	vm0 =	vgt.f32 v38, v63;
	v38 =	vld [tilespmem:s18+$0xFFFFFF50]  }
0x254: {  	v48 =	vsel vm0, v3, v48;
	vm0 =	vgt.f32 v40, v57;
	v40 =	vld [tilespmem:s18+$0xFFFFFF60]  }
0x255: {  	v43 =	vld [tilespmem:s18+$0xFFFFFF70];
	v48 =	vsel vm0, v4, v48;
	vm0 =	vgt.f32 v41, v58;
	v41 =	vmax.f32 v51, v53;
	v44, _, _ =	vpop (xrf0)  }
0x256: {  	v55 =	vld [tilespmem:s18+$0xFFFFFF80];
	v48 =	vsel vm0, v5, v48;
	v63 =	vmax.f32 v41, v46;
	v62, _, _ =	vpop (xrf0)  }
0x257: {  	vm0 =	vgt.f32 v45, v59;
	v58 =	vmax.f32 v63, v37;
	v57 =	vbroadcast v62, $0xF  }
0x258: {  	v48 =	vsel vm0, v6, v48;
	vm0 =	vgt.f32 v54, v60;
	v59 =	vmax.f32 v58, v38  }
0x259: {  	v48 =	vsel vm0, v7, v48;
	v39 =	vmax.f32 v59, v40;
	vm0 =	veq.f32 v61, v57  }
0x25a: {  	v60 =	vmax.f32 v39, v43;
	v42 =	vnsel vm0, $0x80000080, v48  }
0x25b: {  	v50 =	vld [tilespmem:s18+$0xFFFFFF90];
	v61 =	vmax.f32 v60, v55;
	(xrf0) =	vmin.scan.msk.u32 $0xffff, v42  }
0x25c: {  	v54 =	vld [tilespmem:s18+$0xFFFFFFA0];
	(xrf0) =	vmax.scan.msk.f32 $0xffff, v61  }
0x25d: {  	vm0 =	vgt.f32 v53, v51;
	v51 =	vld [tilespmem:s18+$0xFFFFFFB0]  }
0x25e: {  	v53 =	vsel vm0, v1, v8;
	vm0 =	vgt.f32 v46, v41;
	v41 =	vld [tilespmem:s18+$0xFFFFFFC0]  }
0x25f: {  	v46 =	vsel vm0, v2, v53;
	vm0 =	vgt.f32 v37, v63;
	v37 =	vld [tilespmem:s18+$0xFFFFFFD0]  }
0x260: {  	v46 =	vsel vm0, v3, v46;
	vm0 =	vgt.f32 v38, v58;
	v38 =	vld [tilespmem:s18+$0xFFFFFFE0]  }
0x261: {  	v49 =	vld [tilespmem:s18+$0xFFFFFFF0];
	v46 =	vsel vm0, v4, v46;
	vm0 =	vgt.f32 v40, v59;
	v40 =	vmax.f32 v50, v54;
	v45, _, _ =	vpop (xrf0)  }
0x262: {  	v56 =	vld [tilespmem:s18+$0x0];
	v46 =	vsel vm0, v5, v46;
	v63 =	vmax.f32 v40, v51;
	v62, _, _ =	vpop (xrf0)  }
0x263: {  	vm0 =	vgt.f32 v43, v39;
	v58 =	vmax.f32 v63, v41;
	v57 =	vbroadcast v62, $0xF  }
0x264: {  	v46 =	vsel vm0, v6, v46;
	vm0 =	vgt.f32 v55, v60;
	v59 =	vmax.f32 v58, v37  }
0x265: {  	v46 =	vsel vm0, v7, v46;
	v60 =	vmax.f32 v59, v38;
	vm0 =	veq.f32 v61, v57  }
0x266: {  	v61 =	vmax.f32 v60, v49;
	v42 =	vnsel vm0, $0x80000080, v46  }
0x267: {  	v62 =	vmax.f32 v61, v56;
	(xrf0) =	vmin.scan.msk.u32 $0xffff, v42  }
0x268: {  	(xrf0) =	vmax.scan.msk.f32 $0xffff, v62;
	_ =	sdelay $0x1  }
0x269: {  	(v2sf) =	vpush v26, $0xF;
	vm0 =	vgt.f32 v54, v50  }
0x26a: {  	(v2sf) =	vpush v27, $0xF;
	v50 =	vsel vm0, v1, v8;
	vm0 =	vgt.f32 v51, v40  }
0x26b: {  	(v2sf) =	vpush v28, $0xF;
	v40 =	vsel vm0, v2, v50;
	vm0 =	vgt.f32 v41, v63  }
0x26c: {  	(v2sf) =	vpush v29, $0xF;
	v26 =	vsel vm0, v3, v40;
	vm0 =	vgt.f32 v37, v58;
	v27, _, _ =	vpop (xrf0)  }
0x26d: {  	(v2sf) =	vpush v30, $0xF;
	v26 =	vsel vm0, v4, v26;
	vm0 =	vgt.f32 v38, v59;
	v63, _, _ =	vpop (xrf0)  }
0x26e: {  	v26 =	vsel vm0, v5, v26;
	vm0 =	vgt.f32 v49, v60;
	v28 =	vbroadcast v63, $0xF  }
0x26f: {  	(v2sf) =	vpush v31, $0xF;
	v26 =	vsel vm0, v6, v26;
	vm0 =	vgt.f32 v56, v61  }
0x270: {  	(v2sf) =	vpush v32, $0xF;
	v26 =	vsel vm0, v7, v26;
	vm0 =	veq.f32 v62, v28  }
0x271: {  	(v2sf) =	vpush v33, $0xF;
	v26 =	vnsel vm0, $0x80000080, v26  }
0x272: {  	(v2sf) =	vpush v34, $0xF;
	(xrf0) =	vmin.scan.msk.u32 $0xffff, v26  }
0x273: {  	(v2sf) =	vpush v35, $0xF  }
0x274: {  	(v2sf) =	vpush v36, $0xF  }
0x275: {  	(v2sf) =	vpush v47, $0xF  }
0x276: {  	(v2sf) =	vpush v44, $0xF  }
0x277: {  	(v2sf) =	vpush v45, $0xF  }
0x278: {  	(v2sf) =	vpush v27, $0xF;
	v26, _, _ =	vpop (xrf0)  }
0x279: {  	s4 =	spop (v2sf);
	(v2sf) =	vpush v26, $0xF  }
0x27a: {  	s6 =	spop (v2sf)  }
0x27b: {  	s7 =	spop (v2sf)  }
0x27c: {  	s8 =	spop (v2sf)  }
0x27d: {  	s9 =	spop (v2sf)  }
0x27e: {  	s12 =	spop (v2sf)  }
0x27f: {  	s19 =	spop (v2sf)  }
0x280: {  	s20 =	spop (v2sf)  }
0x281: {  	s21 =	spop (v2sf)  }
0x282: {  	s22 =	spop (v2sf)  }
0x283: {  	s23 =	spop (v2sf)  }
0x284: {  	s24 =	spop (v2sf)  }
0x285: {  	s25 =	spop (v2sf)  }
0x286: {  	s26 =	spop (v2sf)  }
0x287: {  	s28 =	spop (v2sf)  }
0x288: {  	s29 =	spop (v2sf)  }
0x289: {  	s4 =	sadd.s32 s4, s10;
	s29 =	sadd.s32 s29, s10  }
0x28a: {  	p0 =	sne.s32 s15, $0x1800;
	s4 =	sadd.s32 s15, s4;
	s29 =	sadd.s32 s15, s29  }
0x28b: {  	s4 =	sadd.s32 $0x80002000, s4;
	s6 =	sadd.s32 s6, s10;
	s29 =	sadd.s32 $0x80002780, s29  }
0x28c: {  	s6 =	sadd.s32 s15, s6;
	s7 =	sadd.s32 s7, s10;
	s8 =	sadd.s32 s8, s10;
	vm0 =	vmmov vm1;
	v26 =	vmov s29  }
0x28d: {  	s6 =	sadd.s32 $0x80002080, s6;
	s7 =	sadd.s32 s15, s7;
	s8 =	sadd.s32 s15, s8;
	vm1 =	vmmov vm2;
	v26 =	vsel vm0, s4, v26  }
0x28e: {  	s9 =	sadd.s32 s9, s10;
	s19 =	sadd.s32 s19, s10;
	vm2 =	vmmov vm3;
	s4 =	sadd.s32 $0x80002100, s7;
	v26 =	vsel vm1, s6, v26  }
0x28f: {  	vm3 =	vmmov vm4;
	s29 =	sadd.s32 $0x80002180, s8;
	s8 =	sadd.s32 s15, s9;
	s9 =	sadd.s32 s12, s10;
	v26 =	vsel vm2, s4, v26  }
0x290: {  	s21 =	sadd.s32 s21, s10;
	vm4 =	vmmov vm5;
	s12 =	sadd.s32 s15, s9;
	s4 =	sadd.s32 $0x80002200, s8;
	v26 =	vsel vm3, s29, v26  }
0x291: {  	vm5 =	vmmov vm6;
	s9 =	sadd.s32 s15, s19;
	s29 =	sadd.s32 $0x80002280, s12;
	s12 =	sadd.s32 s20, s10;
	v26 =	vsel vm4, s4, v26  }
0x292: {  	vm6 =	vmmov vm7;
	s19 =	sadd.s32 $0x80002300, s9;
	s9 =	sadd.s32 s15, s21;
	s20 =	sadd.s32 s15, s12;
	v26 =	vsel vm5, s29, v26  }
0x293: {  	vm7 =	vmmov vm8;
	s21 =	sadd.s32 s23, s10;
	s12 =	sadd.s32 s22, s10;
	s29 =	sadd.s32 $0x80002380, s20;
	v26 =	vsel vm6, s19, v26  }
0x294: {  	vm8 =	vmmov vm9;
	s23 =	sadd.s32 s15, s21;
	s20 =	sadd.s32 s15, s12;
	s19 =	sadd.s32 $0x80002400, s9;
	v26 =	vsel vm7, s29, v26  }
0x295: {  	vm9 =	vmmov vm10;
	s22 =	sadd.s32 $0x80002480, s20;
	s9 =	sadd.s32 $0x80002500, s23;
	s29 =	sadd.s32 s24, s10;
	v26 =	vsel vm8, s19, v26  }
0x296: {  	vm10 =	vmmov vm11;
	s12 =	sadd.s32 s15, s29;
	s19 =	sadd.s32 s25, s10;
	s25 =	sadd.s32 s28, s10;
	v26 =	vsel vm9, s22, v26  }
0x297: {  	vm11 =	vmmov vm12;
	s20 =	sadd.s32 $0x80002580, s12;
	s21 =	sadd.s32 s15, s19;
	s22 =	sadd.s32 s26, s10;
	v26 =	vsel vm10, s9, v26  }
.Ltmp1:
0x298: {  	vm12 =	vmmov vm13;
	s23 =	sadd.s32 $0x80002600, s21;
	s24 =	sadd.s32 s15, s22;
	v26 =	vsel vm11, s20, v26;
	(pc) =	sbr.rel @p0 .LBB2_4-.Ltmp1, $4  }
0x299: {  	vm13 =	vmmov vm14;
	s28 =	sadd.s32 s15, s25;
	s26 =	sadd.s32 $0x80002680, s24;
	v26 =	vsel vm12, s23, v26  }
0x29a: {  	vm14 =	vcmask $0x3B38;
	s29 =	sadd.s32 $0x80002700, s28;
	v26 =	vsel vm13, s26, v26  }
0x29b: {  	v26 =	vsel vm14, s29, v26  }
0x29c: {  	s18 =	sadd.s32 $0x800, s18;
	s15 =	sadd.s32 $0x800, s15;
	[tilespmem:s16+$0x0] =	vst v26;
	s16 =	sadd.s32 $0x10, s16  }
0x29d: {  	v26 =	vld [tilespmem:$0x4040];
	_ =	sdelay $0x4  }
0x29e: {  	v27 =	vshll.u32 v26, $0x2  }
0x29f: {  	v26 =	vand.u32 $0x7, v26;
	v27 =	vand.u32 $0xFFFFFFE0, v27  }
0x2a0: {  	v26 =	vor.u32 v26, v27  }
0x2a1: {  	v27 =	vperm.xlane v26, v11;
	_ =	sdelay $0x1  }
0x2a2: {  	v28 =	vperm.xlane v26, v12;
	v27 =	vadd.s32 v25, v27;
	_ =	sdelay $0x1  }
0x2a3: {  	v29 =	vperm.xlane v26, v10;
	v28 =	vadd.s32 v25, v28;
	_ =	sdelay $0x1  }
0x2a4: {  	v30 =	vperm.xlane v26, v13;
	v29 =	vadd.s32 v25, v29  }
0x2a5: {  	[tilespmem:s17], [sflag:$0x3] =	stream.indirect_vreg.gather [hbm4b:s1+s3], $0x80, v27, vm15, $0xb8;
	[tilespmem:$0x14080] =	vst v63  }
0x2a6: {  	s4 =	simm.s32 $0xC280;
	v41 =	vperm.xlane v26, v14;
	v27 =	vadd.s32 v25, v30  }
0x2a7: {  	[tilespmem:s4], [sflag:$0x3] =	stream.indirect_vreg.gather [hbm4b:s1+s3], $0x80, v28, vm15, $0xb8;
	[tilespmem:$0x14080] =	vst v63  }
0x2a8: {  	s16 =	simm.s32 $0xC480;
	v43 =	vperm.xlane v26, v15;
	v42 =	vadd.s32 v25, v41  }
0x2a9: {  	[tilespmem:s16], [sflag:$0x3] =	stream.indirect_vreg.gather [hbm4b:s1+s3], $0x80, v29, vm15, $0xb8;
	[tilespmem:$0x14080] =	vst v63  }
0x2aa: {  	s18 =	simm.s32 $0xC680;
	v45 =	vperm.xlane v26, v16;
	v44 =	vadd.s32 v25, v43  }
0x2ab: {  	[tilespmem:s18], [sflag:$0x3] =	stream.indirect_vreg.gather [hbm4b:s1+s3], $0x80, v27, vm15, $0xb8;
	[tilespmem:$0x14080] =	vst v63  }
0x2ac: {  	s19 =	simm.s32 $0xC880;
	v46 =	vperm.xlane v26, v9;
	v27 =	vadd.s32 v25, v45  }
0x2ad: {  	[tilespmem:s19], [sflag:$0x3] =	stream.indirect_vreg.gather [hbm4b:s1+s3], $0x80, v42, vm15, $0xb8;
	[tilespmem:$0x14080] =	vst v63  }
0x2ae: {  	s20 =	simm.s32 $0xCA80;
	v48 =	vperm.xlane v26, v17;
	v47 =	vadd.s32 v25, v46  }
0x2af: {  	[tilespmem:s20], [sflag:$0x3] =	stream.indirect_vreg.gather [hbm4b:s1+s3], $0x80, v44, vm15, $0xb8;
	[tilespmem:$0x14080] =	vst v63  }
0x2b0: {  	s21 =	simm.s32 $0xCC80;
	v50 =	vperm.xlane v26, v18;
	v49 =	vadd.s32 v25, v48  }
0x2b1: {  	[tilespmem:s21], [sflag:$0x3] =	stream.indirect_vreg.gather [hbm4b:s1+s3], $0x80, v27, vm15, $0xb8;
	[tilespmem:$0x14080] =	vst v63  }
0x2b2: {  	s22 =	simm.s32 $0xCE80;
	v51 =	vperm.xlane v26, v19;
	v27 =	vadd.s32 v25, v50  }
0x2b3: {  	[tilespmem:s22], [sflag:$0x3] =	stream.indirect_vreg.gather [hbm4b:s1+s3], $0x80, v47, vm15, $0xb8;
	[tilespmem:$0x14080] =	vst v63  }
0x2b4: {  	s23 =	simm.s32 $0xD080;
	v53 =	vperm.xlane v26, v20;
	v52 =	vadd.s32 v25, v51  }
0x2b5: {  	[tilespmem:s23], [sflag:$0x3] =	stream.indirect_vreg.gather [hbm4b:s1+s3], $0x80, v49, vm15, $0xb8;
	[tilespmem:$0x14080] =	vst v63  }
0x2b6: {  	s24 =	simm.s32 $0xD280;
	v55 =	vperm.xlane v26, v21;
	v54 =	vadd.s32 v25, v53  }
0x2b7: {  	[tilespmem:s24], [sflag:$0x3] =	stream.indirect_vreg.gather [hbm4b:s1+s3], $0x80, v27, vm15, $0xb8;
	[tilespmem:$0x14080] =	vst v63  }
0x2b8: {  	s25 =	simm.s32 $0xD480;
	v56 =	vperm.xlane v26, v22;
	v27 =	vadd.s32 v25, v55  }
0x2b9: {  	[tilespmem:s25], [sflag:$0x3] =	stream.indirect_vreg.gather [hbm4b:s1+s3], $0x80, v52, vm15, $0xb8;
	[tilespmem:$0x14080] =	vst v63  }
0x2ba: {  	s26 =	simm.s32 $0xD680;
	v58 =	vperm.xlane v26, v23;
	v57 =	vadd.s32 v25, v56  }
0x2bb: {  	[tilespmem:s26], [sflag:$0x3] =	stream.indirect_vreg.gather [hbm4b:s1+s3], $0x80, v54, vm15, $0xb8;
	[tilespmem:$0x14080] =	vst v63  }
0x2bc: {  	s28 =	simm.s32 $0xD880;
	v26 =	vperm.xlane v26, v24;
	v59 =	vadd.s32 v25, v58  }
0x2bd: {  	[tilespmem:s28], [sflag:$0x3] =	stream.indirect_vreg.gather [hbm4b:s1+s3], $0x80, v27, vm15, $0xb8;
	[tilespmem:$0x14080] =	vst v63  }
0x2be: {  	s29 =	simm.s32 $0xDA80;
	v26 =	vadd.s32 v25, v26  }
0x2bf: {  	[tilespmem:s29], [sflag:$0x3] =	stream.indirect_vreg.gather [hbm4b:s1+s3], $0x80, v57, vm15, $0xb8;
	[tilespmem:$0x14080] =	vst v63  }
0x2c0: {  	s6 =	simm.s32 $0xDC80  }
0x2c1: {  	[tilespmem:s6], [sflag:$0x3] =	stream.indirect_vreg.gather [hbm4b:s1+s3], $0x80, v59, vm15, $0xb8;
	[tilespmem:$0x14080] =	vst v63  }
0x2c2: {  	s7 =	simm.s32 $0xDE80  }
0x2c3: {  	[tilespmem:s7], [sflag:$0x3] =	stream.indirect_vreg.gather [hbm4b:s1+s3], $0x80, v26, vm15, $0xb8;
	[tilespmem:$0x14080] =	vst v63  }
0x2c4: {  	v26 =	vld [tilespmem:$0x4050];
	_ =	sdelay $0x4  }
0x2c5: {  	v27 =	vshll.u32 v26, $0x2  }
0x2c6: {  	v26 =	vand.u32 $0x7, v26;
	v27 =	vand.u32 $0xFFFFFFE0, v27  }
0x2c7: {  	v26 =	vor.u32 v26, v27  }
0x2c8: {  	v27 =	vperm.xlane v26, v11;
	_ =	sdelay $0x1  }
0x2c9: {  	v60 =	vperm.xlane v26, v12;
	v27 =	vadd.s32 v25, v27;
	_ =	sdelay $0x1  }
0x2ca: {  	v61 =	vperm.xlane v26, v10;
	v28 =	vadd.s32 v25, v60;
	_ =	sdelay $0x1  }
0x2cb: {  	s8 =	simm.s32 $0xE080;
	v62 =	vperm.xlane v26, v13;
	v29 =	vadd.s32 v25, v61  }
0x2cc: {  	[tilespmem:s8], [sflag:$0x3] =	stream.indirect_vreg.gather [hbm4b:s1+s3], $0x80, v27, vm15, $0xb8;
	[tilespmem:$0x14080] =	vst v63  }
0x2cd: {  	s9 =	simm.s32 $0xE280;
	v63 =	vperm.xlane v26, v14;
	v27 =	vadd.s32 v25, v62  }
0x2ce: {  	[tilespmem:s9], [sflag:$0x3] =	stream.indirect_vreg.gather [hbm4b:s1+s3], $0x80, v28, vm15, $0xb8;
	[tilespmem:$0x14080] =	vst v63  }
0x2cf: {  	s12 =	simm.s32 $0xE480;
	v34 =	vperm.xlane v26, v15;
	v33 =	vadd.s32 v25, v63  }
0x2d0: {  	[tilespmem:s12], [sflag:$0x3] =	stream.indirect_vreg.gather [hbm4b:s1+s3], $0x80, v29, vm15, $0xb8;
	[tilespmem:$0x14080] =	vst v63  }
0x2d1: {  	s15 =	simm.s32 $0xE680;
	v36 =	vperm.xlane v26, v16;
	v35 =	vadd.s32 v25, v34  }
0x2d2: {  	[tilespmem:s15], [sflag:$0x3] =	stream.indirect_vreg.gather [hbm4b:s1+s3], $0x80, v27, vm15, $0xb8;
	[tilespmem:$0x14080] =	vst v63  }
0x2d3: {  	s16 =	simm.s32 $0xE880;
	v37 =	vperm.xlane v26, v9;
	v27 =	vadd.s32 v25, v36  }
0x2d4: {  	[tilespmem:s16], [sflag:$0x3] =	stream.indirect_vreg.gather [hbm4b:s1+s3], $0x80, v33, vm15, $0xb8;
	[tilespmem:$0x14080] =	vst v63  }
0x2d5: {  	s18 =	simm.s32 $0xEA80;
	v39 =	vperm.xlane v26, v17;
	v38 =	vadd.s32 v25, v37  }
0x2d6: {  	[tilespmem:s18], [sflag:$0x3] =	stream.indirect_vreg.gather [hbm4b:s1+s3], $0x80, v35, vm15, $0xb8;
	[tilespmem:$0x14080] =	vst v63  }
0x2d7: {  	s19 =	simm.s32 $0xEC80;
	v41 =	vperm.xlane v26, v18;
	v40 =	vadd.s32 v25, v39  }
0x2d8: {  	[tilespmem:s19], [sflag:$0x3] =	stream.indirect_vreg.gather [hbm4b:s1+s3], $0x80, v27, vm15, $0xb8;
	[tilespmem:$0x14080] =	vst v63  }
0x2d9: {  	s20 =	simm.s32 $0xEE80;
	v42 =	vperm.xlane v26, v19;
	v27 =	vadd.s32 v25, v41  }
0x2da: {  	[tilespmem:s20], [sflag:$0x3] =	stream.indirect_vreg.gather [hbm4b:s1+s3], $0x80, v38, vm15, $0xb8;
	[tilespmem:$0x14080] =	vst v63  }
0x2db: {  	s21 =	simm.s32 $0xF080;
	v44 =	vperm.xlane v26, v20;
	v43 =	vadd.s32 v25, v42  }
0x2dc: {  	[tilespmem:s21], [sflag:$0x3] =	stream.indirect_vreg.gather [hbm4b:s1+s3], $0x80, v40, vm15, $0xb8;
	[tilespmem:$0x14080] =	vst v63  }
0x2dd: {  	s22 =	simm.s32 $0xF280;
	v46 =	vperm.xlane v26, v21;
	v45 =	vadd.s32 v25, v44  }
0x2de: {  	[tilespmem:s22], [sflag:$0x3] =	stream.indirect_vreg.gather [hbm4b:s1+s3], $0x80, v27, vm15, $0xb8;
	[tilespmem:$0x14080] =	vst v63  }
0x2df: {  	s23 =	simm.s32 $0xF480;
	v47 =	vperm.xlane v26, v22;
	v27 =	vadd.s32 v25, v46  }
0x2e0: {  	[tilespmem:s23], [sflag:$0x3] =	stream.indirect_vreg.gather [hbm4b:s1+s3], $0x80, v43, vm15, $0xb8;
	[tilespmem:$0x14080] =	vst v63  }
0x2e1: {  	s24 =	simm.s32 $0xF680;
	v49 =	vperm.xlane v26, v23;
	v48 =	vadd.s32 v25, v47  }
0x2e2: {  	[tilespmem:s24], [sflag:$0x3] =	stream.indirect_vreg.gather [hbm4b:s1+s3], $0x80, v45, vm15, $0xb8;
	[tilespmem:$0x14080] =	vst v63  }
0x2e3: {  	s25 =	simm.s32 $0xF880;
	v26 =	vperm.xlane v26, v24;
	v50 =	vadd.s32 v25, v49  }
0x2e4: {  	[tilespmem:s25], [sflag:$0x3] =	stream.indirect_vreg.gather [hbm4b:s1+s3], $0x80, v27, vm15, $0xb8;
	[tilespmem:$0x14080] =	vst v63  }
0x2e5: {  	s26 =	simm.s32 $0xFA80;
	v26 =	vadd.s32 v25, v26  }
0x2e6: {  	[tilespmem:s26], [sflag:$0x3] =	stream.indirect_vreg.gather [hbm4b:s1+s3], $0x80, v48, vm15, $0xb8;
	[tilespmem:$0x14080] =	vst v63  }
0x2e7: {  	s28 =	simm.s32 $0xFC80  }
0x2e8: {  	[tilespmem:s28], [sflag:$0x3] =	stream.indirect_vreg.gather [hbm4b:s1+s3], $0x80, v50, vm15, $0xb8;
	[tilespmem:$0x14080] =	vst v63  }
0x2e9: {  	s29 =	simm.s32 $0xFE80  }
0x2ea: {  	[tilespmem:s29], [sflag:$0x3] =	stream.indirect_vreg.gather [hbm4b:s1+s3], $0x80, v26, vm15, $0xb8;
	[tilespmem:$0x14080] =	vst v63  }
0x2eb: {  	v26 =	vld [tilespmem:$0x4060];
	_ =	sdelay $0x4  }
0x2ec: {  	v27 =	vshll.u32 v26, $0x2  }
0x2ed: {  	v26 =	vand.u32 $0x7, v26;
	v27 =	vand.u32 $0xFFFFFFE0, v27  }
0x2ee: {  	v26 =	vor.u32 v26, v27  }
0x2ef: {  	v27 =	vperm.xlane v26, v11;
	_ =	sdelay $0x1  }
0x2f0: {  	v51 =	vperm.xlane v26, v12;
	v27 =	vadd.s32 v25, v27;
	_ =	sdelay $0x1  }
0x2f1: {  	v52 =	vperm.xlane v26, v10;
	v28 =	vadd.s32 v25, v51;
	_ =	sdelay $0x1  }
0x2f2: {  	v53 =	vperm.xlane v26, v13;
	v29 =	vadd.s32 v25, v52  }
0x2f3: {  	[tilespmem:s2], [sflag:$0x4] =	stream.indirect_vreg.gather [hbm4b:s1+s3], $0x80, v27, vm15, $0xb8;
	[tilespmem:$0x14080] =	vst v63  }
0x2f4: {  	s6 =	simm.s32 $0x10280;
	v54 =	vperm.xlane v26, v14;
	v27 =	vadd.s32 v25, v53  }
0x2f5: {  	[tilespmem:s6], [sflag:$0x4] =	stream.indirect_vreg.gather [hbm4b:s1+s3], $0x80, v28, vm15, $0xb8;
	[tilespmem:$0x14080] =	vst v63  }
0x2f6: {  	s7 =	simm.s32 $0x10480;
	v56 =	vperm.xlane v26, v15;
	v55 =	vadd.s32 v25, v54  }
0x2f7: {  	[tilespmem:s7], [sflag:$0x4] =	stream.indirect_vreg.gather [hbm4b:s1+s3], $0x80, v29, vm15, $0xb8;
	[tilespmem:$0x14080] =	vst v63  }
0x2f8: {  	s8 =	simm.s32 $0x10680;
	v58 =	vperm.xlane v26, v16;
	v57 =	vadd.s32 v25, v56  }
0x2f9: {  	[tilespmem:s8], [sflag:$0x4] =	stream.indirect_vreg.gather [hbm4b:s1+s3], $0x80, v27, vm15, $0xb8;
	[tilespmem:$0x14080] =	vst v63  }
0x2fa: {  	s9 =	simm.s32 $0x10880;
	v59 =	vperm.xlane v26, v9;
	v27 =	vadd.s32 v25, v58  }
0x2fb: {  	[tilespmem:s9], [sflag:$0x4] =	stream.indirect_vreg.gather [hbm4b:s1+s3], $0x80, v55, vm15, $0xb8;
	[tilespmem:$0x14080] =	vst v63  }
0x2fc: {  	s12 =	simm.s32 $0x10A80;
	v61 =	vperm.xlane v26, v17;
	v60 =	vadd.s32 v25, v59  }
0x2fd: {  	[tilespmem:s12], [sflag:$0x4] =	stream.indirect_vreg.gather [hbm4b:s1+s3], $0x80, v57, vm15, $0xb8;
	[tilespmem:$0x14080] =	vst v63  }
0x2fe: {  	s15 =	simm.s32 $0x10C80;
	v63 =	vperm.xlane v26, v18;
	v62 =	vadd.s32 v25, v61  }
0x2ff: {  	[tilespmem:s15], [sflag:$0x4] =	stream.indirect_vreg.gather [hbm4b:s1+s3], $0x80, v27, vm15, $0xb8;
	[tilespmem:$0x14080] =	vst v63  }
0x300: {  	s16 =	simm.s32 $0x10E80;
	v33 =	vperm.xlane v26, v19;
	v27 =	vadd.s32 v25, v63  }
0x301: {  	[tilespmem:s16], [sflag:$0x4] =	stream.indirect_vreg.gather [hbm4b:s1+s3], $0x80, v60, vm15, $0xb8;
	[tilespmem:$0x14080] =	vst v63  }
0x302: {  	s18 =	simm.s32 $0x11080;
	v35 =	vperm.xlane v26, v20;
	v34 =	vadd.s32 v25, v33  }
0x303: {  	[tilespmem:s18], [sflag:$0x4] =	stream.indirect_vreg.gather [hbm4b:s1+s3], $0x80, v62, vm15, $0xb8;
	[tilespmem:$0x14080] =	vst v63  }
0x304: {  	s19 =	simm.s32 $0x11280;
	v37 =	vperm.xlane v26, v21;
	v36 =	vadd.s32 v25, v35  }
0x305: {  	[tilespmem:s19], [sflag:$0x4] =	stream.indirect_vreg.gather [hbm4b:s1+s3], $0x80, v27, vm15, $0xb8;
	[tilespmem:$0x14080] =	vst v63  }
0x306: {  	s20 =	simm.s32 $0x11480;
	v38 =	vperm.xlane v26, v22;
	v27 =	vadd.s32 v25, v37  }
0x307: {  	[tilespmem:s20], [sflag:$0x4] =	stream.indirect_vreg.gather [hbm4b:s1+s3], $0x80, v34, vm15, $0xb8;
	[tilespmem:$0x14080] =	vst v63  }
0x308: {  	s21 =	simm.s32 $0x11680;
	v40 =	vperm.xlane v26, v23;
	v39 =	vadd.s32 v25, v38  }
0x309: {  	[tilespmem:s21], [sflag:$0x4] =	stream.indirect_vreg.gather [hbm4b:s1+s3], $0x80, v36, vm15, $0xb8;
	[tilespmem:$0x14080] =	vst v63  }
0x30a: {  	s22 =	simm.s32 $0x11880;
	v26 =	vperm.xlane v26, v24;
	v41 =	vadd.s32 v25, v40  }
0x30b: {  	[tilespmem:s22], [sflag:$0x4] =	stream.indirect_vreg.gather [hbm4b:s1+s3], $0x80, v27, vm15, $0xb8;
	[tilespmem:$0x14080] =	vst v63  }
0x30c: {  	s23 =	simm.s32 $0x11A80;
	v26 =	vadd.s32 v25, v26  }
0x30d: {  	[tilespmem:s23], [sflag:$0x4] =	stream.indirect_vreg.gather [hbm4b:s1+s3], $0x80, v39, vm15, $0xb8;
	[tilespmem:$0x14080] =	vst v63  }
0x30e: {  	s24 =	simm.s32 $0x11C80  }
0x30f: {  	[tilespmem:s24], [sflag:$0x4] =	stream.indirect_vreg.gather [hbm4b:s1+s3], $0x80, v41, vm15, $0xb8;
	[tilespmem:$0x14080] =	vst v63  }
0x310: {  	s25 =	simm.s32 $0x11E80  }
0x311: {  	[tilespmem:s25], [sflag:$0x4] =	stream.indirect_vreg.gather [hbm4b:s1+s3], $0x80, v26, vm15, $0xb8;
	[tilespmem:$0x14080] =	vst v63  }
0x312: {  	v26 =	vld [tilespmem:$0x4070];
	_ =	sdelay $0x4  }
0x313: {  	v27 =	vshll.u32 v26, $0x2  }
0x314: {  	v26 =	vand.u32 $0x7, v26;
	v27 =	vand.u32 $0xFFFFFFE0, v27  }
0x315: {  	v26 =	vor.u32 v26, v27  }
0x316: {  	v27 =	vperm.xlane v26, v11;
	_ =	sdelay $0x1  }
0x317: {  	v42 =	vperm.xlane v26, v12;
	v27 =	vadd.s32 v25, v27;
	_ =	sdelay $0x1  }
0x318: {  	v43 =	vperm.xlane v26, v10;
	v28 =	vadd.s32 v25, v42;
	_ =	sdelay $0x1  }
0x319: {  	s26 =	simm.s32 $0x12080;
	v44 =	vperm.xlane v26, v13;
	v29 =	vadd.s32 v25, v43  }
0x31a: {  	[tilespmem:s26], [sflag:$0x4] =	stream.indirect_vreg.gather [hbm4b:s1+s3], $0x80, v27, vm15, $0xb8;
	[tilespmem:$0x14080] =	vst v63  }
0x31b: {  	s28 =	simm.s32 $0x12280;
	v45 =	vperm.xlane v26, v14;
	v27 =	vadd.s32 v25, v44  }
0x31c: {  	[tilespmem:s28], [sflag:$0x4] =	stream.indirect_vreg.gather [hbm4b:s1+s3], $0x80, v28, vm15, $0xb8;
	[tilespmem:$0x14080] =	vst v63  }
0x31d: {  	s29 =	simm.s32 $0x12480;
	v47 =	vperm.xlane v26, v15;
	v46 =	vadd.s32 v25, v45  }
0x31e: {  	[tilespmem:s29], [sflag:$0x4] =	stream.indirect_vreg.gather [hbm4b:s1+s3], $0x80, v29, vm15, $0xb8;
	[tilespmem:$0x14080] =	vst v63  }
0x31f: {  	s6 =	simm.s32 $0x12680;
	v49 =	vperm.xlane v26, v16;
	v48 =	vadd.s32 v25, v47  }
0x320: {  	[tilespmem:s6], [sflag:$0x4] =	stream.indirect_vreg.gather [hbm4b:s1+s3], $0x80, v27, vm15, $0xb8;
	[tilespmem:$0x14080] =	vst v63  }
0x321: {  	s7 =	simm.s32 $0x12880;
	v50 =	vperm.xlane v26, v9;
	v27 =	vadd.s32 v25, v49  }
0x322: {  	[tilespmem:s7], [sflag:$0x4] =	stream.indirect_vreg.gather [hbm4b:s1+s3], $0x80, v46, vm15, $0xb8;
	[tilespmem:$0x14080] =	vst v63  }
0x323: {  	s8 =	simm.s32 $0x12A80;
	v52 =	vperm.xlane v26, v17;
	v51 =	vadd.s32 v25, v50  }
0x324: {  	[tilespmem:s8], [sflag:$0x4] =	stream.indirect_vreg.gather [hbm4b:s1+s3], $0x80, v48, vm15, $0xb8;
	[tilespmem:$0x14080] =	vst v63  }
0x325: {  	s9 =	simm.s32 $0x12C80;
	v54 =	vperm.xlane v26, v18;
	v53 =	vadd.s32 v25, v52  }
0x326: {  	[tilespmem:s9], [sflag:$0x4] =	stream.indirect_vreg.gather [hbm4b:s1+s3], $0x80, v27, vm15, $0xb8;
	[tilespmem:$0x14080] =	vst v63  }
0x327: {  	s12 =	simm.s32 $0x12E80;
	v55 =	vperm.xlane v26, v19;
	v27 =	vadd.s32 v25, v54  }
0x328: {  	[tilespmem:s12], [sflag:$0x4] =	stream.indirect_vreg.gather [hbm4b:s1+s3], $0x80, v51, vm15, $0xb8;
	[tilespmem:$0x14080] =	vst v63  }
0x329: {  	s15 =	simm.s32 $0x13080;
	v57 =	vperm.xlane v26, v20;
	v56 =	vadd.s32 v25, v55  }
0x32a: {  	[tilespmem:s15], [sflag:$0x4] =	stream.indirect_vreg.gather [hbm4b:s1+s3], $0x80, v53, vm15, $0xb8;
	[tilespmem:$0x14080] =	vst v63  }
0x32b: {  	s16 =	simm.s32 $0x13280;
	v59 =	vperm.xlane v26, v21;
	v58 =	vadd.s32 v25, v57  }
0x32c: {  	[tilespmem:s16], [sflag:$0x4] =	stream.indirect_vreg.gather [hbm4b:s1+s3], $0x80, v27, vm15, $0xb8;
	[tilespmem:$0x14080] =	vst v63  }
0x32d: {  	s18 =	simm.s32 $0x13480;
	v60 =	vperm.xlane v26, v22;
	v27 =	vadd.s32 v25, v59  }
0x32e: {  	[tilespmem:s18], [sflag:$0x4] =	stream.indirect_vreg.gather [hbm4b:s1+s3], $0x80, v56, vm15, $0xb8;
	[tilespmem:$0x14080] =	vst v63  }
0x32f: {  	s19 =	simm.s32 $0x13680;
	v62 =	vperm.xlane v26, v23;
	v61 =	vadd.s32 v25, v60  }
0x330: {  	[tilespmem:s19], [sflag:$0x4] =	stream.indirect_vreg.gather [hbm4b:s1+s3], $0x80, v58, vm15, $0xb8;
	[tilespmem:$0x14080] =	vst v63  }
0x331: {  	s20 =	simm.s32 $0x13880;
	v26 =	vperm.xlane v26, v24;
	v63 =	vadd.s32 v25, v62  }
0x332: {  	[tilespmem:s20], [sflag:$0x4] =	stream.indirect_vreg.gather [hbm4b:s1+s3], $0x80, v27, vm15, $0xb8;
	[tilespmem:$0x14080] =	vst v63  }
0x333: {  	s21 =	simm.s32 $0x13A80;
	v25 =	vadd.s32 v25, v26  }
0x334: {  	[tilespmem:s21], [sflag:$0x4] =	stream.indirect_vreg.gather [hbm4b:s1+s3], $0x80, v61, vm15, $0xb8;
	[tilespmem:$0x14080] =	vst v63  }
0x335: {  	s22 =	simm.s32 $0x13C80  }
0x336: {  	[tilespmem:s22], [sflag:$0x4] =	stream.indirect_vreg.gather [hbm4b:s1+s3], $0x80, v63, vm15, $0xb8;
	[tilespmem:$0x14080] =	vst v63  }
0x337: {  	s23 =	simm.s32 $0x13E80  }
0x338: {  	[tilespmem:s23], [sflag:$0x4] =	stream.indirect_vreg.gather [hbm4b:s1+s3], $0x80, v25, vm15, $0xb8;
	[tilespmem:$0x14080] =	vst v63  }
0x339: {  	_ =	swait.ge [sflag:s30], $0x4000  }
0x33a: {  	[sflag:s30] =	ssyncset.done $0x0  }
0x33b: {  	s24 =	simm.s32 $0x4080;
	[sflag:s30] =	ssyncadd.s32 $0xFFFFC000  }
0x33c: {  	[hbm4b:s5+s3] =	stream.linear.scatter [tilespmem:s24], [sflag:$0x1], $0x4000, $0x38;
	[tilespmem:$0x14080] =	vst v63  }
0x33d: {  	_ =	swait.ge [sflag:s31], $0x4000  }
0x33e: {  	[sflag:s31] =	ssyncset.done $0x0  }
0x33f: {  	s6 =	simm.s32 $0x8080;
	s25 =	rddreg [dreg:$0x5];
	[sflag:s31] =	ssyncadd.s32 $0xFFFFC000  }
0x340: {  	[hbm4b:s25+s3] =	stream.linear.scatter [tilespmem:s6], [sflag:$0x2], $0x4000, $0x38;
	[tilespmem:$0x14080] =	vst v63  }
0x341: {  	_ =	swait.ge [sflag:s0], $0x4000  }
0x342: {  	[sflag:s0] =	ssyncset.done $0x0  }
0x343: {  	s26 =	rddreg [dreg:$0x6];
	[sflag:s0] =	ssyncadd.s32 $0xFFFFC000  }
0x344: {  	[hbm4b:s26+s3] =	stream.linear.scatter [tilespmem:s17], [sflag:$0x3], $0x4000, $0x38;
	[tilespmem:$0x14080] =	vst v63  }
0x345: {  	_ =	swait.ge [sflag:s13], $0x4000  }
0x346: {  	[sflag:s13] =	ssyncset.done $0x0  }
0x347: {  	s28 =	rddreg [dreg:$0x7];
	[sflag:s13] =	ssyncadd.s32 $0xFFFFC000  }
0x348: {  	[hbm4b:s28+s3] =	stream.linear.scatter [tilespmem:s2], [sflag:$0x4], $0x4000, $0x38;
	[tilespmem:$0x14080] =	vst v63  }
0x349: {  	_ =	swait.ge [sflag:s30], $0x4000  }
0x34a: {  	[sflag:s30] =	ssyncset.done $0x0  }
0x34b: {  	[sflag:s30] =	ssyncadd.s32 $0xFFFFC000  }
0x34c: {  	_ =	swait.ge [sflag:s31], $0x4000  }
0x34d: {  	[sflag:s31] =	ssyncset.done $0x0  }
0x34e: {  	[sflag:s31] =	ssyncadd.s32 $0xFFFFC000  }
0x34f: {  	_ =	swait.ge [sflag:s0], $0x4000  }
0x350: {  	[sflag:s0] =	ssyncset.done $0x0  }
0x351: {  	[sflag:s0] =	ssyncadd.s32 $0xFFFFC000  }
0x352: {  	_ =	swait.ge [sflag:s13], $0x4000  }
0x353: {  	s14 =	sadd.s32 $0x1, s14;
	s29 =	rddreg [dreg:$0x8]  }
0x354: {  	p0 =	sne.s32 s14, s29  }
.Ltmp2:
0x355: {  	_ = 	snop;
	(pc) =	sbr.rel @p0 .LBB2_1-.Ltmp2, $3  }
0x356: {  	_ =	sdelay $0x1  }
0x357: {  	[sflag:s13] =	ssyncset.done $0x0  }
0x358: {  	[sflag:s13] =	ssyncadd.s32 $0xFFFFC000  }
0x359: {  	_ =	sfence.sel $0x180000  }
0x35a: {  	[bflag:$0x0] =	sbarrier.arrive $0xFFFF  }
0x35b: {  	_ =	strace $0x90000047  }
0x35c: {  	s0 =	stileid.u32;
	[bflag:$0x2] =	sbarrier.arrive $0xFFFF  }
0x35d: {  	p0 =	sne.s32 s0, $0x0;
	s0 =	rddreg [dreg:$0x3]  }
0x35e: {  	s0 =	sadd.s32 @!p0 $0x100000, s0  }
0x35f: {  	[sflag:s0] =	ssyncadd.tile.s32 @!p0 $0x1;
	_ =	shalt  }
.Lfunc_end2:
_tile_overlayer_lowered:
.L_overlay_start_2:
0x360: {  	(tag) =	ssettag $0x2  }
0x361: {  	s0 =	rddreg [dreg:$0x0];
	s2 =	stileid.u32  }
0x362: {  	s1 =	rddreg [dreg:$0x1];
	p0 =	sne.s32 s2, $0x0  }
0x363: {  	s3 =	rddreg [dreg:$0x2];
	[bflag:$0x3] =	sbarrier.arrive $0xFFFF;
	s2 =	simm.s32 @!p0 $0x1C05  }
0x364: {  	[timem:s3], [sflag:s2] =	dma.local @!p0 [hbm:s0], s1  }
0x365: {  	s0 =	simm.s32 @!p0 $0x5  }
0x366: {  	_ =	swait.ge @!p0 [sflag:s0], s1  }
0x367: {  	s1 =	ssub.s32 @!p0 $0x0, s1;
	[sflag:s0] =	ssyncset.done @!p0 $0x0  }
0x368: {  	[sflag:s0] =	ssyncadd.s32 @!p0 s1  }
0x369: {  	[bflag:$0x3] =	sbarrier.arrive $0xFFFF  }
0x36a: {  	_ =	shalt  }

</sc_bundles>
